<compile_context>
chip_gen: v7x
topology: tpu7x:2x2x1
jax: 0.10.2.dev20260603
libtpu: 0.0.44.dev20260713+nightly
codegen_flags: <defaults>
</compile_context>

<pallas_src>
import functools

import jax
import jax.numpy as jnp
from jax import lax
from jax.experimental import pallas as pl
from jax.experimental.pallas import tpu as pltpu
from jax.experimental.pallas import tpu_sc as plsc

N = 10000
E = 320000
IN_DIM = 128
HIDDEN = 64
OUT_DIM = 40
K = 8
SE_HID = 9

N_PAD = 10240
N_TILE = N_PAD // 16
EB = 128
NB = 158
E_TILE = NB * EB
E_PAD = 16 * E_TILE
SLOTS = 2
FP = 64
FH = FP // 2


def _deg_body(dst_hbm, deg_hbm, ones_v, loc_v, dst_v, spm):
    s = lax.axis_index("s")
    nbase = s * N_TILE

    def _zero_loc(i, _):
        loc_v[pl.ds(i * 16, 16)] = jnp.zeros((16,), jnp.float32)
        return 0

    lax.fori_loop(0, N_TILE // 16, _zero_loc, 0)

    def _set_ones(i, _):
        ones_v[pl.ds(i * 16, 16)] = jnp.ones((16,), jnp.float32)
        return 0

    lax.fori_loop(0, EB // 16, _set_ones, 0)

    pltpu.sync_copy(loc_v, spm.at[pl.ds(nbase, N_TILE)])

    @pl.when(s == 0)
    def _():
        pltpu.sync_copy(loc_v.at[pl.ds(0, EB)], spm.at[pl.ds(N_PAD, EB)])

    pltpu.sync_copy(dst_hbm.at[s], dst_v)
    plsc.subcore_barrier()

    def _scat(b, _):
        pltpu.sync_copy(ones_v, spm.at[dst_v.at[b]], add=True)
        return 0

    lax.fori_loop(0, NB, _scat, 0)
    plsc.subcore_barrier()

    pltpu.sync_copy(spm.at[pl.ds(nbase, N_TILE)], deg_hbm.at[pl.ds(nbase, N_TILE)])


@functools.cache
def _deg_kernel():
    return pl.kernel(
        _deg_body,
        out_type=jax.ShapeDtypeStruct((N_PAD,), jnp.float32),
        mesh=plsc.VectorSubcoreMesh(
            core_axis_name="c", subcore_axis_name="s",
            num_cores=1, num_subcores=16),
        compiler_params=pltpu.CompilerParams(needs_layout_passes=False,
                                             use_tc_tiling_on_sc=False),
        scratch_types=[
            pltpu.VMEM((EB,), jnp.float32),
            pltpu.VMEM((N_TILE,), jnp.float32),
            pltpu.VMEM((NB, EB), jnp.int32),
            pltpu.VMEM_SHARED((N_PAD + EB,), jnp.float32),
        ],
    )


def _hops_body(h0s_hbm, dis_hbm, src_hbm, dst_hbm, hops_hbm,
               src_v, dst_v, rows_v, acc_v, dis_v, spm_a, spm_b, gsem, ssem):
    c = lax.axis_index("c")
    s = lax.axis_index("s")
    nbase = s * N_TILE

    pltpu.sync_copy(src_hbm.at[s], src_v)
    pltpu.sync_copy(dst_hbm.at[s], dst_v)
    pltpu.sync_copy(dis_hbm.at[pl.ds(nbase, N_TILE)], dis_v)

    def _scale_inplace(_j, _):
        spl = plsc.load_gather(dis_v, [jnp.full((16,), _j, jnp.int32)])
        for hh in range(2):
            sl = pl.ds(hh * 16, 16)
            acc_v[_j, sl] = acc_v[_j, sl] * spl
        return 0

    def _zero_acc(i, _):
        acc_v[i, pl.ds(0, 16)] = jnp.zeros((16,), jnp.float32)
        acc_v[i, pl.ds(16, 16)] = jnp.zeros((16,), jnp.float32)
        return 0

    pltpu.sync_copy(h0s_hbm.at[c, pl.ds(nbase, N_TILE)], acc_v)
    lax.fori_loop(0, N_TILE, _scale_inplace, 0)
    pltpu.sync_copy(acc_v, spm_a.at[pl.ds(nbase, N_TILE)])
    lax.fori_loop(0, N_TILE, _zero_acc, 0)
    pltpu.sync_copy(acc_v, spm_b.at[pl.ds(nbase, N_TILE)])
    plsc.subcore_barrier()

    for k in range(K):
        src_spm, dst_spm = (spm_a, spm_b) if k % 2 == 0 else (spm_b, spm_a)

        pltpu.async_copy(src_spm.at[src_v.at[0]], rows_v.at[0], gsem.at[0])

        def _round(o, _):
            base = o * 2
            for j in range(2):
                i = base + j
                jn = 1 - j

                @pl.when(i >= 1)
                def _():
                    pltpu.make_async_copy(
                        h0s_hbm.at[c, pl.ds(0, EB)], rows_v.at[jn],
                        ssem.at[jn]).wait()

                @pl.when(i + 1 < NB)
                def _():
                    pltpu.async_copy(src_spm.at[src_v.at[i + 1]],
                                     rows_v.at[jn], gsem.at[jn])

                pltpu.make_async_copy(
                    h0s_hbm.at[c, pl.ds(0, EB)], rows_v.at[j],
                    gsem.at[j]).wait()
                pltpu.async_copy(rows_v.at[j], dst_spm.at[dst_v.at[i]],
                                 ssem.at[j], add=True)
            return 0

        lax.fori_loop(0, NB // 2, _round, 0)
        pltpu.make_async_copy(
            h0s_hbm.at[c, pl.ds(0, EB)], rows_v.at[(NB - 1) % 2],
            ssem.at[(NB - 1) % 2]).wait()
        plsc.subcore_barrier()

        pltpu.sync_copy(dst_spm.at[pl.ds(nbase, N_TILE)], acc_v)
        lax.fori_loop(0, N_TILE, _scale_inplace, 0)
        pltpu.sync_copy(acc_v, hops_hbm.at[k, c, pl.ds(nbase, N_TILE)])
        lax.fori_loop(0, N_TILE, _scale_inplace, 0)
        pltpu.sync_copy(acc_v, dst_spm.at[pl.ds(nbase, N_TILE)])
        if k < K - 1:
            lax.fori_loop(0, N_TILE, _zero_acc, 0)
            pltpu.sync_copy(acc_v, src_spm.at[pl.ds(nbase, N_TILE)])
        plsc.subcore_barrier()


@functools.cache
def _hops_kernel():
    return pl.kernel(
        _hops_body,
        out_type=jax.ShapeDtypeStruct((K, 2, N_PAD, FH), jnp.float32),
        mesh=plsc.VectorSubcoreMesh(core_axis_name="c", subcore_axis_name="s",
                                    num_cores=2, num_subcores=16),
        compiler_params=pltpu.CompilerParams(needs_layout_passes=False,
                                             use_tc_tiling_on_sc=False),
        scratch_types=[
            pltpu.VMEM((NB, EB), jnp.int32),
            pltpu.VMEM((NB, EB), jnp.int32),
            pltpu.VMEM((SLOTS, EB, FH), jnp.float32),
            pltpu.VMEM((N_TILE, FH), jnp.float32),
            pltpu.VMEM((N_TILE,), jnp.float32),
            pltpu.VMEM_SHARED((N_PAD + EB, FH), jnp.float32),
            pltpu.VMEM_SHARED((N_PAD + EB, FH), jnp.float32),
            pltpu.SemaphoreType.DMA((SLOTS,)),
            pltpu.SemaphoreType.DMA((SLOTS,)),
        ],
    )


def _dis_body(deg_ref, dis_ref):
    d = deg_ref[...]
    dis_ref[...] = jnp.where(
        d > 0.0, jax.lax.rsqrt(jnp.maximum(d, 1.0)), 0.0)


def _dis_call(deg2d):
    return pl.pallas_call(
        _dis_body,
        out_shape=jax.ShapeDtypeStruct((N_PAD // 128, 128), jnp.float32),
    )(deg2d)


def _mlp_body(nf_ref, w1_ref, w2_ref, h0_ref, h0s_ref):
    h = jnp.maximum(
        jnp.dot(nf_ref[...], w1_ref[...], preferred_element_type=jnp.float32),
        0.0)
    h = jnp.dot(h, w2_ref[...], preferred_element_type=jnp.float32)
    h0_ref[...] = h
    h0s_ref[0] = h[:, :FH]
    h0s_ref[1] = h[:, FH:]


_R = 1280


def _mlp_call(nf_p, w1, w2_p):
    return pl.pallas_call(
        _mlp_body,
        grid=(N_PAD // _R,),
        in_specs=[
            pl.BlockSpec((_R, IN_DIM), lambda i: (i, 0)),
            pl.BlockSpec((IN_DIM, HIDDEN), lambda i: (0, 0)),
            pl.BlockSpec((HIDDEN, FP), lambda i: (0, 0)),
        ],
        out_specs=[
            pl.BlockSpec((_R, FP), lambda i: (i, 0)),
            pl.BlockSpec((2, _R, FH), lambda i: (0, i, 0)),
        ],
        out_shape=[
            jax.ShapeDtypeStruct((N_PAD, FP), jnp.float32),
            jax.ShapeDtypeStruct((2, N_PAD, FH), jnp.float32),
        ],
    )(nf_p, w1, w2_p)


def _se_body(h0_ref, hops_ref, w1_ref, w2_ref, oa_ref, ob_ref):
    h0 = h0_ref[...]
    hp = hops_ref[...]
    ones_a = jnp.ones((1, FP), jnp.float32)
    ones_h = jnp.ones((FH,), jnp.float32)

    z0t = jax.lax.dot_general(ones_a, h0, (((1,), (1,)), ((), ())),
                              preferred_element_type=jnp.float32)
    hsum = hp[:, 0, :, :] + hp[:, 1, :, :]
    zkt = jax.lax.dot_general(hsum, ones_h, (((2,), (0,)), ((), ())),
                              preferred_element_type=jnp.float32)
    zt = jnp.concatenate([z0t, zkt], axis=0) * (1.0 / OUT_DIM)

    ii = lax.broadcasted_iota(jnp.int32, (K + 1, K + 1), 0)
    jj = lax.broadcasted_iota(jnp.int32, (K + 1, K + 1), 1)
    eye = (ii == jj).astype(jnp.float32)
    z = jax.lax.dot_general(zt, eye, (((0,), (0,)), ((), ())),
                            preferred_element_type=jnp.float32)

    u = jnp.maximum(
        jnp.dot(z, w1_ref[...], preferred_element_type=jnp.float32), 0.0)
    sgate = jax.nn.sigmoid(
        jnp.dot(u, w2_ref[...], preferred_element_type=jnp.float32))

    out_a = sgate[:, 0:1] * h0[:, :FH]
    out_b = sgate[:, 0:1] * h0[:, FH:]
    for k in range(K):
        out_a = out_a + sgate[:, k + 1:k + 2] * hp[k, 0]
        out_b = out_b + sgate[:, k + 1:k + 2] * hp[k, 1]

    b8 = out_b[:, :OUT_DIM - FH]
    m = jnp.maximum(jnp.max(out_a, axis=1, keepdims=True),
                    jnp.max(b8, axis=1, keepdims=True))
    se = (jnp.sum(jnp.exp(out_a - m), axis=1, keepdims=True)
          + jnp.sum(jnp.exp(b8 - m), axis=1, keepdims=True))
    lse = m + jnp.log(se)
    oa_ref[...] = out_a - lse
    ob_ref[...] = out_b - lse


def _se_call(h0, hops, w1, w2):
    return pl.pallas_call(
        _se_body,
        grid=(N_PAD // _R,),
        in_specs=[
            pl.BlockSpec((_R, FP), lambda i: (i, 0)),
            pl.BlockSpec((K, 2, _R, FH), lambda i: (0, 0, i, 0)),
            pl.BlockSpec((SE_HID, SE_HID), lambda i: (0, 0)),
            pl.BlockSpec((SE_HID, SE_HID), lambda i: (0, 0)),
        ],
        out_specs=[
            pl.BlockSpec((_R, FH), lambda i: (i, 0)),
            pl.BlockSpec((_R, FH), lambda i: (i, 0)),
        ],
        out_shape=[
            jax.ShapeDtypeStruct((N_PAD, FH), jnp.float32),
            jax.ShapeDtypeStruct((N_PAD, FH), jnp.float32),
        ],
    )(h0, hops, w1, w2)


def kernel(n_feat, edge_index, W1, W2, se_w1, se_w2):
    src = edge_index[0].astype(jnp.int32)
    dst = edge_index[1].astype(jnp.int32)
    src_p = jnp.pad(src, (0, E_PAD - E)).reshape(16, NB, EB)
    dst_p = jnp.pad(dst, (0, E_PAD - E),
                    constant_values=N_PAD).reshape(16, NB, EB)

    nf_p = jnp.pad(n_feat, ((0, N_PAD - N), (0, 0)))
    w2_p = jnp.pad(W2, ((0, 0), (0, FP - OUT_DIM)))

    h0, h0s = _mlp_call(nf_p, W1, w2_p)
    deg = _deg_kernel()(dst_p)
    dis = _dis_call(deg.reshape(N_PAD // 128, 128)).reshape(N_PAD)
    hops = _hops_kernel()(h0s, dis, src_p, dst_p)
    oa, ob = _se_call(h0, hops, se_w1, se_w2)
    out = jnp.concatenate([oa, ob[:, :OUT_DIM - FH]], axis=1)
    return out[:N]

# --- scband reference (transcript-rebuilt; emitter-appended) ---
"""Pipeline reference for scband-seaggr-net-58067957842174 (READ-ONLY COPY).

The authoritative reference and input builder live on the scoring server;
editing this copy changes nothing except your own understanding.
"""

import jax, jax.numpy as jnp
import numpy as np

N = 10000
E = 320000
IN_DIM = 128
HIDDEN = 64
OUT_DIM = 40
K = 8
SE_HID = max(1, int((K + 1) * 1.0))  # excitation_rate=1.0


def setup_inputs(seed: int = 0) -> dict:
    key = jax.random.key(seed)
    k1, k2, k3, k4, k5, k6 = jax.random.split(key, 6)
    n_feat = jax.random.normal(k1, (N, IN_DIM), dtype=jnp.float32)
    edge_index = jax.random.randint(k2, (2, E), 0, N)
    W1 = jax.random.normal(k3, (IN_DIM, HIDDEN), dtype=jnp.float32) * (1.0 / np.sqrt(IN_DIM))
    W2 = jax.random.normal(k4, (HIDDEN, OUT_DIM), dtype=jnp.float32) * (1.0 / np.sqrt(HIDDEN))
    se_w1 = jax.random.normal(k5, (K + 1, SE_HID), dtype=jnp.float32) * (1.0 / np.sqrt(K + 1))
    se_w2 = jax.random.normal(k6, (SE_HID, K + 1), dtype=jnp.float32) * (1.0 / np.sqrt(SE_HID))
    return {"n_feat": n_feat, "edge_index": edge_index, "W1": W1, "W2": W2, "se_w1": se_w1, "se_w2": se_w2}


def reference(n_feat, edge_index, W1, W2, se_w1, se_w2):
    # MLP (dropout inactive in eval; bias=False; batchnorm=False)
    h = jax.nn.relu(n_feat @ W1)
    h = h @ W2
    # SEAggregation: K-hop symmetric-normalized propagation + SE gating over hops
    src = edge_index[0]
    dst = edge_index[1]
    deg = jax.ops.segment_sum(jnp.ones((E,), dtype=jnp.float32), dst, num_segments=N)
    dis = jnp.where(deg > 0, 1.0 / jnp.sqrt(jnp.maximum(deg, 1.0)), 0.0)
    norm = dis[src] * dis[dst]
    hops = [h]
    cur = h
    for _ in range(K):
        msg = cur[src] * norm[:, None]
        cur = jax.ops.segment_sum(msg, dst, num_segments=N)
        hops.append(cur)
    H = jnp.stack(hops, axis=1)  # [N, K+1, OUT_DIM]
    # squeeze: mean-pool over channels (mode='pool')
    z = jnp.mean(H, axis=2)  # [N, K+1]
    # excitation: FC-ReLU-FC-sigmoid per node over hop axis
    s = jax.nn.sigmoid(jax.nn.relu(z @ se_w1) @ se_w2)  # [N, K+1]
    out = jnp.sum(H * s[:, :, None], axis=1)  # [N, OUT_DIM]
    return jax.nn.log_softmax(out, axis=1)

if __name__ == "__main__":
    import jax
    _d = setup_inputs()
    print(jax.jit(kernel)(*tuple(_d.values())))

</pallas_src>

<mosaic_0001>
#map = affine_map<(d0, d1) -> (0, 0, 0)>
#map1 = affine_map<(d0, d1) -> (0)>
#map2 = affine_map<(d0, d1) -> (0, 0, 0, 0)>
module attributes {stable_mosaic.version = 14 : i64} {
  func.func @_hops_body(%arg0: i32, %arg1: i32, %arg2: memref<2x10240x32xf32, #tpu.memory_space<hbm>>, %arg3: memref<10240xf32, #tpu.memory_space<hbm>>, %arg4: memref<16x158x128xi32, #tpu.memory_space<hbm>>, %arg5: memref<16x158x128xi32, #tpu.memory_space<hbm>>, %arg6: memref<8x2x10240x32xf32, #tpu.memory_space<hbm>>, %arg7: memref<158x128xi32, #tpu.memory_space<vmem>>, %arg8: memref<158x128xi32, #tpu.memory_space<vmem>>, %arg9: memref<2x128x32xf32, #tpu.memory_space<vmem>>, %arg10: memref<640x32xf32, #tpu.memory_space<vmem>>, %arg11: memref<640xf32, #tpu.memory_space<vmem>>, %arg12: memref<10368x32xf32, #tpu.memory_space<vmem_shared>>, %arg13: memref<10368x32xf32, #tpu.memory_space<vmem_shared>>, %arg14: memref<2x!tpu.dma_semaphore, #tpu.memory_space<semaphore_mem>>, %arg15: memref<2x!tpu.dma_semaphore, #tpu.memory_space<semaphore_mem>>) attributes {dimension_semantics = [#tpu.dimension_semantics<core_parallel>, #tpu.dimension_semantics<subcore_parallel>], iteration_bounds = array<i64: 2, 16>, scalar_prefetch = 0 : i64, scratch_operands = 9 : i64, tpu.core_type = #tpu.core_type<sc_vector_subcore>, window_params = [{transform_indices = #map}, {transform_indices = #map1}, {transform_indices = #map}, {transform_indices = #map}, {transform_indices = #map2}]} {
    %mul3A = arith.constant 640 : i32
    %mul3A_0 = arith.muli %arg1, %mul3A : i32
    "tpu.region"() ({
      %run_scoped3A_532 = tpu.sem_alloc : memref<!tpu.dma_semaphore, #tpu.memory_space<semaphore_mem>>
      %dma_start3A_533 = arith.constant 0 : i32
      %dma_start3A_534 = arith.constant 0 : i32
      %dma_start3A_535 = tpu.memref_slice %arg4[%arg1, %dma_start3A_533, %dma_start3A_534] : memref<16x158x128xi32, #tpu.memory_space<hbm>> -> memref<1x158x128xi32, #tpu.memory_space<hbm>>
      %dma_start3A_536 = tpu.memref_squeeze %dma_start3A_535 : memref<1x158x128xi32, #tpu.memory_space<hbm>> -> memref<158x128xi32, #tpu.memory_space<hbm>>
      %dma_start3A_537 = arith.constant 0 : i32
      %dma_start3A_538 = arith.constant 0 : i32
      %dma_start3A_539 = tpu.memref_slice %arg4[%arg1, %dma_start3A_537, %dma_start3A_538] : memref<16x158x128xi32, #tpu.memory_space<hbm>> -> memref<1x158x128xi32, #tpu.memory_space<hbm>>
      %dma_start3A_540 = tpu.memref_squeeze %dma_start3A_539 : memref<1x158x128xi32, #tpu.memory_space<hbm>> -> memref<158x128xi32, #tpu.memory_space<hbm>>
      tpu.enqueue_dma source(%dma_start3A_540 : memref<158x128xi32, #tpu.memory_space<hbm>>) target(%arg7 : memref<158x128xi32, #tpu.memory_space<vmem>>) target_semaphore(%run_scoped3A_532 : memref<!tpu.dma_semaphore, #tpu.memory_space<semaphore_mem>>)
      %dma_wait3A_541 = arith.constant 0 : i32
      %dma_wait3A_542 = arith.constant 0 : i32
      %dma_wait3A_543 = tpu.memref_slice %arg4[%arg1, %dma_wait3A_541, %dma_wait3A_542] : memref<16x158x128xi32, #tpu.memory_space<hbm>> -> memref<1x158x128xi32, #tpu.memory_space<hbm>>
      %dma_wait3A_544 = tpu.memref_squeeze %dma_wait3A_543 : memref<1x158x128xi32, #tpu.memory_space<hbm>> -> memref<158x128xi32, #tpu.memory_space<hbm>>
      %dma_wait3A_545 = arith.constant 0 : i32
      %dma_wait3A_546 = arith.constant 0 : i32
      %dma_wait3A_547 = tpu.memref_slice %arg4[%arg1, %dma_wait3A_545, %dma_wait3A_546] : memref<16x158x128xi32, #tpu.memory_space<hbm>> -> memref<1x158x128xi32, #tpu.memory_space<hbm>>
      %dma_wait3A_548 = tpu.memref_squeeze %dma_wait3A_547 : memref<1x158x128xi32, #tpu.memory_space<hbm>> -> memref<158x128xi32, #tpu.memory_space<hbm>>
      tpu.wait_dma2 semaphore(%run_scoped3A_532 : memref<!tpu.dma_semaphore, #tpu.memory_space<semaphore_mem>>) src(%dma_wait3A_548 : memref<158x128xi32, #tpu.memory_space<hbm>>) dst(%arg7 : memref<158x128xi32, #tpu.memory_space<vmem>>)
      tpu.yield
    }) : () -> ()
    "tpu.region"() ({
      %run_scoped3A_532 = tpu.sem_alloc : memref<!tpu.dma_semaphore, #tpu.memory_space<semaphore_mem>>
      %dma_start3A_533 = arith.constant 0 : i32
      %dma_start3A_534 = arith.constant 0 : i32
      %dma_start3A_535 = tpu.memref_slice %arg5[%arg1, %dma_start3A_533, %dma_start3A_534] : memref<16x158x128xi32, #tpu.memory_space<hbm>> -> memref<1x158x128xi32, #tpu.memory_space<hbm>>
      %dma_start3A_536 = tpu.memref_squeeze %dma_start3A_535 : memref<1x158x128xi32, #tpu.memory_space<hbm>> -> memref<158x128xi32, #tpu.memory_space<hbm>>
      %dma_start3A_537 = arith.constant 0 : i32
      %dma_start3A_538 = arith.constant 0 : i32
      %dma_start3A_539 = tpu.memref_slice %arg5[%arg1, %dma_start3A_537, %dma_start3A_538] : memref<16x158x128xi32, #tpu.memory_space<hbm>> -> memref<1x158x128xi32, #tpu.memory_space<hbm>>
      %dma_start3A_540 = tpu.memref_squeeze %dma_start3A_539 : memref<1x158x128xi32, #tpu.memory_space<hbm>> -> memref<158x128xi32, #tpu.memory_space<hbm>>
      tpu.enqueue_dma source(%dma_start3A_540 : memref<158x128xi32, #tpu.memory_space<hbm>>) target(%arg8 : memref<158x128xi32, #tpu.memory_space<vmem>>) target_semaphore(%run_scoped3A_532 : memref<!tpu.dma_semaphore, #tpu.memory_space<semaphore_mem>>)
      %dma_wait3A_541 = arith.constant 0 : i32
      %dma_wait3A_542 = arith.constant 0 : i32
      %dma_wait3A_543 = tpu.memref_slice %arg5[%arg1, %dma_wait3A_541, %dma_wait3A_542] : memref<16x158x128xi32, #tpu.memory_space<hbm>> -> memref<1x158x128xi32, #tpu.memory_space<hbm>>
      %dma_wait3A_544 = tpu.memref_squeeze %dma_wait3A_543 : memref<1x158x128xi32, #tpu.memory_space<hbm>> -> memref<158x128xi32, #tpu.memory_space<hbm>>
      %dma_wait3A_545 = arith.constant 0 : i32
      %dma_wait3A_546 = arith.constant 0 : i32
      %dma_wait3A_547 = tpu.memref_slice %arg5[%arg1, %dma_wait3A_545, %dma_wait3A_546] : memref<16x158x128xi32, #tpu.memory_space<hbm>> -> memref<1x158x128xi32, #tpu.memory_space<hbm>>
      %dma_wait3A_548 = tpu.memref_squeeze %dma_wait3A_547 : memref<1x158x128xi32, #tpu.memory_space<hbm>> -> memref<158x128xi32, #tpu.memory_space<hbm>>
      tpu.wait_dma2 semaphore(%run_scoped3A_532 : memref<!tpu.dma_semaphore, #tpu.memory_space<semaphore_mem>>) src(%dma_wait3A_548 : memref<158x128xi32, #tpu.memory_space<hbm>>) dst(%arg8 : memref<158x128xi32, #tpu.memory_space<vmem>>)
      tpu.yield
    }) : () -> ()
    "tpu.region"() ({
      %run_scoped3A_532 = tpu.sem_alloc : memref<!tpu.dma_semaphore, #tpu.memory_space<semaphore_mem>>
      %dma_start3A_533 = tpu.memref_slice %arg3[%mul3A_0] : memref<10240xf32, #tpu.memory_space<hbm>> -> memref<640xf32, #tpu.memory_space<hbm>>
      %dma_start3A_534 = tpu.memref_slice %arg3[%mul3A_0] : memref<10240xf32, #tpu.memory_space<hbm>> -> memref<640xf32, #tpu.memory_space<hbm>>
      tpu.enqueue_dma source(%dma_start3A_534 : memref<640xf32, #tpu.memory_space<hbm>>) target(%arg11 : memref<640xf32, #tpu.memory_space<vmem>>) target_semaphore(%run_scoped3A_532 : memref<!tpu.dma_semaphore, #tpu.memory_space<semaphore_mem>>)
      %dma_wait3A_535 = tpu.memref_slice %arg3[%mul3A_0] : memref<10240xf32, #tpu.memory_space<hbm>> -> memref<640xf32, #tpu.memory_space<hbm>>
      %dma_wait3A_536 = tpu.memref_slice %arg3[%mul3A_0] : memref<10240xf32, #tpu.memory_space<hbm>> -> memref<640xf32, #tpu.memory_space<hbm>>
      tpu.wait_dma2 semaphore(%run_scoped3A_532 : memref<!tpu.dma_semaphore, #tpu.memory_space<semaphore_mem>>) src(%dma_wait3A_536 : memref<640xf32, #tpu.memory_space<hbm>>) dst(%arg11 : memref<640xf32, #tpu.memory_space<vmem>>)
      tpu.yield
    }) : () -> ()
    "tpu.region"() ({
      %run_scoped3A_532 = tpu.sem_alloc : memref<!tpu.dma_semaphore, #tpu.memory_space<semaphore_mem>>
      %dma_start3A_533 = arith.constant 0 : i32
      %dma_start3A_534 = tpu.memref_slice %arg2[%arg0, %mul3A_0, %dma_start3A_533] : memref<2x10240x32xf32, #tpu.memory_space<hbm>> -> memref<1x640x32xf32, #tpu.memory_space<hbm>>
      %dma_start3A_535 = tpu.memref_squeeze %dma_start3A_534 : memref<1x640x32xf32, #tpu.memory_space<hbm>> -> memref<640x32xf32, #tpu.memory_space<hbm>>
      %dma_start3A_536 = arith.constant 0 : i32
      %dma_start3A_537 = tpu.memref_slice %arg2[%arg0, %mul3A_0, %dma_start3A_536] : memref<2x10240x32xf32, #tpu.memory_space<hbm>> -> memref<1x640x32xf32, #tpu.memory_space<hbm>>
      %dma_start3A_538 = tpu.memref_squeeze %dma_start3A_537 : memref<1x640x32xf32, #tpu.memory_space<hbm>> -> memref<640x32xf32, #tpu.memory_space<hbm>>
      tpu.enqueue_dma source(%dma_start3A_538 : memref<640x32xf32, #tpu.memory_space<hbm>>) target(%arg10 : memref<640x32xf32, #tpu.memory_space<vmem>>) target_semaphore(%run_scoped3A_532 : memref<!tpu.dma_semaphore, #tpu.memory_space<semaphore_mem>>)
      %dma_wait3A_539 = arith.constant 0 : i32
      %dma_wait3A_540 = tpu.memref_slice %arg2[%arg0, %mul3A_0, %dma_wait3A_539] : memref<2x10240x32xf32, #tpu.memory_space<hbm>> -> memref<1x640x32xf32, #tpu.memory_space<hbm>>
      %dma_wait3A_541 = tpu.memref_squeeze %dma_wait3A_540 : memref<1x640x32xf32, #tpu.memory_space<hbm>> -> memref<640x32xf32, #tpu.memory_space<hbm>>
      %dma_wait3A_542 = arith.constant 0 : i32
      %dma_wait3A_543 = tpu.memref_slice %arg2[%arg0, %mul3A_0, %dma_wait3A_542] : memref<2x10240x32xf32, #tpu.memory_space<hbm>> -> memref<1x640x32xf32, #tpu.memory_space<hbm>>
      %dma_wait3A_544 = tpu.memref_squeeze %dma_wait3A_543 : memref<1x640x32xf32, #tpu.memory_space<hbm>> -> memref<640x32xf32, #tpu.memory_space<hbm>>
      tpu.wait_dma2 semaphore(%run_scoped3A_532 : memref<!tpu.dma_semaphore, #tpu.memory_space<semaphore_mem>>) src(%dma_wait3A_544 : memref<640x32xf32, #tpu.memory_space<hbm>>) dst(%arg10 : memref<640x32xf32, #tpu.memory_space<vmem>>)
      tpu.yield
    }) : () -> ()
    %scan3A = arith.constant 0 : i32
    %scan3A_1 = arith.constant 0 : i32
    %scan3A_2 = arith.constant 640 : i32
    %scan3A_3 = arith.addi %scan3A_1, %scan3A_2 : i32
    %scan3A_4 = arith.constant 1 : i32
    %scan3A_5 = scf.for %scan3A_532 = %scan3A_1 to %scan3A_3 step %scan3A_4 iter_args(%scan3A_533 = %scan3A) -> (i32)  : i32 {
      %broadcast_in_dim3A = vector.broadcast %scan3A_532 : i32 to vector<16xi32>
      %gather3A = tpu.vector_load_idx %arg11[%broadcast_in_dim3A] : memref<640xf32, #tpu.memory_space<vmem>>[vector<16xi32>], vector<16xf32>,
      %get3A = arith.index_cast %scan3A_532 : i32 to index
      %get3A_534 = arith.constant 0 : index
      %get3A_535 = tpu.vector_load %arg10[%get3A, %get3A_534] {strides = array<i32>} : memref<640x32xf32, #tpu.memory_space<vmem>>, vector<16xf32>,
      %mul3A_536 = arith.mulf %get3A_535, %gather3A : vector<16xf32>
      %swap3A = arith.index_cast %scan3A_532 : i32 to index
      %swap3A_537 = arith.constant 0 : index
      %swap3A_538 = tpu.vector_load %arg10[%swap3A, %swap3A_537] {strides = array<i32>} : memref<640x32xf32, #tpu.memory_space<vmem>>, vector<16xf32>,
      tpu.vector_store %arg10[%swap3A, %swap3A_537], %mul3A_536 {strides = array<i32>} : memref<640x32xf32, #tpu.memory_space<vmem>>, vector<16xf32>,
      %get3A_539 = arith.index_cast %scan3A_532 : i32 to index
      %get3A_540 = arith.constant 16 : index
      %get3A_541 = tpu.vector_load %arg10[%get3A_539, %get3A_540] {strides = array<i32>} : memref<640x32xf32, #tpu.memory_space<vmem>>, vector<16xf32>,
      %mul3A_542 = arith.mulf %get3A_541, %gather3A : vector<16xf32>
      %swap3A_543 = arith.index_cast %scan3A_532 : i32 to index
      %swap3A_544 = arith.constant 16 : index
      %swap3A_545 = tpu.vector_load %arg10[%swap3A_543, %swap3A_544] {strides = array<i32>} : memref<640x32xf32, #tpu.memory_space<vmem>>, vector<16xf32>,
      tpu.vector_store %arg10[%swap3A_543, %swap3A_544], %mul3A_542 {strides = array<i32>} : memref<640x32xf32, #tpu.memory_space<vmem>>, vector<16xf32>,
      %scan3A_546 = arith.constant 0 : i32
      scf.yield %scan3A_546 : i32
    }
    %scan3A_6 = arith.constant 640 : i32
    "tpu.region"() ({
      %run_scoped3A_532 = tpu.sem_alloc : memref<!tpu.dma_semaphore, #tpu.memory_space<semaphore_mem>>
      %dma_start3A_533 = arith.constant 0 : i32
      %dma_start3A_534 = tpu.memref_slice %arg12[%mul3A_0, %dma_start3A_533] : memref<10368x32xf32, #tpu.memory_space<vmem_shared>> -> memref<640x32xf32, #tpu.memory_space<vmem_shared>>
      %dma_start3A_535 = arith.constant 0 : i32
      %dma_start3A_536 = tpu.memref_slice %arg12[%mul3A_0, %dma_start3A_535] : memref<10368x32xf32, #tpu.memory_space<vmem_shared>> -> memref<640x32xf32, #tpu.memory_space<vmem_shared>>
      tpu.enqueue_dma source(%arg10 : memref<640x32xf32, #tpu.memory_space<vmem>>) target(%dma_start3A_536 : memref<640x32xf32, #tpu.memory_space<vmem_shared>>) target_semaphore(%run_scoped3A_532 : memref<!tpu.dma_semaphore, #tpu.memory_space<semaphore_mem>>)
      %dma_wait3A_537 = arith.constant 0 : i32
      %dma_wait3A_538 = tpu.memref_slice %arg12[%mul3A_0, %dma_wait3A_537] : memref<10368x32xf32, #tpu.memory_space<vmem_shared>> -> memref<640x32xf32, #tpu.memory_space<vmem_shared>>
      %dma_wait3A_539 = arith.constant 0 : i32
      %dma_wait3A_540 = tpu.memref_slice %arg12[%mul3A_0, %dma_wait3A_539] : memref<10368x32xf32, #tpu.memory_space<vmem_shared>> -> memref<640x32xf32, #tpu.memory_space<vmem_shared>>
      tpu.wait_dma2 semaphore(%run_scoped3A_532 : memref<!tpu.dma_semaphore, #tpu.memory_space<semaphore_mem>>) src(%arg10 : memref<640x32xf32, #tpu.memory_space<vmem>>) dst(%dma_wait3A_540 : memref<640x32xf32, #tpu.memory_space<vmem_shared>>)
      tpu.yield
    }) : () -> ()
    %scan3A_7 = arith.constant 0 : i32
    %scan3A_8 = arith.constant 0 : i32
    %scan3A_9 = arith.constant 640 : i32
    %scan3A_10 = arith.addi %scan3A_8, %scan3A_9 : i32
    %scan3A_11 = arith.constant 1 : i32
    %scan3A_12 = scf.for %scan3A_532 = %scan3A_8 to %scan3A_10 step %scan3A_11 iter_args(%scan3A_533 = %scan3A_7) -> (i32)  : i32 {
      %broadcast_in_dim3A = arith.constant 0.000000e+00 : f32
      %broadcast_in_dim3A_534 = vector.broadcast %broadcast_in_dim3A : f32 to vector<16xf32>
      %swap3A = arith.index_cast %scan3A_532 : i32 to index
      %swap3A_535 = arith.constant 0 : index
      %swap3A_536 = tpu.vector_load %arg10[%swap3A, %swap3A_535] {strides = array<i32>} : memref<640x32xf32, #tpu.memory_space<vmem>>, vector<16xf32>,
      tpu.vector_store %arg10[%swap3A, %swap3A_535], %broadcast_in_dim3A_534 {strides = array<i32>} : memref<640x32xf32, #tpu.memory_space<vmem>>, vector<16xf32>,
      %broadcast_in_dim3A_537 = arith.constant 0.000000e+00 : f32
      %broadcast_in_dim3A_538 = vector.broadcast %broadcast_in_dim3A_537 : f32 to vector<16xf32>
      %swap3A_539 = arith.index_cast %scan3A_532 : i32 to index
      %swap3A_540 = arith.constant 16 : index
      %swap3A_541 = tpu.vector_load %arg10[%swap3A_539, %swap3A_540] {strides = array<i32>} : memref<640x32xf32, #tpu.memory_space<vmem>>, vector<16xf32>,
      tpu.vector_store %arg10[%swap3A_539, %swap3A_540], %broadcast_in_dim3A_538 {strides = array<i32>} : memref<640x32xf32, #tpu.memory_space<vmem>>, vector<16xf32>,
      %scan3A_542 = arith.constant 0 : i32
      scf.yield %scan3A_542 : i32
    }
    %scan3A_13 = arith.constant 640 : i32
    "tpu.region"() ({
      %run_scoped3A_532 = tpu.sem_alloc : memref<!tpu.dma_semaphore, #tpu.memory_space<semaphore_mem>>
      %dma_start3A_533 = arith.constant 0 : i32
      %dma_start3A_534 = tpu.memref_slice %arg13[%mul3A_0, %dma_start3A_533] : memref<10368x32xf32, #tpu.memory_space<vmem_shared>> -> memref<640x32xf32, #tpu.memory_space<vmem_shared>>
      %dma_start3A_535 = arith.constant 0 : i32
      %dma_start3A_536 = tpu.memref_slice %arg13[%mul3A_0, %dma_start3A_535] : memref<10368x32xf32, #tpu.memory_space<vmem_shared>> -> memref<640x32xf32, #tpu.memory_space<vmem_shared>>
      tpu.enqueue_dma source(%arg10 : memref<640x32xf32, #tpu.memory_space<vmem>>) target(%dma_start3A_536 : memref<640x32xf32, #tpu.memory_space<vmem_shared>>) target_semaphore(%run_scoped3A_532 : memref<!tpu.dma_semaphore, #tpu.memory_space<semaphore_mem>>)
      %dma_wait3A_537 = arith.constant 0 : i32
      %dma_wait3A_538 = tpu.memref_slice %arg13[%mul3A_0, %dma_wait3A_537] : memref<10368x32xf32, #tpu.memory_space<vmem_shared>> -> memref<640x32xf32, #tpu.memory_space<vmem_shared>>
      %dma_wait3A_539 = arith.constant 0 : i32
      %dma_wait3A_540 = tpu.memref_slice %arg13[%mul3A_0, %dma_wait3A_539] : memref<10368x32xf32, #tpu.memory_space<vmem_shared>> -> memref<640x32xf32, #tpu.memory_space<vmem_shared>>
      tpu.wait_dma2 semaphore(%run_scoped3A_532 : memref<!tpu.dma_semaphore, #tpu.memory_space<semaphore_mem>>) src(%arg10 : memref<640x32xf32, #tpu.memory_space<vmem>>) dst(%dma_wait3A_540 : memref<640x32xf32, #tpu.memory_space<vmem_shared>>)
      tpu.yield
    }) : () -> ()
    %barrier3A = arith.constant 0 : index
    tpu.barrier barrier_id(%barrier3A)
    %dma_start3A = arith.constant 0 : i32
    %dma_start3A_14 = arith.constant 0 : i32
    %dma_start3A_15 = arith.constant 0 : i32
    %dma_start3A_16 = arith.constant 0 : i32
    %dma_start3A_17 = arith.constant 0 : i32
    %dma_start3A_18 = tpu.memref_slice %arg9[%dma_start3A_14, %dma_start3A_16, %dma_start3A_17] : memref<2x128x32xf32, #tpu.memory_space<vmem>> -> memref<1x128x32xf32, #tpu.memory_space<vmem>>
    %dma_start3A_19 = tpu.memref_squeeze %dma_start3A_18 : memref<1x128x32xf32, #tpu.memory_space<vmem>> -> memref<128x32xf32, #tpu.memory_space<vmem>>
    %dma_start3A_20 = arith.constant 0 : i32
    %dma_start3A_21 = tpu.memref_slice %arg7[%dma_start3A, %dma_start3A_20] : memref<158x128xi32, #tpu.memory_space<vmem>> -> memref<1x128xi32, #tpu.memory_space<vmem>>
    %dma_start3A_22 = tpu.memref_squeeze %dma_start3A_21 : memref<1x128xi32, #tpu.memory_space<vmem>> -> memref<128xi32, #tpu.memory_space<vmem>>
    %dma_start3A_23 = arith.constant 0 : i32
    %dma_start3A_24 = arith.constant 0 : i32
    %dma_start3A_25 = tpu.memref_slice %arg12[%dma_start3A_23, %dma_start3A_24] : memref<10368x32xf32, #tpu.memory_space<vmem_shared>> -> memref<10368x32xf32, #tpu.memory_space<vmem_shared>>
    %dma_start3A_26 = tpu.memref_slice %arg14[%dma_start3A_15] : memref<2x!tpu.dma_semaphore, #tpu.memory_space<semaphore_mem>> -> memref<1x!tpu.dma_semaphore, #tpu.memory_space<semaphore_mem>>
    %dma_start3A_27 = tpu.memref_squeeze %dma_start3A_26 : memref<1x!tpu.dma_semaphore, #tpu.memory_space<semaphore_mem>> -> memref<!tpu.dma_semaphore, #tpu.memory_space<semaphore_mem>>
    tpu.enqueue_indirect_dma source(%dma_start3A_25 : memref<10368x32xf32, #tpu.memory_space<vmem_shared>>) target(%dma_start3A_19 : memref<128x32xf32, #tpu.memory_space<vmem>>) offsets(%dma_start3A_22 : memref<128xi32, #tpu.memory_space<vmem>>) semaphore(%dma_start3A_27 : memref<!tpu.dma_semaphore, #tpu.memory_space<semaphore_mem>>)
    %scan3A_28 = arith.constant 0 : i32
    %scan3A_29 = arith.constant 0 : i32
    %scan3A_30 = arith.constant 79 : i32
    %scan3A_31 = arith.addi %scan3A_29, %scan3A_30 : i32
    %scan3A_32 = arith.constant 1 : i32
    %scan3A_33 = scf.for %scan3A_532 = %scan3A_29 to %scan3A_31 step %scan3A_32 iter_args(%scan3A_533 = %scan3A_28) -> (i32)  : i32 {
      %mul3A_534 = arith.constant 2 : i32
      %mul3A_535 = arith.muli %scan3A_532, %mul3A_534 : i32
      %add3A = arith.constant 0 : i32
      %add3A_536 = arith.addi %mul3A_535, %add3A : i32
      %ge3A = arith.constant 1 : i32
      %ge3A_537 = arith.cmpi sge, %add3A_536, %ge3A : i32
      %convert_element_type3A = arith.extui %ge3A_537 : i1 to i32
      %cond3A = arith.constant 0 : i32
      %cond3A_538 = arith.cmpi ne, %convert_element_type3A, %cond3A : i32
      scf.if %cond3A_538 {
        %dma_wait3A_628 = arith.constant 1 : i32
        %dma_wait3A_629 = arith.constant 1 : i32
        %dma_wait3A_630 = arith.constant 0 : i32
        %dma_wait3A_631 = arith.constant 0 : i32
        %dma_wait3A_632 = tpu.memref_slice %arg9[%dma_wait3A_628, %dma_wait3A_630, %dma_wait3A_631] : memref<2x128x32xf32, #tpu.memory_space<vmem>> -> memref<1x128x32xf32, #tpu.memory_space<vmem>>
        %dma_wait3A_633 = tpu.memref_squeeze %dma_wait3A_632 : memref<1x128x32xf32, #tpu.memory_space<vmem>> -> memref<128x32xf32, #tpu.memory_space<vmem>>
        %dma_wait3A_634 = arith.constant 0 : i32
        %dma_wait3A_635 = arith.constant 0 : i32
        %dma_wait3A_636 = tpu.memref_slice %arg2[%arg0, %dma_wait3A_634, %dma_wait3A_635] : memref<2x10240x32xf32, #tpu.memory_space<hbm>> -> memref<1x128x32xf32, #tpu.memory_space<hbm>>
        %dma_wait3A_637 = tpu.memref_squeeze %dma_wait3A_636 : memref<1x128x32xf32, #tpu.memory_space<hbm>> -> memref<128x32xf32, #tpu.memory_space<hbm>>
        %dma_wait3A_638 = tpu.memref_slice %arg15[%dma_wait3A_629] : memref<2x!tpu.dma_semaphore, #tpu.memory_space<semaphore_mem>> -> memref<1x!tpu.dma_semaphore, #tpu.memory_space<semaphore_mem>>
        %dma_wait3A_639 = tpu.memref_squeeze %dma_wait3A_638 : memref<1x!tpu.dma_semaphore, #tpu.memory_space<semaphore_mem>> -> memref<!tpu.dma_semaphore, #tpu.memory_space<semaphore_mem>>
        %dma_wait3A_640 = arith.constant 0 : i32
        %dma_wait3A_641 = arith.constant 0 : i32
        %dma_wait3A_642 = tpu.memref_slice %arg9[%dma_wait3A_628, %dma_wait3A_640, %dma_wait3A_641] : memref<2x128x32xf32, #tpu.memory_space<vmem>> -> memref<1x128x32xf32, #tpu.memory_space<vmem>>
        %dma_wait3A_643 = tpu.memref_squeeze %dma_wait3A_642 : memref<1x128x32xf32, #tpu.memory_space<vmem>> -> memref<128x32xf32, #tpu.memory_space<vmem>>
        %dma_wait3A_644 = arith.constant 0 : i32
        %dma_wait3A_645 = arith.constant 0 : i32
        %dma_wait3A_646 = tpu.memref_slice %arg2[%arg0, %dma_wait3A_644, %dma_wait3A_645] : memref<2x10240x32xf32, #tpu.memory_space<hbm>> -> memref<1x128x32xf32, #tpu.memory_space<hbm>>
        %dma_wait3A_647 = tpu.memref_squeeze %dma_wait3A_646 : memref<1x128x32xf32, #tpu.memory_space<hbm>> -> memref<128x32xf32, #tpu.memory_space<hbm>>
        tpu.wait_dma2 semaphore(%dma_wait3A_639 : memref<!tpu.dma_semaphore, #tpu.memory_space<semaphore_mem>>) src(%dma_wait3A_647 : memref<128x32xf32, #tpu.memory_space<hbm>>) dst(%dma_wait3A_643 : memref<128x32xf32, #tpu.memory_space<vmem>>)
      } else {
      }
      %add3A_539 = arith.constant 1 : i32
      %add3A_540 = arith.addi %add3A_536, %add3A_539 : i32
      %lt3A = arith.constant 158 : i32
      %lt3A_541 = arith.cmpi slt, %add3A_540, %lt3A : i32
      %convert_element_type3A_542 = arith.extui %lt3A_541 : i1 to i32
      %cond3A_543 = arith.constant 0 : i32
      %cond3A_544 = arith.cmpi ne, %convert_element_type3A_542, %cond3A_543 : i32
      scf.if %cond3A_544 {
        %add3A_628 = arith.constant 1 : i32
        %add3A_629 = arith.addi %add3A_536, %add3A_628 : i32
        %dma_start3A_630 = arith.constant 1 : i32
        %dma_start3A_631 = arith.constant 1 : i32
        %dma_start3A_632 = arith.constant 0 : i32
        %dma_start3A_633 = arith.constant 0 : i32
        %dma_start3A_634 = tpu.memref_slice %arg9[%dma_start3A_630, %dma_start3A_632, %dma_start3A_633] : memref<2x128x32xf32, #tpu.memory_space<vmem>> -> memref<1x128x32xf32, #tpu.memory_space<vmem>>
        %dma_start3A_635 = tpu.memref_squeeze %dma_start3A_634 : memref<1x128x32xf32, #tpu.memory_space<vmem>> -> memref<128x32xf32, #tpu.memory_space<vmem>>
        %dma_start3A_636 = arith.constant 0 : i32
        %dma_start3A_637 = tpu.memref_slice %arg7[%add3A_629, %dma_start3A_636] : memref<158x128xi32, #tpu.memory_space<vmem>> -> memref<1x128xi32, #tpu.memory_space<vmem>>
        %dma_start3A_638 = tpu.memref_squeeze %dma_start3A_637 : memref<1x128xi32, #tpu.memory_space<vmem>> -> memref<128xi32, #tpu.memory_space<vmem>>
        %dma_start3A_639 = arith.constant 0 : i32
        %dma_start3A_640 = arith.constant 0 : i32
        %dma_start3A_641 = tpu.memref_slice %arg12[%dma_start3A_639, %dma_start3A_640] : memref<10368x32xf32, #tpu.memory_space<vmem_shared>> -> memref<10368x32xf32, #tpu.memory_space<vmem_shared>>
        %dma_start3A_642 = tpu.memref_slice %arg14[%dma_start3A_631] : memref<2x!tpu.dma_semaphore, #tpu.memory_space<semaphore_mem>> -> memref<1x!tpu.dma_semaphore, #tpu.memory_space<semaphore_mem>>
        %dma_start3A_643 = tpu.memref_squeeze %dma_start3A_642 : memref<1x!tpu.dma_semaphore, #tpu.memory_space<semaphore_mem>> -> memref<!tpu.dma_semaphore, #tpu.memory_space<semaphore_mem>>
        tpu.enqueue_indirect_dma source(%dma_start3A_641 : memref<10368x32xf32, #tpu.memory_space<vmem_shared>>) target(%dma_start3A_635 : memref<128x32xf32, #tpu.memory_space<vmem>>) offsets(%dma_start3A_638 : memref<128xi32, #tpu.memory_space<vmem>>) semaphore(%dma_start3A_643 : memref<!tpu.dma_semaphore, #tpu.memory_space<semaphore_mem>>)
      } else {
      }
      %dma_wait3A_545 = arith.constant 0 : i32
      %dma_wait3A_546 = arith.constant 0 : i32
      %dma_wait3A_547 = arith.constant 0 : i32
      %dma_wait3A_548 = arith.constant 0 : i32
      %dma_wait3A_549 = tpu.memref_slice %arg9[%dma_wait3A_545, %dma_wait3A_547, %dma_wait3A_548] : memref<2x128x32xf32, #tpu.memory_space<vmem>> -> memref<1x128x32xf32, #tpu.memory_space<vmem>>
      %dma_wait3A_550 = tpu.memref_squeeze %dma_wait3A_549 : memref<1x128x32xf32, #tpu.memory_space<vmem>> -> memref<128x32xf32, #tpu.memory_space<vmem>>
      %dma_wait3A_551 = arith.constant 0 : i32
      %dma_wait3A_552 = arith.constant 0 : i32
      %dma_wait3A_553 = tpu.memref_slice %arg2[%arg0, %dma_wait3A_551, %dma_wait3A_552] : memref<2x10240x32xf32, #tpu.memory_space<hbm>> -> memref<1x128x32xf32, #tpu.memory_space<hbm>>
      %dma_wait3A_554 = tpu.memref_squeeze %dma_wait3A_553 : memref<1x128x32xf32, #tpu.memory_space<hbm>> -> memref<128x32xf32, #tpu.memory_space<hbm>>
      %dma_wait3A_555 = tpu.memref_slice %arg14[%dma_wait3A_546] : memref<2x!tpu.dma_semaphore, #tpu.memory_space<semaphore_mem>> -> memref<1x!tpu.dma_semaphore, #tpu.memory_space<semaphore_mem>>
      %dma_wait3A_556 = tpu.memref_squeeze %dma_wait3A_555 : memref<1x!tpu.dma_semaphore, #tpu.memory_space<semaphore_mem>> -> memref<!tpu.dma_semaphore, #tpu.memory_space<semaphore_mem>>
      %dma_wait3A_557 = arith.constant 0 : i32
      %dma_wait3A_558 = arith.constant 0 : i32
      %dma_wait3A_559 = tpu.memref_slice %arg9[%dma_wait3A_545, %dma_wait3A_557, %dma_wait3A_558] : memref<2x128x32xf32, #tpu.memory_space<vmem>> -> memref<1x128x32xf32, #tpu.memory_space<vmem>>
      %dma_wait3A_560 = tpu.memref_squeeze %dma_wait3A_559 : memref<1x128x32xf32, #tpu.memory_space<vmem>> -> memref<128x32xf32, #tpu.memory_space<vmem>>
      %dma_wait3A_561 = arith.constant 0 : i32
      %dma_wait3A_562 = arith.constant 0 : i32
      %dma_wait3A_563 = tpu.memref_slice %arg2[%arg0, %dma_wait3A_561, %dma_wait3A_562] : memref<2x10240x32xf32, #tpu.memory_space<hbm>> -> memref<1x128x32xf32, #tpu.memory_space<hbm>>
      %dma_wait3A_564 = tpu.memref_squeeze %dma_wait3A_563 : memref<1x128x32xf32, #tpu.memory_space<hbm>> -> memref<128x32xf32, #tpu.memory_space<hbm>>
      tpu.wait_dma2 semaphore(%dma_wait3A_556 : memref<!tpu.dma_semaphore, #tpu.memory_space<semaphore_mem>>) src(%dma_wait3A_564 : memref<128x32xf32, #tpu.memory_space<hbm>>) dst(%dma_wait3A_560 : memref<128x32xf32, #tpu.memory_space<vmem>>)
      %dma_start3A_565 = arith.constant 0 : i32
      %dma_start3A_566 = arith.constant 0 : i32
      %dma_start3A_567 = arith.constant 0 : i32
      %dma_start3A_568 = arith.constant 0 : i32
      %dma_start3A_569 = tpu.memref_slice %arg9[%dma_start3A_565, %dma_start3A_567, %dma_start3A_568] : memref<2x128x32xf32, #tpu.memory_space<vmem>> -> memref<1x128x32xf32, #tpu.memory_space<vmem>>
      %dma_start3A_570 = tpu.memref_squeeze %dma_start3A_569 : memref<1x128x32xf32, #tpu.memory_space<vmem>> -> memref<128x32xf32, #tpu.memory_space<vmem>>
      %dma_start3A_571 = arith.constant 0 : i32
      %dma_start3A_572 = tpu.memref_slice %arg8[%add3A_536, %dma_start3A_571] : memref<158x128xi32, #tpu.memory_space<vmem>> -> memref<1x128xi32, #tpu.memory_space<vmem>>
      %dma_start3A_573 = tpu.memref_squeeze %dma_start3A_572 : memref<1x128xi32, #tpu.memory_space<vmem>> -> memref<128xi32, #tpu.memory_space<vmem>>
      %dma_start3A_574 = arith.constant 0 : i32
      %dma_start3A_575 = arith.constant 0 : i32
      %dma_start3A_576 = tpu.memref_slice %arg13[%dma_start3A_574, %dma_start3A_575] : memref<10368x32xf32, #tpu.memory_space<vmem_shared>> -> memref<10368x32xf32, #tpu.memory_space<vmem_shared>>
      %dma_start3A_577 = tpu.memref_slice %arg15[%dma_start3A_566] : memref<2x!tpu.dma_semaphore, #tpu.memory_space<semaphore_mem>> -> memref<1x!tpu.dma_semaphore, #tpu.memory_space<semaphore_mem>>
      %dma_start3A_578 = tpu.memref_squeeze %dma_start3A_577 : memref<1x!tpu.dma_semaphore, #tpu.memory_space<semaphore_mem>> -> memref<!tpu.dma_semaphore, #tpu.memory_space<semaphore_mem>>
      tpu.enqueue_indirect_dma source(%dma_start3A_570 : memref<128x32xf32, #tpu.memory_space<vmem>>) target(%dma_start3A_576 : memref<10368x32xf32, #tpu.memory_space<vmem_shared>>) offsets(%dma_start3A_573 : memref<128xi32, #tpu.memory_space<vmem>>) semaphore(%dma_start3A_578 : memref<!tpu.dma_semaphore, #tpu.memory_space<semaphore_mem>>) {add = true}
      %add3A_579 = arith.constant 1 : i32
      %add3A_580 = arith.addi %mul3A_535, %add3A_579 : i32
      %ge3A_581 = arith.constant 1 : i32
      %ge3A_582 = arith.cmpi sge, %add3A_580, %ge3A_581 : i32
      %convert_element_type3A_583 = arith.extui %ge3A_582 : i1 to i32
      %cond3A_584 = arith.constant 0 : i32
      %cond3A_585 = arith.cmpi ne, %convert_element_type3A_583, %cond3A_584 : i32
      scf.if %cond3A_585 {
        %dma_wait3A_628 = arith.constant 0 : i32
        %dma_wait3A_629 = arith.constant 0 : i32
        %dma_wait3A_630 = arith.constant 0 : i32
        %dma_wait3A_631 = arith.constant 0 : i32
        %dma_wait3A_632 = tpu.memref_slice %arg9[%dma_wait3A_628, %dma_wait3A_630, %dma_wait3A_631] : memref<2x128x32xf32, #tpu.memory_space<vmem>> -> memref<1x128x32xf32, #tpu.memory_space<vmem>>
        %dma_wait3A_633 = tpu.memref_squeeze %dma_wait3A_632 : memref<1x128x32xf32, #tpu.memory_space<vmem>> -> memref<128x32xf32, #tpu.memory_space<vmem>>
        %dma_wait3A_634 = arith.constant 0 : i32
        %dma_wait3A_635 = arith.constant 0 : i32
        %dma_wait3A_636 = tpu.memref_slice %arg2[%arg0, %dma_wait3A_634, %dma_wait3A_635] : memref<2x10240x32xf32, #tpu.memory_space<hbm>> -> memref<1x128x32xf32, #tpu.memory_space<hbm>>
        %dma_wait3A_637 = tpu.memref_squeeze %dma_wait3A_636 : memref<1x128x32xf32, #tpu.memory_space<hbm>> -> memref<128x32xf32, #tpu.memory_space<hbm>>
        %dma_wait3A_638 = tpu.memref_slice %arg15[%dma_wait3A_629] : memref<2x!tpu.dma_semaphore, #tpu.memory_space<semaphore_mem>> -> memref<1x!tpu.dma_semaphore, #tpu.memory_space<semaphore_mem>>
        %dma_wait3A_639 = tpu.memref_squeeze %dma_wait3A_638 : memref<1x!tpu.dma_semaphore, #tpu.memory_space<semaphore_mem>> -> memref<!tpu.dma_semaphore, #tpu.memory_space<semaphore_mem>>
        %dma_wait3A_640 = arith.constant 0 : i32
        %dma_wait3A_641 = arith.constant 0 : i32
        %dma_wait3A_642 = tpu.memref_slice %arg9[%dma_wait3A_628, %dma_wait3A_640, %dma_wait3A_641] : memref<2x128x32xf32, #tpu.memory_space<vmem>> -> memref<1x128x32xf32, #tpu.memory_space<vmem>>
        %dma_wait3A_643 = tpu.memref_squeeze %dma_wait3A_642 : memref<1x128x32xf32, #tpu.memory_space<vmem>> -> memref<128x32xf32, #tpu.memory_space<vmem>>
        %dma_wait3A_644 = arith.constant 0 : i32
        %dma_wait3A_645 = arith.constant 0 : i32
        %dma_wait3A_646 = tpu.memref_slice %arg2[%arg0, %dma_wait3A_644, %dma_wait3A_645] : memref<2x10240x32xf32, #tpu.memory_space<hbm>> -> memref<1x128x32xf32, #tpu.memory_space<hbm>>
        %dma_wait3A_647 = tpu.memref_squeeze %dma_wait3A_646 : memref<1x128x32xf32, #tpu.memory_space<hbm>> -> memref<128x32xf32, #tpu.memory_space<hbm>>
        tpu.wait_dma2 semaphore(%dma_wait3A_639 : memref<!tpu.dma_semaphore, #tpu.memory_space<semaphore_mem>>) src(%dma_wait3A_647 : memref<128x32xf32, #tpu.memory_space<hbm>>) dst(%dma_wait3A_643 : memref<128x32xf32, #tpu.memory_space<vmem>>)
      } else {
      }
      %add3A_586 = arith.constant 1 : i32
      %add3A_587 = arith.addi %add3A_580, %add3A_586 : i32
      %lt3A_588 = arith.constant 158 : i32
      %lt3A_589 = arith.cmpi slt, %add3A_587, %lt3A_588 : i32
      %convert_element_type3A_590 = arith.extui %lt3A_589 : i1 to i32
      %cond3A_591 = arith.constant 0 : i32
      %cond3A_592 = arith.cmpi ne, %convert_element_type3A_590, %cond3A_591 : i32
      scf.if %cond3A_592 {
        %add3A_628 = arith.constant 1 : i32
        %add3A_629 = arith.addi %add3A_580, %add3A_628 : i32
        %dma_start3A_630 = arith.constant 0 : i32
        %dma_start3A_631 = arith.constant 0 : i32
        %dma_start3A_632 = arith.constant 0 : i32
        %dma_start3A_633 = arith.constant 0 : i32
        %dma_start3A_634 = tpu.memref_slice %arg9[%dma_start3A_630, %dma_start3A_632, %dma_start3A_633] : memref<2x128x32xf32, #tpu.memory_space<vmem>> -> memref<1x128x32xf32, #tpu.memory_space<vmem>>
        %dma_start3A_635 = tpu.memref_squeeze %dma_start3A_634 : memref<1x128x32xf32, #tpu.memory_space<vmem>> -> memref<128x32xf32, #tpu.memory_space<vmem>>
        %dma_start3A_636 = arith.constant 0 : i32
        %dma_start3A_637 = tpu.memref_slice %arg7[%add3A_629, %dma_start3A_636] : memref<158x128xi32, #tpu.memory_space<vmem>> -> memref<1x128xi32, #tpu.memory_space<vmem>>
        %dma_start3A_638 = tpu.memref_squeeze %dma_start3A_637 : memref<1x128xi32, #tpu.memory_space<vmem>> -> memref<128xi32, #tpu.memory_space<vmem>>
        %dma_start3A_639 = arith.constant 0 : i32
        %dma_start3A_640 = arith.constant 0 : i32
        %dma_start3A_641 = tpu.memref_slice %arg12[%dma_start3A_639, %dma_start3A_640] : memref<10368x32xf32, #tpu.memory_space<vmem_shared>> -> memref<10368x32xf32, #tpu.memory_space<vmem_shared>>
        %dma_start3A_642 = tpu.memref_slice %arg14[%dma_start3A_631] : memref<2x!tpu.dma_semaphore, #tpu.memory_space<semaphore_mem>> -> memref<1x!tpu.dma_semaphore, #tpu.memory_space<semaphore_mem>>
        %dma_start3A_643 = tpu.memref_squeeze %dma_start3A_642 : memref<1x!tpu.dma_semaphore, #tpu.memory_space<semaphore_mem>> -> memref<!tpu.dma_semaphore, #tpu.memory_space<semaphore_mem>>
        tpu.enqueue_indirect_dma source(%dma_start3A_641 : memref<10368x32xf32, #tpu.memory_space<vmem_shared>>) target(%dma_start3A_635 : memref<128x32xf32, #tpu.memory_space<vmem>>) offsets(%dma_start3A_638 : memref<128xi32, #tpu.memory_space<vmem>>) semaphore(%dma_start3A_643 : memref<!tpu.dma_semaphore, #tpu.memory_space<semaphore_mem>>)
      } else {
      }
      %dma_wait3A_593 = arith.constant 1 : i32
      %dma_wait3A_594 = arith.constant 1 : i32
      %dma_wait3A_595 = arith.constant 0 : i32
      %dma_wait3A_596 = arith.constant 0 : i32
      %dma_wait3A_597 = tpu.memref_slice %arg9[%dma_wait3A_593, %dma_wait3A_595, %dma_wait3A_596] : memref<2x128x32xf32, #tpu.memory_space<vmem>> -> memref<1x128x32xf32, #tpu.memory_space<vmem>>
      %dma_wait3A_598 = tpu.memref_squeeze %dma_wait3A_597 : memref<1x128x32xf32, #tpu.memory_space<vmem>> -> memref<128x32xf32, #tpu.memory_space<vmem>>
      %dma_wait3A_599 = arith.constant 0 : i32
      %dma_wait3A_600 = arith.constant 0 : i32
      %dma_wait3A_601 = tpu.memref_slice %arg2[%arg0, %dma_wait3A_599, %dma_wait3A_600] : memref<2x10240x32xf32, #tpu.memory_space<hbm>> -> memref<1x128x32xf32, #tpu.memory_space<hbm>>
      %dma_wait3A_602 = tpu.memref_squeeze %dma_wait3A_601 : memref<1x128x32xf32, #tpu.memory_space<hbm>> -> memref<128x32xf32, #tpu.memory_space<hbm>>
      %dma_wait3A_603 = tpu.memref_slice %arg14[%dma_wait3A_594] : memref<2x!tpu.dma_semaphore, #tpu.memory_space<semaphore_mem>> -> memref<1x!tpu.dma_semaphore, #tpu.memory_space<semaphore_mem>>
      %dma_wait3A_604 = tpu.memref_squeeze %dma_wait3A_603 : memref<1x!tpu.dma_semaphore, #tpu.memory_space<semaphore_mem>> -> memref<!tpu.dma_semaphore, #tpu.memory_space<semaphore_mem>>
      %dma_wait3A_605 = arith.constant 0 : i32
      %dma_wait3A_606 = arith.constant 0 : i32
      %dma_wait3A_607 = tpu.memref_slice %arg9[%dma_wait3A_593, %dma_wait3A_605, %dma_wait3A_606] : memref<2x128x32xf32, #tpu.memory_space<vmem>> -> memref<1x128x32xf32, #tpu.memory_space<vmem>>
      %dma_wait3A_608 = tpu.memref_squeeze %dma_wait3A_607 : memref<1x128x32xf32, #tpu.memory_space<vmem>> -> memref<128x32xf32, #tpu.memory_space<vmem>>
      %dma_wait3A_609 = arith.constant 0 : i32
      %dma_wait3A_610 = arith.constant 0 : i32
      %dma_wait3A_611 = tpu.memref_slice %arg2[%arg0, %dma_wait3A_609, %dma_wait3A_610] : memref<2x10240x32xf32, #tpu.memory_space<hbm>> -> memref<1x128x32xf32, #tpu.memory_space<hbm>>
      %dma_wait3A_612 = tpu.memref_squeeze %dma_wait3A_611 : memref<1x128x32xf32, #tpu.memory_space<hbm>> -> memref<128x32xf32, #tpu.memory_space<hbm>>
      tpu.wait_dma2 semaphore(%dma_wait3A_604 : memref<!tpu.dma_semaphore, #tpu.memory_space<semaphore_mem>>) src(%dma_wait3A_612 : memref<128x32xf32, #tpu.memory_space<hbm>>) dst(%dma_wait3A_608 : memref<128x32xf32, #tpu.memory_space<vmem>>)
      %dma_start3A_613 = arith.constant 1 : i32
      %dma_start3A_614 = arith.constant 1 : i32
      %dma_start3A_615 = arith.constant 0 : i32
      %dma_start3A_616 = arith.constant 0 : i32
      %dma_start3A_617 = tpu.memref_slice %arg9[%dma_start3A_613, %dma_start3A_615, %dma_start3A_616] : memref<2x128x32xf32, #tpu.memory_space<vmem>> -> memref<1x128x32xf32, #tpu.memory_space<vmem>>
      %dma_start3A_618 = tpu.memref_squeeze %dma_start3A_617 : memref<1x128x32xf32, #tpu.memory_space<vmem>> -> memref<128x32xf32, #tpu.memory_space<vmem>>
      %dma_start3A_619 = arith.constant 0 : i32
      %dma_start3A_620 = tpu.memref_slice %arg8[%add3A_580, %dma_start3A_619] : memref<158x128xi32, #tpu.memory_space<vmem>> -> memref<1x128xi32, #tpu.memory_space<vmem>>
      %dma_start3A_621 = tpu.memref_squeeze %dma_start3A_620 : memref<1x128xi32, #tpu.memory_space<vmem>> -> memref<128xi32, #tpu.memory_space<vmem>>
      %dma_start3A_622 = arith.constant 0 : i32
      %dma_start3A_623 = arith.constant 0 : i32
      %dma_start3A_624 = tpu.memref_slice %arg13[%dma_start3A_622, %dma_start3A_623] : memref<10368x32xf32, #tpu.memory_space<vmem_shared>> -> memref<10368x32xf32, #tpu.memory_space<vmem_shared>>
      %dma_start3A_625 = tpu.memref_slice %arg15[%dma_start3A_614] : memref<2x!tpu.dma_semaphore, #tpu.memory_space<semaphore_mem>> -> memref<1x!tpu.dma_semaphore, #tpu.memory_space<semaphore_mem>>
      %dma_start3A_626 = tpu.memref_squeeze %dma_start3A_625 : memref<1x!tpu.dma_semaphore, #tpu.memory_space<semaphore_mem>> -> memref<!tpu.dma_semaphore, #tpu.memory_space<semaphore_mem>>
      tpu.enqueue_indirect_dma source(%dma_start3A_618 : memref<128x32xf32, #tpu.memory_space<vmem>>) target(%dma_start3A_624 : memref<10368x32xf32, #tpu.memory_space<vmem_shared>>) offsets(%dma_start3A_621 : memref<128xi32, #tpu.memory_space<vmem>>) semaphore(%dma_start3A_626 : memref<!tpu.dma_semaphore, #tpu.memory_space<semaphore_mem>>) {add = true}
      %scan3A_627 = arith.constant 0 : i32
      scf.yield %scan3A_627 : i32
    }
    %scan3A_34 = arith.constant 79 : i32
    %dma_wait3A = arith.constant 1 : i32
    %dma_wait3A_35 = arith.constant 1 : i32
    %dma_wait3A_36 = arith.constant 0 : i32
    %dma_wait3A_37 = arith.constant 0 : i32
    %dma_wait3A_38 = tpu.memref_slice %arg9[%dma_wait3A, %dma_wait3A_36, %dma_wait3A_37] : memref<2x128x32xf32, #tpu.memory_space<vmem>> -> memref<1x128x32xf32, #tpu.memory_space<vmem>>
    %dma_wait3A_39 = tpu.memref_squeeze %dma_wait3A_38 : memref<1x128x32xf32, #tpu.memory_space<vmem>> -> memref<128x32xf32, #tpu.memory_space<vmem>>
    %dma_wait3A_40 = arith.constant 0 : i32
    %dma_wait3A_41 = arith.constant 0 : i32
    %dma_wait3A_42 = tpu.memref_slice %arg2[%arg0, %dma_wait3A_40, %dma_wait3A_41] : memref<2x10240x32xf32, #tpu.memory_space<hbm>> -> memref<1x128x32xf32, #tpu.memory_space<hbm>>
    %dma_wait3A_43 = tpu.memref_squeeze %dma_wait3A_42 : memref<1x128x32xf32, #tpu.memory_space<hbm>> -> memref<128x32xf32, #tpu.memory_space<hbm>>
    %dma_wait3A_44 = tpu.memref_slice %arg15[%dma_wait3A_35] : memref<2x!tpu.dma_semaphore, #tpu.memory_space<semaphore_mem>> -> memref<1x!tpu.dma_semaphore, #tpu.memory_space<semaphore_mem>>
    %dma_wait3A_45 = tpu.memref_squeeze %dma_wait3A_44 : memref<1x!tpu.dma_semaphore, #tpu.memory_space<semaphore_mem>> -> memref<!tpu.dma_semaphore, #tpu.memory_space<semaphore_mem>>
    %dma_wait3A_46 = arith.constant 0 : i32
    %dma_wait3A_47 = arith.constant 0 : i32
    %dma_wait3A_48 = tpu.memref_slice %arg9[%dma_wait3A, %dma_wait3A_46, %dma_wait3A_47] : memref<2x128x32xf32, #tpu.memory_space<vmem>> -> memref<1x128x32xf32, #tpu.memory_space<vmem>>
    %dma_wait3A_49 = tpu.memref_squeeze %dma_wait3A_48 : memref<1x128x32xf32, #tpu.memory_space<vmem>> -> memref<128x32xf32, #tpu.memory_space<vmem>>
    %dma_wait3A_50 = arith.constant 0 : i32
    %dma_wait3A_51 = arith.constant 0 : i32
    %dma_wait3A_52 = tpu.memref_slice %arg2[%arg0, %dma_wait3A_50, %dma_wait3A_51] : memref<2x10240x32xf32, #tpu.memory_space<hbm>> -> memref<1x128x32xf32, #tpu.memory_space<hbm>>
    %dma_wait3A_53 = tpu.memref_squeeze %dma_wait3A_52 : memref<1x128x32xf32, #tpu.memory_space<hbm>> -> memref<128x32xf32, #tpu.memory_space<hbm>>
    tpu.wait_dma2 semaphore(%dma_wait3A_45 : memref<!tpu.dma_semaphore, #tpu.memory_space<semaphore_mem>>) src(%dma_wait3A_53 : memref<128x32xf32, #tpu.memory_space<hbm>>) dst(%dma_wait3A_49 : memref<128x32xf32, #tpu.memory_space<vmem>>)
    %barrier3A_54 = arith.constant 0 : index
    tpu.barrier barrier_id(%barrier3A_54)
    "tpu.region"() ({
      %run_scoped3A_532 = tpu.sem_alloc : memref<!tpu.dma_semaphore, #tpu.memory_space<semaphore_mem>>
      %dma_start3A_533 = arith.constant 0 : i32
      %dma_start3A_534 = tpu.memref_slice %arg13[%mul3A_0, %dma_start3A_533] : memref<10368x32xf32, #tpu.memory_space<vmem_shared>> -> memref<640x32xf32, #tpu.memory_space<vmem_shared>>
      %dma_start3A_535 = arith.constant 0 : i32
      %dma_start3A_536 = tpu.memref_slice %arg13[%mul3A_0, %dma_start3A_535] : memref<10368x32xf32, #tpu.memory_space<vmem_shared>> -> memref<640x32xf32, #tpu.memory_space<vmem_shared>>
      tpu.enqueue_dma source(%dma_start3A_536 : memref<640x32xf32, #tpu.memory_space<vmem_shared>>) target(%arg10 : memref<640x32xf32, #tpu.memory_space<vmem>>) target_semaphore(%run_scoped3A_532 : memref<!tpu.dma_semaphore, #tpu.memory_space<semaphore_mem>>)
      %dma_wait3A_537 = arith.constant 0 : i32
      %dma_wait3A_538 = tpu.memref_slice %arg13[%mul3A_0, %dma_wait3A_537] : memref<10368x32xf32, #tpu.memory_space<vmem_shared>> -> memref<640x32xf32, #tpu.memory_space<vmem_shared>>
      %dma_wait3A_539 = arith.constant 0 : i32
      %dma_wait3A_540 = tpu.memref_slice %arg13[%mul3A_0, %dma_wait3A_539] : memref<10368x32xf32, #tpu.memory_space<vmem_shared>> -> memref<640x32xf32, #tpu.memory_space<vmem_shared>>
      tpu.wait_dma2 semaphore(%run_scoped3A_532 : memref<!tpu.dma_semaphore, #tpu.memory_space<semaphore_mem>>) src(%dma_wait3A_540 : memref<640x32xf32, #tpu.memory_space<vmem_shared>>) dst(%arg10 : memref<640x32xf32, #tpu.memory_space<vmem>>)
      tpu.yield
    }) : () -> ()
    %scan3A_55 = arith.constant 0 : i32
    %scan3A_56 = arith.constant 0 : i32
    %scan3A_57 = arith.constant 640 : i32
    %scan3A_58 = arith.addi %scan3A_56, %scan3A_57 : i32
    %scan3A_59 = arith.constant 1 : i32
    %scan3A_60 = scf.for %scan3A_532 = %scan3A_56 to %scan3A_58 step %scan3A_59 iter_args(%scan3A_533 = %scan3A_55) -> (i32)  : i32 {
      %broadcast_in_dim3A = vector.broadcast %scan3A_532 : i32 to vector<16xi32>
      %gather3A = tpu.vector_load_idx %arg11[%broadcast_in_dim3A] : memref<640xf32, #tpu.memory_space<vmem>>[vector<16xi32>], vector<16xf32>,
      %get3A = arith.index_cast %scan3A_532 : i32 to index
      %get3A_534 = arith.constant 0 : index
      %get3A_535 = tpu.vector_load %arg10[%get3A, %get3A_534] {strides = array<i32>} : memref<640x32xf32, #tpu.memory_space<vmem>>, vector<16xf32>,
      %mul3A_536 = arith.mulf %get3A_535, %gather3A : vector<16xf32>
      %swap3A = arith.index_cast %scan3A_532 : i32 to index
      %swap3A_537 = arith.constant 0 : index
      %swap3A_538 = tpu.vector_load %arg10[%swap3A, %swap3A_537] {strides = array<i32>} : memref<640x32xf32, #tpu.memory_space<vmem>>, vector<16xf32>,
      tpu.vector_store %arg10[%swap3A, %swap3A_537], %mul3A_536 {strides = array<i32>} : memref<640x32xf32, #tpu.memory_space<vmem>>, vector<16xf32>,
      %get3A_539 = arith.index_cast %scan3A_532 : i32 to index
      %get3A_540 = arith.constant 16 : index
      %get3A_541 = tpu.vector_load %arg10[%get3A_539, %get3A_540] {strides = array<i32>} : memref<640x32xf32, #tpu.memory_space<vmem>>, vector<16xf32>,
      %mul3A_542 = arith.mulf %get3A_541, %gather3A : vector<16xf32>
      %swap3A_543 = arith.index_cast %scan3A_532 : i32 to index
      %swap3A_544 = arith.constant 16 : index
      %swap3A_545 = tpu.vector_load %arg10[%swap3A_543, %swap3A_544] {strides = array<i32>} : memref<640x32xf32, #tpu.memory_space<vmem>>, vector<16xf32>,
      tpu.vector_store %arg10[%swap3A_543, %swap3A_544], %mul3A_542 {strides = array<i32>} : memref<640x32xf32, #tpu.memory_space<vmem>>, vector<16xf32>,
      %scan3A_546 = arith.constant 0 : i32
      scf.yield %scan3A_546 : i32
    }
    %scan3A_61 = arith.constant 640 : i32
    %run_scoped3A = arith.constant 0 : i32
    "tpu.region"() ({
      %run_scoped3A_532 = tpu.sem_alloc : memref<!tpu.dma_semaphore, #tpu.memory_space<semaphore_mem>>
      %dma_start3A_533 = arith.constant 0 : i32
      %dma_start3A_534 = tpu.memref_slice %arg6[%run_scoped3A, %arg0, %mul3A_0, %dma_start3A_533] : memref<8x2x10240x32xf32, #tpu.memory_space<hbm>> -> memref<1x1x640x32xf32, #tpu.memory_space<hbm>>
      %dma_start3A_535 = tpu.memref_squeeze %dma_start3A_534 : memref<1x1x640x32xf32, #tpu.memory_space<hbm>> -> memref<640x32xf32, #tpu.memory_space<hbm>>
      %dma_start3A_536 = arith.constant 0 : i32
      %dma_start3A_537 = tpu.memref_slice %arg6[%run_scoped3A, %arg0, %mul3A_0, %dma_start3A_536] : memref<8x2x10240x32xf32, #tpu.memory_space<hbm>> -> memref<1x1x640x32xf32, #tpu.memory_space<hbm>>
      %dma_start3A_538 = tpu.memref_squeeze %dma_start3A_537 : memref<1x1x640x32xf32, #tpu.memory_space<hbm>> -> memref<640x32xf32, #tpu.memory_space<hbm>>
      tpu.enqueue_dma source(%arg10 : memref<640x32xf32, #tpu.memory_space<vmem>>) target(%dma_start3A_538 : memref<640x32xf32, #tpu.memory_space<hbm>>) target_semaphore(%run_scoped3A_532 : memref<!tpu.dma_semaphore, #tpu.memory_space<semaphore_mem>>)
      %dma_wait3A_539 = arith.constant 0 : i32
      %dma_wait3A_540 = tpu.memref_slice %arg6[%run_scoped3A, %arg0, %mul3A_0, %dma_wait3A_539] : memref<8x2x10240x32xf32, #tpu.memory_space<hbm>> -> memref<1x1x640x32xf32, #tpu.memory_space<hbm>>
      %dma_wait3A_541 = tpu.memref_squeeze %dma_wait3A_540 : memref<1x1x640x32xf32, #tpu.memory_space<hbm>> -> memref<640x32xf32, #tpu.memory_space<hbm>>
      %dma_wait3A_542 = arith.constant 0 : i32
      %dma_wait3A_543 = tpu.memref_slice %arg6[%run_scoped3A, %arg0, %mul3A_0, %dma_wait3A_542] : memref<8x2x10240x32xf32, #tpu.memory_space<hbm>> -> memref<1x1x640x32xf32, #tpu.memory_space<hbm>>
      %dma_wait3A_544 = tpu.memref_squeeze %dma_wait3A_543 : memref<1x1x640x32xf32, #tpu.memory_space<hbm>> -> memref<640x32xf32, #tpu.memory_space<hbm>>
      tpu.wait_dma2 semaphore(%run_scoped3A_532 : memref<!tpu.dma_semaphore, #tpu.memory_space<semaphore_mem>>) src(%arg10 : memref<640x32xf32, #tpu.memory_space<vmem>>) dst(%dma_wait3A_544 : memref<640x32xf32, #tpu.memory_space<hbm>>)
      tpu.yield
    }) : () -> ()
    %scan3A_62 = arith.constant 0 : i32
    %scan3A_63 = arith.constant 0 : i32
    %scan3A_64 = arith.constant 640 : i32
    %scan3A_65 = arith.addi %scan3A_63, %scan3A_64 : i32
    %scan3A_66 = arith.constant 1 : i32
    %scan3A_67 = scf.for %scan3A_532 = %scan3A_63 to %scan3A_65 step %scan3A_66 iter_args(%scan3A_533 = %scan3A_62) -> (i32)  : i32 {
      %broadcast_in_dim3A = vector.broadcast %scan3A_532 : i32 to vector<16xi32>
      %gather3A = tpu.vector_load_idx %arg11[%broadcast_in_dim3A] : memref<640xf32, #tpu.memory_space<vmem>>[vector<16xi32>], vector<16xf32>,
      %get3A = arith.index_cast %scan3A_532 : i32 to index
      %get3A_534 = arith.constant 0 : index
      %get3A_535 = tpu.vector_load %arg10[%get3A, %get3A_534] {strides = array<i32>} : memref<640x32xf32, #tpu.memory_space<vmem>>, vector<16xf32>,
      %mul3A_536 = arith.mulf %get3A_535, %gather3A : vector<16xf32>
      %swap3A = arith.index_cast %scan3A_532 : i32 to index
      %swap3A_537 = arith.constant 0 : index
      %swap3A_538 = tpu.vector_load %arg10[%swap3A, %swap3A_537] {strides = array<i32>} : memref<640x32xf32, #tpu.memory_space<vmem>>, vector<16xf32>,
      tpu.vector_store %arg10[%swap3A, %swap3A_537], %mul3A_536 {strides = array<i32>} : memref<640x32xf32, #tpu.memory_space<vmem>>, vector<16xf32>,
      %get3A_539 = arith.index_cast %scan3A_532 : i32 to index
      %get3A_540 = arith.constant 16 : index
      %get3A_541 = tpu.vector_load %arg10[%get3A_539, %get3A_540] {strides = array<i32>} : memref<640x32xf32, #tpu.memory_space<vmem>>, vector<16xf32>,
      %mul3A_542 = arith.mulf %get3A_541, %gather3A : vector<16xf32>
      %swap3A_543 = arith.index_cast %scan3A_532 : i32 to index
      %swap3A_544 = arith.constant 16 : index
      %swap3A_545 = tpu.vector_load %arg10[%swap3A_543, %swap3A_544] {strides = array<i32>} : memref<640x32xf32, #tpu.memory_space<vmem>>, vector<16xf32>,
      tpu.vector_store %arg10[%swap3A_543, %swap3A_544], %mul3A_542 {strides = array<i32>} : memref<640x32xf32, #tpu.memory_space<vmem>>, vector<16xf32>,
      %scan3A_546 = arith.constant 0 : i32
      scf.yield %scan3A_546 : i32
    }
    %scan3A_68 = arith.constant 640 : i32
    "tpu.region"() ({
      %run_scoped3A_532 = tpu.sem_alloc : memref<!tpu.dma_semaphore, #tpu.memory_space<semaphore_mem>>
      %dma_start3A_533 = arith.constant 0 : i32
      %dma_start3A_534 = tpu.memref_slice %arg13[%mul3A_0, %dma_start3A_533] : memref<10368x32xf32, #tpu.memory_space<vmem_shared>> -> memref<640x32xf32, #tpu.memory_space<vmem_shared>>
      %dma_start3A_535 = arith.constant 0 : i32
      %dma_start3A_536 = tpu.memref_slice %arg13[%mul3A_0, %dma_start3A_535] : memref<10368x32xf32, #tpu.memory_space<vmem_shared>> -> memref<640x32xf32, #tpu.memory_space<vmem_shared>>
      tpu.enqueue_dma source(%arg10 : memref<640x32xf32, #tpu.memory_space<vmem>>) target(%dma_start3A_536 : memref<640x32xf32, #tpu.memory_space<vmem_shared>>) target_semaphore(%run_scoped3A_532 : memref<!tpu.dma_semaphore, #tpu.memory_space<semaphore_mem>>)
      %dma_wait3A_537 = arith.constant 0 : i32
      %dma_wait3A_538 = tpu.memref_slice %arg13[%mul3A_0, %dma_wait3A_537] : memref<10368x32xf32, #tpu.memory_space<vmem_shared>> -> memref<640x32xf32, #tpu.memory_space<vmem_shared>>
      %dma_wait3A_539 = arith.constant 0 : i32
      %dma_wait3A_540 = tpu.memref_slice %arg13[%mul3A_0, %dma_wait3A_539] : memref<10368x32xf32, #tpu.memory_space<vmem_shared>> -> memref<640x32xf32, #tpu.memory_space<vmem_shared>>
      tpu.wait_dma2 semaphore(%run_scoped3A_532 : memref<!tpu.dma_semaphore, #tpu.memory_space<semaphore_mem>>) src(%arg10 : memref<640x32xf32, #tpu.memory_space<vmem>>) dst(%dma_wait3A_540 : memref<640x32xf32, #tpu.memory_space<vmem_shared>>)
      tpu.yield
    }) : () -> ()
    %scan3A_69 = arith.constant 0 : i32
    %scan3A_70 = arith.constant 0 : i32
    %scan3A_71 = arith.constant 640 : i32
    %scan3A_72 = arith.addi %scan3A_70, %scan3A_71 : i32
    %scan3A_73 = arith.constant 1 : i32
    %scan3A_74 = scf.for %scan3A_532 = %scan3A_70 to %scan3A_72 step %scan3A_73 iter_args(%scan3A_533 = %scan3A_69) -> (i32)  : i32 {
      %broadcast_in_dim3A = arith.constant 0.000000e+00 : f32
      %broadcast_in_dim3A_534 = vector.broadcast %broadcast_in_dim3A : f32 to vector<16xf32>
      %swap3A = arith.index_cast %scan3A_532 : i32 to index
      %swap3A_535 = arith.constant 0 : index
      %swap3A_536 = tpu.vector_load %arg10[%swap3A, %swap3A_535] {strides = array<i32>} : memref<640x32xf32, #tpu.memory_space<vmem>>, vector<16xf32>,
      tpu.vector_store %arg10[%swap3A, %swap3A_535], %broadcast_in_dim3A_534 {strides = array<i32>} : memref<640x32xf32, #tpu.memory_space<vmem>>, vector<16xf32>,
      %broadcast_in_dim3A_537 = arith.constant 0.000000e+00 : f32
      %broadcast_in_dim3A_538 = vector.broadcast %broadcast_in_dim3A_537 : f32 to vector<16xf32>
      %swap3A_539 = arith.index_cast %scan3A_532 : i32 to index
      %swap3A_540 = arith.constant 16 : index
      %swap3A_541 = tpu.vector_load %arg10[%swap3A_539, %swap3A_540] {strides = array<i32>} : memref<640x32xf32, #tpu.memory_space<vmem>>, vector<16xf32>,
      tpu.vector_store %arg10[%swap3A_539, %swap3A_540], %broadcast_in_dim3A_538 {strides = array<i32>} : memref<640x32xf32, #tpu.memory_space<vmem>>, vector<16xf32>,
      %scan3A_542 = arith.constant 0 : i32
      scf.yield %scan3A_542 : i32
    }
    %scan3A_75 = arith.constant 640 : i32
    "tpu.region"() ({
      %run_scoped3A_532 = tpu.sem_alloc : memref<!tpu.dma_semaphore, #tpu.memory_space<semaphore_mem>>
      %dma_start3A_533 = arith.constant 0 : i32
      %dma_start3A_534 = tpu.memref_slice %arg12[%mul3A_0, %dma_start3A_533] : memref<10368x32xf32, #tpu.memory_space<vmem_shared>> -> memref<640x32xf32, #tpu.memory_space<vmem_shared>>
      %dma_start3A_535 = arith.constant 0 : i32
      %dma_start3A_536 = tpu.memref_slice %arg12[%mul3A_0, %dma_start3A_535] : memref<10368x32xf32, #tpu.memory_space<vmem_shared>> -> memref<640x32xf32, #tpu.memory_space<vmem_shared>>
      tpu.enqueue_dma source(%arg10 : memref<640x32xf32, #tpu.memory_space<vmem>>) target(%dma_start3A_536 : memref<640x32xf32, #tpu.memory_space<vmem_shared>>) target_semaphore(%run_scoped3A_532 : memref<!tpu.dma_semaphore, #tpu.memory_space<semaphore_mem>>)
      %dma_wait3A_537 = arith.constant 0 : i32
      %dma_wait3A_538 = tpu.memref_slice %arg12[%mul3A_0, %dma_wait3A_537] : memref<10368x32xf32, #tpu.memory_space<vmem_shared>> -> memref<640x32xf32, #tpu.memory_space<vmem_shared>>
      %dma_wait3A_539 = arith.constant 0 : i32
      %dma_wait3A_540 = tpu.memref_slice %arg12[%mul3A_0, %dma_wait3A_539] : memref<10368x32xf32, #tpu.memory_space<vmem_shared>> -> memref<640x32xf32, #tpu.memory_space<vmem_shared>>
      tpu.wait_dma2 semaphore(%run_scoped3A_532 : memref<!tpu.dma_semaphore, #tpu.memory_space<semaphore_mem>>) src(%arg10 : memref<640x32xf32, #tpu.memory_space<vmem>>) dst(%dma_wait3A_540 : memref<640x32xf32, #tpu.memory_space<vmem_shared>>)
      tpu.yield
    }) : () -> ()
    %barrier3A_76 = arith.constant 0 : index
    tpu.barrier barrier_id(%barrier3A_76)
    %dma_start3A_77 = arith.constant 0 : i32
    %dma_start3A_78 = arith.constant 0 : i32
    %dma_start3A_79 = arith.constant 0 : i32
    %dma_start3A_80 = arith.constant 0 : i32
    %dma_start3A_81 = arith.constant 0 : i32
    %dma_start3A_82 = tpu.memref_slice %arg9[%dma_start3A_78, %dma_start3A_80, %dma_start3A_81] : memref<2x128x32xf32, #tpu.memory_space<vmem>> -> memref<1x128x32xf32, #tpu.memory_space<vmem>>
    %dma_start3A_83 = tpu.memref_squeeze %dma_start3A_82 : memref<1x128x32xf32, #tpu.memory_space<vmem>> -> memref<128x32xf32, #tpu.memory_space<vmem>>
    %dma_start3A_84 = arith.constant 0 : i32
    %dma_start3A_85 = tpu.memref_slice %arg7[%dma_start3A_77, %dma_start3A_84] : memref<158x128xi32, #tpu.memory_space<vmem>> -> memref<1x128xi32, #tpu.memory_space<vmem>>
    %dma_start3A_86 = tpu.memref_squeeze %dma_start3A_85 : memref<1x128xi32, #tpu.memory_space<vmem>> -> memref<128xi32, #tpu.memory_space<vmem>>
    %dma_start3A_87 = arith.constant 0 : i32
    %dma_start3A_88 = arith.constant 0 : i32
    %dma_start3A_89 = tpu.memref_slice %arg13[%dma_start3A_87, %dma_start3A_88] : memref<10368x32xf32, #tpu.memory_space<vmem_shared>> -> memref<10368x32xf32, #tpu.memory_space<vmem_shared>>
    %dma_start3A_90 = tpu.memref_slice %arg14[%dma_start3A_79] : memref<2x!tpu.dma_semaphore, #tpu.memory_space<semaphore_mem>> -> memref<1x!tpu.dma_semaphore, #tpu.memory_space<semaphore_mem>>
    %dma_start3A_91 = tpu.memref_squeeze %dma_start3A_90 : memref<1x!tpu.dma_semaphore, #tpu.memory_space<semaphore_mem>> -> memref<!tpu.dma_semaphore, #tpu.memory_space<semaphore_mem>>
    tpu.enqueue_indirect_dma source(%dma_start3A_89 : memref<10368x32xf32, #tpu.memory_space<vmem_shared>>) target(%dma_start3A_83 : memref<128x32xf32, #tpu.memory_space<vmem>>) offsets(%dma_start3A_86 : memref<128xi32, #tpu.memory_space<vmem>>) semaphore(%dma_start3A_91 : memref<!tpu.dma_semaphore, #tpu.memory_space<semaphore_mem>>)
    %scan3A_92 = arith.constant 0 : i32
    %scan3A_93 = arith.constant 0 : i32
    %scan3A_94 = arith.constant 79 : i32
    %scan3A_95 = arith.addi %scan3A_93, %scan3A_94 : i32
    %scan3A_96 = arith.constant 1 : i32
    %scan3A_97 = scf.for %scan3A_532 = %scan3A_93 to %scan3A_95 step %scan3A_96 iter_args(%scan3A_533 = %scan3A_92) -> (i32)  : i32 {
      %mul3A_534 = arith.constant 2 : i32
      %mul3A_535 = arith.muli %scan3A_532, %mul3A_534 : i32
      %add3A = arith.constant 0 : i32
      %add3A_536 = arith.addi %mul3A_535, %add3A : i32
      %ge3A = arith.constant 1 : i32
      %ge3A_537 = arith.cmpi sge, %add3A_536, %ge3A : i32
      %convert_element_type3A = arith.extui %ge3A_537 : i1 to i32
      %cond3A = arith.constant 0 : i32
      %cond3A_538 = arith.cmpi ne, %convert_element_type3A, %cond3A : i32
      scf.if %cond3A_538 {
        %dma_wait3A_628 = arith.constant 1 : i32
        %dma_wait3A_629 = arith.constant 1 : i32
        %dma_wait3A_630 = arith.constant 0 : i32
        %dma_wait3A_631 = arith.constant 0 : i32
        %dma_wait3A_632 = tpu.memref_slice %arg9[%dma_wait3A_628, %dma_wait3A_630, %dma_wait3A_631] : memref<2x128x32xf32, #tpu.memory_space<vmem>> -> memref<1x128x32xf32, #tpu.memory_space<vmem>>
        %dma_wait3A_633 = tpu.memref_squeeze %dma_wait3A_632 : memref<1x128x32xf32, #tpu.memory_space<vmem>> -> memref<128x32xf32, #tpu.memory_space<vmem>>
        %dma_wait3A_634 = arith.constant 0 : i32
        %dma_wait3A_635 = arith.constant 0 : i32
        %dma_wait3A_636 = tpu.memref_slice %arg2[%arg0, %dma_wait3A_634, %dma_wait3A_635] : memref<2x10240x32xf32, #tpu.memory_space<hbm>> -> memref<1x128x32xf32, #tpu.memory_space<hbm>>
        %dma_wait3A_637 = tpu.memref_squeeze %dma_wait3A_636 : memref<1x128x32xf32, #tpu.memory_space<hbm>> -> memref<128x32xf32, #tpu.memory_space<hbm>>
        %dma_wait3A_638 = tpu.memref_slice %arg15[%dma_wait3A_629] : memref<2x!tpu.dma_semaphore, #tpu.memory_space<semaphore_mem>> -> memref<1x!tpu.dma_semaphore, #tpu.memory_space<semaphore_mem>>
        %dma_wait3A_639 = tpu.memref_squeeze %dma_wait3A_638 : memref<1x!tpu.dma_semaphore, #tpu.memory_space<semaphore_mem>> -> memref<!tpu.dma_semaphore, #tpu.memory_space<semaphore_mem>>
        %dma_wait3A_640 = arith.constant 0 : i32
        %dma_wait3A_641 = arith.constant 0 : i32
        %dma_wait3A_642 = tpu.memref_slice %arg9[%dma_wait3A_628, %dma_wait3A_640, %dma_wait3A_641] : memref<2x128x32xf32, #tpu.memory_space<vmem>> -> memref<1x128x32xf32, #tpu.memory_space<vmem>>
        %dma_wait3A_643 = tpu.memref_squeeze %dma_wait3A_642 : memref<1x128x32xf32, #tpu.memory_space<vmem>> -> memref<128x32xf32, #tpu.memory_space<vmem>>
        %dma_wait3A_644 = arith.constant 0 : i32
        %dma_wait3A_645 = arith.constant 0 : i32
        %dma_wait3A_646 = tpu.memref_slice %arg2[%arg0, %dma_wait3A_644, %dma_wait3A_645] : memref<2x10240x32xf32, #tpu.memory_space<hbm>> -> memref<1x128x32xf32, #tpu.memory_space<hbm>>
        %dma_wait3A_647 = tpu.memref_squeeze %dma_wait3A_646 : memref<1x128x32xf32, #tpu.memory_space<hbm>> -> memref<128x32xf32, #tpu.memory_space<hbm>>
        tpu.wait_dma2 semaphore(%dma_wait3A_639 : memref<!tpu.dma_semaphore, #tpu.memory_space<semaphore_mem>>) src(%dma_wait3A_647 : memref<128x32xf32, #tpu.memory_space<hbm>>) dst(%dma_wait3A_643 : memref<128x32xf32, #tpu.memory_space<vmem>>)
      } else {
      }
      %add3A_539 = arith.constant 1 : i32
      %add3A_540 = arith.addi %add3A_536, %add3A_539 : i32
      %lt3A = arith.constant 158 : i32
      %lt3A_541 = arith.cmpi slt, %add3A_540, %lt3A : i32
      %convert_element_type3A_542 = arith.extui %lt3A_541 : i1 to i32
      %cond3A_543 = arith.constant 0 : i32
      %cond3A_544 = arith.cmpi ne, %convert_element_type3A_542, %cond3A_543 : i32
      scf.if %cond3A_544 {
        %add3A_628 = arith.constant 1 : i32
        %add3A_629 = arith.addi %add3A_536, %add3A_628 : i32
        %dma_start3A_630 = arith.constant 1 : i32
        %dma_start3A_631 = arith.constant 1 : i32
        %dma_start3A_632 = arith.constant 0 : i32
        %dma_start3A_633 = arith.constant 0 : i32
        %dma_start3A_634 = tpu.memref_slice %arg9[%dma_start3A_630, %dma_start3A_632, %dma_start3A_633] : memref<2x128x32xf32, #tpu.memory_space<vmem>> -> memref<1x128x32xf32, #tpu.memory_space<vmem>>
        %dma_start3A_635 = tpu.memref_squeeze %dma_start3A_634 : memref<1x128x32xf32, #tpu.memory_space<vmem>> -> memref<128x32xf32, #tpu.memory_space<vmem>>
        %dma_start3A_636 = arith.constant 0 : i32
        %dma_start3A_637 = tpu.memref_slice %arg7[%add3A_629, %dma_start3A_636] : memref<158x128xi32, #tpu.memory_space<vmem>> -> memref<1x128xi32, #tpu.memory_space<vmem>>
        %dma_start3A_638 = tpu.memref_squeeze %dma_start3A_637 : memref<1x128xi32, #tpu.memory_space<vmem>> -> memref<128xi32, #tpu.memory_space<vmem>>
        %dma_start3A_639 = arith.constant 0 : i32
        %dma_start3A_640 = arith.constant 0 : i32
        %dma_start3A_641 = tpu.memref_slice %arg13[%dma_start3A_639, %dma_start3A_640] : memref<10368x32xf32, #tpu.memory_space<vmem_shared>> -> memref<10368x32xf32, #tpu.memory_space<vmem_shared>>
        %dma_start3A_642 = tpu.memref_slice %arg14[%dma_start3A_631] : memref<2x!tpu.dma_semaphore, #tpu.memory_space<semaphore_mem>> -> memref<1x!tpu.dma_semaphore, #tpu.memory_space<semaphore_mem>>
        %dma_start3A_643 = tpu.memref_squeeze %dma_start3A_642 : memref<1x!tpu.dma_semaphore, #tpu.memory_space<semaphore_mem>> -> memref<!tpu.dma_semaphore, #tpu.memory_space<semaphore_mem>>
        tpu.enqueue_indirect_dma source(%dma_start3A_641 : memref<10368x32xf32, #tpu.memory_space<vmem_shared>>) target(%dma_start3A_635 : memref<128x32xf32, #tpu.memory_space<vmem>>) offsets(%dma_start3A_638 : memref<128xi32, #tpu.memory_space<vmem>>) semaphore(%dma_start3A_643 : memref<!tpu.dma_semaphore, #tpu.memory_space<semaphore_mem>>)
      } else {
      }
      %dma_wait3A_545 = arith.constant 0 : i32
      %dma_wait3A_546 = arith.constant 0 : i32
      %dma_wait3A_547 = arith.constant 0 : i32
      %dma_wait3A_548 = arith.constant 0 : i32
      %dma_wait3A_549 = tpu.memref_slice %arg9[%dma_wait3A_545, %dma_wait3A_547, %dma_wait3A_548] : memref<2x128x32xf32, #tpu.memory_space<vmem>> -> memref<1x128x32xf32, #tpu.memory_space<vmem>>
      %dma_wait3A_550 = tpu.memref_squeeze %dma_wait3A_549 : memref<1x128x32xf32, #tpu.memory_space<vmem>> -> memref<128x32xf32, #tpu.memory_space<vmem>>
      %dma_wait3A_551 = arith.constant 0 : i32
      %dma_wait3A_552 = arith.constant 0 : i32
      %dma_wait3A_553 = tpu.memref_slice %arg2[%arg0, %dma_wait3A_551, %dma_wait3A_552] : memref<2x10240x32xf32, #tpu.memory_space<hbm>> -> memref<1x128x32xf32, #tpu.memory_space<hbm>>
      %dma_wait3A_554 = tpu.memref_squeeze %dma_wait3A_553 : memref<1x128x32xf32, #tpu.memory_space<hbm>> -> memref<128x32xf32, #tpu.memory_space<hbm>>
      %dma_wait3A_555 = tpu.memref_slice %arg14[%dma_wait3A_546] : memref<2x!tpu.dma_semaphore, #tpu.memory_space<semaphore_mem>> -> memref<1x!tpu.dma_semaphore, #tpu.memory_space<semaphore_mem>>
      %dma_wait3A_556 = tpu.memref_squeeze %dma_wait3A_555 : memref<1x!tpu.dma_semaphore, #tpu.memory_space<semaphore_mem>> -> memref<!tpu.dma_semaphore, #tpu.memory_space<semaphore_mem>>
      %dma_wait3A_557 = arith.constant 0 : i32
      %dma_wait3A_558 = arith.constant 0 : i32
      %dma_wait3A_559 = tpu.memref_slice %arg9[%dma_wait3A_545, %dma_wait3A_557, %dma_wait3A_558] : memref<2x128x32xf32, #tpu.memory_space<vmem>> -> memref<1x128x32xf32, #tpu.memory_space<vmem>>
      %dma_wait3A_560 = tpu.memref_squeeze %dma_wait3A_559 : memref<1x128x32xf32, #tpu.memory_space<vmem>> -> memref<128x32xf32, #tpu.memory_space<vmem>>
      %dma_wait3A_561 = arith.constant 0 : i32
      %dma_wait3A_562 = arith.constant 0 : i32
      %dma_wait3A_563 = tpu.memref_slice %arg2[%arg0, %dma_wait3A_561, %dma_wait3A_562] : memref<2x10240x32xf32, #tpu.memory_space<hbm>> -> memref<1x128x32xf32, #tpu.memory_space<hbm>>
      %dma_wait3A_564 = tpu.memref_squeeze %dma_wait3A_563 : memref<1x128x32xf32, #tpu.memory_space<hbm>> -> memref<128x32xf32, #tpu.memory_space<hbm>>
      tpu.wait_dma2 semaphore(%dma_wait3A_556 : memref<!tpu.dma_semaphore, #tpu.memory_space<semaphore_mem>>) src(%dma_wait3A_564 : memref<128x32xf32, #tpu.memory_space<hbm>>) dst(%dma_wait3A_560 : memref<128x32xf32, #tpu.memory_space<vmem>>)
      %dma_start3A_565 = arith.constant 0 : i32
      %dma_start3A_566 = arith.constant 0 : i32
      %dma_start3A_567 = arith.constant 0 : i32
      %dma_start3A_568 = arith.constant 0 : i32
      %dma_start3A_569 = tpu.memref_slice %arg9[%dma_start3A_565, %dma_start3A_567, %dma_start3A_568] : memref<2x128x32xf32, #tpu.memory_space<vmem>> -> memref<1x128x32xf32, #tpu.memory_space<vmem>>
      %dma_start3A_570 = tpu.memref_squeeze %dma_start3A_569 : memref<1x128x32xf32, #tpu.memory_space<vmem>> -> memref<128x32xf32, #tpu.memory_space<vmem>>
      %dma_start3A_571 = arith.constant 0 : i32
      %dma_start3A_572 = tpu.memref_slice %arg8[%add3A_536, %dma_start3A_571] : memref<158x128xi32, #tpu.memory_space<vmem>> -> memref<1x128xi32, #tpu.memory_space<vmem>>
      %dma_start3A_573 = tpu.memref_squeeze %dma_start3A_572 : memref<1x128xi32, #tpu.memory_space<vmem>> -> memref<128xi32, #tpu.memory_space<vmem>>
      %dma_start3A_574 = arith.constant 0 : i32
      %dma_start3A_575 = arith.constant 0 : i32
      %dma_start3A_576 = tpu.memref_slice %arg12[%dma_start3A_574, %dma_start3A_575] : memref<10368x32xf32, #tpu.memory_space<vmem_shared>> -> memref<10368x32xf32, #tpu.memory_space<vmem_shared>>
      %dma_start3A_577 = tpu.memref_slice %arg15[%dma_start3A_566] : memref<2x!tpu.dma_semaphore, #tpu.memory_space<semaphore_mem>> -> memref<1x!tpu.dma_semaphore, #tpu.memory_space<semaphore_mem>>
      %dma_start3A_578 = tpu.memref_squeeze %dma_start3A_577 : memref<1x!tpu.dma_semaphore, #tpu.memory_space<semaphore_mem>> -> memref<!tpu.dma_semaphore, #tpu.memory_space<semaphore_mem>>
      tpu.enqueue_indirect_dma source(%dma_start3A_570 : memref<128x32xf32, #tpu.memory_space<vmem>>) target(%dma_start3A_576 : memref<10368x32xf32, #tpu.memory_space<vmem_shared>>) offsets(%dma_start3A_573 : memref<128xi32, #tpu.memory_space<vmem>>) semaphore(%dma_start3A_578 : memref<!tpu.dma_semaphore, #tpu.memory_space<semaphore_mem>>) {add = true}
      %add3A_579 = arith.constant 1 : i32
      %add3A_580 = arith.addi %mul3A_535, %add3A_579 : i32
      %ge3A_581 = arith.constant 1 : i32
      %ge3A_582 = arith.cmpi sge, %add3A_580, %ge3A_581 : i32
      %convert_element_type3A_583 = arith.extui %ge3A_582 : i1 to i32
      %cond3A_584 = arith.constant 0 : i32
      %cond3A_585 = arith.cmpi ne, %convert_element_type3A_583, %cond3A_584 : i32
      scf.if %cond3A_585 {
        %dma_wait3A_628 = arith.constant 0 : i32
        %dma_wait3A_629 = arith.constant 0 : i32
        %dma_wait3A_630 = arith.constant 0 : i32
        %dma_wait3A_631 = arith.constant 0 : i32
        %dma_wait3A_632 = tpu.memref_slice %arg9[%dma_wait3A_628, %dma_wait3A_630, %dma_wait3A_631] : memref<2x128x32xf32, #tpu.memory_space<vmem>> -> memref<1x128x32xf32, #tpu.memory_space<vmem>>
        %dma_wait3A_633 = tpu.memref_squeeze %dma_wait3A_632 : memref<1x128x32xf32, #tpu.memory_space<vmem>> -> memref<128x32xf32, #tpu.memory_space<vmem>>
        %dma_wait3A_634 = arith.constant 0 : i32
        %dma_wait3A_635 = arith.constant 0 : i32
        %dma_wait3A_636 = tpu.memref_slice %arg2[%arg0, %dma_wait3A_634, %dma_wait3A_635] : memref<2x10240x32xf32, #tpu.memory_space<hbm>> -> memref<1x128x32xf32, #tpu.memory_space<hbm>>
        %dma_wait3A_637 = tpu.memref_squeeze %dma_wait3A_636 : memref<1x128x32xf32, #tpu.memory_space<hbm>> -> memref<128x32xf32, #tpu.memory_space<hbm>>
        %dma_wait3A_638 = tpu.memref_slice %arg15[%dma_wait3A_629] : memref<2x!tpu.dma_semaphore, #tpu.memory_space<semaphore_mem>> -> memref<1x!tpu.dma_semaphore, #tpu.memory_space<semaphore_mem>>
        %dma_wait3A_639 = tpu.memref_squeeze %dma_wait3A_638 : memref<1x!tpu.dma_semaphore, #tpu.memory_space<semaphore_mem>> -> memref<!tpu.dma_semaphore, #tpu.memory_space<semaphore_mem>>
        %dma_wait3A_640 = arith.constant 0 : i32
        %dma_wait3A_641 = arith.constant 0 : i32
        %dma_wait3A_642 = tpu.memref_slice %arg9[%dma_wait3A_628, %dma_wait3A_640, %dma_wait3A_641] : memref<2x128x32xf32, #tpu.memory_space<vmem>> -> memref<1x128x32xf32, #tpu.memory_space<vmem>>
        %dma_wait3A_643 = tpu.memref_squeeze %dma_wait3A_642 : memref<1x128x32xf32, #tpu.memory_space<vmem>> -> memref<128x32xf32, #tpu.memory_space<vmem>>
        %dma_wait3A_644 = arith.constant 0 : i32
        %dma_wait3A_645 = arith.constant 0 : i32
        %dma_wait3A_646 = tpu.memref_slice %arg2[%arg0, %dma_wait3A_644, %dma_wait3A_645] : memref<2x10240x32xf32, #tpu.memory_space<hbm>> -> memref<1x128x32xf32, #tpu.memory_space<hbm>>
        %dma_wait3A_647 = tpu.memref_squeeze %dma_wait3A_646 : memref<1x128x32xf32, #tpu.memory_space<hbm>> -> memref<128x32xf32, #tpu.memory_space<hbm>>
        tpu.wait_dma2 semaphore(%dma_wait3A_639 : memref<!tpu.dma_semaphore, #tpu.memory_space<semaphore_mem>>) src(%dma_wait3A_647 : memref<128x32xf32, #tpu.memory_space<hbm>>) dst(%dma_wait3A_643 : memref<128x32xf32, #tpu.memory_space<vmem>>)
      } else {
      }
      %add3A_586 = arith.constant 1 : i32
      %add3A_587 = arith.addi %add3A_580, %add3A_586 : i32
      %lt3A_588 = arith.constant 158 : i32
      %lt3A_589 = arith.cmpi slt, %add3A_587, %lt3A_588 : i32
      %convert_element_type3A_590 = arith.extui %lt3A_589 : i1 to i32
      %cond3A_591 = arith.constant 0 : i32
      %cond3A_592 = arith.cmpi ne, %convert_element_type3A_590, %cond3A_591 : i32
      scf.if %cond3A_592 {
        %add3A_628 = arith.constant 1 : i32
        %add3A_629 = arith.addi %add3A_580, %add3A_628 : i32
        %dma_start3A_630 = arith.constant 0 : i32
        %dma_start3A_631 = arith.constant 0 : i32
        %dma_start3A_632 = arith.constant 0 : i32
        %dma_start3A_633 = arith.constant 0 : i32
        %dma_start3A_634 = tpu.memref_slice %arg9[%dma_start3A_630, %dma_start3A_632, %dma_start3A_633] : memref<2x128x32xf32, #tpu.memory_space<vmem>> -> memref<1x128x32xf32, #tpu.memory_space<vmem>>
        %dma_start3A_635 = tpu.memref_squeeze %dma_start3A_634 : memref<1x128x32xf32, #tpu.memory_space<vmem>> -> memref<128x32xf32, #tpu.memory_space<vmem>>
        %dma_start3A_636 = arith.constant 0 : i32
        %dma_start3A_637 = tpu.memref_slice %arg7[%add3A_629, %dma_start3A_636] : memref<158x128xi32, #tpu.memory_space<vmem>> -> memref<1x128xi32, #tpu.memory_space<vmem>>
        %dma_start3A_638 = tpu.memref_squeeze %dma_start3A_637 : memref<1x128xi32, #tpu.memory_space<vmem>> -> memref<128xi32, #tpu.memory_space<vmem>>
        %dma_start3A_639 = arith.constant 0 : i32
        %dma_start3A_640 = arith.constant 0 : i32
        %dma_start3A_641 = tpu.memref_slice %arg13[%dma_start3A_639, %dma_start3A_640] : memref<10368x32xf32, #tpu.memory_space<vmem_shared>> -> memref<10368x32xf32, #tpu.memory_space<vmem_shared>>
        %dma_start3A_642 = tpu.memref_slice %arg14[%dma_start3A_631] : memref<2x!tpu.dma_semaphore, #tpu.memory_space<semaphore_mem>> -> memref<1x!tpu.dma_semaphore, #tpu.memory_space<semaphore_mem>>
        %dma_start3A_643 = tpu.memref_squeeze %dma_start3A_642 : memref<1x!tpu.dma_semaphore, #tpu.memory_space<semaphore_mem>> -> memref<!tpu.dma_semaphore, #tpu.memory_space<semaphore_mem>>
        tpu.enqueue_indirect_dma source(%dma_start3A_641 : memref<10368x32xf32, #tpu.memory_space<vmem_shared>>) target(%dma_start3A_635 : memref<128x32xf32, #tpu.memory_space<vmem>>) offsets(%dma_start3A_638 : memref<128xi32, #tpu.memory_space<vmem>>) semaphore(%dma_start3A_643 : memref<!tpu.dma_semaphore, #tpu.memory_space<semaphore_mem>>)
      } else {
      }
      %dma_wait3A_593 = arith.constant 1 : i32
      %dma_wait3A_594 = arith.constant 1 : i32
      %dma_wait3A_595 = arith.constant 0 : i32
      %dma_wait3A_596 = arith.constant 0 : i32
      %dma_wait3A_597 = tpu.memref_slice %arg9[%dma_wait3A_593, %dma_wait3A_595, %dma_wait3A_596] : memref<2x128x32xf32, #tpu.memory_space<vmem>> -> memref<1x128x32xf32, #tpu.memory_space<vmem>>
      %dma_wait3A_598 = tpu.memref_squeeze %dma_wait3A_597 : memref<1x128x32xf32, #tpu.memory_space<vmem>> -> memref<128x32xf32, #tpu.memory_space<vmem>>
      %dma_wait3A_599 = arith.constant 0 : i32
      %dma_wait3A_600 = arith.constant 0 : i32
      %dma_wait3A_601 = tpu.memref_slice %arg2[%arg0, %dma_wait3A_599, %dma_wait3A_600] : memref<2x10240x32xf32, #tpu.memory_space<hbm>> -> memref<1x128x32xf32, #tpu.memory_space<hbm>>
      %dma_wait3A_602 = tpu.memref_squeeze %dma_wait3A_601 : memref<1x128x32xf32, #tpu.memory_space<hbm>> -> memref<128x32xf32, #tpu.memory_space<hbm>>
      %dma_wait3A_603 = tpu.memref_slice %arg14[%dma_wait3A_594] : memref<2x!tpu.dma_semaphore, #tpu.memory_space<semaphore_mem>> -> memref<1x!tpu.dma_semaphore, #tpu.memory_space<semaphore_mem>>
      %dma_wait3A_604 = tpu.memref_squeeze %dma_wait3A_603 : memref<1x!tpu.dma_semaphore, #tpu.memory_space<semaphore_mem>> -> memref<!tpu.dma_semaphore, #tpu.memory_space<semaphore_mem>>
      %dma_wait3A_605 = arith.constant 0 : i32
      %dma_wait3A_606 = arith.constant 0 : i32
      %dma_wait3A_607 = tpu.memref_slice %arg9[%dma_wait3A_593, %dma_wait3A_605, %dma_wait3A_606] : memref<2x128x32xf32, #tpu.memory_space<vmem>> -> memref<1x128x32xf32, #tpu.memory_space<vmem>>
      %dma_wait3A_608 = tpu.memref_squeeze %dma_wait3A_607 : memref<1x128x32xf32, #tpu.memory_space<vmem>> -> memref<128x32xf32, #tpu.memory_space<vmem>>
      %dma_wait3A_609 = arith.constant 0 : i32
      %dma_wait3A_610 = arith.constant 0 : i32
      %dma_wait3A_611 = tpu.memref_slice %arg2[%arg0, %dma_wait3A_609, %dma_wait3A_610] : memref<2x10240x32xf32, #tpu.memory_space<hbm>> -> memref<1x128x32xf32, #tpu.memory_space<hbm>>
      %dma_wait3A_612 = tpu.memref_squeeze %dma_wait3A_611 : memref<1x128x32xf32, #tpu.memory_space<hbm>> -> memref<128x32xf32, #tpu.memory_space<hbm>>
      tpu.wait_dma2 semaphore(%dma_wait3A_604 : memref<!tpu.dma_semaphore, #tpu.memory_space<semaphore_mem>>) src(%dma_wait3A_612 : memref<128x32xf32, #tpu.memory_space<hbm>>) dst(%dma_wait3A_608 : memref<128x32xf32, #tpu.memory_space<vmem>>)
      %dma_start3A_613 = arith.constant 1 : i32
      %dma_start3A_614 = arith.constant 1 : i32
      %dma_start3A_615 = arith.constant 0 : i32
      %dma_start3A_616 = arith.constant 0 : i32
      %dma_start3A_617 = tpu.memref_slice %arg9[%dma_start3A_613, %dma_start3A_615, %dma_start3A_616] : memref<2x128x32xf32, #tpu.memory_space<vmem>> -> memref<1x128x32xf32, #tpu.memory_space<vmem>>
      %dma_start3A_618 = tpu.memref_squeeze %dma_start3A_617 : memref<1x128x32xf32, #tpu.memory_space<vmem>> -> memref<128x32xf32, #tpu.memory_space<vmem>>
      %dma_start3A_619 = arith.constant 0 : i32
      %dma_start3A_620 = tpu.memref_slice %arg8[%add3A_580, %dma_start3A_619] : memref<158x128xi32, #tpu.memory_space<vmem>> -> memref<1x128xi32, #tpu.memory_space<vmem>>
      %dma_start3A_621 = tpu.memref_squeeze %dma_start3A_620 : memref<1x128xi32, #tpu.memory_space<vmem>> -> memref<128xi32, #tpu.memory_space<vmem>>
      %dma_start3A_622 = arith.constant 0 : i32
      %dma_start3A_623 = arith.constant 0 : i32
      %dma_start3A_624 = tpu.memref_slice %arg12[%dma_start3A_622, %dma_start3A_623] : memref<10368x32xf32, #tpu.memory_space<vmem_shared>> -> memref<10368x32xf32, #tpu.memory_space<vmem_shared>>
      %dma_start3A_625 = tpu.memref_slice %arg15[%dma_start3A_614] : memref<2x!tpu.dma_semaphore, #tpu.memory_space<semaphore_mem>> -> memref<1x!tpu.dma_semaphore, #tpu.memory_space<semaphore_mem>>
      %dma_start3A_626 = tpu.memref_squeeze %dma_start3A_625 : memref<1x!tpu.dma_semaphore, #tpu.memory_space<semaphore_mem>> -> memref<!tpu.dma_semaphore, #tpu.memory_space<semaphore_mem>>
      tpu.enqueue_indirect_dma source(%dma_start3A_618 : memref<128x32xf32, #tpu.memory_space<vmem>>) target(%dma_start3A_624 : memref<10368x32xf32, #tpu.memory_space<vmem_shared>>) offsets(%dma_start3A_621 : memref<128xi32, #tpu.memory_space<vmem>>) semaphore(%dma_start3A_626 : memref<!tpu.dma_semaphore, #tpu.memory_space<semaphore_mem>>) {add = true}
      %scan3A_627 = arith.constant 0 : i32
      scf.yield %scan3A_627 : i32
    }
    %scan3A_98 = arith.constant 79 : i32
    %dma_wait3A_99 = arith.constant 1 : i32
    %dma_wait3A_100 = arith.constant 1 : i32
    %dma_wait3A_101 = arith.constant 0 : i32
    %dma_wait3A_102 = arith.constant 0 : i32
    %dma_wait3A_103 = tpu.memref_slice %arg9[%dma_wait3A_99, %dma_wait3A_101, %dma_wait3A_102] : memref<2x128x32xf32, #tpu.memory_space<vmem>> -> memref<1x128x32xf32, #tpu.memory_space<vmem>>
    %dma_wait3A_104 = tpu.memref_squeeze %dma_wait3A_103 : memref<1x128x32xf32, #tpu.memory_space<vmem>> -> memref<128x32xf32, #tpu.memory_space<vmem>>
    %dma_wait3A_105 = arith.constant 0 : i32
    %dma_wait3A_106 = arith.constant 0 : i32
    %dma_wait3A_107 = tpu.memref_slice %arg2[%arg0, %dma_wait3A_105, %dma_wait3A_106] : memref<2x10240x32xf32, #tpu.memory_space<hbm>> -> memref<1x128x32xf32, #tpu.memory_space<hbm>>
    %dma_wait3A_108 = tpu.memref_squeeze %dma_wait3A_107 : memref<1x128x32xf32, #tpu.memory_space<hbm>> -> memref<128x32xf32, #tpu.memory_space<hbm>>
    %dma_wait3A_109 = tpu.memref_slice %arg15[%dma_wait3A_100] : memref<2x!tpu.dma_semaphore, #tpu.memory_space<semaphore_mem>> -> memref<1x!tpu.dma_semaphore, #tpu.memory_space<semaphore_mem>>
    %dma_wait3A_110 = tpu.memref_squeeze %dma_wait3A_109 : memref<1x!tpu.dma_semaphore, #tpu.memory_space<semaphore_mem>> -> memref<!tpu.dma_semaphore, #tpu.memory_space<semaphore_mem>>
    %dma_wait3A_111 = arith.constant 0 : i32
    %dma_wait3A_112 = arith.constant 0 : i32
    %dma_wait3A_113 = tpu.memref_slice %arg9[%dma_wait3A_99, %dma_wait3A_111, %dma_wait3A_112] : memref<2x128x32xf32, #tpu.memory_space<vmem>> -> memref<1x128x32xf32, #tpu.memory_space<vmem>>
    %dma_wait3A_114 = tpu.memref_squeeze %dma_wait3A_113 : memref<1x128x32xf32, #tpu.memory_space<vmem>> -> memref<128x32xf32, #tpu.memory_space<vmem>>
    %dma_wait3A_115 = arith.constant 0 : i32
    %dma_wait3A_116 = arith.constant 0 : i32
    %dma_wait3A_117 = tpu.memref_slice %arg2[%arg0, %dma_wait3A_115, %dma_wait3A_116] : memref<2x10240x32xf32, #tpu.memory_space<hbm>> -> memref<1x128x32xf32, #tpu.memory_space<hbm>>
    %dma_wait3A_118 = tpu.memref_squeeze %dma_wait3A_117 : memref<1x128x32xf32, #tpu.memory_space<hbm>> -> memref<128x32xf32, #tpu.memory_space<hbm>>
    tpu.wait_dma2 semaphore(%dma_wait3A_110 : memref<!tpu.dma_semaphore, #tpu.memory_space<semaphore_mem>>) src(%dma_wait3A_118 : memref<128x32xf32, #tpu.memory_space<hbm>>) dst(%dma_wait3A_114 : memref<128x32xf32, #tpu.memory_space<vmem>>)
    %barrier3A_119 = arith.constant 0 : index
    tpu.barrier barrier_id(%barrier3A_119)
    "tpu.region"() ({
      %run_scoped3A_532 = tpu.sem_alloc : memref<!tpu.dma_semaphore, #tpu.memory_space<semaphore_mem>>
      %dma_start3A_533 = arith.constant 0 : i32
      %dma_start3A_534 = tpu.memref_slice %arg12[%mul3A_0, %dma_start3A_533] : memref<10368x32xf32, #tpu.memory_space<vmem_shared>> -> memref<640x32xf32, #tpu.memory_space<vmem_shared>>
      %dma_start3A_535 = arith.constant 0 : i32
      %dma_start3A_536 = tpu.memref_slice %arg12[%mul3A_0, %dma_start3A_535] : memref<10368x32xf32, #tpu.memory_space<vmem_shared>> -> memref<640x32xf32, #tpu.memory_space<vmem_shared>>
      tpu.enqueue_dma source(%dma_start3A_536 : memref<640x32xf32, #tpu.memory_space<vmem_shared>>) target(%arg10 : memref<640x32xf32, #tpu.memory_space<vmem>>) target_semaphore(%run_scoped3A_532 : memref<!tpu.dma_semaphore, #tpu.memory_space<semaphore_mem>>)
      %dma_wait3A_537 = arith.constant 0 : i32
      %dma_wait3A_538 = tpu.memref_slice %arg12[%mul3A_0, %dma_wait3A_537] : memref<10368x32xf32, #tpu.memory_space<vmem_shared>> -> memref<640x32xf32, #tpu.memory_space<vmem_shared>>
      %dma_wait3A_539 = arith.constant 0 : i32
      %dma_wait3A_540 = tpu.memref_slice %arg12[%mul3A_0, %dma_wait3A_539] : memref<10368x32xf32, #tpu.memory_space<vmem_shared>> -> memref<640x32xf32, #tpu.memory_space<vmem_shared>>
      tpu.wait_dma2 semaphore(%run_scoped3A_532 : memref<!tpu.dma_semaphore, #tpu.memory_space<semaphore_mem>>) src(%dma_wait3A_540 : memref<640x32xf32, #tpu.memory_space<vmem_shared>>) dst(%arg10 : memref<640x32xf32, #tpu.memory_space<vmem>>)
      tpu.yield
    }) : () -> ()
    %scan3A_120 = arith.constant 0 : i32
    %scan3A_121 = arith.constant 0 : i32
    %scan3A_122 = arith.constant 640 : i32
    %scan3A_123 = arith.addi %scan3A_121, %scan3A_122 : i32
    %scan3A_124 = arith.constant 1 : i32
    %scan3A_125 = scf.for %scan3A_532 = %scan3A_121 to %scan3A_123 step %scan3A_124 iter_args(%scan3A_533 = %scan3A_120) -> (i32)  : i32 {
      %broadcast_in_dim3A = vector.broadcast %scan3A_532 : i32 to vector<16xi32>
      %gather3A = tpu.vector_load_idx %arg11[%broadcast_in_dim3A] : memref<640xf32, #tpu.memory_space<vmem>>[vector<16xi32>], vector<16xf32>,
      %get3A = arith.index_cast %scan3A_532 : i32 to index
      %get3A_534 = arith.constant 0 : index
      %get3A_535 = tpu.vector_load %arg10[%get3A, %get3A_534] {strides = array<i32>} : memref<640x32xf32, #tpu.memory_space<vmem>>, vector<16xf32>,
      %mul3A_536 = arith.mulf %get3A_535, %gather3A : vector<16xf32>
      %swap3A = arith.index_cast %scan3A_532 : i32 to index
      %swap3A_537 = arith.constant 0 : index
      %swap3A_538 = tpu.vector_load %arg10[%swap3A, %swap3A_537] {strides = array<i32>} : memref<640x32xf32, #tpu.memory_space<vmem>>, vector<16xf32>,
      tpu.vector_store %arg10[%swap3A, %swap3A_537], %mul3A_536 {strides = array<i32>} : memref<640x32xf32, #tpu.memory_space<vmem>>, vector<16xf32>,
      %get3A_539 = arith.index_cast %scan3A_532 : i32 to index
      %get3A_540 = arith.constant 16 : index
      %get3A_541 = tpu.vector_load %arg10[%get3A_539, %get3A_540] {strides = array<i32>} : memref<640x32xf32, #tpu.memory_space<vmem>>, vector<16xf32>,
      %mul3A_542 = arith.mulf %get3A_541, %gather3A : vector<16xf32>
      %swap3A_543 = arith.index_cast %scan3A_532 : i32 to index
      %swap3A_544 = arith.constant 16 : index
      %swap3A_545 = tpu.vector_load %arg10[%swap3A_543, %swap3A_544] {strides = array<i32>} : memref<640x32xf32, #tpu.memory_space<vmem>>, vector<16xf32>,
      tpu.vector_store %arg10[%swap3A_543, %swap3A_544], %mul3A_542 {strides = array<i32>} : memref<640x32xf32, #tpu.memory_space<vmem>>, vector<16xf32>,
      %scan3A_546 = arith.constant 0 : i32
      scf.yield %scan3A_546 : i32
    }
    %scan3A_126 = arith.constant 640 : i32
    %run_scoped3A_127 = arith.constant 1 : i32
    "tpu.region"() ({
      %run_scoped3A_532 = tpu.sem_alloc : memref<!tpu.dma_semaphore, #tpu.memory_space<semaphore_mem>>
      %dma_start3A_533 = arith.constant 0 : i32
      %dma_start3A_534 = tpu.memref_slice %arg6[%run_scoped3A_127, %arg0, %mul3A_0, %dma_start3A_533] : memref<8x2x10240x32xf32, #tpu.memory_space<hbm>> -> memref<1x1x640x32xf32, #tpu.memory_space<hbm>>
      %dma_start3A_535 = tpu.memref_squeeze %dma_start3A_534 : memref<1x1x640x32xf32, #tpu.memory_space<hbm>> -> memref<640x32xf32, #tpu.memory_space<hbm>>
      %dma_start3A_536 = arith.constant 0 : i32
      %dma_start3A_537 = tpu.memref_slice %arg6[%run_scoped3A_127, %arg0, %mul3A_0, %dma_start3A_536] : memref<8x2x10240x32xf32, #tpu.memory_space<hbm>> -> memref<1x1x640x32xf32, #tpu.memory_space<hbm>>
      %dma_start3A_538 = tpu.memref_squeeze %dma_start3A_537 : memref<1x1x640x32xf32, #tpu.memory_space<hbm>> -> memref<640x32xf32, #tpu.memory_space<hbm>>
      tpu.enqueue_dma source(%arg10 : memref<640x32xf32, #tpu.memory_space<vmem>>) target(%dma_start3A_538 : memref<640x32xf32, #tpu.memory_space<hbm>>) target_semaphore(%run_scoped3A_532 : memref<!tpu.dma_semaphore, #tpu.memory_space<semaphore_mem>>)
      %dma_wait3A_539 = arith.constant 0 : i32
      %dma_wait3A_540 = tpu.memref_slice %arg6[%run_scoped3A_127, %arg0, %mul3A_0, %dma_wait3A_539] : memref<8x2x10240x32xf32, #tpu.memory_space<hbm>> -> memref<1x1x640x32xf32, #tpu.memory_space<hbm>>
      %dma_wait3A_541 = tpu.memref_squeeze %dma_wait3A_540 : memref<1x1x640x32xf32, #tpu.memory_space<hbm>> -> memref<640x32xf32, #tpu.memory_space<hbm>>
      %dma_wait3A_542 = arith.constant 0 : i32
      %dma_wait3A_543 = tpu.memref_slice %arg6[%run_scoped3A_127, %arg0, %mul3A_0, %dma_wait3A_542] : memref<8x2x10240x32xf32, #tpu.memory_space<hbm>> -> memref<1x1x640x32xf32, #tpu.memory_space<hbm>>
      %dma_wait3A_544 = tpu.memref_squeeze %dma_wait3A_543 : memref<1x1x640x32xf32, #tpu.memory_space<hbm>> -> memref<640x32xf32, #tpu.memory_space<hbm>>
      tpu.wait_dma2 semaphore(%run_scoped3A_532 : memref<!tpu.dma_semaphore, #tpu.memory_space<semaphore_mem>>) src(%arg10 : memref<640x32xf32, #tpu.memory_space<vmem>>) dst(%dma_wait3A_544 : memref<640x32xf32, #tpu.memory_space<hbm>>)
      tpu.yield
    }) : () -> ()
    %scan3A_128 = arith.constant 0 : i32
    %scan3A_129 = arith.constant 0 : i32
    %scan3A_130 = arith.constant 640 : i32
    %scan3A_131 = arith.addi %scan3A_129, %scan3A_130 : i32
    %scan3A_132 = arith.constant 1 : i32
    %scan3A_133 = scf.for %scan3A_532 = %scan3A_129 to %scan3A_131 step %scan3A_132 iter_args(%scan3A_533 = %scan3A_128) -> (i32)  : i32 {
      %broadcast_in_dim3A = vector.broadcast %scan3A_532 : i32 to vector<16xi32>
      %gather3A = tpu.vector_load_idx %arg11[%broadcast_in_dim3A] : memref<640xf32, #tpu.memory_space<vmem>>[vector<16xi32>], vector<16xf32>,
      %get3A = arith.index_cast %scan3A_532 : i32 to index
      %get3A_534 = arith.constant 0 : index
      %get3A_535 = tpu.vector_load %arg10[%get3A, %get3A_534] {strides = array<i32>} : memref<640x32xf32, #tpu.memory_space<vmem>>, vector<16xf32>,
      %mul3A_536 = arith.mulf %get3A_535, %gather3A : vector<16xf32>
      %swap3A = arith.index_cast %scan3A_532 : i32 to index
      %swap3A_537 = arith.constant 0 : index
      %swap3A_538 = tpu.vector_load %arg10[%swap3A, %swap3A_537] {strides = array<i32>} : memref<640x32xf32, #tpu.memory_space<vmem>>, vector<16xf32>,
      tpu.vector_store %arg10[%swap3A, %swap3A_537], %mul3A_536 {strides = array<i32>} : memref<640x32xf32, #tpu.memory_space<vmem>>, vector<16xf32>,
      %get3A_539 = arith.index_cast %scan3A_532 : i32 to index
      %get3A_540 = arith.constant 16 : index
      %get3A_541 = tpu.vector_load %arg10[%get3A_539, %get3A_540] {strides = array<i32>} : memref<640x32xf32, #tpu.memory_space<vmem>>, vector<16xf32>,
      %mul3A_542 = arith.mulf %get3A_541, %gather3A : vector<16xf32>
      %swap3A_543 = arith.index_cast %scan3A_532 : i32 to index
      %swap3A_544 = arith.constant 16 : index
      %swap3A_545 = tpu.vector_load %arg10[%swap3A_543, %swap3A_544] {strides = array<i32>} : memref<640x32xf32, #tpu.memory_space<vmem>>, vector<16xf32>,
      tpu.vector_store %arg10[%swap3A_543, %swap3A_544], %mul3A_542 {strides = array<i32>} : memref<640x32xf32, #tpu.memory_space<vmem>>, vector<16xf32>,
      %scan3A_546 = arith.constant 0 : i32
      scf.yield %scan3A_546 : i32
    }
    %scan3A_134 = arith.constant 640 : i32
    "tpu.region"() ({
      %run_scoped3A_532 = tpu.sem_alloc : memref<!tpu.dma_semaphore, #tpu.memory_space<semaphore_mem>>
      %dma_start3A_533 = arith.constant 0 : i32
      %dma_start3A_534 = tpu.memref_slice %arg12[%mul3A_0, %dma_start3A_533] : memref<10368x32xf32, #tpu.memory_space<vmem_shared>> -> memref<640x32xf32, #tpu.memory_space<vmem_shared>>
      %dma_start3A_535 = arith.constant 0 : i32
      %dma_start3A_536 = tpu.memref_slice %arg12[%mul3A_0, %dma_start3A_535] : memref<10368x32xf32, #tpu.memory_space<vmem_shared>> -> memref<640x32xf32, #tpu.memory_space<vmem_shared>>
      tpu.enqueue_dma source(%arg10 : memref<640x32xf32, #tpu.memory_space<vmem>>) target(%dma_start3A_536 : memref<640x32xf32, #tpu.memory_space<vmem_shared>>) target_semaphore(%run_scoped3A_532 : memref<!tpu.dma_semaphore, #tpu.memory_space<semaphore_mem>>)
      %dma_wait3A_537 = arith.constant 0 : i32
      %dma_wait3A_538 = tpu.memref_slice %arg12[%mul3A_0, %dma_wait3A_537] : memref<10368x32xf32, #tpu.memory_space<vmem_shared>> -> memref<640x32xf32, #tpu.memory_space<vmem_shared>>
      %dma_wait3A_539 = arith.constant 0 : i32
      %dma_wait3A_540 = tpu.memref_slice %arg12[%mul3A_0, %dma_wait3A_539] : memref<10368x32xf32, #tpu.memory_space<vmem_shared>> -> memref<640x32xf32, #tpu.memory_space<vmem_shared>>
      tpu.wait_dma2 semaphore(%run_scoped3A_532 : memref<!tpu.dma_semaphore, #tpu.memory_space<semaphore_mem>>) src(%arg10 : memref<640x32xf32, #tpu.memory_space<vmem>>) dst(%dma_wait3A_540 : memref<640x32xf32, #tpu.memory_space<vmem_shared>>)
      tpu.yield
    }) : () -> ()
    %scan3A_135 = arith.constant 0 : i32
    %scan3A_136 = arith.constant 0 : i32
    %scan3A_137 = arith.constant 640 : i32
    %scan3A_138 = arith.addi %scan3A_136, %scan3A_137 : i32
    %scan3A_139 = arith.constant 1 : i32
    %scan3A_140 = scf.for %scan3A_532 = %scan3A_136 to %scan3A_138 step %scan3A_139 iter_args(%scan3A_533 = %scan3A_135) -> (i32)  : i32 {
      %broadcast_in_dim3A = arith.constant 0.000000e+00 : f32
      %broadcast_in_dim3A_534 = vector.broadcast %broadcast_in_dim3A : f32 to vector<16xf32>
      %swap3A = arith.index_cast %scan3A_532 : i32 to index
      %swap3A_535 = arith.constant 0 : index
      %swap3A_536 = tpu.vector_load %arg10[%swap3A, %swap3A_535] {strides = array<i32>} : memref<640x32xf32, #tpu.memory_space<vmem>>, vector<16xf32>,
      tpu.vector_store %arg10[%swap3A, %swap3A_535], %broadcast_in_dim3A_534 {strides = array<i32>} : memref<640x32xf32, #tpu.memory_space<vmem>>, vector<16xf32>,
      %broadcast_in_dim3A_537 = arith.constant 0.000000e+00 : f32
      %broadcast_in_dim3A_538 = vector.broadcast %broadcast_in_dim3A_537 : f32 to vector<16xf32>
      %swap3A_539 = arith.index_cast %scan3A_532 : i32 to index
      %swap3A_540 = arith.constant 16 : index
      %swap3A_541 = tpu.vector_load %arg10[%swap3A_539, %swap3A_540] {strides = array<i32>} : memref<640x32xf32, #tpu.memory_space<vmem>>, vector<16xf32>,
      tpu.vector_store %arg10[%swap3A_539, %swap3A_540], %broadcast_in_dim3A_538 {strides = array<i32>} : memref<640x32xf32, #tpu.memory_space<vmem>>, vector<16xf32>,
      %scan3A_542 = arith.constant 0 : i32
      scf.yield %scan3A_542 : i32
    }
    %scan3A_141 = arith.constant 640 : i32
    "tpu.region"() ({
      %run_scoped3A_532 = tpu.sem_alloc : memref<!tpu.dma_semaphore, #tpu.memory_space<semaphore_mem>>
      %dma_start3A_533 = arith.constant 0 : i32
      %dma_start3A_534 = tpu.memref_slice %arg13[%mul3A_0, %dma_start3A_533] : memref<10368x32xf32, #tpu.memory_space<vmem_shared>> -> memref<640x32xf32, #tpu.memory_space<vmem_shared>>
      %dma_start3A_535 = arith.constant 0 : i32
      %dma_start3A_536 = tpu.memref_slice %arg13[%mul3A_0, %dma_start3A_535] : memref<10368x32xf32, #tpu.memory_space<vmem_shared>> -> memref<640x32xf32, #tpu.memory_space<vmem_shared>>
      tpu.enqueue_dma source(%arg10 : memref<640x32xf32, #tpu.memory_space<vmem>>) target(%dma_start3A_536 : memref<640x32xf32, #tpu.memory_space<vmem_shared>>) target_semaphore(%run_scoped3A_532 : memref<!tpu.dma_semaphore, #tpu.memory_space<semaphore_mem>>)
      %dma_wait3A_537 = arith.constant 0 : i32
      %dma_wait3A_538 = tpu.memref_slice %arg13[%mul3A_0, %dma_wait3A_537] : memref<10368x32xf32, #tpu.memory_space<vmem_shared>> -> memref<640x32xf32, #tpu.memory_space<vmem_shared>>
      %dma_wait3A_539 = arith.constant 0 : i32
      %dma_wait3A_540 = tpu.memref_slice %arg13[%mul3A_0, %dma_wait3A_539] : memref<10368x32xf32, #tpu.memory_space<vmem_shared>> -> memref<640x32xf32, #tpu.memory_space<vmem_shared>>
      tpu.wait_dma2 semaphore(%run_scoped3A_532 : memref<!tpu.dma_semaphore, #tpu.memory_space<semaphore_mem>>) src(%arg10 : memref<640x32xf32, #tpu.memory_space<vmem>>) dst(%dma_wait3A_540 : memref<640x32xf32, #tpu.memory_space<vmem_shared>>)
      tpu.yield
    }) : () -> ()
    %barrier3A_142 = arith.constant 0 : index
    tpu.barrier barrier_id(%barrier3A_142)
    %dma_start3A_143 = arith.constant 0 : i32
    %dma_start3A_144 = arith.constant 0 : i32
    %dma_start3A_145 = arith.constant 0 : i32
    %dma_start3A_146 = arith.constant 0 : i32
    %dma_start3A_147 = arith.constant 0 : i32
    %dma_start3A_148 = tpu.memref_slice %arg9[%dma_start3A_144, %dma_start3A_146, %dma_start3A_147] : memref<2x128x32xf32, #tpu.memory_space<vmem>> -> memref<1x128x32xf32, #tpu.memory_space<vmem>>
    %dma_start3A_149 = tpu.memref_squeeze %dma_start3A_148 : memref<1x128x32xf32, #tpu.memory_space<vmem>> -> memref<128x32xf32, #tpu.memory_space<vmem>>
    %dma_start3A_150 = arith.constant 0 : i32
    %dma_start3A_151 = tpu.memref_slice %arg7[%dma_start3A_143, %dma_start3A_150] : memref<158x128xi32, #tpu.memory_space<vmem>> -> memref<1x128xi32, #tpu.memory_space<vmem>>
    %dma_start3A_152 = tpu.memref_squeeze %dma_start3A_151 : memref<1x128xi32, #tpu.memory_space<vmem>> -> memref<128xi32, #tpu.memory_space<vmem>>
    %dma_start3A_153 = arith.constant 0 : i32
    %dma_start3A_154 = arith.constant 0 : i32
    %dma_start3A_155 = tpu.memref_slice %arg12[%dma_start3A_153, %dma_start3A_154] : memref<10368x32xf32, #tpu.memory_space<vmem_shared>> -> memref<10368x32xf32, #tpu.memory_space<vmem_shared>>
    %dma_start3A_156 = tpu.memref_slice %arg14[%dma_start3A_145] : memref<2x!tpu.dma_semaphore, #tpu.memory_space<semaphore_mem>> -> memref<1x!tpu.dma_semaphore, #tpu.memory_space<semaphore_mem>>
    %dma_start3A_157 = tpu.memref_squeeze %dma_start3A_156 : memref<1x!tpu.dma_semaphore, #tpu.memory_space<semaphore_mem>> -> memref<!tpu.dma_semaphore, #tpu.memory_space<semaphore_mem>>
    tpu.enqueue_indirect_dma source(%dma_start3A_155 : memref<10368x32xf32, #tpu.memory_space<vmem_shared>>) target(%dma_start3A_149 : memref<128x32xf32, #tpu.memory_space<vmem>>) offsets(%dma_start3A_152 : memref<128xi32, #tpu.memory_space<vmem>>) semaphore(%dma_start3A_157 : memref<!tpu.dma_semaphore, #tpu.memory_space<semaphore_mem>>)
    %scan3A_158 = arith.constant 0 : i32
    %scan3A_159 = arith.constant 0 : i32
    %scan3A_160 = arith.constant 79 : i32
    %scan3A_161 = arith.addi %scan3A_159, %scan3A_160 : i32
    %scan3A_162 = arith.constant 1 : i32
    %scan3A_163 = scf.for %scan3A_532 = %scan3A_159 to %scan3A_161 step %scan3A_162 iter_args(%scan3A_533 = %scan3A_158) -> (i32)  : i32 {
      %mul3A_534 = arith.constant 2 : i32
      %mul3A_535 = arith.muli %scan3A_532, %mul3A_534 : i32
      %add3A = arith.constant 0 : i32
      %add3A_536 = arith.addi %mul3A_535, %add3A : i32
      %ge3A = arith.constant 1 : i32
      %ge3A_537 = arith.cmpi sge, %add3A_536, %ge3A : i32
      %convert_element_type3A = arith.extui %ge3A_537 : i1 to i32
      %cond3A = arith.constant 0 : i32
      %cond3A_538 = arith.cmpi ne, %convert_element_type3A, %cond3A : i32
      scf.if %cond3A_538 {
        %dma_wait3A_628 = arith.constant 1 : i32
        %dma_wait3A_629 = arith.constant 1 : i32
        %dma_wait3A_630 = arith.constant 0 : i32
        %dma_wait3A_631 = arith.constant 0 : i32
        %dma_wait3A_632 = tpu.memref_slice %arg9[%dma_wait3A_628, %dma_wait3A_630, %dma_wait3A_631] : memref<2x128x32xf32, #tpu.memory_space<vmem>> -> memref<1x128x32xf32, #tpu.memory_space<vmem>>
        %dma_wait3A_633 = tpu.memref_squeeze %dma_wait3A_632 : memref<1x128x32xf32, #tpu.memory_space<vmem>> -> memref<128x32xf32, #tpu.memory_space<vmem>>
        %dma_wait3A_634 = arith.constant 0 : i32
        %dma_wait3A_635 = arith.constant 0 : i32
        %dma_wait3A_636 = tpu.memref_slice %arg2[%arg0, %dma_wait3A_634, %dma_wait3A_635] : memref<2x10240x32xf32, #tpu.memory_space<hbm>> -> memref<1x128x32xf32, #tpu.memory_space<hbm>>
        %dma_wait3A_637 = tpu.memref_squeeze %dma_wait3A_636 : memref<1x128x32xf32, #tpu.memory_space<hbm>> -> memref<128x32xf32, #tpu.memory_space<hbm>>
        %dma_wait3A_638 = tpu.memref_slice %arg15[%dma_wait3A_629] : memref<2x!tpu.dma_semaphore, #tpu.memory_space<semaphore_mem>> -> memref<1x!tpu.dma_semaphore, #tpu.memory_space<semaphore_mem>>
        %dma_wait3A_639 = tpu.memref_squeeze %dma_wait3A_638 : memref<1x!tpu.dma_semaphore, #tpu.memory_space<semaphore_mem>> -> memref<!tpu.dma_semaphore, #tpu.memory_space<semaphore_mem>>
        %dma_wait3A_640 = arith.constant 0 : i32
        %dma_wait3A_641 = arith.constant 0 : i32
        %dma_wait3A_642 = tpu.memref_slice %arg9[%dma_wait3A_628, %dma_wait3A_640, %dma_wait3A_641] : memref<2x128x32xf32, #tpu.memory_space<vmem>> -> memref<1x128x32xf32, #tpu.memory_space<vmem>>
        %dma_wait3A_643 = tpu.memref_squeeze %dma_wait3A_642 : memref<1x128x32xf32, #tpu.memory_space<vmem>> -> memref<128x32xf32, #tpu.memory_space<vmem>>
        %dma_wait3A_644 = arith.constant 0 : i32
        %dma_wait3A_645 = arith.constant 0 : i32
        %dma_wait3A_646 = tpu.memref_slice %arg2[%arg0, %dma_wait3A_644, %dma_wait3A_645] : memref<2x10240x32xf32, #tpu.memory_space<hbm>> -> memref<1x128x32xf32, #tpu.memory_space<hbm>>
        %dma_wait3A_647 = tpu.memref_squeeze %dma_wait3A_646 : memref<1x128x32xf32, #tpu.memory_space<hbm>> -> memref<128x32xf32, #tpu.memory_space<hbm>>
        tpu.wait_dma2 semaphore(%dma_wait3A_639 : memref<!tpu.dma_semaphore, #tpu.memory_space<semaphore_mem>>) src(%dma_wait3A_647 : memref<128x32xf32, #tpu.memory_space<hbm>>) dst(%dma_wait3A_643 : memref<128x32xf32, #tpu.memory_space<vmem>>)
      } else {
      }
      %add3A_539 = arith.constant 1 : i32
      %add3A_540 = arith.addi %add3A_536, %add3A_539 : i32
      %lt3A = arith.constant 158 : i32
      %lt3A_541 = arith.cmpi slt, %add3A_540, %lt3A : i32
      %convert_element_type3A_542 = arith.extui %lt3A_541 : i1 to i32
      %cond3A_543 = arith.constant 0 : i32
      %cond3A_544 = arith.cmpi ne, %convert_element_type3A_542, %cond3A_543 : i32
      scf.if %cond3A_544 {
        %add3A_628 = arith.constant 1 : i32
        %add3A_629 = arith.addi %add3A_536, %add3A_628 : i32
        %dma_start3A_630 = arith.constant 1 : i32
        %dma_start3A_631 = arith.constant 1 : i32
        %dma_start3A_632 = arith.constant 0 : i32
        %dma_start3A_633 = arith.constant 0 : i32
        %dma_start3A_634 = tpu.memref_slice %arg9[%dma_start3A_630, %dma_start3A_632, %dma_start3A_633] : memref<2x128x32xf32, #tpu.memory_space<vmem>> -> memref<1x128x32xf32, #tpu.memory_space<vmem>>
        %dma_start3A_635 = tpu.memref_squeeze %dma_start3A_634 : memref<1x128x32xf32, #tpu.memory_space<vmem>> -> memref<128x32xf32, #tpu.memory_space<vmem>>
        %dma_start3A_636 = arith.constant 0 : i32
        %dma_start3A_637 = tpu.memref_slice %arg7[%add3A_629, %dma_start3A_636] : memref<158x128xi32, #tpu.memory_space<vmem>> -> memref<1x128xi32, #tpu.memory_space<vmem>>
        %dma_start3A_638 = tpu.memref_squeeze %dma_start3A_637 : memref<1x128xi32, #tpu.memory_space<vmem>> -> memref<128xi32, #tpu.memory_space<vmem>>
        %dma_start3A_639 = arith.constant 0 : i32
        %dma_start3A_640 = arith.constant 0 : i32
        %dma_start3A_641 = tpu.memref_slice %arg12[%dma_start3A_639, %dma_start3A_640] : memref<10368x32xf32, #tpu.memory_space<vmem_shared>> -> memref<10368x32xf32, #tpu.memory_space<vmem_shared>>
        %dma_start3A_642 = tpu.memref_slice %arg14[%dma_start3A_631] : memref<2x!tpu.dma_semaphore, #tpu.memory_space<semaphore_mem>> -> memref<1x!tpu.dma_semaphore, #tpu.memory_space<semaphore_mem>>
        %dma_start3A_643 = tpu.memref_squeeze %dma_start3A_642 : memref<1x!tpu.dma_semaphore, #tpu.memory_space<semaphore_mem>> -> memref<!tpu.dma_semaphore, #tpu.memory_space<semaphore_mem>>
        tpu.enqueue_indirect_dma source(%dma_start3A_641 : memref<10368x32xf32, #tpu.memory_space<vmem_shared>>) target(%dma_start3A_635 : memref<128x32xf32, #tpu.memory_space<vmem>>) offsets(%dma_start3A_638 : memref<128xi32, #tpu.memory_space<vmem>>) semaphore(%dma_start3A_643 : memref<!tpu.dma_semaphore, #tpu.memory_space<semaphore_mem>>)
      } else {
      }
      %dma_wait3A_545 = arith.constant 0 : i32
      %dma_wait3A_546 = arith.constant 0 : i32
      %dma_wait3A_547 = arith.constant 0 : i32
      %dma_wait3A_548 = arith.constant 0 : i32
      %dma_wait3A_549 = tpu.memref_slice %arg9[%dma_wait3A_545, %dma_wait3A_547, %dma_wait3A_548] : memref<2x128x32xf32, #tpu.memory_space<vmem>> -> memref<1x128x32xf32, #tpu.memory_space<vmem>>
      %dma_wait3A_550 = tpu.memref_squeeze %dma_wait3A_549 : memref<1x128x32xf32, #tpu.memory_space<vmem>> -> memref<128x32xf32, #tpu.memory_space<vmem>>
      %dma_wait3A_551 = arith.constant 0 : i32
      %dma_wait3A_552 = arith.constant 0 : i32
      %dma_wait3A_553 = tpu.memref_slice %arg2[%arg0, %dma_wait3A_551, %dma_wait3A_552] : memref<2x10240x32xf32, #tpu.memory_space<hbm>> -> memref<1x128x32xf32, #tpu.memory_space<hbm>>
      %dma_wait3A_554 = tpu.memref_squeeze %dma_wait3A_553 : memref<1x128x32xf32, #tpu.memory_space<hbm>> -> memref<128x32xf32, #tpu.memory_space<hbm>>
      %dma_wait3A_555 = tpu.memref_slice %arg14[%dma_wait3A_546] : memref<2x!tpu.dma_semaphore, #tpu.memory_space<semaphore_mem>> -> memref<1x!tpu.dma_semaphore, #tpu.memory_space<semaphore_mem>>
      %dma_wait3A_556 = tpu.memref_squeeze %dma_wait3A_555 : memref<1x!tpu.dma_semaphore, #tpu.memory_space<semaphore_mem>> -> memref<!tpu.dma_semaphore, #tpu.memory_space<semaphore_mem>>
      %dma_wait3A_557 = arith.constant 0 : i32
      %dma_wait3A_558 = arith.constant 0 : i32
      %dma_wait3A_559 = tpu.memref_slice %arg9[%dma_wait3A_545, %dma_wait3A_557, %dma_wait3A_558] : memref<2x128x32xf32, #tpu.memory_space<vmem>> -> memref<1x128x32xf32, #tpu.memory_space<vmem>>
      %dma_wait3A_560 = tpu.memref_squeeze %dma_wait3A_559 : memref<1x128x32xf32, #tpu.memory_space<vmem>> -> memref<128x32xf32, #tpu.memory_space<vmem>>
      %dma_wait3A_561 = arith.constant 0 : i32
      %dma_wait3A_562 = arith.constant 0 : i32
      %dma_wait3A_563 = tpu.memref_slice %arg2[%arg0, %dma_wait3A_561, %dma_wait3A_562] : memref<2x10240x32xf32, #tpu.memory_space<hbm>> -> memref<1x128x32xf32, #tpu.memory_space<hbm>>
      %dma_wait3A_564 = tpu.memref_squeeze %dma_wait3A_563 : memref<1x128x32xf32, #tpu.memory_space<hbm>> -> memref<128x32xf32, #tpu.memory_space<hbm>>
      tpu.wait_dma2 semaphore(%dma_wait3A_556 : memref<!tpu.dma_semaphore, #tpu.memory_space<semaphore_mem>>) src(%dma_wait3A_564 : memref<128x32xf32, #tpu.memory_space<hbm>>) dst(%dma_wait3A_560 : memref<128x32xf32, #tpu.memory_space<vmem>>)
      %dma_start3A_565 = arith.constant 0 : i32
      %dma_start3A_566 = arith.constant 0 : i32
      %dma_start3A_567 = arith.constant 0 : i32
      %dma_start3A_568 = arith.constant 0 : i32
      %dma_start3A_569 = tpu.memref_slice %arg9[%dma_start3A_565, %dma_start3A_567, %dma_start3A_568] : memref<2x128x32xf32, #tpu.memory_space<vmem>> -> memref<1x128x32xf32, #tpu.memory_space<vmem>>
      %dma_start3A_570 = tpu.memref_squeeze %dma_start3A_569 : memref<1x128x32xf32, #tpu.memory_space<vmem>> -> memref<128x32xf32, #tpu.memory_space<vmem>>
      %dma_start3A_571 = arith.constant 0 : i32
      %dma_start3A_572 = tpu.memref_slice %arg8[%add3A_536, %dma_start3A_571] : memref<158x128xi32, #tpu.memory_space<vmem>> -> memref<1x128xi32, #tpu.memory_space<vmem>>
      %dma_start3A_573 = tpu.memref_squeeze %dma_start3A_572 : memref<1x128xi32, #tpu.memory_space<vmem>> -> memref<128xi32, #tpu.memory_space<vmem>>
      %dma_start3A_574 = arith.constant 0 : i32
      %dma_start3A_575 = arith.constant 0 : i32
      %dma_start3A_576 = tpu.memref_slice %arg13[%dma_start3A_574, %dma_start3A_575] : memref<10368x32xf32, #tpu.memory_space<vmem_shared>> -> memref<10368x32xf32, #tpu.memory_space<vmem_shared>>
      %dma_start3A_577 = tpu.memref_slice %arg15[%dma_start3A_566] : memref<2x!tpu.dma_semaphore, #tpu.memory_space<semaphore_mem>> -> memref<1x!tpu.dma_semaphore, #tpu.memory_space<semaphore_mem>>
      %dma_start3A_578 = tpu.memref_squeeze %dma_start3A_577 : memref<1x!tpu.dma_semaphore, #tpu.memory_space<semaphore_mem>> -> memref<!tpu.dma_semaphore, #tpu.memory_space<semaphore_mem>>
      tpu.enqueue_indirect_dma source(%dma_start3A_570 : memref<128x32xf32, #tpu.memory_space<vmem>>) target(%dma_start3A_576 : memref<10368x32xf32, #tpu.memory_space<vmem_shared>>) offsets(%dma_start3A_573 : memref<128xi32, #tpu.memory_space<vmem>>) semaphore(%dma_start3A_578 : memref<!tpu.dma_semaphore, #tpu.memory_space<semaphore_mem>>) {add = true}
      %add3A_579 = arith.constant 1 : i32
      %add3A_580 = arith.addi %mul3A_535, %add3A_579 : i32
      %ge3A_581 = arith.constant 1 : i32
      %ge3A_582 = arith.cmpi sge, %add3A_580, %ge3A_581 : i32
      %convert_element_type3A_583 = arith.extui %ge3A_582 : i1 to i32
      %cond3A_584 = arith.constant 0 : i32
      %cond3A_585 = arith.cmpi ne, %convert_element_type3A_583, %cond3A_584 : i32
      scf.if %cond3A_585 {
        %dma_wait3A_628 = arith.constant 0 : i32
        %dma_wait3A_629 = arith.constant 0 : i32
        %dma_wait3A_630 = arith.constant 0 : i32
        %dma_wait3A_631 = arith.constant 0 : i32
        %dma_wait3A_632 = tpu.memref_slice %arg9[%dma_wait3A_628, %dma_wait3A_630, %dma_wait3A_631] : memref<2x128x32xf32, #tpu.memory_space<vmem>> -> memref<1x128x32xf32, #tpu.memory_space<vmem>>
        %dma_wait3A_633 = tpu.memref_squeeze %dma_wait3A_632 : memref<1x128x32xf32, #tpu.memory_space<vmem>> -> memref<128x32xf32, #tpu.memory_space<vmem>>
        %dma_wait3A_634 = arith.constant 0 : i32
        %dma_wait3A_635 = arith.constant 0 : i32
        %dma_wait3A_636 = tpu.memref_slice %arg2[%arg0, %dma_wait3A_634, %dma_wait3A_635] : memref<2x10240x32xf32, #tpu.memory_space<hbm>> -> memref<1x128x32xf32, #tpu.memory_space<hbm>>
        %dma_wait3A_637 = tpu.memref_squeeze %dma_wait3A_636 : memref<1x128x32xf32, #tpu.memory_space<hbm>> -> memref<128x32xf32, #tpu.memory_space<hbm>>
        %dma_wait3A_638 = tpu.memref_slice %arg15[%dma_wait3A_629] : memref<2x!tpu.dma_semaphore, #tpu.memory_space<semaphore_mem>> -> memref<1x!tpu.dma_semaphore, #tpu.memory_space<semaphore_mem>>
        %dma_wait3A_639 = tpu.memref_squeeze %dma_wait3A_638 : memref<1x!tpu.dma_semaphore, #tpu.memory_space<semaphore_mem>> -> memref<!tpu.dma_semaphore, #tpu.memory_space<semaphore_mem>>
        %dma_wait3A_640 = arith.constant 0 : i32
        %dma_wait3A_641 = arith.constant 0 : i32
        %dma_wait3A_642 = tpu.memref_slice %arg9[%dma_wait3A_628, %dma_wait3A_640, %dma_wait3A_641] : memref<2x128x32xf32, #tpu.memory_space<vmem>> -> memref<1x128x32xf32, #tpu.memory_space<vmem>>
        %dma_wait3A_643 = tpu.memref_squeeze %dma_wait3A_642 : memref<1x128x32xf32, #tpu.memory_space<vmem>> -> memref<128x32xf32, #tpu.memory_space<vmem>>
        %dma_wait3A_644 = arith.constant 0 : i32
        %dma_wait3A_645 = arith.constant 0 : i32
        %dma_wait3A_646 = tpu.memref_slice %arg2[%arg0, %dma_wait3A_644, %dma_wait3A_645] : memref<2x10240x32xf32, #tpu.memory_space<hbm>> -> memref<1x128x32xf32, #tpu.memory_space<hbm>>
        %dma_wait3A_647 = tpu.memref_squeeze %dma_wait3A_646 : memref<1x128x32xf32, #tpu.memory_space<hbm>> -> memref<128x32xf32, #tpu.memory_space<hbm>>
        tpu.wait_dma2 semaphore(%dma_wait3A_639 : memref<!tpu.dma_semaphore, #tpu.memory_space<semaphore_mem>>) src(%dma_wait3A_647 : memref<128x32xf32, #tpu.memory_space<hbm>>) dst(%dma_wait3A_643 : memref<128x32xf32, #tpu.memory_space<vmem>>)
      } else {
      }
      %add3A_586 = arith.constant 1 : i32
      %add3A_587 = arith.addi %add3A_580, %add3A_586 : i32
      %lt3A_588 = arith.constant 158 : i32
      %lt3A_589 = arith.cmpi slt, %add3A_587, %lt3A_588 : i32
      %convert_element_type3A_590 = arith.extui %lt3A_589 : i1 to i32
      %cond3A_591 = arith.constant 0 : i32
      %cond3A_592 = arith.cmpi ne, %convert_element_type3A_590, %cond3A_591 : i32
      scf.if %cond3A_592 {
        %add3A_628 = arith.constant 1 : i32
        %add3A_629 = arith.addi %add3A_580, %add3A_628 : i32
        %dma_start3A_630 = arith.constant 0 : i32
        %dma_start3A_631 = arith.constant 0 : i32
        %dma_start3A_632 = arith.constant 0 : i32
        %dma_start3A_633 = arith.constant 0 : i32
        %dma_start3A_634 = tpu.memref_slice %arg9[%dma_start3A_630, %dma_start3A_632, %dma_start3A_633] : memref<2x128x32xf32, #tpu.memory_space<vmem>> -> memref<1x128x32xf32, #tpu.memory_space<vmem>>
        %dma_start3A_635 = tpu.memref_squeeze %dma_start3A_634 : memref<1x128x32xf32, #tpu.memory_space<vmem>> -> memref<128x32xf32, #tpu.memory_space<vmem>>
        %dma_start3A_636 = arith.constant 0 : i32
        %dma_start3A_637 = tpu.memref_slice %arg7[%add3A_629, %dma_start3A_636] : memref<158x128xi32, #tpu.memory_space<vmem>> -> memref<1x128xi32, #tpu.memory_space<vmem>>
        %dma_start3A_638 = tpu.memref_squeeze %dma_start3A_637 : memref<1x128xi32, #tpu.memory_space<vmem>> -> memref<128xi32, #tpu.memory_space<vmem>>
        %dma_start3A_639 = arith.constant 0 : i32
        %dma_start3A_640 = arith.constant 0 : i32
        %dma_start3A_641 = tpu.memref_slice %arg12[%dma_start3A_639, %dma_start3A_640] : memref<10368x32xf32, #tpu.memory_space<vmem_shared>> -> memref<10368x32xf32, #tpu.memory_space<vmem_shared>>
        %dma_start3A_642 = tpu.memref_slice %arg14[%dma_start3A_631] : memref<2x!tpu.dma_semaphore, #tpu.memory_space<semaphore_mem>> -> memref<1x!tpu.dma_semaphore, #tpu.memory_space<semaphore_mem>>
        %dma_start3A_643 = tpu.memref_squeeze %dma_start3A_642 : memref<1x!tpu.dma_semaphore, #tpu.memory_space<semaphore_mem>> -> memref<!tpu.dma_semaphore, #tpu.memory_space<semaphore_mem>>
        tpu.enqueue_indirect_dma source(%dma_start3A_641 : memref<10368x32xf32, #tpu.memory_space<vmem_shared>>) target(%dma_start3A_635 : memref<128x32xf32, #tpu.memory_space<vmem>>) offsets(%dma_start3A_638 : memref<128xi32, #tpu.memory_space<vmem>>) semaphore(%dma_start3A_643 : memref<!tpu.dma_semaphore, #tpu.memory_space<semaphore_mem>>)
      } else {
      }
      %dma_wait3A_593 = arith.constant 1 : i32
      %dma_wait3A_594 = arith.constant 1 : i32
      %dma_wait3A_595 = arith.constant 0 : i32
      %dma_wait3A_596 = arith.constant 0 : i32
      %dma_wait3A_597 = tpu.memref_slice %arg9[%dma_wait3A_593, %dma_wait3A_595, %dma_wait3A_596] : memref<2x128x32xf32, #tpu.memory_space<vmem>> -> memref<1x128x32xf32, #tpu.memory_space<vmem>>
      %dma_wait3A_598 = tpu.memref_squeeze %dma_wait3A_597 : memref<1x128x32xf32, #tpu.memory_space<vmem>> -> memref<128x32xf32, #tpu.memory_space<vmem>>
      %dma_wait3A_599 = arith.constant 0 : i32
      %dma_wait3A_600 = arith.constant 0 : i32
      %dma_wait3A_601 = tpu.memref_slice %arg2[%arg0, %dma_wait3A_599, %dma_wait3A_600] : memref<2x10240x32xf32, #tpu.memory_space<hbm>> -> memref<1x128x32xf32, #tpu.memory_space<hbm>>
      %dma_wait3A_602 = tpu.memref_squeeze %dma_wait3A_601 : memref<1x128x32xf32, #tpu.memory_space<hbm>> -> memref<128x32xf32, #tpu.memory_space<hbm>>
      %dma_wait3A_603 = tpu.memref_slice %arg14[%dma_wait3A_594] : memref<2x!tpu.dma_semaphore, #tpu.memory_space<semaphore_mem>> -> memref<1x!tpu.dma_semaphore, #tpu.memory_space<semaphore_mem>>
      %dma_wait3A_604 = tpu.memref_squeeze %dma_wait3A_603 : memref<1x!tpu.dma_semaphore, #tpu.memory_space<semaphore_mem>> -> memref<!tpu.dma_semaphore, #tpu.memory_space<semaphore_mem>>
      %dma_wait3A_605 = arith.constant 0 : i32
      %dma_wait3A_606 = arith.constant 0 : i32
      %dma_wait3A_607 = tpu.memref_slice %arg9[%dma_wait3A_593, %dma_wait3A_605, %dma_wait3A_606] : memref<2x128x32xf32, #tpu.memory_space<vmem>> -> memref<1x128x32xf32, #tpu.memory_space<vmem>>
      %dma_wait3A_608 = tpu.memref_squeeze %dma_wait3A_607 : memref<1x128x32xf32, #tpu.memory_space<vmem>> -> memref<128x32xf32, #tpu.memory_space<vmem>>
      %dma_wait3A_609 = arith.constant 0 : i32
      %dma_wait3A_610 = arith.constant 0 : i32
      %dma_wait3A_611 = tpu.memref_slice %arg2[%arg0, %dma_wait3A_609, %dma_wait3A_610] : memref<2x10240x32xf32, #tpu.memory_space<hbm>> -> memref<1x128x32xf32, #tpu.memory_space<hbm>>
      %dma_wait3A_612 = tpu.memref_squeeze %dma_wait3A_611 : memref<1x128x32xf32, #tpu.memory_space<hbm>> -> memref<128x32xf32, #tpu.memory_space<hbm>>
      tpu.wait_dma2 semaphore(%dma_wait3A_604 : memref<!tpu.dma_semaphore, #tpu.memory_space<semaphore_mem>>) src(%dma_wait3A_612 : memref<128x32xf32, #tpu.memory_space<hbm>>) dst(%dma_wait3A_608 : memref<128x32xf32, #tpu.memory_space<vmem>>)
      %dma_start3A_613 = arith.constant 1 : i32
      %dma_start3A_614 = arith.constant 1 : i32
      %dma_start3A_615 = arith.constant 0 : i32
      %dma_start3A_616 = arith.constant 0 : i32
      %dma_start3A_617 = tpu.memref_slice %arg9[%dma_start3A_613, %dma_start3A_615, %dma_start3A_616] : memref<2x128x32xf32, #tpu.memory_space<vmem>> -> memref<1x128x32xf32, #tpu.memory_space<vmem>>
      %dma_start3A_618 = tpu.memref_squeeze %dma_start3A_617 : memref<1x128x32xf32, #tpu.memory_space<vmem>> -> memref<128x32xf32, #tpu.memory_space<vmem>>
      %dma_start3A_619 = arith.constant 0 : i32
      %dma_start3A_620 = tpu.memref_slice %arg8[%add3A_580, %dma_start3A_619] : memref<158x128xi32, #tpu.memory_space<vmem>> -> memref<1x128xi32, #tpu.memory_space<vmem>>
      %dma_start3A_621 = tpu.memref_squeeze %dma_start3A_620 : memref<1x128xi32, #tpu.memory_space<vmem>> -> memref<128xi32, #tpu.memory_space<vmem>>
      %dma_start3A_622 = arith.constant 0 : i32
      %dma_start3A_623 = arith.constant 0 : i32
      %dma_start3A_624 = tpu.memref_slice %arg13[%dma_start3A_622, %dma_start3A_623] : memref<10368x32xf32, #tpu.memory_space<vmem_shared>> -> memref<10368x32xf32, #tpu.memory_space<vmem_shared>>
      %dma_start3A_625 = tpu.memref_slice %arg15[%dma_start3A_614] : memref<2x!tpu.dma_semaphore, #tpu.memory_space<semaphore_mem>> -> memref<1x!tpu.dma_semaphore, #tpu.memory_space<semaphore_mem>>
      %dma_start3A_626 = tpu.memref_squeeze %dma_start3A_625 : memref<1x!tpu.dma_semaphore, #tpu.memory_space<semaphore_mem>> -> memref<!tpu.dma_semaphore, #tpu.memory_space<semaphore_mem>>
      tpu.enqueue_indirect_dma source(%dma_start3A_618 : memref<128x32xf32, #tpu.memory_space<vmem>>) target(%dma_start3A_624 : memref<10368x32xf32, #tpu.memory_space<vmem_shared>>) offsets(%dma_start3A_621 : memref<128xi32, #tpu.memory_space<vmem>>) semaphore(%dma_start3A_626 : memref<!tpu.dma_semaphore, #tpu.memory_space<semaphore_mem>>) {add = true}
      %scan3A_627 = arith.constant 0 : i32
      scf.yield %scan3A_627 : i32
    }
    %scan3A_164 = arith.constant 79 : i32
    %dma_wait3A_165 = arith.constant 1 : i32
    %dma_wait3A_166 = arith.constant 1 : i32
    %dma_wait3A_167 = arith.constant 0 : i32
    %dma_wait3A_168 = arith.constant 0 : i32
    %dma_wait3A_169 = tpu.memref_slice %arg9[%dma_wait3A_165, %dma_wait3A_167, %dma_wait3A_168] : memref<2x128x32xf32, #tpu.memory_space<vmem>> -> memref<1x128x32xf32, #tpu.memory_space<vmem>>
    %dma_wait3A_170 = tpu.memref_squeeze %dma_wait3A_169 : memref<1x128x32xf32, #tpu.memory_space<vmem>> -> memref<128x32xf32, #tpu.memory_space<vmem>>
    %dma_wait3A_171 = arith.constant 0 : i32
    %dma_wait3A_172 = arith.constant 0 : i32
    %dma_wait3A_173 = tpu.memref_slice %arg2[%arg0, %dma_wait3A_171, %dma_wait3A_172] : memref<2x10240x32xf32, #tpu.memory_space<hbm>> -> memref<1x128x32xf32, #tpu.memory_space<hbm>>
    %dma_wait3A_174 = tpu.memref_squeeze %dma_wait3A_173 : memref<1x128x32xf32, #tpu.memory_space<hbm>> -> memref<128x32xf32, #tpu.memory_space<hbm>>
    %dma_wait3A_175 = tpu.memref_slice %arg15[%dma_wait3A_166] : memref<2x!tpu.dma_semaphore, #tpu.memory_space<semaphore_mem>> -> memref<1x!tpu.dma_semaphore, #tpu.memory_space<semaphore_mem>>
    %dma_wait3A_176 = tpu.memref_squeeze %dma_wait3A_175 : memref<1x!tpu.dma_semaphore, #tpu.memory_space<semaphore_mem>> -> memref<!tpu.dma_semaphore, #tpu.memory_space<semaphore_mem>>
    %dma_wait3A_177 = arith.constant 0 : i32
    %dma_wait3A_178 = arith.constant 0 : i32
    %dma_wait3A_179 = tpu.memref_slice %arg9[%dma_wait3A_165, %dma_wait3A_177, %dma_wait3A_178] : memref<2x128x32xf32, #tpu.memory_space<vmem>> -> memref<1x128x32xf32, #tpu.memory_space<vmem>>
    %dma_wait3A_180 = tpu.memref_squeeze %dma_wait3A_179 : memref<1x128x32xf32, #tpu.memory_space<vmem>> -> memref<128x32xf32, #tpu.memory_space<vmem>>
    %dma_wait3A_181 = arith.constant 0 : i32
    %dma_wait3A_182 = arith.constant 0 : i32
    %dma_wait3A_183 = tpu.memref_slice %arg2[%arg0, %dma_wait3A_181, %dma_wait3A_182] : memref<2x10240x32xf32, #tpu.memory_space<hbm>> -> memref<1x128x32xf32, #tpu.memory_space<hbm>>
    %dma_wait3A_184 = tpu.memref_squeeze %dma_wait3A_183 : memref<1x128x32xf32, #tpu.memory_space<hbm>> -> memref<128x32xf32, #tpu.memory_space<hbm>>
    tpu.wait_dma2 semaphore(%dma_wait3A_176 : memref<!tpu.dma_semaphore, #tpu.memory_space<semaphore_mem>>) src(%dma_wait3A_184 : memref<128x32xf32, #tpu.memory_space<hbm>>) dst(%dma_wait3A_180 : memref<128x32xf32, #tpu.memory_space<vmem>>)
    %barrier3A_185 = arith.constant 0 : index
    tpu.barrier barrier_id(%barrier3A_185)
    "tpu.region"() ({
      %run_scoped3A_532 = tpu.sem_alloc : memref<!tpu.dma_semaphore, #tpu.memory_space<semaphore_mem>>
      %dma_start3A_533 = arith.constant 0 : i32
      %dma_start3A_534 = tpu.memref_slice %arg13[%mul3A_0, %dma_start3A_533] : memref<10368x32xf32, #tpu.memory_space<vmem_shared>> -> memref<640x32xf32, #tpu.memory_space<vmem_shared>>
      %dma_start3A_535 = arith.constant 0 : i32
      %dma_start3A_536 = tpu.memref_slice %arg13[%mul3A_0, %dma_start3A_535] : memref<10368x32xf32, #tpu.memory_space<vmem_shared>> -> memref<640x32xf32, #tpu.memory_space<vmem_shared>>
      tpu.enqueue_dma source(%dma_start3A_536 : memref<640x32xf32, #tpu.memory_space<vmem_shared>>) target(%arg10 : memref<640x32xf32, #tpu.memory_space<vmem>>) target_semaphore(%run_scoped3A_532 : memref<!tpu.dma_semaphore, #tpu.memory_space<semaphore_mem>>)
      %dma_wait3A_537 = arith.constant 0 : i32
      %dma_wait3A_538 = tpu.memref_slice %arg13[%mul3A_0, %dma_wait3A_537] : memref<10368x32xf32, #tpu.memory_space<vmem_shared>> -> memref<640x32xf32, #tpu.memory_space<vmem_shared>>
      %dma_wait3A_539 = arith.constant 0 : i32
      %dma_wait3A_540 = tpu.memref_slice %arg13[%mul3A_0, %dma_wait3A_539] : memref<10368x32xf32, #tpu.memory_space<vmem_shared>> -> memref<640x32xf32, #tpu.memory_space<vmem_shared>>
      tpu.wait_dma2 semaphore(%run_scoped3A_532 : memref<!tpu.dma_semaphore, #tpu.memory_space<semaphore_mem>>) src(%dma_wait3A_540 : memref<640x32xf32, #tpu.memory_space<vmem_shared>>) dst(%arg10 : memref<640x32xf32, #tpu.memory_space<vmem>>)
      tpu.yield
    }) : () -> ()
    %scan3A_186 = arith.constant 0 : i32
    %scan3A_187 = arith.constant 0 : i32
    %scan3A_188 = arith.constant 640 : i32
    %scan3A_189 = arith.addi %scan3A_187, %scan3A_188 : i32
    %scan3A_190 = arith.constant 1 : i32
    %scan3A_191 = scf.for %scan3A_532 = %scan3A_187 to %scan3A_189 step %scan3A_190 iter_args(%scan3A_533 = %scan3A_186) -> (i32)  : i32 {
      %broadcast_in_dim3A = vector.broadcast %scan3A_532 : i32 to vector<16xi32>
      %gather3A = tpu.vector_load_idx %arg11[%broadcast_in_dim3A] : memref<640xf32, #tpu.memory_space<vmem>>[vector<16xi32>], vector<16xf32>,
      %get3A = arith.index_cast %scan3A_532 : i32 to index
      %get3A_534 = arith.constant 0 : index
      %get3A_535 = tpu.vector_load %arg10[%get3A, %get3A_534] {strides = array<i32>} : memref<640x32xf32, #tpu.memory_space<vmem>>, vector<16xf32>,
      %mul3A_536 = arith.mulf %get3A_535, %gather3A : vector<16xf32>
      %swap3A = arith.index_cast %scan3A_532 : i32 to index
      %swap3A_537 = arith.constant 0 : index
      %swap3A_538 = tpu.vector_load %arg10[%swap3A, %swap3A_537] {strides = array<i32>} : memref<640x32xf32, #tpu.memory_space<vmem>>, vector<16xf32>,
      tpu.vector_store %arg10[%swap3A, %swap3A_537], %mul3A_536 {strides = array<i32>} : memref<640x32xf32, #tpu.memory_space<vmem>>, vector<16xf32>,
      %get3A_539 = arith.index_cast %scan3A_532 : i32 to index
      %get3A_540 = arith.constant 16 : index
      %get3A_541 = tpu.vector_load %arg10[%get3A_539, %get3A_540] {strides = array<i32>} : memref<640x32xf32, #tpu.memory_space<vmem>>, vector<16xf32>,
      %mul3A_542 = arith.mulf %get3A_541, %gather3A : vector<16xf32>
      %swap3A_543 = arith.index_cast %scan3A_532 : i32 to index
      %swap3A_544 = arith.constant 16 : index
      %swap3A_545 = tpu.vector_load %arg10[%swap3A_543, %swap3A_544] {strides = array<i32>} : memref<640x32xf32, #tpu.memory_space<vmem>>, vector<16xf32>,
      tpu.vector_store %arg10[%swap3A_543, %swap3A_544], %mul3A_542 {strides = array<i32>} : memref<640x32xf32, #tpu.memory_space<vmem>>, vector<16xf32>,
      %scan3A_546 = arith.constant 0 : i32
      scf.yield %scan3A_546 : i32
    }
    %scan3A_192 = arith.constant 640 : i32
    %run_scoped3A_193 = arith.constant 2 : i32
    "tpu.region"() ({
      %run_scoped3A_532 = tpu.sem_alloc : memref<!tpu.dma_semaphore, #tpu.memory_space<semaphore_mem>>
      %dma_start3A_533 = arith.constant 0 : i32
      %dma_start3A_534 = tpu.memref_slice %arg6[%run_scoped3A_193, %arg0, %mul3A_0, %dma_start3A_533] : memref<8x2x10240x32xf32, #tpu.memory_space<hbm>> -> memref<1x1x640x32xf32, #tpu.memory_space<hbm>>
      %dma_start3A_535 = tpu.memref_squeeze %dma_start3A_534 : memref<1x1x640x32xf32, #tpu.memory_space<hbm>> -> memref<640x32xf32, #tpu.memory_space<hbm>>
      %dma_start3A_536 = arith.constant 0 : i32
      %dma_start3A_537 = tpu.memref_slice %arg6[%run_scoped3A_193, %arg0, %mul3A_0, %dma_start3A_536] : memref<8x2x10240x32xf32, #tpu.memory_space<hbm>> -> memref<1x1x640x32xf32, #tpu.memory_space<hbm>>
      %dma_start3A_538 = tpu.memref_squeeze %dma_start3A_537 : memref<1x1x640x32xf32, #tpu.memory_space<hbm>> -> memref<640x32xf32, #tpu.memory_space<hbm>>
      tpu.enqueue_dma source(%arg10 : memref<640x32xf32, #tpu.memory_space<vmem>>) target(%dma_start3A_538 : memref<640x32xf32, #tpu.memory_space<hbm>>) target_semaphore(%run_scoped3A_532 : memref<!tpu.dma_semaphore, #tpu.memory_space<semaphore_mem>>)
      %dma_wait3A_539 = arith.constant 0 : i32
      %dma_wait3A_540 = tpu.memref_slice %arg6[%run_scoped3A_193, %arg0, %mul3A_0, %dma_wait3A_539] : memref<8x2x10240x32xf32, #tpu.memory_space<hbm>> -> memref<1x1x640x32xf32, #tpu.memory_space<hbm>>
      %dma_wait3A_541 = tpu.memref_squeeze %dma_wait3A_540 : memref<1x1x640x32xf32, #tpu.memory_space<hbm>> -> memref<640x32xf32, #tpu.memory_space<hbm>>
      %dma_wait3A_542 = arith.constant 0 : i32
      %dma_wait3A_543 = tpu.memref_slice %arg6[%run_scoped3A_193, %arg0, %mul3A_0, %dma_wait3A_542] : memref<8x2x10240x32xf32, #tpu.memory_space<hbm>> -> memref<1x1x640x32xf32, #tpu.memory_space<hbm>>
      %dma_wait3A_544 = tpu.memref_squeeze %dma_wait3A_543 : memref<1x1x640x32xf32, #tpu.memory_space<hbm>> -> memref<640x32xf32, #tpu.memory_space<hbm>>
      tpu.wait_dma2 semaphore(%run_scoped3A_532 : memref<!tpu.dma_semaphore, #tpu.memory_space<semaphore_mem>>) src(%arg10 : memref<640x32xf32, #tpu.memory_space<vmem>>) dst(%dma_wait3A_544 : memref<640x32xf32, #tpu.memory_space<hbm>>)
      tpu.yield
    }) : () -> ()
    %scan3A_194 = arith.constant 0 : i32
    %scan3A_195 = arith.constant 0 : i32
    %scan3A_196 = arith.constant 640 : i32
    %scan3A_197 = arith.addi %scan3A_195, %scan3A_196 : i32
    %scan3A_198 = arith.constant 1 : i32
    %scan3A_199 = scf.for %scan3A_532 = %scan3A_195 to %scan3A_197 step %scan3A_198 iter_args(%scan3A_533 = %scan3A_194) -> (i32)  : i32 {
      %broadcast_in_dim3A = vector.broadcast %scan3A_532 : i32 to vector<16xi32>
      %gather3A = tpu.vector_load_idx %arg11[%broadcast_in_dim3A] : memref<640xf32, #tpu.memory_space<vmem>>[vector<16xi32>], vector<16xf32>,
      %get3A = arith.index_cast %scan3A_532 : i32 to index
      %get3A_534 = arith.constant 0 : index
      %get3A_535 = tpu.vector_load %arg10[%get3A, %get3A_534] {strides = array<i32>} : memref<640x32xf32, #tpu.memory_space<vmem>>, vector<16xf32>,
      %mul3A_536 = arith.mulf %get3A_535, %gather3A : vector<16xf32>
      %swap3A = arith.index_cast %scan3A_532 : i32 to index
      %swap3A_537 = arith.constant 0 : index
      %swap3A_538 = tpu.vector_load %arg10[%swap3A, %swap3A_537] {strides = array<i32>} : memref<640x32xf32, #tpu.memory_space<vmem>>, vector<16xf32>,
      tpu.vector_store %arg10[%swap3A, %swap3A_537], %mul3A_536 {strides = array<i32>} : memref<640x32xf32, #tpu.memory_space<vmem>>, vector<16xf32>,
      %get3A_539 = arith.index_cast %scan3A_532 : i32 to index
      %get3A_540 = arith.constant 16 : index
      %get3A_541 = tpu.vector_load %arg10[%get3A_539, %get3A_540] {strides = array<i32>} : memref<640x32xf32, #tpu.memory_space<vmem>>, vector<16xf32>,
      %mul3A_542 = arith.mulf %get3A_541, %gather3A : vector<16xf32>
      %swap3A_543 = arith.index_cast %scan3A_532 : i32 to index
      %swap3A_544 = arith.constant 16 : index
      %swap3A_545 = tpu.vector_load %arg10[%swap3A_543, %swap3A_544] {strides = array<i32>} : memref<640x32xf32, #tpu.memory_space<vmem>>, vector<16xf32>,
      tpu.vector_store %arg10[%swap3A_543, %swap3A_544], %mul3A_542 {strides = array<i32>} : memref<640x32xf32, #tpu.memory_space<vmem>>, vector<16xf32>,
      %scan3A_546 = arith.constant 0 : i32
      scf.yield %scan3A_546 : i32
    }
    %scan3A_200 = arith.constant 640 : i32
    "tpu.region"() ({
      %run_scoped3A_532 = tpu.sem_alloc : memref<!tpu.dma_semaphore, #tpu.memory_space<semaphore_mem>>
      %dma_start3A_533 = arith.constant 0 : i32
      %dma_start3A_534 = tpu.memref_slice %arg13[%mul3A_0, %dma_start3A_533] : memref<10368x32xf32, #tpu.memory_space<vmem_shared>> -> memref<640x32xf32, #tpu.memory_space<vmem_shared>>
      %dma_start3A_535 = arith.constant 0 : i32
      %dma_start3A_536 = tpu.memref_slice %arg13[%mul3A_0, %dma_start3A_535] : memref<10368x32xf32, #tpu.memory_space<vmem_shared>> -> memref<640x32xf32, #tpu.memory_space<vmem_shared>>
      tpu.enqueue_dma source(%arg10 : memref<640x32xf32, #tpu.memory_space<vmem>>) target(%dma_start3A_536 : memref<640x32xf32, #tpu.memory_space<vmem_shared>>) target_semaphore(%run_scoped3A_532 : memref<!tpu.dma_semaphore, #tpu.memory_space<semaphore_mem>>)
      %dma_wait3A_537 = arith.constant 0 : i32
      %dma_wait3A_538 = tpu.memref_slice %arg13[%mul3A_0, %dma_wait3A_537] : memref<10368x32xf32, #tpu.memory_space<vmem_shared>> -> memref<640x32xf32, #tpu.memory_space<vmem_shared>>
      %dma_wait3A_539 = arith.constant 0 : i32
      %dma_wait3A_540 = tpu.memref_slice %arg13[%mul3A_0, %dma_wait3A_539] : memref<10368x32xf32, #tpu.memory_space<vmem_shared>> -> memref<640x32xf32, #tpu.memory_space<vmem_shared>>
      tpu.wait_dma2 semaphore(%run_scoped3A_532 : memref<!tpu.dma_semaphore, #tpu.memory_space<semaphore_mem>>) src(%arg10 : memref<640x32xf32, #tpu.memory_space<vmem>>) dst(%dma_wait3A_540 : memref<640x32xf32, #tpu.memory_space<vmem_shared>>)
      tpu.yield
    }) : () -> ()
    %scan3A_201 = arith.constant 0 : i32
    %scan3A_202 = arith.constant 0 : i32
    %scan3A_203 = arith.constant 640 : i32
    %scan3A_204 = arith.addi %scan3A_202, %scan3A_203 : i32
    %scan3A_205 = arith.constant 1 : i32
    %scan3A_206 = scf.for %scan3A_532 = %scan3A_202 to %scan3A_204 step %scan3A_205 iter_args(%scan3A_533 = %scan3A_201) -> (i32)  : i32 {
      %broadcast_in_dim3A = arith.constant 0.000000e+00 : f32
      %broadcast_in_dim3A_534 = vector.broadcast %broadcast_in_dim3A : f32 to vector<16xf32>
      %swap3A = arith.index_cast %scan3A_532 : i32 to index
      %swap3A_535 = arith.constant 0 : index
      %swap3A_536 = tpu.vector_load %arg10[%swap3A, %swap3A_535] {strides = array<i32>} : memref<640x32xf32, #tpu.memory_space<vmem>>, vector<16xf32>,
      tpu.vector_store %arg10[%swap3A, %swap3A_535], %broadcast_in_dim3A_534 {strides = array<i32>} : memref<640x32xf32, #tpu.memory_space<vmem>>, vector<16xf32>,
      %broadcast_in_dim3A_537 = arith.constant 0.000000e+00 : f32
      %broadcast_in_dim3A_538 = vector.broadcast %broadcast_in_dim3A_537 : f32 to vector<16xf32>
      %swap3A_539 = arith.index_cast %scan3A_532 : i32 to index
      %swap3A_540 = arith.constant 16 : index
      %swap3A_541 = tpu.vector_load %arg10[%swap3A_539, %swap3A_540] {strides = array<i32>} : memref<640x32xf32, #tpu.memory_space<vmem>>, vector<16xf32>,
      tpu.vector_store %arg10[%swap3A_539, %swap3A_540], %broadcast_in_dim3A_538 {strides = array<i32>} : memref<640x32xf32, #tpu.memory_space<vmem>>, vector<16xf32>,
      %scan3A_542 = arith.constant 0 : i32
      scf.yield %scan3A_542 : i32
    }
    %scan3A_207 = arith.constant 640 : i32
    "tpu.region"() ({
      %run_scoped3A_532 = tpu.sem_alloc : memref<!tpu.dma_semaphore, #tpu.memory_space<semaphore_mem>>
      %dma_start3A_533 = arith.constant 0 : i32
      %dma_start3A_534 = tpu.memref_slice %arg12[%mul3A_0, %dma_start3A_533] : memref<10368x32xf32, #tpu.memory_space<vmem_shared>> -> memref<640x32xf32, #tpu.memory_space<vmem_shared>>
      %dma_start3A_535 = arith.constant 0 : i32
      %dma_start3A_536 = tpu.memref_slice %arg12[%mul3A_0, %dma_start3A_535] : memref<10368x32xf32, #tpu.memory_space<vmem_shared>> -> memref<640x32xf32, #tpu.memory_space<vmem_shared>>
      tpu.enqueue_dma source(%arg10 : memref<640x32xf32, #tpu.memory_space<vmem>>) target(%dma_start3A_536 : memref<640x32xf32, #tpu.memory_space<vmem_shared>>) target_semaphore(%run_scoped3A_532 : memref<!tpu.dma_semaphore, #tpu.memory_space<semaphore_mem>>)
      %dma_wait3A_537 = arith.constant 0 : i32
      %dma_wait3A_538 = tpu.memref_slice %arg12[%mul3A_0, %dma_wait3A_537] : memref<10368x32xf32, #tpu.memory_space<vmem_shared>> -> memref<640x32xf32, #tpu.memory_space<vmem_shared>>
      %dma_wait3A_539 = arith.constant 0 : i32
      %dma_wait3A_540 = tpu.memref_slice %arg12[%mul3A_0, %dma_wait3A_539] : memref<10368x32xf32, #tpu.memory_space<vmem_shared>> -> memref<640x32xf32, #tpu.memory_space<vmem_shared>>
      tpu.wait_dma2 semaphore(%run_scoped3A_532 : memref<!tpu.dma_semaphore, #tpu.memory_space<semaphore_mem>>) src(%arg10 : memref<640x32xf32, #tpu.memory_space<vmem>>) dst(%dma_wait3A_540 : memref<640x32xf32, #tpu.memory_space<vmem_shared>>)
      tpu.yield
    }) : () -> ()
    %barrier3A_208 = arith.constant 0 : index
    tpu.barrier barrier_id(%barrier3A_208)
    %dma_start3A_209 = arith.constant 0 : i32
    %dma_start3A_210 = arith.constant 0 : i32
    %dma_start3A_211 = arith.constant 0 : i32
    %dma_start3A_212 = arith.constant 0 : i32
    %dma_start3A_213 = arith.constant 0 : i32
    %dma_start3A_214 = tpu.memref_slice %arg9[%dma_start3A_210, %dma_start3A_212, %dma_start3A_213] : memref<2x128x32xf32, #tpu.memory_space<vmem>> -> memref<1x128x32xf32, #tpu.memory_space<vmem>>
    %dma_start3A_215 = tpu.memref_squeeze %dma_start3A_214 : memref<1x128x32xf32, #tpu.memory_space<vmem>> -> memref<128x32xf32, #tpu.memory_space<vmem>>
    %dma_start3A_216 = arith.constant 0 : i32
    %dma_start3A_217 = tpu.memref_slice %arg7[%dma_start3A_209, %dma_start3A_216] : memref<158x128xi32, #tpu.memory_space<vmem>> -> memref<1x128xi32, #tpu.memory_space<vmem>>
    %dma_start3A_218 = tpu.memref_squeeze %dma_start3A_217 : memref<1x128xi32, #tpu.memory_space<vmem>> -> memref<128xi32, #tpu.memory_space<vmem>>
    %dma_start3A_219 = arith.constant 0 : i32
    %dma_start3A_220 = arith.constant 0 : i32
    %dma_start3A_221 = tpu.memref_slice %arg13[%dma_start3A_219, %dma_start3A_220] : memref<10368x32xf32, #tpu.memory_space<vmem_shared>> -> memref<10368x32xf32, #tpu.memory_space<vmem_shared>>
    %dma_start3A_222 = tpu.memref_slice %arg14[%dma_start3A_211] : memref<2x!tpu.dma_semaphore, #tpu.memory_space<semaphore_mem>> -> memref<1x!tpu.dma_semaphore, #tpu.memory_space<semaphore_mem>>
    %dma_start3A_223 = tpu.memref_squeeze %dma_start3A_222 : memref<1x!tpu.dma_semaphore, #tpu.memory_space<semaphore_mem>> -> memref<!tpu.dma_semaphore, #tpu.memory_space<semaphore_mem>>
    tpu.enqueue_indirect_dma source(%dma_start3A_221 : memref<10368x32xf32, #tpu.memory_space<vmem_shared>>) target(%dma_start3A_215 : memref<128x32xf32, #tpu.memory_space<vmem>>) offsets(%dma_start3A_218 : memref<128xi32, #tpu.memory_space<vmem>>) semaphore(%dma_start3A_223 : memref<!tpu.dma_semaphore, #tpu.memory_space<semaphore_mem>>)
    %scan3A_224 = arith.constant 0 : i32
    %scan3A_225 = arith.constant 0 : i32
    %scan3A_226 = arith.constant 79 : i32
    %scan3A_227 = arith.addi %scan3A_225, %scan3A_226 : i32
    %scan3A_228 = arith.constant 1 : i32
    %scan3A_229 = scf.for %scan3A_532 = %scan3A_225 to %scan3A_227 step %scan3A_228 iter_args(%scan3A_533 = %scan3A_224) -> (i32)  : i32 {
      %mul3A_534 = arith.constant 2 : i32
      %mul3A_535 = arith.muli %scan3A_532, %mul3A_534 : i32
      %add3A = arith.constant 0 : i32
      %add3A_536 = arith.addi %mul3A_535, %add3A : i32
      %ge3A = arith.constant 1 : i32
      %ge3A_537 = arith.cmpi sge, %add3A_536, %ge3A : i32
      %convert_element_type3A = arith.extui %ge3A_537 : i1 to i32
      %cond3A = arith.constant 0 : i32
      %cond3A_538 = arith.cmpi ne, %convert_element_type3A, %cond3A : i32
      scf.if %cond3A_538 {
        %dma_wait3A_628 = arith.constant 1 : i32
        %dma_wait3A_629 = arith.constant 1 : i32
        %dma_wait3A_630 = arith.constant 0 : i32
        %dma_wait3A_631 = arith.constant 0 : i32
        %dma_wait3A_632 = tpu.memref_slice %arg9[%dma_wait3A_628, %dma_wait3A_630, %dma_wait3A_631] : memref<2x128x32xf32, #tpu.memory_space<vmem>> -> memref<1x128x32xf32, #tpu.memory_space<vmem>>
        %dma_wait3A_633 = tpu.memref_squeeze %dma_wait3A_632 : memref<1x128x32xf32, #tpu.memory_space<vmem>> -> memref<128x32xf32, #tpu.memory_space<vmem>>
        %dma_wait3A_634 = arith.constant 0 : i32
        %dma_wait3A_635 = arith.constant 0 : i32
        %dma_wait3A_636 = tpu.memref_slice %arg2[%arg0, %dma_wait3A_634, %dma_wait3A_635] : memref<2x10240x32xf32, #tpu.memory_space<hbm>> -> memref<1x128x32xf32, #tpu.memory_space<hbm>>
        %dma_wait3A_637 = tpu.memref_squeeze %dma_wait3A_636 : memref<1x128x32xf32, #tpu.memory_space<hbm>> -> memref<128x32xf32, #tpu.memory_space<hbm>>
        %dma_wait3A_638 = tpu.memref_slice %arg15[%dma_wait3A_629] : memref<2x!tpu.dma_semaphore, #tpu.memory_space<semaphore_mem>> -> memref<1x!tpu.dma_semaphore, #tpu.memory_space<semaphore_mem>>
        %dma_wait3A_639 = tpu.memref_squeeze %dma_wait3A_638 : memref<1x!tpu.dma_semaphore, #tpu.memory_space<semaphore_mem>> -> memref<!tpu.dma_semaphore, #tpu.memory_space<semaphore_mem>>
        %dma_wait3A_640 = arith.constant 0 : i32
        %dma_wait3A_641 = arith.constant 0 : i32
        %dma_wait3A_642 = tpu.memref_slice %arg9[%dma_wait3A_628, %dma_wait3A_640, %dma_wait3A_641] : memref<2x128x32xf32, #tpu.memory_space<vmem>> -> memref<1x128x32xf32, #tpu.memory_space<vmem>>
        %dma_wait3A_643 = tpu.memref_squeeze %dma_wait3A_642 : memref<1x128x32xf32, #tpu.memory_space<vmem>> -> memref<128x32xf32, #tpu.memory_space<vmem>>
        %dma_wait3A_644 = arith.constant 0 : i32
        %dma_wait3A_645 = arith.constant 0 : i32
        %dma_wait3A_646 = tpu.memref_slice %arg2[%arg0, %dma_wait3A_644, %dma_wait3A_645] : memref<2x10240x32xf32, #tpu.memory_space<hbm>> -> memref<1x128x32xf32, #tpu.memory_space<hbm>>
        %dma_wait3A_647 = tpu.memref_squeeze %dma_wait3A_646 : memref<1x128x32xf32, #tpu.memory_space<hbm>> -> memref<128x32xf32, #tpu.memory_space<hbm>>
        tpu.wait_dma2 semaphore(%dma_wait3A_639 : memref<!tpu.dma_semaphore, #tpu.memory_space<semaphore_mem>>) src(%dma_wait3A_647 : memref<128x32xf32, #tpu.memory_space<hbm>>) dst(%dma_wait3A_643 : memref<128x32xf32, #tpu.memory_space<vmem>>)
      } else {
      }
      %add3A_539 = arith.constant 1 : i32
      %add3A_540 = arith.addi %add3A_536, %add3A_539 : i32
      %lt3A = arith.constant 158 : i32
      %lt3A_541 = arith.cmpi slt, %add3A_540, %lt3A : i32
      %convert_element_type3A_542 = arith.extui %lt3A_541 : i1 to i32
      %cond3A_543 = arith.constant 0 : i32
      %cond3A_544 = arith.cmpi ne, %convert_element_type3A_542, %cond3A_543 : i32
      scf.if %cond3A_544 {
        %add3A_628 = arith.constant 1 : i32
        %add3A_629 = arith.addi %add3A_536, %add3A_628 : i32
        %dma_start3A_630 = arith.constant 1 : i32
        %dma_start3A_631 = arith.constant 1 : i32
        %dma_start3A_632 = arith.constant 0 : i32
        %dma_start3A_633 = arith.constant 0 : i32
        %dma_start3A_634 = tpu.memref_slice %arg9[%dma_start3A_630, %dma_start3A_632, %dma_start3A_633] : memref<2x128x32xf32, #tpu.memory_space<vmem>> -> memref<1x128x32xf32, #tpu.memory_space<vmem>>
        %dma_start3A_635 = tpu.memref_squeeze %dma_start3A_634 : memref<1x128x32xf32, #tpu.memory_space<vmem>> -> memref<128x32xf32, #tpu.memory_space<vmem>>
        %dma_start3A_636 = arith.constant 0 : i32
        %dma_start3A_637 = tpu.memref_slice %arg7[%add3A_629, %dma_start3A_636] : memref<158x128xi32, #tpu.memory_space<vmem>> -> memref<1x128xi32, #tpu.memory_space<vmem>>
        %dma_start3A_638 = tpu.memref_squeeze %dma_start3A_637 : memref<1x128xi32, #tpu.memory_space<vmem>> -> memref<128xi32, #tpu.memory_space<vmem>>
        %dma_start3A_639 = arith.constant 0 : i32
        %dma_start3A_640 = arith.constant 0 : i32
        %dma_start3A_641 = tpu.memref_slice %arg13[%dma_start3A_639, %dma_start3A_640] : memref<10368x32xf32, #tpu.memory_space<vmem_shared>> -> memref<10368x32xf32, #tpu.memory_space<vmem_shared>>
        %dma_start3A_642 = tpu.memref_slice %arg14[%dma_start3A_631] : memref<2x!tpu.dma_semaphore, #tpu.memory_space<semaphore_mem>> -> memref<1x!tpu.dma_semaphore, #tpu.memory_space<semaphore_mem>>
        %dma_start3A_643 = tpu.memref_squeeze %dma_start3A_642 : memref<1x!tpu.dma_semaphore, #tpu.memory_space<semaphore_mem>> -> memref<!tpu.dma_semaphore, #tpu.memory_space<semaphore_mem>>
        tpu.enqueue_indirect_dma source(%dma_start3A_641 : memref<10368x32xf32, #tpu.memory_space<vmem_shared>>) target(%dma_start3A_635 : memref<128x32xf32, #tpu.memory_space<vmem>>) offsets(%dma_start3A_638 : memref<128xi32, #tpu.memory_space<vmem>>) semaphore(%dma_start3A_643 : memref<!tpu.dma_semaphore, #tpu.memory_space<semaphore_mem>>)
      } else {
      }
      %dma_wait3A_545 = arith.constant 0 : i32
      %dma_wait3A_546 = arith.constant 0 : i32
      %dma_wait3A_547 = arith.constant 0 : i32
      %dma_wait3A_548 = arith.constant 0 : i32
      %dma_wait3A_549 = tpu.memref_slice %arg9[%dma_wait3A_545, %dma_wait3A_547, %dma_wait3A_548] : memref<2x128x32xf32, #tpu.memory_space<vmem>> -> memref<1x128x32xf32, #tpu.memory_space<vmem>>
      %dma_wait3A_550 = tpu.memref_squeeze %dma_wait3A_549 : memref<1x128x32xf32, #tpu.memory_space<vmem>> -> memref<128x32xf32, #tpu.memory_space<vmem>>
      %dma_wait3A_551 = arith.constant 0 : i32
      %dma_wait3A_552 = arith.constant 0 : i32
      %dma_wait3A_553 = tpu.memref_slice %arg2[%arg0, %dma_wait3A_551, %dma_wait3A_552] : memref<2x10240x32xf32, #tpu.memory_space<hbm>> -> memref<1x128x32xf32, #tpu.memory_space<hbm>>
      %dma_wait3A_554 = tpu.memref_squeeze %dma_wait3A_553 : memref<1x128x32xf32, #tpu.memory_space<hbm>> -> memref<128x32xf32, #tpu.memory_space<hbm>>
      %dma_wait3A_555 = tpu.memref_slice %arg14[%dma_wait3A_546] : memref<2x!tpu.dma_semaphore, #tpu.memory_space<semaphore_mem>> -> memref<1x!tpu.dma_semaphore, #tpu.memory_space<semaphore_mem>>
      %dma_wait3A_556 = tpu.memref_squeeze %dma_wait3A_555 : memref<1x!tpu.dma_semaphore, #tpu.memory_space<semaphore_mem>> -> memref<!tpu.dma_semaphore, #tpu.memory_space<semaphore_mem>>
      %dma_wait3A_557 = arith.constant 0 : i32
      %dma_wait3A_558 = arith.constant 0 : i32
      %dma_wait3A_559 = tpu.memref_slice %arg9[%dma_wait3A_545, %dma_wait3A_557, %dma_wait3A_558] : memref<2x128x32xf32, #tpu.memory_space<vmem>> -> memref<1x128x32xf32, #tpu.memory_space<vmem>>
      %dma_wait3A_560 = tpu.memref_squeeze %dma_wait3A_559 : memref<1x128x32xf32, #tpu.memory_space<vmem>> -> memref<128x32xf32, #tpu.memory_space<vmem>>
      %dma_wait3A_561 = arith.constant 0 : i32
      %dma_wait3A_562 = arith.constant 0 : i32
      %dma_wait3A_563 = tpu.memref_slice %arg2[%arg0, %dma_wait3A_561, %dma_wait3A_562] : memref<2x10240x32xf32, #tpu.memory_space<hbm>> -> memref<1x128x32xf32, #tpu.memory_space<hbm>>
      %dma_wait3A_564 = tpu.memref_squeeze %dma_wait3A_563 : memref<1x128x32xf32, #tpu.memory_space<hbm>> -> memref<128x32xf32, #tpu.memory_space<hbm>>
      tpu.wait_dma2 semaphore(%dma_wait3A_556 : memref<!tpu.dma_semaphore, #tpu.memory_space<semaphore_mem>>) src(%dma_wait3A_564 : memref<128x32xf32, #tpu.memory_space<hbm>>) dst(%dma_wait3A_560 : memref<128x32xf32, #tpu.memory_space<vmem>>)
      %dma_start3A_565 = arith.constant 0 : i32
      %dma_start3A_566 = arith.constant 0 : i32
      %dma_start3A_567 = arith.constant 0 : i32
      %dma_start3A_568 = arith.constant 0 : i32
      %dma_start3A_569 = tpu.memref_slice %arg9[%dma_start3A_565, %dma_start3A_567, %dma_start3A_568] : memref<2x128x32xf32, #tpu.memory_space<vmem>> -> memref<1x128x32xf32, #tpu.memory_space<vmem>>
      %dma_start3A_570 = tpu.memref_squeeze %dma_start3A_569 : memref<1x128x32xf32, #tpu.memory_space<vmem>> -> memref<128x32xf32, #tpu.memory_space<vmem>>
      %dma_start3A_571 = arith.constant 0 : i32
      %dma_start3A_572 = tpu.memref_slice %arg8[%add3A_536, %dma_start3A_571] : memref<158x128xi32, #tpu.memory_space<vmem>> -> memref<1x128xi32, #tpu.memory_space<vmem>>
      %dma_start3A_573 = tpu.memref_squeeze %dma_start3A_572 : memref<1x128xi32, #tpu.memory_space<vmem>> -> memref<128xi32, #tpu.memory_space<vmem>>
      %dma_start3A_574 = arith.constant 0 : i32
      %dma_start3A_575 = arith.constant 0 : i32
      %dma_start3A_576 = tpu.memref_slice %arg12[%dma_start3A_574, %dma_start3A_575] : memref<10368x32xf32, #tpu.memory_space<vmem_shared>> -> memref<10368x32xf32, #tpu.memory_space<vmem_shared>>
      %dma_start3A_577 = tpu.memref_slice %arg15[%dma_start3A_566] : memref<2x!tpu.dma_semaphore, #tpu.memory_space<semaphore_mem>> -> memref<1x!tpu.dma_semaphore, #tpu.memory_space<semaphore_mem>>
      %dma_start3A_578 = tpu.memref_squeeze %dma_start3A_577 : memref<1x!tpu.dma_semaphore, #tpu.memory_space<semaphore_mem>> -> memref<!tpu.dma_semaphore, #tpu.memory_space<semaphore_mem>>
      tpu.enqueue_indirect_dma source(%dma_start3A_570 : memref<128x32xf32, #tpu.memory_space<vmem>>) target(%dma_start3A_576 : memref<10368x32xf32, #tpu.memory_space<vmem_shared>>) offsets(%dma_start3A_573 : memref<128xi32, #tpu.memory_space<vmem>>) semaphore(%dma_start3A_578 : memref<!tpu.dma_semaphore, #tpu.memory_space<semaphore_mem>>) {add = true}
      %add3A_579 = arith.constant 1 : i32
      %add3A_580 = arith.addi %mul3A_535, %add3A_579 : i32
      %ge3A_581 = arith.constant 1 : i32
      %ge3A_582 = arith.cmpi sge, %add3A_580, %ge3A_581 : i32
      %convert_element_type3A_583 = arith.extui %ge3A_582 : i1 to i32
      %cond3A_584 = arith.constant 0 : i32
      %cond3A_585 = arith.cmpi ne, %convert_element_type3A_583, %cond3A_584 : i32
      scf.if %cond3A_585 {
        %dma_wait3A_628 = arith.constant 0 : i32
        %dma_wait3A_629 = arith.constant 0 : i32
        %dma_wait3A_630 = arith.constant 0 : i32
        %dma_wait3A_631 = arith.constant 0 : i32
        %dma_wait3A_632 = tpu.memref_slice %arg9[%dma_wait3A_628, %dma_wait3A_630, %dma_wait3A_631] : memref<2x128x32xf32, #tpu.memory_space<vmem>> -> memref<1x128x32xf32, #tpu.memory_space<vmem>>
        %dma_wait3A_633 = tpu.memref_squeeze %dma_wait3A_632 : memref<1x128x32xf32, #tpu.memory_space<vmem>> -> memref<128x32xf32, #tpu.memory_space<vmem>>
        %dma_wait3A_634 = arith.constant 0 : i32
        %dma_wait3A_635 = arith.constant 0 : i32
        %dma_wait3A_636 = tpu.memref_slice %arg2[%arg0, %dma_wait3A_634, %dma_wait3A_635] : memref<2x10240x32xf32, #tpu.memory_space<hbm>> -> memref<1x128x32xf32, #tpu.memory_space<hbm>>
        %dma_wait3A_637 = tpu.memref_squeeze %dma_wait3A_636 : memref<1x128x32xf32, #tpu.memory_space<hbm>> -> memref<128x32xf32, #tpu.memory_space<hbm>>
        %dma_wait3A_638 = tpu.memref_slice %arg15[%dma_wait3A_629] : memref<2x!tpu.dma_semaphore, #tpu.memory_space<semaphore_mem>> -> memref<1x!tpu.dma_semaphore, #tpu.memory_space<semaphore_mem>>
        %dma_wait3A_639 = tpu.memref_squeeze %dma_wait3A_638 : memref<1x!tpu.dma_semaphore, #tpu.memory_space<semaphore_mem>> -> memref<!tpu.dma_semaphore, #tpu.memory_space<semaphore_mem>>
        %dma_wait3A_640 = arith.constant 0 : i32
        %dma_wait3A_641 = arith.constant 0 : i32
        %dma_wait3A_642 = tpu.memref_slice %arg9[%dma_wait3A_628, %dma_wait3A_640, %dma_wait3A_641] : memref<2x128x32xf32, #tpu.memory_space<vmem>> -> memref<1x128x32xf32, #tpu.memory_space<vmem>>
        %dma_wait3A_643 = tpu.memref_squeeze %dma_wait3A_642 : memref<1x128x32xf32, #tpu.memory_space<vmem>> -> memref<128x32xf32, #tpu.memory_space<vmem>>
        %dma_wait3A_644 = arith.constant 0 : i32
        %dma_wait3A_645 = arith.constant 0 : i32
        %dma_wait3A_646 = tpu.memref_slice %arg2[%arg0, %dma_wait3A_644, %dma_wait3A_645] : memref<2x10240x32xf32, #tpu.memory_space<hbm>> -> memref<1x128x32xf32, #tpu.memory_space<hbm>>
        %dma_wait3A_647 = tpu.memref_squeeze %dma_wait3A_646 : memref<1x128x32xf32, #tpu.memory_space<hbm>> -> memref<128x32xf32, #tpu.memory_space<hbm>>
        tpu.wait_dma2 semaphore(%dma_wait3A_639 : memref<!tpu.dma_semaphore, #tpu.memory_space<semaphore_mem>>) src(%dma_wait3A_647 : memref<128x32xf32, #tpu.memory_space<hbm>>) dst(%dma_wait3A_643 : memref<128x32xf32, #tpu.memory_space<vmem>>)
      } else {
      }
      %add3A_586 = arith.constant 1 : i32
      %add3A_587 = arith.addi %add3A_580, %add3A_586 : i32
      %lt3A_588 = arith.constant 158 : i32
      %lt3A_589 = arith.cmpi slt, %add3A_587, %lt3A_588 : i32
      %convert_element_type3A_590 = arith.extui %lt3A_589 : i1 to i32
      %cond3A_591 = arith.constant 0 : i32
      %cond3A_592 = arith.cmpi ne, %convert_element_type3A_590, %cond3A_591 : i32
      scf.if %cond3A_592 {
        %add3A_628 = arith.constant 1 : i32
        %add3A_629 = arith.addi %add3A_580, %add3A_628 : i32
        %dma_start3A_630 = arith.constant 0 : i32
        %dma_start3A_631 = arith.constant 0 : i32
        %dma_start3A_632 = arith.constant 0 : i32
        %dma_start3A_633 = arith.constant 0 : i32
        %dma_start3A_634 = tpu.memref_slice %arg9[%dma_start3A_630, %dma_start3A_632, %dma_start3A_633] : memref<2x128x32xf32, #tpu.memory_space<vmem>> -> memref<1x128x32xf32, #tpu.memory_space<vmem>>
        %dma_start3A_635 = tpu.memref_squeeze %dma_start3A_634 : memref<1x128x32xf32, #tpu.memory_space<vmem>> -> memref<128x32xf32, #tpu.memory_space<vmem>>
        %dma_start3A_636 = arith.constant 0 : i32
        %dma_start3A_637 = tpu.memref_slice %arg7[%add3A_629, %dma_start3A_636] : memref<158x128xi32, #tpu.memory_space<vmem>> -> memref<1x128xi32, #tpu.memory_space<vmem>>
        %dma_start3A_638 = tpu.memref_squeeze %dma_start3A_637 : memref<1x128xi32, #tpu.memory_space<vmem>> -> memref<128xi32, #tpu.memory_space<vmem>>
        %dma_start3A_639 = arith.constant 0 : i32
        %dma_start3A_640 = arith.constant 0 : i32
        %dma_start3A_641 = tpu.memref_slice %arg13[%dma_start3A_639, %dma_start3A_640] : memref<10368x32xf32, #tpu.memory_space<vmem_shared>> -> memref<10368x32xf32, #tpu.memory_space<vmem_shared>>
        %dma_start3A_642 = tpu.memref_slice %arg14[%dma_start3A_631] : memref<2x!tpu.dma_semaphore, #tpu.memory_space<semaphore_mem>> -> memref<1x!tpu.dma_semaphore, #tpu.memory_space<semaphore_mem>>
        %dma_start3A_643 = tpu.memref_squeeze %dma_start3A_642 : memref<1x!tpu.dma_semaphore, #tpu.memory_space<semaphore_mem>> -> memref<!tpu.dma_semaphore, #tpu.memory_space<semaphore_mem>>
        tpu.enqueue_indirect_dma source(%dma_start3A_641 : memref<10368x32xf32, #tpu.memory_space<vmem_shared>>) target(%dma_start3A_635 : memref<128x32xf32, #tpu.memory_space<vmem>>) offsets(%dma_start3A_638 : memref<128xi32, #tpu.memory_space<vmem>>) semaphore(%dma_start3A_643 : memref<!tpu.dma_semaphore, #tpu.memory_space<semaphore_mem>>)
      } else {
      }
      %dma_wait3A_593 = arith.constant 1 : i32
      %dma_wait3A_594 = arith.constant 1 : i32
      %dma_wait3A_595 = arith.constant 0 : i32
      %dma_wait3A_596 = arith.constant 0 : i32
      %dma_wait3A_597 = tpu.memref_slice %arg9[%dma_wait3A_593, %dma_wait3A_595, %dma_wait3A_596] : memref<2x128x32xf32, #tpu.memory_space<vmem>> -> memref<1x128x32xf32, #tpu.memory_space<vmem>>
      %dma_wait3A_598 = tpu.memref_squeeze %dma_wait3A_597 : memref<1x128x32xf32, #tpu.memory_space<vmem>> -> memref<128x32xf32, #tpu.memory_space<vmem>>
      %dma_wait3A_599 = arith.constant 0 : i32
      %dma_wait3A_600 = arith.constant 0 : i32
      %dma_wait3A_601 = tpu.memref_slice %arg2[%arg0, %dma_wait3A_599, %dma_wait3A_600] : memref<2x10240x32xf32, #tpu.memory_space<hbm>> -> memref<1x128x32xf32, #tpu.memory_space<hbm>>
      %dma_wait3A_602 = tpu.memref_squeeze %dma_wait3A_601 : memref<1x128x32xf32, #tpu.memory_space<hbm>> -> memref<128x32xf32, #tpu.memory_space<hbm>>
      %dma_wait3A_603 = tpu.memref_slice %arg14[%dma_wait3A_594] : memref<2x!tpu.dma_semaphore, #tpu.memory_space<semaphore_mem>> -> memref<1x!tpu.dma_semaphore, #tpu.memory_space<semaphore_mem>>
      %dma_wait3A_604 = tpu.memref_squeeze %dma_wait3A_603 : memref<1x!tpu.dma_semaphore, #tpu.memory_space<semaphore_mem>> -> memref<!tpu.dma_semaphore, #tpu.memory_space<semaphore_mem>>
      %dma_wait3A_605 = arith.constant 0 : i32
      %dma_wait3A_606 = arith.constant 0 : i32
      %dma_wait3A_607 = tpu.memref_slice %arg9[%dma_wait3A_593, %dma_wait3A_605, %dma_wait3A_606] : memref<2x128x32xf32, #tpu.memory_space<vmem>> -> memref<1x128x32xf32, #tpu.memory_space<vmem>>
      %dma_wait3A_608 = tpu.memref_squeeze %dma_wait3A_607 : memref<1x128x32xf32, #tpu.memory_space<vmem>> -> memref<128x32xf32, #tpu.memory_space<vmem>>
      %dma_wait3A_609 = arith.constant 0 : i32
      %dma_wait3A_610 = arith.constant 0 : i32
      %dma_wait3A_611 = tpu.memref_slice %arg2[%arg0, %dma_wait3A_609, %dma_wait3A_610] : memref<2x10240x32xf32, #tpu.memory_space<hbm>> -> memref<1x128x32xf32, #tpu.memory_space<hbm>>
      %dma_wait3A_612 = tpu.memref_squeeze %dma_wait3A_611 : memref<1x128x32xf32, #tpu.memory_space<hbm>> -> memref<128x32xf32, #tpu.memory_space<hbm>>
      tpu.wait_dma2 semaphore(%dma_wait3A_604 : memref<!tpu.dma_semaphore, #tpu.memory_space<semaphore_mem>>) src(%dma_wait3A_612 : memref<128x32xf32, #tpu.memory_space<hbm>>) dst(%dma_wait3A_608 : memref<128x32xf32, #tpu.memory_space<vmem>>)
      %dma_start3A_613 = arith.constant 1 : i32
      %dma_start3A_614 = arith.constant 1 : i32
      %dma_start3A_615 = arith.constant 0 : i32
      %dma_start3A_616 = arith.constant 0 : i32
      %dma_start3A_617 = tpu.memref_slice %arg9[%dma_start3A_613, %dma_start3A_615, %dma_start3A_616] : memref<2x128x32xf32, #tpu.memory_space<vmem>> -> memref<1x128x32xf32, #tpu.memory_space<vmem>>
      %dma_start3A_618 = tpu.memref_squeeze %dma_start3A_617 : memref<1x128x32xf32, #tpu.memory_space<vmem>> -> memref<128x32xf32, #tpu.memory_space<vmem>>
      %dma_start3A_619 = arith.constant 0 : i32
      %dma_start3A_620 = tpu.memref_slice %arg8[%add3A_580, %dma_start3A_619] : memref<158x128xi32, #tpu.memory_space<vmem>> -> memref<1x128xi32, #tpu.memory_space<vmem>>
      %dma_start3A_621 = tpu.memref_squeeze %dma_start3A_620 : memref<1x128xi32, #tpu.memory_space<vmem>> -> memref<128xi32, #tpu.memory_space<vmem>>
      %dma_start3A_622 = arith.constant 0 : i32
      %dma_start3A_623 = arith.constant 0 : i32
      %dma_start3A_624 = tpu.memref_slice %arg12[%dma_start3A_622, %dma_start3A_623] : memref<10368x32xf32, #tpu.memory_space<vmem_shared>> -> memref<10368x32xf32, #tpu.memory_space<vmem_shared>>
      %dma_start3A_625 = tpu.memref_slice %arg15[%dma_start3A_614] : memref<2x!tpu.dma_semaphore, #tpu.memory_space<semaphore_mem>> -> memref<1x!tpu.dma_semaphore, #tpu.memory_space<semaphore_mem>>
      %dma_start3A_626 = tpu.memref_squeeze %dma_start3A_625 : memref<1x!tpu.dma_semaphore, #tpu.memory_space<semaphore_mem>> -> memref<!tpu.dma_semaphore, #tpu.memory_space<semaphore_mem>>
      tpu.enqueue_indirect_dma source(%dma_start3A_618 : memref<128x32xf32, #tpu.memory_space<vmem>>) target(%dma_start3A_624 : memref<10368x32xf32, #tpu.memory_space<vmem_shared>>) offsets(%dma_start3A_621 : memref<128xi32, #tpu.memory_space<vmem>>) semaphore(%dma_start3A_626 : memref<!tpu.dma_semaphore, #tpu.memory_space<semaphore_mem>>) {add = true}
      %scan3A_627 = arith.constant 0 : i32
      scf.yield %scan3A_627 : i32
    }
    %scan3A_230 = arith.constant 79 : i32
    %dma_wait3A_231 = arith.constant 1 : i32
    %dma_wait3A_232 = arith.constant 1 : i32
    %dma_wait3A_233 = arith.constant 0 : i32
    %dma_wait3A_234 = arith.constant 0 : i32
    %dma_wait3A_235 = tpu.memref_slice %arg9[%dma_wait3A_231, %dma_wait3A_233, %dma_wait3A_234] : memref<2x128x32xf32, #tpu.memory_space<vmem>> -> memref<1x128x32xf32, #tpu.memory_space<vmem>>
    %dma_wait3A_236 = tpu.memref_squeeze %dma_wait3A_235 : memref<1x128x32xf32, #tpu.memory_space<vmem>> -> memref<128x32xf32, #tpu.memory_space<vmem>>
    %dma_wait3A_237 = arith.constant 0 : i32
    %dma_wait3A_238 = arith.constant 0 : i32
    %dma_wait3A_239 = tpu.memref_slice %arg2[%arg0, %dma_wait3A_237, %dma_wait3A_238] : memref<2x10240x32xf32, #tpu.memory_space<hbm>> -> memref<1x128x32xf32, #tpu.memory_space<hbm>>
    %dma_wait3A_240 = tpu.memref_squeeze %dma_wait3A_239 : memref<1x128x32xf32, #tpu.memory_space<hbm>> -> memref<128x32xf32, #tpu.memory_space<hbm>>
    %dma_wait3A_241 = tpu.memref_slice %arg15[%dma_wait3A_232] : memref<2x!tpu.dma_semaphore, #tpu.memory_space<semaphore_mem>> -> memref<1x!tpu.dma_semaphore, #tpu.memory_space<semaphore_mem>>
    %dma_wait3A_242 = tpu.memref_squeeze %dma_wait3A_241 : memref<1x!tpu.dma_semaphore, #tpu.memory_space<semaphore_mem>> -> memref<!tpu.dma_semaphore, #tpu.memory_space<semaphore_mem>>
    %dma_wait3A_243 = arith.constant 0 : i32
    %dma_wait3A_244 = arith.constant 0 : i32
    %dma_wait3A_245 = tpu.memref_slice %arg9[%dma_wait3A_231, %dma_wait3A_243, %dma_wait3A_244] : memref<2x128x32xf32, #tpu.memory_space<vmem>> -> memref<1x128x32xf32, #tpu.memory_space<vmem>>
    %dma_wait3A_246 = tpu.memref_squeeze %dma_wait3A_245 : memref<1x128x32xf32, #tpu.memory_space<vmem>> -> memref<128x32xf32, #tpu.memory_space<vmem>>
    %dma_wait3A_247 = arith.constant 0 : i32
    %dma_wait3A_248 = arith.constant 0 : i32
    %dma_wait3A_249 = tpu.memref_slice %arg2[%arg0, %dma_wait3A_247, %dma_wait3A_248] : memref<2x10240x32xf32, #tpu.memory_space<hbm>> -> memref<1x128x32xf32, #tpu.memory_space<hbm>>
    %dma_wait3A_250 = tpu.memref_squeeze %dma_wait3A_249 : memref<1x128x32xf32, #tpu.memory_space<hbm>> -> memref<128x32xf32, #tpu.memory_space<hbm>>
    tpu.wait_dma2 semaphore(%dma_wait3A_242 : memref<!tpu.dma_semaphore, #tpu.memory_space<semaphore_mem>>) src(%dma_wait3A_250 : memref<128x32xf32, #tpu.memory_space<hbm>>) dst(%dma_wait3A_246 : memref<128x32xf32, #tpu.memory_space<vmem>>)
    %barrier3A_251 = arith.constant 0 : index
    tpu.barrier barrier_id(%barrier3A_251)
    "tpu.region"() ({
      %run_scoped3A_532 = tpu.sem_alloc : memref<!tpu.dma_semaphore, #tpu.memory_space<semaphore_mem>>
      %dma_start3A_533 = arith.constant 0 : i32
      %dma_start3A_534 = tpu.memref_slice %arg12[%mul3A_0, %dma_start3A_533] : memref<10368x32xf32, #tpu.memory_space<vmem_shared>> -> memref<640x32xf32, #tpu.memory_space<vmem_shared>>
      %dma_start3A_535 = arith.constant 0 : i32
      %dma_start3A_536 = tpu.memref_slice %arg12[%mul3A_0, %dma_start3A_535] : memref<10368x32xf32, #tpu.memory_space<vmem_shared>> -> memref<640x32xf32, #tpu.memory_space<vmem_shared>>
      tpu.enqueue_dma source(%dma_start3A_536 : memref<640x32xf32, #tpu.memory_space<vmem_shared>>) target(%arg10 : memref<640x32xf32, #tpu.memory_space<vmem>>) target_semaphore(%run_scoped3A_532 : memref<!tpu.dma_semaphore, #tpu.memory_space<semaphore_mem>>)
      %dma_wait3A_537 = arith.constant 0 : i32
      %dma_wait3A_538 = tpu.memref_slice %arg12[%mul3A_0, %dma_wait3A_537] : memref<10368x32xf32, #tpu.memory_space<vmem_shared>> -> memref<640x32xf32, #tpu.memory_space<vmem_shared>>
      %dma_wait3A_539 = arith.constant 0 : i32
      %dma_wait3A_540 = tpu.memref_slice %arg12[%mul3A_0, %dma_wait3A_539] : memref<10368x32xf32, #tpu.memory_space<vmem_shared>> -> memref<640x32xf32, #tpu.memory_space<vmem_shared>>
      tpu.wait_dma2 semaphore(%run_scoped3A_532 : memref<!tpu.dma_semaphore, #tpu.memory_space<semaphore_mem>>) src(%dma_wait3A_540 : memref<640x32xf32, #tpu.memory_space<vmem_shared>>) dst(%arg10 : memref<640x32xf32, #tpu.memory_space<vmem>>)
      tpu.yield
    }) : () -> ()
    %scan3A_252 = arith.constant 0 : i32
    %scan3A_253 = arith.constant 0 : i32
    %scan3A_254 = arith.constant 640 : i32
    %scan3A_255 = arith.addi %scan3A_253, %scan3A_254 : i32
    %scan3A_256 = arith.constant 1 : i32
    %scan3A_257 = scf.for %scan3A_532 = %scan3A_253 to %scan3A_255 step %scan3A_256 iter_args(%scan3A_533 = %scan3A_252) -> (i32)  : i32 {
      %broadcast_in_dim3A = vector.broadcast %scan3A_532 : i32 to vector<16xi32>
      %gather3A = tpu.vector_load_idx %arg11[%broadcast_in_dim3A] : memref<640xf32, #tpu.memory_space<vmem>>[vector<16xi32>], vector<16xf32>,
      %get3A = arith.index_cast %scan3A_532 : i32 to index
      %get3A_534 = arith.constant 0 : index
      %get3A_535 = tpu.vector_load %arg10[%get3A, %get3A_534] {strides = array<i32>} : memref<640x32xf32, #tpu.memory_space<vmem>>, vector<16xf32>,
      %mul3A_536 = arith.mulf %get3A_535, %gather3A : vector<16xf32>
      %swap3A = arith.index_cast %scan3A_532 : i32 to index
      %swap3A_537 = arith.constant 0 : index
      %swap3A_538 = tpu.vector_load %arg10[%swap3A, %swap3A_537] {strides = array<i32>} : memref<640x32xf32, #tpu.memory_space<vmem>>, vector<16xf32>,
      tpu.vector_store %arg10[%swap3A, %swap3A_537], %mul3A_536 {strides = array<i32>} : memref<640x32xf32, #tpu.memory_space<vmem>>, vector<16xf32>,
      %get3A_539 = arith.index_cast %scan3A_532 : i32 to index
      %get3A_540 = arith.constant 16 : index
      %get3A_541 = tpu.vector_load %arg10[%get3A_539, %get3A_540] {strides = array<i32>} : memref<640x32xf32, #tpu.memory_space<vmem>>, vector<16xf32>,
      %mul3A_542 = arith.mulf %get3A_541, %gather3A : vector<16xf32>
      %swap3A_543 = arith.index_cast %scan3A_532 : i32 to index
      %swap3A_544 = arith.constant 16 : index
      %swap3A_545 = tpu.vector_load %arg10[%swap3A_543, %swap3A_544] {strides = array<i32>} : memref<640x32xf32, #tpu.memory_space<vmem>>, vector<16xf32>,
      tpu.vector_store %arg10[%swap3A_543, %swap3A_544], %mul3A_542 {strides = array<i32>} : memref<640x32xf32, #tpu.memory_space<vmem>>, vector<16xf32>,
      %scan3A_546 = arith.constant 0 : i32
      scf.yield %scan3A_546 : i32
    }
    %scan3A_258 = arith.constant 640 : i32
    %run_scoped3A_259 = arith.constant 3 : i32
    "tpu.region"() ({
      %run_scoped3A_532 = tpu.sem_alloc : memref<!tpu.dma_semaphore, #tpu.memory_space<semaphore_mem>>
      %dma_start3A_533 = arith.constant 0 : i32
      %dma_start3A_534 = tpu.memref_slice %arg6[%run_scoped3A_259, %arg0, %mul3A_0, %dma_start3A_533] : memref<8x2x10240x32xf32, #tpu.memory_space<hbm>> -> memref<1x1x640x32xf32, #tpu.memory_space<hbm>>
      %dma_start3A_535 = tpu.memref_squeeze %dma_start3A_534 : memref<1x1x640x32xf32, #tpu.memory_space<hbm>> -> memref<640x32xf32, #tpu.memory_space<hbm>>
      %dma_start3A_536 = arith.constant 0 : i32
      %dma_start3A_537 = tpu.memref_slice %arg6[%run_scoped3A_259, %arg0, %mul3A_0, %dma_start3A_536] : memref<8x2x10240x32xf32, #tpu.memory_space<hbm>> -> memref<1x1x640x32xf32, #tpu.memory_space<hbm>>
      %dma_start3A_538 = tpu.memref_squeeze %dma_start3A_537 : memref<1x1x640x32xf32, #tpu.memory_space<hbm>> -> memref<640x32xf32, #tpu.memory_space<hbm>>
      tpu.enqueue_dma source(%arg10 : memref<640x32xf32, #tpu.memory_space<vmem>>) target(%dma_start3A_538 : memref<640x32xf32, #tpu.memory_space<hbm>>) target_semaphore(%run_scoped3A_532 : memref<!tpu.dma_semaphore, #tpu.memory_space<semaphore_mem>>)
      %dma_wait3A_539 = arith.constant 0 : i32
      %dma_wait3A_540 = tpu.memref_slice %arg6[%run_scoped3A_259, %arg0, %mul3A_0, %dma_wait3A_539] : memref<8x2x10240x32xf32, #tpu.memory_space<hbm>> -> memref<1x1x640x32xf32, #tpu.memory_space<hbm>>
      %dma_wait3A_541 = tpu.memref_squeeze %dma_wait3A_540 : memref<1x1x640x32xf32, #tpu.memory_space<hbm>> -> memref<640x32xf32, #tpu.memory_space<hbm>>
      %dma_wait3A_542 = arith.constant 0 : i32
      %dma_wait3A_543 = tpu.memref_slice %arg6[%run_scoped3A_259, %arg0, %mul3A_0, %dma_wait3A_542] : memref<8x2x10240x32xf32, #tpu.memory_space<hbm>> -> memref<1x1x640x32xf32, #tpu.memory_space<hbm>>
      %dma_wait3A_544 = tpu.memref_squeeze %dma_wait3A_543 : memref<1x1x640x32xf32, #tpu.memory_space<hbm>> -> memref<640x32xf32, #tpu.memory_space<hbm>>
      tpu.wait_dma2 semaphore(%run_scoped3A_532 : memref<!tpu.dma_semaphore, #tpu.memory_space<semaphore_mem>>) src(%arg10 : memref<640x32xf32, #tpu.memory_space<vmem>>) dst(%dma_wait3A_544 : memref<640x32xf32, #tpu.memory_space<hbm>>)
      tpu.yield
    }) : () -> ()
    %scan3A_260 = arith.constant 0 : i32
    %scan3A_261 = arith.constant 0 : i32
    %scan3A_262 = arith.constant 640 : i32
    %scan3A_263 = arith.addi %scan3A_261, %scan3A_262 : i32
    %scan3A_264 = arith.constant 1 : i32
    %scan3A_265 = scf.for %scan3A_532 = %scan3A_261 to %scan3A_263 step %scan3A_264 iter_args(%scan3A_533 = %scan3A_260) -> (i32)  : i32 {
      %broadcast_in_dim3A = vector.broadcast %scan3A_532 : i32 to vector<16xi32>
      %gather3A = tpu.vector_load_idx %arg11[%broadcast_in_dim3A] : memref<640xf32, #tpu.memory_space<vmem>>[vector<16xi32>], vector<16xf32>,
      %get3A = arith.index_cast %scan3A_532 : i32 to index
      %get3A_534 = arith.constant 0 : index
      %get3A_535 = tpu.vector_load %arg10[%get3A, %get3A_534] {strides = array<i32>} : memref<640x32xf32, #tpu.memory_space<vmem>>, vector<16xf32>,
      %mul3A_536 = arith.mulf %get3A_535, %gather3A : vector<16xf32>
      %swap3A = arith.index_cast %scan3A_532 : i32 to index
      %swap3A_537 = arith.constant 0 : index
      %swap3A_538 = tpu.vector_load %arg10[%swap3A, %swap3A_537] {strides = array<i32>} : memref<640x32xf32, #tpu.memory_space<vmem>>, vector<16xf32>,
      tpu.vector_store %arg10[%swap3A, %swap3A_537], %mul3A_536 {strides = array<i32>} : memref<640x32xf32, #tpu.memory_space<vmem>>, vector<16xf32>,
      %get3A_539 = arith.index_cast %scan3A_532 : i32 to index
      %get3A_540 = arith.constant 16 : index
      %get3A_541 = tpu.vector_load %arg10[%get3A_539, %get3A_540] {strides = array<i32>} : memref<640x32xf32, #tpu.memory_space<vmem>>, vector<16xf32>,
      %mul3A_542 = arith.mulf %get3A_541, %gather3A : vector<16xf32>
      %swap3A_543 = arith.index_cast %scan3A_532 : i32 to index
      %swap3A_544 = arith.constant 16 : index
      %swap3A_545 = tpu.vector_load %arg10[%swap3A_543, %swap3A_544] {strides = array<i32>} : memref<640x32xf32, #tpu.memory_space<vmem>>, vector<16xf32>,
      tpu.vector_store %arg10[%swap3A_543, %swap3A_544], %mul3A_542 {strides = array<i32>} : memref<640x32xf32, #tpu.memory_space<vmem>>, vector<16xf32>,
      %scan3A_546 = arith.constant 0 : i32
      scf.yield %scan3A_546 : i32
    }
    %scan3A_266 = arith.constant 640 : i32
    "tpu.region"() ({
      %run_scoped3A_532 = tpu.sem_alloc : memref<!tpu.dma_semaphore, #tpu.memory_space<semaphore_mem>>
      %dma_start3A_533 = arith.constant 0 : i32
      %dma_start3A_534 = tpu.memref_slice %arg12[%mul3A_0, %dma_start3A_533] : memref<10368x32xf32, #tpu.memory_space<vmem_shared>> -> memref<640x32xf32, #tpu.memory_space<vmem_shared>>
      %dma_start3A_535 = arith.constant 0 : i32
      %dma_start3A_536 = tpu.memref_slice %arg12[%mul3A_0, %dma_start3A_535] : memref<10368x32xf32, #tpu.memory_space<vmem_shared>> -> memref<640x32xf32, #tpu.memory_space<vmem_shared>>
      tpu.enqueue_dma source(%arg10 : memref<640x32xf32, #tpu.memory_space<vmem>>) target(%dma_start3A_536 : memref<640x32xf32, #tpu.memory_space<vmem_shared>>) target_semaphore(%run_scoped3A_532 : memref<!tpu.dma_semaphore, #tpu.memory_space<semaphore_mem>>)
      %dma_wait3A_537 = arith.constant 0 : i32
      %dma_wait3A_538 = tpu.memref_slice %arg12[%mul3A_0, %dma_wait3A_537] : memref<10368x32xf32, #tpu.memory_space<vmem_shared>> -> memref<640x32xf32, #tpu.memory_space<vmem_shared>>
      %dma_wait3A_539 = arith.constant 0 : i32
      %dma_wait3A_540 = tpu.memref_slice %arg12[%mul3A_0, %dma_wait3A_539] : memref<10368x32xf32, #tpu.memory_space<vmem_shared>> -> memref<640x32xf32, #tpu.memory_space<vmem_shared>>
      tpu.wait_dma2 semaphore(%run_scoped3A_532 : memref<!tpu.dma_semaphore, #tpu.memory_space<semaphore_mem>>) src(%arg10 : memref<640x32xf32, #tpu.memory_space<vmem>>) dst(%dma_wait3A_540 : memref<640x32xf32, #tpu.memory_space<vmem_shared>>)
      tpu.yield
    }) : () -> ()
    %scan3A_267 = arith.constant 0 : i32
    %scan3A_268 = arith.constant 0 : i32
    %scan3A_269 = arith.constant 640 : i32
    %scan3A_270 = arith.addi %scan3A_268, %scan3A_269 : i32
    %scan3A_271 = arith.constant 1 : i32
    %scan3A_272 = scf.for %scan3A_532 = %scan3A_268 to %scan3A_270 step %scan3A_271 iter_args(%scan3A_533 = %scan3A_267) -> (i32)  : i32 {
      %broadcast_in_dim3A = arith.constant 0.000000e+00 : f32
      %broadcast_in_dim3A_534 = vector.broadcast %broadcast_in_dim3A : f32 to vector<16xf32>
      %swap3A = arith.index_cast %scan3A_532 : i32 to index
      %swap3A_535 = arith.constant 0 : index
      %swap3A_536 = tpu.vector_load %arg10[%swap3A, %swap3A_535] {strides = array<i32>} : memref<640x32xf32, #tpu.memory_space<vmem>>, vector<16xf32>,
      tpu.vector_store %arg10[%swap3A, %swap3A_535], %broadcast_in_dim3A_534 {strides = array<i32>} : memref<640x32xf32, #tpu.memory_space<vmem>>, vector<16xf32>,
      %broadcast_in_dim3A_537 = arith.constant 0.000000e+00 : f32
      %broadcast_in_dim3A_538 = vector.broadcast %broadcast_in_dim3A_537 : f32 to vector<16xf32>
      %swap3A_539 = arith.index_cast %scan3A_532 : i32 to index
      %swap3A_540 = arith.constant 16 : index
      %swap3A_541 = tpu.vector_load %arg10[%swap3A_539, %swap3A_540] {strides = array<i32>} : memref<640x32xf32, #tpu.memory_space<vmem>>, vector<16xf32>,
      tpu.vector_store %arg10[%swap3A_539, %swap3A_540], %broadcast_in_dim3A_538 {strides = array<i32>} : memref<640x32xf32, #tpu.memory_space<vmem>>, vector<16xf32>,
      %scan3A_542 = arith.constant 0 : i32
      scf.yield %scan3A_542 : i32
    }
    %scan3A_273 = arith.constant 640 : i32
    "tpu.region"() ({
      %run_scoped3A_532 = tpu.sem_alloc : memref<!tpu.dma_semaphore, #tpu.memory_space<semaphore_mem>>
      %dma_start3A_533 = arith.constant 0 : i32
      %dma_start3A_534 = tpu.memref_slice %arg13[%mul3A_0, %dma_start3A_533] : memref<10368x32xf32, #tpu.memory_space<vmem_shared>> -> memref<640x32xf32, #tpu.memory_space<vmem_shared>>
      %dma_start3A_535 = arith.constant 0 : i32
      %dma_start3A_536 = tpu.memref_slice %arg13[%mul3A_0, %dma_start3A_535] : memref<10368x32xf32, #tpu.memory_space<vmem_shared>> -> memref<640x32xf32, #tpu.memory_space<vmem_shared>>
      tpu.enqueue_dma source(%arg10 : memref<640x32xf32, #tpu.memory_space<vmem>>) target(%dma_start3A_536 : memref<640x32xf32, #tpu.memory_space<vmem_shared>>) target_semaphore(%run_scoped3A_532 : memref<!tpu.dma_semaphore, #tpu.memory_space<semaphore_mem>>)
      %dma_wait3A_537 = arith.constant 0 : i32
      %dma_wait3A_538 = tpu.memref_slice %arg13[%mul3A_0, %dma_wait3A_537] : memref<10368x32xf32, #tpu.memory_space<vmem_shared>> -> memref<640x32xf32, #tpu.memory_space<vmem_shared>>
      %dma_wait3A_539 = arith.constant 0 : i32
      %dma_wait3A_540 = tpu.memref_slice %arg13[%mul3A_0, %dma_wait3A_539] : memref<10368x32xf32, #tpu.memory_space<vmem_shared>> -> memref<640x32xf32, #tpu.memory_space<vmem_shared>>
      tpu.wait_dma2 semaphore(%run_scoped3A_532 : memref<!tpu.dma_semaphore, #tpu.memory_space<semaphore_mem>>) src(%arg10 : memref<640x32xf32, #tpu.memory_space<vmem>>) dst(%dma_wait3A_540 : memref<640x32xf32, #tpu.memory_space<vmem_shared>>)
      tpu.yield
    }) : () -> ()
    %barrier3A_274 = arith.constant 0 : index
    tpu.barrier barrier_id(%barrier3A_274)
    %dma_start3A_275 = arith.constant 0 : i32
    %dma_start3A_276 = arith.constant 0 : i32
    %dma_start3A_277 = arith.constant 0 : i32
    %dma_start3A_278 = arith.constant 0 : i32
    %dma_start3A_279 = arith.constant 0 : i32
    %dma_start3A_280 = tpu.memref_slice %arg9[%dma_start3A_276, %dma_start3A_278, %dma_start3A_279] : memref<2x128x32xf32, #tpu.memory_space<vmem>> -> memref<1x128x32xf32, #tpu.memory_space<vmem>>
    %dma_start3A_281 = tpu.memref_squeeze %dma_start3A_280 : memref<1x128x32xf32, #tpu.memory_space<vmem>> -> memref<128x32xf32, #tpu.memory_space<vmem>>
    %dma_start3A_282 = arith.constant 0 : i32
    %dma_start3A_283 = tpu.memref_slice %arg7[%dma_start3A_275, %dma_start3A_282] : memref<158x128xi32, #tpu.memory_space<vmem>> -> memref<1x128xi32, #tpu.memory_space<vmem>>
    %dma_start3A_284 = tpu.memref_squeeze %dma_start3A_283 : memref<1x128xi32, #tpu.memory_space<vmem>> -> memref<128xi32, #tpu.memory_space<vmem>>
    %dma_start3A_285 = arith.constant 0 : i32
    %dma_start3A_286 = arith.constant 0 : i32
    %dma_start3A_287 = tpu.memref_slice %arg12[%dma_start3A_285, %dma_start3A_286] : memref<10368x32xf32, #tpu.memory_space<vmem_shared>> -> memref<10368x32xf32, #tpu.memory_space<vmem_shared>>
    %dma_start3A_288 = tpu.memref_slice %arg14[%dma_start3A_277] : memref<2x!tpu.dma_semaphore, #tpu.memory_space<semaphore_mem>> -> memref<1x!tpu.dma_semaphore, #tpu.memory_space<semaphore_mem>>
    %dma_start3A_289 = tpu.memref_squeeze %dma_start3A_288 : memref<1x!tpu.dma_semaphore, #tpu.memory_space<semaphore_mem>> -> memref<!tpu.dma_semaphore, #tpu.memory_space<semaphore_mem>>
    tpu.enqueue_indirect_dma source(%dma_start3A_287 : memref<10368x32xf32, #tpu.memory_space<vmem_shared>>) target(%dma_start3A_281 : memref<128x32xf32, #tpu.memory_space<vmem>>) offsets(%dma_start3A_284 : memref<128xi32, #tpu.memory_space<vmem>>) semaphore(%dma_start3A_289 : memref<!tpu.dma_semaphore, #tpu.memory_space<semaphore_mem>>)
    %scan3A_290 = arith.constant 0 : i32
    %scan3A_291 = arith.constant 0 : i32
    %scan3A_292 = arith.constant 79 : i32
    %scan3A_293 = arith.addi %scan3A_291, %scan3A_292 : i32
    %scan3A_294 = arith.constant 1 : i32
    %scan3A_295 = scf.for %scan3A_532 = %scan3A_291 to %scan3A_293 step %scan3A_294 iter_args(%scan3A_533 = %scan3A_290) -> (i32)  : i32 {
      %mul3A_534 = arith.constant 2 : i32
      %mul3A_535 = arith.muli %scan3A_532, %mul3A_534 : i32
      %add3A = arith.constant 0 : i32
      %add3A_536 = arith.addi %mul3A_535, %add3A : i32
      %ge3A = arith.constant 1 : i32
      %ge3A_537 = arith.cmpi sge, %add3A_536, %ge3A : i32
      %convert_element_type3A = arith.extui %ge3A_537 : i1 to i32
      %cond3A = arith.constant 0 : i32
      %cond3A_538 = arith.cmpi ne, %convert_element_type3A, %cond3A : i32
      scf.if %cond3A_538 {
        %dma_wait3A_628 = arith.constant 1 : i32
        %dma_wait3A_629 = arith.constant 1 : i32
        %dma_wait3A_630 = arith.constant 0 : i32
        %dma_wait3A_631 = arith.constant 0 : i32
        %dma_wait3A_632 = tpu.memref_slice %arg9[%dma_wait3A_628, %dma_wait3A_630, %dma_wait3A_631] : memref<2x128x32xf32, #tpu.memory_space<vmem>> -> memref<1x128x32xf32, #tpu.memory_space<vmem>>
        %dma_wait3A_633 = tpu.memref_squeeze %dma_wait3A_632 : memref<1x128x32xf32, #tpu.memory_space<vmem>> -> memref<128x32xf32, #tpu.memory_space<vmem>>
        %dma_wait3A_634 = arith.constant 0 : i32
        %dma_wait3A_635 = arith.constant 0 : i32
        %dma_wait3A_636 = tpu.memref_slice %arg2[%arg0, %dma_wait3A_634, %dma_wait3A_635] : memref<2x10240x32xf32, #tpu.memory_space<hbm>> -> memref<1x128x32xf32, #tpu.memory_space<hbm>>
        %dma_wait3A_637 = tpu.memref_squeeze %dma_wait3A_636 : memref<1x128x32xf32, #tpu.memory_space<hbm>> -> memref<128x32xf32, #tpu.memory_space<hbm>>
        %dma_wait3A_638 = tpu.memref_slice %arg15[%dma_wait3A_629] : memref<2x!tpu.dma_semaphore, #tpu.memory_space<semaphore_mem>> -> memref<1x!tpu.dma_semaphore, #tpu.memory_space<semaphore_mem>>
        %dma_wait3A_639 = tpu.memref_squeeze %dma_wait3A_638 : memref<1x!tpu.dma_semaphore, #tpu.memory_space<semaphore_mem>> -> memref<!tpu.dma_semaphore, #tpu.memory_space<semaphore_mem>>
        %dma_wait3A_640 = arith.constant 0 : i32
        %dma_wait3A_641 = arith.constant 0 : i32
        %dma_wait3A_642 = tpu.memref_slice %arg9[%dma_wait3A_628, %dma_wait3A_640, %dma_wait3A_641] : memref<2x128x32xf32, #tpu.memory_space<vmem>> -> memref<1x128x32xf32, #tpu.memory_space<vmem>>
        %dma_wait3A_643 = tpu.memref_squeeze %dma_wait3A_642 : memref<1x128x32xf32, #tpu.memory_space<vmem>> -> memref<128x32xf32, #tpu.memory_space<vmem>>
        %dma_wait3A_644 = arith.constant 0 : i32
        %dma_wait3A_645 = arith.constant 0 : i32
        %dma_wait3A_646 = tpu.memref_slice %arg2[%arg0, %dma_wait3A_644, %dma_wait3A_645] : memref<2x10240x32xf32, #tpu.memory_space<hbm>> -> memref<1x128x32xf32, #tpu.memory_space<hbm>>
        %dma_wait3A_647 = tpu.memref_squeeze %dma_wait3A_646 : memref<1x128x32xf32, #tpu.memory_space<hbm>> -> memref<128x32xf32, #tpu.memory_space<hbm>>
        tpu.wait_dma2 semaphore(%dma_wait3A_639 : memref<!tpu.dma_semaphore, #tpu.memory_space<semaphore_mem>>) src(%dma_wait3A_647 : memref<128x32xf32, #tpu.memory_space<hbm>>) dst(%dma_wait3A_643 : memref<128x32xf32, #tpu.memory_space<vmem>>)
      } else {
      }
      %add3A_539 = arith.constant 1 : i32
      %add3A_540 = arith.addi %add3A_536, %add3A_539 : i32
      %lt3A = arith.constant 158 : i32
      %lt3A_541 = arith.cmpi slt, %add3A_540, %lt3A : i32
      %convert_element_type3A_542 = arith.extui %lt3A_541 : i1 to i32
      %cond3A_543 = arith.constant 0 : i32
      %cond3A_544 = arith.cmpi ne, %convert_element_type3A_542, %cond3A_543 : i32
      scf.if %cond3A_544 {
        %add3A_628 = arith.constant 1 : i32
        %add3A_629 = arith.addi %add3A_536, %add3A_628 : i32
        %dma_start3A_630 = arith.constant 1 : i32
        %dma_start3A_631 = arith.constant 1 : i32
        %dma_start3A_632 = arith.constant 0 : i32
        %dma_start3A_633 = arith.constant 0 : i32
        %dma_start3A_634 = tpu.memref_slice %arg9[%dma_start3A_630, %dma_start3A_632, %dma_start3A_633] : memref<2x128x32xf32, #tpu.memory_space<vmem>> -> memref<1x128x32xf32, #tpu.memory_space<vmem>>
        %dma_start3A_635 = tpu.memref_squeeze %dma_start3A_634 : memref<1x128x32xf32, #tpu.memory_space<vmem>> -> memref<128x32xf32, #tpu.memory_space<vmem>>
        %dma_start3A_636 = arith.constant 0 : i32
        %dma_start3A_637 = tpu.memref_slice %arg7[%add3A_629, %dma_start3A_636] : memref<158x128xi32, #tpu.memory_space<vmem>> -> memref<1x128xi32, #tpu.memory_space<vmem>>
        %dma_start3A_638 = tpu.memref_squeeze %dma_start3A_637 : memref<1x128xi32, #tpu.memory_space<vmem>> -> memref<128xi32, #tpu.memory_space<vmem>>
        %dma_start3A_639 = arith.constant 0 : i32
        %dma_start3A_640 = arith.constant 0 : i32
        %dma_start3A_641 = tpu.memref_slice %arg12[%dma_start3A_639, %dma_start3A_640] : memref<10368x32xf32, #tpu.memory_space<vmem_shared>> -> memref<10368x32xf32, #tpu.memory_space<vmem_shared>>
        %dma_start3A_642 = tpu.memref_slice %arg14[%dma_start3A_631] : memref<2x!tpu.dma_semaphore, #tpu.memory_space<semaphore_mem>> -> memref<1x!tpu.dma_semaphore, #tpu.memory_space<semaphore_mem>>
        %dma_start3A_643 = tpu.memref_squeeze %dma_start3A_642 : memref<1x!tpu.dma_semaphore, #tpu.memory_space<semaphore_mem>> -> memref<!tpu.dma_semaphore, #tpu.memory_space<semaphore_mem>>
        tpu.enqueue_indirect_dma source(%dma_start3A_641 : memref<10368x32xf32, #tpu.memory_space<vmem_shared>>) target(%dma_start3A_635 : memref<128x32xf32, #tpu.memory_space<vmem>>) offsets(%dma_start3A_638 : memref<128xi32, #tpu.memory_space<vmem>>) semaphore(%dma_start3A_643 : memref<!tpu.dma_semaphore, #tpu.memory_space<semaphore_mem>>)
      } else {
      }
      %dma_wait3A_545 = arith.constant 0 : i32
      %dma_wait3A_546 = arith.constant 0 : i32
      %dma_wait3A_547 = arith.constant 0 : i32
      %dma_wait3A_548 = arith.constant 0 : i32
      %dma_wait3A_549 = tpu.memref_slice %arg9[%dma_wait3A_545, %dma_wait3A_547, %dma_wait3A_548] : memref<2x128x32xf32, #tpu.memory_space<vmem>> -> memref<1x128x32xf32, #tpu.memory_space<vmem>>
      %dma_wait3A_550 = tpu.memref_squeeze %dma_wait3A_549 : memref<1x128x32xf32, #tpu.memory_space<vmem>> -> memref<128x32xf32, #tpu.memory_space<vmem>>
      %dma_wait3A_551 = arith.constant 0 : i32
      %dma_wait3A_552 = arith.constant 0 : i32
      %dma_wait3A_553 = tpu.memref_slice %arg2[%arg0, %dma_wait3A_551, %dma_wait3A_552] : memref<2x10240x32xf32, #tpu.memory_space<hbm>> -> memref<1x128x32xf32, #tpu.memory_space<hbm>>
      %dma_wait3A_554 = tpu.memref_squeeze %dma_wait3A_553 : memref<1x128x32xf32, #tpu.memory_space<hbm>> -> memref<128x32xf32, #tpu.memory_space<hbm>>
      %dma_wait3A_555 = tpu.memref_slice %arg14[%dma_wait3A_546] : memref<2x!tpu.dma_semaphore, #tpu.memory_space<semaphore_mem>> -> memref<1x!tpu.dma_semaphore, #tpu.memory_space<semaphore_mem>>
      %dma_wait3A_556 = tpu.memref_squeeze %dma_wait3A_555 : memref<1x!tpu.dma_semaphore, #tpu.memory_space<semaphore_mem>> -> memref<!tpu.dma_semaphore, #tpu.memory_space<semaphore_mem>>
      %dma_wait3A_557 = arith.constant 0 : i32
      %dma_wait3A_558 = arith.constant 0 : i32
      %dma_wait3A_559 = tpu.memref_slice %arg9[%dma_wait3A_545, %dma_wait3A_557, %dma_wait3A_558] : memref<2x128x32xf32, #tpu.memory_space<vmem>> -> memref<1x128x32xf32, #tpu.memory_space<vmem>>
      %dma_wait3A_560 = tpu.memref_squeeze %dma_wait3A_559 : memref<1x128x32xf32, #tpu.memory_space<vmem>> -> memref<128x32xf32, #tpu.memory_space<vmem>>
      %dma_wait3A_561 = arith.constant 0 : i32
      %dma_wait3A_562 = arith.constant 0 : i32
      %dma_wait3A_563 = tpu.memref_slice %arg2[%arg0, %dma_wait3A_561, %dma_wait3A_562] : memref<2x10240x32xf32, #tpu.memory_space<hbm>> -> memref<1x128x32xf32, #tpu.memory_space<hbm>>
      %dma_wait3A_564 = tpu.memref_squeeze %dma_wait3A_563 : memref<1x128x32xf32, #tpu.memory_space<hbm>> -> memref<128x32xf32, #tpu.memory_space<hbm>>
      tpu.wait_dma2 semaphore(%dma_wait3A_556 : memref<!tpu.dma_semaphore, #tpu.memory_space<semaphore_mem>>) src(%dma_wait3A_564 : memref<128x32xf32, #tpu.memory_space<hbm>>) dst(%dma_wait3A_560 : memref<128x32xf32, #tpu.memory_space<vmem>>)
      %dma_start3A_565 = arith.constant 0 : i32
      %dma_start3A_566 = arith.constant 0 : i32
      %dma_start3A_567 = arith.constant 0 : i32
      %dma_start3A_568 = arith.constant 0 : i32
      %dma_start3A_569 = tpu.memref_slice %arg9[%dma_start3A_565, %dma_start3A_567, %dma_start3A_568] : memref<2x128x32xf32, #tpu.memory_space<vmem>> -> memref<1x128x32xf32, #tpu.memory_space<vmem>>
      %dma_start3A_570 = tpu.memref_squeeze %dma_start3A_569 : memref<1x128x32xf32, #tpu.memory_space<vmem>> -> memref<128x32xf32, #tpu.memory_space<vmem>>
      %dma_start3A_571 = arith.constant 0 : i32
      %dma_start3A_572 = tpu.memref_slice %arg8[%add3A_536, %dma_start3A_571] : memref<158x128xi32, #tpu.memory_space<vmem>> -> memref<1x128xi32, #tpu.memory_space<vmem>>
      %dma_start3A_573 = tpu.memref_squeeze %dma_start3A_572 : memref<1x128xi32, #tpu.memory_space<vmem>> -> memref<128xi32, #tpu.memory_space<vmem>>
      %dma_start3A_574 = arith.constant 0 : i32
      %dma_start3A_575 = arith.constant 0 : i32
      %dma_start3A_576 = tpu.memref_slice %arg13[%dma_start3A_574, %dma_start3A_575] : memref<10368x32xf32, #tpu.memory_space<vmem_shared>> -> memref<10368x32xf32, #tpu.memory_space<vmem_shared>>
      %dma_start3A_577 = tpu.memref_slice %arg15[%dma_start3A_566] : memref<2x!tpu.dma_semaphore, #tpu.memory_space<semaphore_mem>> -> memref<1x!tpu.dma_semaphore, #tpu.memory_space<semaphore_mem>>
      %dma_start3A_578 = tpu.memref_squeeze %dma_start3A_577 : memref<1x!tpu.dma_semaphore, #tpu.memory_space<semaphore_mem>> -> memref<!tpu.dma_semaphore, #tpu.memory_space<semaphore_mem>>
      tpu.enqueue_indirect_dma source(%dma_start3A_570 : memref<128x32xf32, #tpu.memory_space<vmem>>) target(%dma_start3A_576 : memref<10368x32xf32, #tpu.memory_space<vmem_shared>>) offsets(%dma_start3A_573 : memref<128xi32, #tpu.memory_space<vmem>>) semaphore(%dma_start3A_578 : memref<!tpu.dma_semaphore, #tpu.memory_space<semaphore_mem>>) {add = true}
      %add3A_579 = arith.constant 1 : i32
      %add3A_580 = arith.addi %mul3A_535, %add3A_579 : i32
      %ge3A_581 = arith.constant 1 : i32
      %ge3A_582 = arith.cmpi sge, %add3A_580, %ge3A_581 : i32
      %convert_element_type3A_583 = arith.extui %ge3A_582 : i1 to i32
      %cond3A_584 = arith.constant 0 : i32
      %cond3A_585 = arith.cmpi ne, %convert_element_type3A_583, %cond3A_584 : i32
      scf.if %cond3A_585 {
        %dma_wait3A_628 = arith.constant 0 : i32
        %dma_wait3A_629 = arith.constant 0 : i32
        %dma_wait3A_630 = arith.constant 0 : i32
        %dma_wait3A_631 = arith.constant 0 : i32
        %dma_wait3A_632 = tpu.memref_slice %arg9[%dma_wait3A_628, %dma_wait3A_630, %dma_wait3A_631] : memref<2x128x32xf32, #tpu.memory_space<vmem>> -> memref<1x128x32xf32, #tpu.memory_space<vmem>>
        %dma_wait3A_633 = tpu.memref_squeeze %dma_wait3A_632 : memref<1x128x32xf32, #tpu.memory_space<vmem>> -> memref<128x32xf32, #tpu.memory_space<vmem>>
        %dma_wait3A_634 = arith.constant 0 : i32
        %dma_wait3A_635 = arith.constant 0 : i32
        %dma_wait3A_636 = tpu.memref_slice %arg2[%arg0, %dma_wait3A_634, %dma_wait3A_635] : memref<2x10240x32xf32, #tpu.memory_space<hbm>> -> memref<1x128x32xf32, #tpu.memory_space<hbm>>
        %dma_wait3A_637 = tpu.memref_squeeze %dma_wait3A_636 : memref<1x128x32xf32, #tpu.memory_space<hbm>> -> memref<128x32xf32, #tpu.memory_space<hbm>>
        %dma_wait3A_638 = tpu.memref_slice %arg15[%dma_wait3A_629] : memref<2x!tpu.dma_semaphore, #tpu.memory_space<semaphore_mem>> -> memref<1x!tpu.dma_semaphore, #tpu.memory_space<semaphore_mem>>
        %dma_wait3A_639 = tpu.memref_squeeze %dma_wait3A_638 : memref<1x!tpu.dma_semaphore, #tpu.memory_space<semaphore_mem>> -> memref<!tpu.dma_semaphore, #tpu.memory_space<semaphore_mem>>
        %dma_wait3A_640 = arith.constant 0 : i32
        %dma_wait3A_641 = arith.constant 0 : i32
        %dma_wait3A_642 = tpu.memref_slice %arg9[%dma_wait3A_628, %dma_wait3A_640, %dma_wait3A_641] : memref<2x128x32xf32, #tpu.memory_space<vmem>> -> memref<1x128x32xf32, #tpu.memory_space<vmem>>
        %dma_wait3A_643 = tpu.memref_squeeze %dma_wait3A_642 : memref<1x128x32xf32, #tpu.memory_space<vmem>> -> memref<128x32xf32, #tpu.memory_space<vmem>>
        %dma_wait3A_644 = arith.constant 0 : i32
        %dma_wait3A_645 = arith.constant 0 : i32
        %dma_wait3A_646 = tpu.memref_slice %arg2[%arg0, %dma_wait3A_644, %dma_wait3A_645] : memref<2x10240x32xf32, #tpu.memory_space<hbm>> -> memref<1x128x32xf32, #tpu.memory_space<hbm>>
        %dma_wait3A_647 = tpu.memref_squeeze %dma_wait3A_646 : memref<1x128x32xf32, #tpu.memory_space<hbm>> -> memref<128x32xf32, #tpu.memory_space<hbm>>
        tpu.wait_dma2 semaphore(%dma_wait3A_639 : memref<!tpu.dma_semaphore, #tpu.memory_space<semaphore_mem>>) src(%dma_wait3A_647 : memref<128x32xf32, #tpu.memory_space<hbm>>) dst(%dma_wait3A_643 : memref<128x32xf32, #tpu.memory_space<vmem>>)
      } else {
      }
      %add3A_586 = arith.constant 1 : i32
      %add3A_587 = arith.addi %add3A_580, %add3A_586 : i32
      %lt3A_588 = arith.constant 158 : i32
      %lt3A_589 = arith.cmpi slt, %add3A_587, %lt3A_588 : i32
      %convert_element_type3A_590 = arith.extui %lt3A_589 : i1 to i32
      %cond3A_591 = arith.constant 0 : i32
      %cond3A_592 = arith.cmpi ne, %convert_element_type3A_590, %cond3A_591 : i32
      scf.if %cond3A_592 {
        %add3A_628 = arith.constant 1 : i32
        %add3A_629 = arith.addi %add3A_580, %add3A_628 : i32
        %dma_start3A_630 = arith.constant 0 : i32
        %dma_start3A_631 = arith.constant 0 : i32
        %dma_start3A_632 = arith.constant 0 : i32
        %dma_start3A_633 = arith.constant 0 : i32
        %dma_start3A_634 = tpu.memref_slice %arg9[%dma_start3A_630, %dma_start3A_632, %dma_start3A_633] : memref<2x128x32xf32, #tpu.memory_space<vmem>> -> memref<1x128x32xf32, #tpu.memory_space<vmem>>
        %dma_start3A_635 = tpu.memref_squeeze %dma_start3A_634 : memref<1x128x32xf32, #tpu.memory_space<vmem>> -> memref<128x32xf32, #tpu.memory_space<vmem>>
        %dma_start3A_636 = arith.constant 0 : i32
        %dma_start3A_637 = tpu.memref_slice %arg7[%add3A_629, %dma_start3A_636] : memref<158x128xi32, #tpu.memory_space<vmem>> -> memref<1x128xi32, #tpu.memory_space<vmem>>
        %dma_start3A_638 = tpu.memref_squeeze %dma_start3A_637 : memref<1x128xi32, #tpu.memory_space<vmem>> -> memref<128xi32, #tpu.memory_space<vmem>>
        %dma_start3A_639 = arith.constant 0 : i32
        %dma_start3A_640 = arith.constant 0 : i32
        %dma_start3A_641 = tpu.memref_slice %arg12[%dma_start3A_639, %dma_start3A_640] : memref<10368x32xf32, #tpu.memory_space<vmem_shared>> -> memref<10368x32xf32, #tpu.memory_space<vmem_shared>>
        %dma_start3A_642 = tpu.memref_slice %arg14[%dma_start3A_631] : memref<2x!tpu.dma_semaphore, #tpu.memory_space<semaphore_mem>> -> memref<1x!tpu.dma_semaphore, #tpu.memory_space<semaphore_mem>>
        %dma_start3A_643 = tpu.memref_squeeze %dma_start3A_642 : memref<1x!tpu.dma_semaphore, #tpu.memory_space<semaphore_mem>> -> memref<!tpu.dma_semaphore, #tpu.memory_space<semaphore_mem>>
        tpu.enqueue_indirect_dma source(%dma_start3A_641 : memref<10368x32xf32, #tpu.memory_space<vmem_shared>>) target(%dma_start3A_635 : memref<128x32xf32, #tpu.memory_space<vmem>>) offsets(%dma_start3A_638 : memref<128xi32, #tpu.memory_space<vmem>>) semaphore(%dma_start3A_643 : memref<!tpu.dma_semaphore, #tpu.memory_space<semaphore_mem>>)
      } else {
      }
      %dma_wait3A_593 = arith.constant 1 : i32
      %dma_wait3A_594 = arith.constant 1 : i32
      %dma_wait3A_595 = arith.constant 0 : i32
      %dma_wait3A_596 = arith.constant 0 : i32
      %dma_wait3A_597 = tpu.memref_slice %arg9[%dma_wait3A_593, %dma_wait3A_595, %dma_wait3A_596] : memref<2x128x32xf32, #tpu.memory_space<vmem>> -> memref<1x128x32xf32, #tpu.memory_space<vmem>>
      %dma_wait3A_598 = tpu.memref_squeeze %dma_wait3A_597 : memref<1x128x32xf32, #tpu.memory_space<vmem>> -> memref<128x32xf32, #tpu.memory_space<vmem>>
      %dma_wait3A_599 = arith.constant 0 : i32
      %dma_wait3A_600 = arith.constant 0 : i32
      %dma_wait3A_601 = tpu.memref_slice %arg2[%arg0, %dma_wait3A_599, %dma_wait3A_600] : memref<2x10240x32xf32, #tpu.memory_space<hbm>> -> memref<1x128x32xf32, #tpu.memory_space<hbm>>
      %dma_wait3A_602 = tpu.memref_squeeze %dma_wait3A_601 : memref<1x128x32xf32, #tpu.memory_space<hbm>> -> memref<128x32xf32, #tpu.memory_space<hbm>>
      %dma_wait3A_603 = tpu.memref_slice %arg14[%dma_wait3A_594] : memref<2x!tpu.dma_semaphore, #tpu.memory_space<semaphore_mem>> -> memref<1x!tpu.dma_semaphore, #tpu.memory_space<semaphore_mem>>
      %dma_wait3A_604 = tpu.memref_squeeze %dma_wait3A_603 : memref<1x!tpu.dma_semaphore, #tpu.memory_space<semaphore_mem>> -> memref<!tpu.dma_semaphore, #tpu.memory_space<semaphore_mem>>
      %dma_wait3A_605 = arith.constant 0 : i32
      %dma_wait3A_606 = arith.constant 0 : i32
      %dma_wait3A_607 = tpu.memref_slice %arg9[%dma_wait3A_593, %dma_wait3A_605, %dma_wait3A_606] : memref<2x128x32xf32, #tpu.memory_space<vmem>> -> memref<1x128x32xf32, #tpu.memory_space<vmem>>
      %dma_wait3A_608 = tpu.memref_squeeze %dma_wait3A_607 : memref<1x128x32xf32, #tpu.memory_space<vmem>> -> memref<128x32xf32, #tpu.memory_space<vmem>>
      %dma_wait3A_609 = arith.constant 0 : i32
      %dma_wait3A_610 = arith.constant 0 : i32
      %dma_wait3A_611 = tpu.memref_slice %arg2[%arg0, %dma_wait3A_609, %dma_wait3A_610] : memref<2x10240x32xf32, #tpu.memory_space<hbm>> -> memref<1x128x32xf32, #tpu.memory_space<hbm>>
      %dma_wait3A_612 = tpu.memref_squeeze %dma_wait3A_611 : memref<1x128x32xf32, #tpu.memory_space<hbm>> -> memref<128x32xf32, #tpu.memory_space<hbm>>
      tpu.wait_dma2 semaphore(%dma_wait3A_604 : memref<!tpu.dma_semaphore, #tpu.memory_space<semaphore_mem>>) src(%dma_wait3A_612 : memref<128x32xf32, #tpu.memory_space<hbm>>) dst(%dma_wait3A_608 : memref<128x32xf32, #tpu.memory_space<vmem>>)
      %dma_start3A_613 = arith.constant 1 : i32
      %dma_start3A_614 = arith.constant 1 : i32
      %dma_start3A_615 = arith.constant 0 : i32
      %dma_start3A_616 = arith.constant 0 : i32
      %dma_start3A_617 = tpu.memref_slice %arg9[%dma_start3A_613, %dma_start3A_615, %dma_start3A_616] : memref<2x128x32xf32, #tpu.memory_space<vmem>> -> memref<1x128x32xf32, #tpu.memory_space<vmem>>
      %dma_start3A_618 = tpu.memref_squeeze %dma_start3A_617 : memref<1x128x32xf32, #tpu.memory_space<vmem>> -> memref<128x32xf32, #tpu.memory_space<vmem>>
      %dma_start3A_619 = arith.constant 0 : i32
      %dma_start3A_620 = tpu.memref_slice %arg8[%add3A_580, %dma_start3A_619] : memref<158x128xi32, #tpu.memory_space<vmem>> -> memref<1x128xi32, #tpu.memory_space<vmem>>
      %dma_start3A_621 = tpu.memref_squeeze %dma_start3A_620 : memref<1x128xi32, #tpu.memory_space<vmem>> -> memref<128xi32, #tpu.memory_space<vmem>>
      %dma_start3A_622 = arith.constant 0 : i32
      %dma_start3A_623 = arith.constant 0 : i32
      %dma_start3A_624 = tpu.memref_slice %arg13[%dma_start3A_622, %dma_start3A_623] : memref<10368x32xf32, #tpu.memory_space<vmem_shared>> -> memref<10368x32xf32, #tpu.memory_space<vmem_shared>>
      %dma_start3A_625 = tpu.memref_slice %arg15[%dma_start3A_614] : memref<2x!tpu.dma_semaphore, #tpu.memory_space<semaphore_mem>> -> memref<1x!tpu.dma_semaphore, #tpu.memory_space<semaphore_mem>>
      %dma_start3A_626 = tpu.memref_squeeze %dma_start3A_625 : memref<1x!tpu.dma_semaphore, #tpu.memory_space<semaphore_mem>> -> memref<!tpu.dma_semaphore, #tpu.memory_space<semaphore_mem>>
      tpu.enqueue_indirect_dma source(%dma_start3A_618 : memref<128x32xf32, #tpu.memory_space<vmem>>) target(%dma_start3A_624 : memref<10368x32xf32, #tpu.memory_space<vmem_shared>>) offsets(%dma_start3A_621 : memref<128xi32, #tpu.memory_space<vmem>>) semaphore(%dma_start3A_626 : memref<!tpu.dma_semaphore, #tpu.memory_space<semaphore_mem>>) {add = true}
      %scan3A_627 = arith.constant 0 : i32
      scf.yield %scan3A_627 : i32
    }
    %scan3A_296 = arith.constant 79 : i32
    %dma_wait3A_297 = arith.constant 1 : i32
    %dma_wait3A_298 = arith.constant 1 : i32
    %dma_wait3A_299 = arith.constant 0 : i32
    %dma_wait3A_300 = arith.constant 0 : i32
    %dma_wait3A_301 = tpu.memref_slice %arg9[%dma_wait3A_297, %dma_wait3A_299, %dma_wait3A_300] : memref<2x128x32xf32, #tpu.memory_space<vmem>> -> memref<1x128x32xf32, #tpu.memory_space<vmem>>
    %dma_wait3A_302 = tpu.memref_squeeze %dma_wait3A_301 : memref<1x128x32xf32, #tpu.memory_space<vmem>> -> memref<128x32xf32, #tpu.memory_space<vmem>>
    %dma_wait3A_303 = arith.constant 0 : i32
    %dma_wait3A_304 = arith.constant 0 : i32
    %dma_wait3A_305 = tpu.memref_slice %arg2[%arg0, %dma_wait3A_303, %dma_wait3A_304] : memref<2x10240x32xf32, #tpu.memory_space<hbm>> -> memref<1x128x32xf32, #tpu.memory_space<hbm>>
    %dma_wait3A_306 = tpu.memref_squeeze %dma_wait3A_305 : memref<1x128x32xf32, #tpu.memory_space<hbm>> -> memref<128x32xf32, #tpu.memory_space<hbm>>
    %dma_wait3A_307 = tpu.memref_slice %arg15[%dma_wait3A_298] : memref<2x!tpu.dma_semaphore, #tpu.memory_space<semaphore_mem>> -> memref<1x!tpu.dma_semaphore, #tpu.memory_space<semaphore_mem>>
    %dma_wait3A_308 = tpu.memref_squeeze %dma_wait3A_307 : memref<1x!tpu.dma_semaphore, #tpu.memory_space<semaphore_mem>> -> memref<!tpu.dma_semaphore, #tpu.memory_space<semaphore_mem>>
    %dma_wait3A_309 = arith.constant 0 : i32
    %dma_wait3A_310 = arith.constant 0 : i32
    %dma_wait3A_311 = tpu.memref_slice %arg9[%dma_wait3A_297, %dma_wait3A_309, %dma_wait3A_310] : memref<2x128x32xf32, #tpu.memory_space<vmem>> -> memref<1x128x32xf32, #tpu.memory_space<vmem>>
    %dma_wait3A_312 = tpu.memref_squeeze %dma_wait3A_311 : memref<1x128x32xf32, #tpu.memory_space<vmem>> -> memref<128x32xf32, #tpu.memory_space<vmem>>
    %dma_wait3A_313 = arith.constant 0 : i32
    %dma_wait3A_314 = arith.constant 0 : i32
    %dma_wait3A_315 = tpu.memref_slice %arg2[%arg0, %dma_wait3A_313, %dma_wait3A_314] : memref<2x10240x32xf32, #tpu.memory_space<hbm>> -> memref<1x128x32xf32, #tpu.memory_space<hbm>>
    %dma_wait3A_316 = tpu.memref_squeeze %dma_wait3A_315 : memref<1x128x32xf32, #tpu.memory_space<hbm>> -> memref<128x32xf32, #tpu.memory_space<hbm>>
    tpu.wait_dma2 semaphore(%dma_wait3A_308 : memref<!tpu.dma_semaphore, #tpu.memory_space<semaphore_mem>>) src(%dma_wait3A_316 : memref<128x32xf32, #tpu.memory_space<hbm>>) dst(%dma_wait3A_312 : memref<128x32xf32, #tpu.memory_space<vmem>>)
    %barrier3A_317 = arith.constant 0 : index
    tpu.barrier barrier_id(%barrier3A_317)
    "tpu.region"() ({
      %run_scoped3A_532 = tpu.sem_alloc : memref<!tpu.dma_semaphore, #tpu.memory_space<semaphore_mem>>
      %dma_start3A_533 = arith.constant 0 : i32
      %dma_start3A_534 = tpu.memref_slice %arg13[%mul3A_0, %dma_start3A_533] : memref<10368x32xf32, #tpu.memory_space<vmem_shared>> -> memref<640x32xf32, #tpu.memory_space<vmem_shared>>
      %dma_start3A_535 = arith.constant 0 : i32
      %dma_start3A_536 = tpu.memref_slice %arg13[%mul3A_0, %dma_start3A_535] : memref<10368x32xf32, #tpu.memory_space<vmem_shared>> -> memref<640x32xf32, #tpu.memory_space<vmem_shared>>
      tpu.enqueue_dma source(%dma_start3A_536 : memref<640x32xf32, #tpu.memory_space<vmem_shared>>) target(%arg10 : memref<640x32xf32, #tpu.memory_space<vmem>>) target_semaphore(%run_scoped3A_532 : memref<!tpu.dma_semaphore, #tpu.memory_space<semaphore_mem>>)
      %dma_wait3A_537 = arith.constant 0 : i32
      %dma_wait3A_538 = tpu.memref_slice %arg13[%mul3A_0, %dma_wait3A_537] : memref<10368x32xf32, #tpu.memory_space<vmem_shared>> -> memref<640x32xf32, #tpu.memory_space<vmem_shared>>
      %dma_wait3A_539 = arith.constant 0 : i32
      %dma_wait3A_540 = tpu.memref_slice %arg13[%mul3A_0, %dma_wait3A_539] : memref<10368x32xf32, #tpu.memory_space<vmem_shared>> -> memref<640x32xf32, #tpu.memory_space<vmem_shared>>
      tpu.wait_dma2 semaphore(%run_scoped3A_532 : memref<!tpu.dma_semaphore, #tpu.memory_space<semaphore_mem>>) src(%dma_wait3A_540 : memref<640x32xf32, #tpu.memory_space<vmem_shared>>) dst(%arg10 : memref<640x32xf32, #tpu.memory_space<vmem>>)
      tpu.yield
    }) : () -> ()
    %scan3A_318 = arith.constant 0 : i32
    %scan3A_319 = arith.constant 0 : i32
    %scan3A_320 = arith.constant 640 : i32
    %scan3A_321 = arith.addi %scan3A_319, %scan3A_320 : i32
    %scan3A_322 = arith.constant 1 : i32
    %scan3A_323 = scf.for %scan3A_532 = %scan3A_319 to %scan3A_321 step %scan3A_322 iter_args(%scan3A_533 = %scan3A_318) -> (i32)  : i32 {
      %broadcast_in_dim3A = vector.broadcast %scan3A_532 : i32 to vector<16xi32>
      %gather3A = tpu.vector_load_idx %arg11[%broadcast_in_dim3A] : memref<640xf32, #tpu.memory_space<vmem>>[vector<16xi32>], vector<16xf32>,
      %get3A = arith.index_cast %scan3A_532 : i32 to index
      %get3A_534 = arith.constant 0 : index
      %get3A_535 = tpu.vector_load %arg10[%get3A, %get3A_534] {strides = array<i32>} : memref<640x32xf32, #tpu.memory_space<vmem>>, vector<16xf32>,
      %mul3A_536 = arith.mulf %get3A_535, %gather3A : vector<16xf32>
      %swap3A = arith.index_cast %scan3A_532 : i32 to index
      %swap3A_537 = arith.constant 0 : index
      %swap3A_538 = tpu.vector_load %arg10[%swap3A, %swap3A_537] {strides = array<i32>} : memref<640x32xf32, #tpu.memory_space<vmem>>, vector<16xf32>,
      tpu.vector_store %arg10[%swap3A, %swap3A_537], %mul3A_536 {strides = array<i32>} : memref<640x32xf32, #tpu.memory_space<vmem>>, vector<16xf32>,
      %get3A_539 = arith.index_cast %scan3A_532 : i32 to index
      %get3A_540 = arith.constant 16 : index
      %get3A_541 = tpu.vector_load %arg10[%get3A_539, %get3A_540] {strides = array<i32>} : memref<640x32xf32, #tpu.memory_space<vmem>>, vector<16xf32>,
      %mul3A_542 = arith.mulf %get3A_541, %gather3A : vector<16xf32>
      %swap3A_543 = arith.index_cast %scan3A_532 : i32 to index
      %swap3A_544 = arith.constant 16 : index
      %swap3A_545 = tpu.vector_load %arg10[%swap3A_543, %swap3A_544] {strides = array<i32>} : memref<640x32xf32, #tpu.memory_space<vmem>>, vector<16xf32>,
      tpu.vector_store %arg10[%swap3A_543, %swap3A_544], %mul3A_542 {strides = array<i32>} : memref<640x32xf32, #tpu.memory_space<vmem>>, vector<16xf32>,
      %scan3A_546 = arith.constant 0 : i32
      scf.yield %scan3A_546 : i32
    }
    %scan3A_324 = arith.constant 640 : i32
    %run_scoped3A_325 = arith.constant 4 : i32
    "tpu.region"() ({
      %run_scoped3A_532 = tpu.sem_alloc : memref<!tpu.dma_semaphore, #tpu.memory_space<semaphore_mem>>
      %dma_start3A_533 = arith.constant 0 : i32
      %dma_start3A_534 = tpu.memref_slice %arg6[%run_scoped3A_325, %arg0, %mul3A_0, %dma_start3A_533] : memref<8x2x10240x32xf32, #tpu.memory_space<hbm>> -> memref<1x1x640x32xf32, #tpu.memory_space<hbm>>
      %dma_start3A_535 = tpu.memref_squeeze %dma_start3A_534 : memref<1x1x640x32xf32, #tpu.memory_space<hbm>> -> memref<640x32xf32, #tpu.memory_space<hbm>>
      %dma_start3A_536 = arith.constant 0 : i32
      %dma_start3A_537 = tpu.memref_slice %arg6[%run_scoped3A_325, %arg0, %mul3A_0, %dma_start3A_536] : memref<8x2x10240x32xf32, #tpu.memory_space<hbm>> -> memref<1x1x640x32xf32, #tpu.memory_space<hbm>>
      %dma_start3A_538 = tpu.memref_squeeze %dma_start3A_537 : memref<1x1x640x32xf32, #tpu.memory_space<hbm>> -> memref<640x32xf32, #tpu.memory_space<hbm>>
      tpu.enqueue_dma source(%arg10 : memref<640x32xf32, #tpu.memory_space<vmem>>) target(%dma_start3A_538 : memref<640x32xf32, #tpu.memory_space<hbm>>) target_semaphore(%run_scoped3A_532 : memref<!tpu.dma_semaphore, #tpu.memory_space<semaphore_mem>>)
      %dma_wait3A_539 = arith.constant 0 : i32
      %dma_wait3A_540 = tpu.memref_slice %arg6[%run_scoped3A_325, %arg0, %mul3A_0, %dma_wait3A_539] : memref<8x2x10240x32xf32, #tpu.memory_space<hbm>> -> memref<1x1x640x32xf32, #tpu.memory_space<hbm>>
      %dma_wait3A_541 = tpu.memref_squeeze %dma_wait3A_540 : memref<1x1x640x32xf32, #tpu.memory_space<hbm>> -> memref<640x32xf32, #tpu.memory_space<hbm>>
      %dma_wait3A_542 = arith.constant 0 : i32
      %dma_wait3A_543 = tpu.memref_slice %arg6[%run_scoped3A_325, %arg0, %mul3A_0, %dma_wait3A_542] : memref<8x2x10240x32xf32, #tpu.memory_space<hbm>> -> memref<1x1x640x32xf32, #tpu.memory_space<hbm>>
      %dma_wait3A_544 = tpu.memref_squeeze %dma_wait3A_543 : memref<1x1x640x32xf32, #tpu.memory_space<hbm>> -> memref<640x32xf32, #tpu.memory_space<hbm>>
      tpu.wait_dma2 semaphore(%run_scoped3A_532 : memref<!tpu.dma_semaphore, #tpu.memory_space<semaphore_mem>>) src(%arg10 : memref<640x32xf32, #tpu.memory_space<vmem>>) dst(%dma_wait3A_544 : memref<640x32xf32, #tpu.memory_space<hbm>>)
      tpu.yield
    }) : () -> ()
    %scan3A_326 = arith.constant 0 : i32
    %scan3A_327 = arith.constant 0 : i32
    %scan3A_328 = arith.constant 640 : i32
    %scan3A_329 = arith.addi %scan3A_327, %scan3A_328 : i32
    %scan3A_330 = arith.constant 1 : i32
    %scan3A_331 = scf.for %scan3A_532 = %scan3A_327 to %scan3A_329 step %scan3A_330 iter_args(%scan3A_533 = %scan3A_326) -> (i32)  : i32 {
      %broadcast_in_dim3A = vector.broadcast %scan3A_532 : i32 to vector<16xi32>
      %gather3A = tpu.vector_load_idx %arg11[%broadcast_in_dim3A] : memref<640xf32, #tpu.memory_space<vmem>>[vector<16xi32>], vector<16xf32>,
      %get3A = arith.index_cast %scan3A_532 : i32 to index
      %get3A_534 = arith.constant 0 : index
      %get3A_535 = tpu.vector_load %arg10[%get3A, %get3A_534] {strides = array<i32>} : memref<640x32xf32, #tpu.memory_space<vmem>>, vector<16xf32>,
      %mul3A_536 = arith.mulf %get3A_535, %gather3A : vector<16xf32>
      %swap3A = arith.index_cast %scan3A_532 : i32 to index
      %swap3A_537 = arith.constant 0 : index
      %swap3A_538 = tpu.vector_load %arg10[%swap3A, %swap3A_537] {strides = array<i32>} : memref<640x32xf32, #tpu.memory_space<vmem>>, vector<16xf32>,
      tpu.vector_store %arg10[%swap3A, %swap3A_537], %mul3A_536 {strides = array<i32>} : memref<640x32xf32, #tpu.memory_space<vmem>>, vector<16xf32>,
      %get3A_539 = arith.index_cast %scan3A_532 : i32 to index
      %get3A_540 = arith.constant 16 : index
      %get3A_541 = tpu.vector_load %arg10[%get3A_539, %get3A_540] {strides = array<i32>} : memref<640x32xf32, #tpu.memory_space<vmem>>, vector<16xf32>,
      %mul3A_542 = arith.mulf %get3A_541, %gather3A : vector<16xf32>
      %swap3A_543 = arith.index_cast %scan3A_532 : i32 to index
      %swap3A_544 = arith.constant 16 : index
      %swap3A_545 = tpu.vector_load %arg10[%swap3A_543, %swap3A_544] {strides = array<i32>} : memref<640x32xf32, #tpu.memory_space<vmem>>, vector<16xf32>,
      tpu.vector_store %arg10[%swap3A_543, %swap3A_544], %mul3A_542 {strides = array<i32>} : memref<640x32xf32, #tpu.memory_space<vmem>>, vector<16xf32>,
      %scan3A_546 = arith.constant 0 : i32
      scf.yield %scan3A_546 : i32
    }
    %scan3A_332 = arith.constant 640 : i32
    "tpu.region"() ({
      %run_scoped3A_532 = tpu.sem_alloc : memref<!tpu.dma_semaphore, #tpu.memory_space<semaphore_mem>>
      %dma_start3A_533 = arith.constant 0 : i32
      %dma_start3A_534 = tpu.memref_slice %arg13[%mul3A_0, %dma_start3A_533] : memref<10368x32xf32, #tpu.memory_space<vmem_shared>> -> memref<640x32xf32, #tpu.memory_space<vmem_shared>>
      %dma_start3A_535 = arith.constant 0 : i32
      %dma_start3A_536 = tpu.memref_slice %arg13[%mul3A_0, %dma_start3A_535] : memref<10368x32xf32, #tpu.memory_space<vmem_shared>> -> memref<640x32xf32, #tpu.memory_space<vmem_shared>>
      tpu.enqueue_dma source(%arg10 : memref<640x32xf32, #tpu.memory_space<vmem>>) target(%dma_start3A_536 : memref<640x32xf32, #tpu.memory_space<vmem_shared>>) target_semaphore(%run_scoped3A_532 : memref<!tpu.dma_semaphore, #tpu.memory_space<semaphore_mem>>)
      %dma_wait3A_537 = arith.constant 0 : i32
      %dma_wait3A_538 = tpu.memref_slice %arg13[%mul3A_0, %dma_wait3A_537] : memref<10368x32xf32, #tpu.memory_space<vmem_shared>> -> memref<640x32xf32, #tpu.memory_space<vmem_shared>>
      %dma_wait3A_539 = arith.constant 0 : i32
      %dma_wait3A_540 = tpu.memref_slice %arg13[%mul3A_0, %dma_wait3A_539] : memref<10368x32xf32, #tpu.memory_space<vmem_shared>> -> memref<640x32xf32, #tpu.memory_space<vmem_shared>>
      tpu.wait_dma2 semaphore(%run_scoped3A_532 : memref<!tpu.dma_semaphore, #tpu.memory_space<semaphore_mem>>) src(%arg10 : memref<640x32xf32, #tpu.memory_space<vmem>>) dst(%dma_wait3A_540 : memref<640x32xf32, #tpu.memory_space<vmem_shared>>)
      tpu.yield
    }) : () -> ()
    %scan3A_333 = arith.constant 0 : i32
    %scan3A_334 = arith.constant 0 : i32
    %scan3A_335 = arith.constant 640 : i32
    %scan3A_336 = arith.addi %scan3A_334, %scan3A_335 : i32
    %scan3A_337 = arith.constant 1 : i32
    %scan3A_338 = scf.for %scan3A_532 = %scan3A_334 to %scan3A_336 step %scan3A_337 iter_args(%scan3A_533 = %scan3A_333) -> (i32)  : i32 {
      %broadcast_in_dim3A = arith.constant 0.000000e+00 : f32
      %broadcast_in_dim3A_534 = vector.broadcast %broadcast_in_dim3A : f32 to vector<16xf32>
      %swap3A = arith.index_cast %scan3A_532 : i32 to index
      %swap3A_535 = arith.constant 0 : index
      %swap3A_536 = tpu.vector_load %arg10[%swap3A, %swap3A_535] {strides = array<i32>} : memref<640x32xf32, #tpu.memory_space<vmem>>, vector<16xf32>,
      tpu.vector_store %arg10[%swap3A, %swap3A_535], %broadcast_in_dim3A_534 {strides = array<i32>} : memref<640x32xf32, #tpu.memory_space<vmem>>, vector<16xf32>,
      %broadcast_in_dim3A_537 = arith.constant 0.000000e+00 : f32
      %broadcast_in_dim3A_538 = vector.broadcast %broadcast_in_dim3A_537 : f32 to vector<16xf32>
      %swap3A_539 = arith.index_cast %scan3A_532 : i32 to index
      %swap3A_540 = arith.constant 16 : index
      %swap3A_541 = tpu.vector_load %arg10[%swap3A_539, %swap3A_540] {strides = array<i32>} : memref<640x32xf32, #tpu.memory_space<vmem>>, vector<16xf32>,
      tpu.vector_store %arg10[%swap3A_539, %swap3A_540], %broadcast_in_dim3A_538 {strides = array<i32>} : memref<640x32xf32, #tpu.memory_space<vmem>>, vector<16xf32>,
      %scan3A_542 = arith.constant 0 : i32
      scf.yield %scan3A_542 : i32
    }
    %scan3A_339 = arith.constant 640 : i32
    "tpu.region"() ({
      %run_scoped3A_532 = tpu.sem_alloc : memref<!tpu.dma_semaphore, #tpu.memory_space<semaphore_mem>>
      %dma_start3A_533 = arith.constant 0 : i32
      %dma_start3A_534 = tpu.memref_slice %arg12[%mul3A_0, %dma_start3A_533] : memref<10368x32xf32, #tpu.memory_space<vmem_shared>> -> memref<640x32xf32, #tpu.memory_space<vmem_shared>>
      %dma_start3A_535 = arith.constant 0 : i32
      %dma_start3A_536 = tpu.memref_slice %arg12[%mul3A_0, %dma_start3A_535] : memref<10368x32xf32, #tpu.memory_space<vmem_shared>> -> memref<640x32xf32, #tpu.memory_space<vmem_shared>>
      tpu.enqueue_dma source(%arg10 : memref<640x32xf32, #tpu.memory_space<vmem>>) target(%dma_start3A_536 : memref<640x32xf32, #tpu.memory_space<vmem_shared>>) target_semaphore(%run_scoped3A_532 : memref<!tpu.dma_semaphore, #tpu.memory_space<semaphore_mem>>)
      %dma_wait3A_537 = arith.constant 0 : i32
      %dma_wait3A_538 = tpu.memref_slice %arg12[%mul3A_0, %dma_wait3A_537] : memref<10368x32xf32, #tpu.memory_space<vmem_shared>> -> memref<640x32xf32, #tpu.memory_space<vmem_shared>>
      %dma_wait3A_539 = arith.constant 0 : i32
      %dma_wait3A_540 = tpu.memref_slice %arg12[%mul3A_0, %dma_wait3A_539] : memref<10368x32xf32, #tpu.memory_space<vmem_shared>> -> memref<640x32xf32, #tpu.memory_space<vmem_shared>>
      tpu.wait_dma2 semaphore(%run_scoped3A_532 : memref<!tpu.dma_semaphore, #tpu.memory_space<semaphore_mem>>) src(%arg10 : memref<640x32xf32, #tpu.memory_space<vmem>>) dst(%dma_wait3A_540 : memref<640x32xf32, #tpu.memory_space<vmem_shared>>)
      tpu.yield
    }) : () -> ()
    %barrier3A_340 = arith.constant 0 : index
    tpu.barrier barrier_id(%barrier3A_340)
    %dma_start3A_341 = arith.constant 0 : i32
    %dma_start3A_342 = arith.constant 0 : i32
    %dma_start3A_343 = arith.constant 0 : i32
    %dma_start3A_344 = arith.constant 0 : i32
    %dma_start3A_345 = arith.constant 0 : i32
    %dma_start3A_346 = tpu.memref_slice %arg9[%dma_start3A_342, %dma_start3A_344, %dma_start3A_345] : memref<2x128x32xf32, #tpu.memory_space<vmem>> -> memref<1x128x32xf32, #tpu.memory_space<vmem>>
    %dma_start3A_347 = tpu.memref_squeeze %dma_start3A_346 : memref<1x128x32xf32, #tpu.memory_space<vmem>> -> memref<128x32xf32, #tpu.memory_space<vmem>>
    %dma_start3A_348 = arith.constant 0 : i32
    %dma_start3A_349 = tpu.memref_slice %arg7[%dma_start3A_341, %dma_start3A_348] : memref<158x128xi32, #tpu.memory_space<vmem>> -> memref<1x128xi32, #tpu.memory_space<vmem>>
    %dma_start3A_350 = tpu.memref_squeeze %dma_start3A_349 : memref<1x128xi32, #tpu.memory_space<vmem>> -> memref<128xi32, #tpu.memory_space<vmem>>
    %dma_start3A_351 = arith.constant 0 : i32
    %dma_start3A_352 = arith.constant 0 : i32
    %dma_start3A_353 = tpu.memref_slice %arg13[%dma_start3A_351, %dma_start3A_352] : memref<10368x32xf32, #tpu.memory_space<vmem_shared>> -> memref<10368x32xf32, #tpu.memory_space<vmem_shared>>
    %dma_start3A_354 = tpu.memref_slice %arg14[%dma_start3A_343] : memref<2x!tpu.dma_semaphore, #tpu.memory_space<semaphore_mem>> -> memref<1x!tpu.dma_semaphore, #tpu.memory_space<semaphore_mem>>
    %dma_start3A_355 = tpu.memref_squeeze %dma_start3A_354 : memref<1x!tpu.dma_semaphore, #tpu.memory_space<semaphore_mem>> -> memref<!tpu.dma_semaphore, #tpu.memory_space<semaphore_mem>>
    tpu.enqueue_indirect_dma source(%dma_start3A_353 : memref<10368x32xf32, #tpu.memory_space<vmem_shared>>) target(%dma_start3A_347 : memref<128x32xf32, #tpu.memory_space<vmem>>) offsets(%dma_start3A_350 : memref<128xi32, #tpu.memory_space<vmem>>) semaphore(%dma_start3A_355 : memref<!tpu.dma_semaphore, #tpu.memory_space<semaphore_mem>>)
    %scan3A_356 = arith.constant 0 : i32
    %scan3A_357 = arith.constant 0 : i32
    %scan3A_358 = arith.constant 79 : i32
    %scan3A_359 = arith.addi %scan3A_357, %scan3A_358 : i32
    %scan3A_360 = arith.constant 1 : i32
    %scan3A_361 = scf.for %scan3A_532 = %scan3A_357 to %scan3A_359 step %scan3A_360 iter_args(%scan3A_533 = %scan3A_356) -> (i32)  : i32 {
      %mul3A_534 = arith.constant 2 : i32
      %mul3A_535 = arith.muli %scan3A_532, %mul3A_534 : i32
      %add3A = arith.constant 0 : i32
      %add3A_536 = arith.addi %mul3A_535, %add3A : i32
      %ge3A = arith.constant 1 : i32
      %ge3A_537 = arith.cmpi sge, %add3A_536, %ge3A : i32
      %convert_element_type3A = arith.extui %ge3A_537 : i1 to i32
      %cond3A = arith.constant 0 : i32
      %cond3A_538 = arith.cmpi ne, %convert_element_type3A, %cond3A : i32
      scf.if %cond3A_538 {
        %dma_wait3A_628 = arith.constant 1 : i32
        %dma_wait3A_629 = arith.constant 1 : i32
        %dma_wait3A_630 = arith.constant 0 : i32
        %dma_wait3A_631 = arith.constant 0 : i32
        %dma_wait3A_632 = tpu.memref_slice %arg9[%dma_wait3A_628, %dma_wait3A_630, %dma_wait3A_631] : memref<2x128x32xf32, #tpu.memory_space<vmem>> -> memref<1x128x32xf32, #tpu.memory_space<vmem>>
        %dma_wait3A_633 = tpu.memref_squeeze %dma_wait3A_632 : memref<1x128x32xf32, #tpu.memory_space<vmem>> -> memref<128x32xf32, #tpu.memory_space<vmem>>
        %dma_wait3A_634 = arith.constant 0 : i32
        %dma_wait3A_635 = arith.constant 0 : i32
        %dma_wait3A_636 = tpu.memref_slice %arg2[%arg0, %dma_wait3A_634, %dma_wait3A_635] : memref<2x10240x32xf32, #tpu.memory_space<hbm>> -> memref<1x128x32xf32, #tpu.memory_space<hbm>>
        %dma_wait3A_637 = tpu.memref_squeeze %dma_wait3A_636 : memref<1x128x32xf32, #tpu.memory_space<hbm>> -> memref<128x32xf32, #tpu.memory_space<hbm>>
        %dma_wait3A_638 = tpu.memref_slice %arg15[%dma_wait3A_629] : memref<2x!tpu.dma_semaphore, #tpu.memory_space<semaphore_mem>> -> memref<1x!tpu.dma_semaphore, #tpu.memory_space<semaphore_mem>>
        %dma_wait3A_639 = tpu.memref_squeeze %dma_wait3A_638 : memref<1x!tpu.dma_semaphore, #tpu.memory_space<semaphore_mem>> -> memref<!tpu.dma_semaphore, #tpu.memory_space<semaphore_mem>>
        %dma_wait3A_640 = arith.constant 0 : i32
        %dma_wait3A_641 = arith.constant 0 : i32
        %dma_wait3A_642 = tpu.memref_slice %arg9[%dma_wait3A_628, %dma_wait3A_640, %dma_wait3A_641] : memref<2x128x32xf32, #tpu.memory_space<vmem>> -> memref<1x128x32xf32, #tpu.memory_space<vmem>>
        %dma_wait3A_643 = tpu.memref_squeeze %dma_wait3A_642 : memref<1x128x32xf32, #tpu.memory_space<vmem>> -> memref<128x32xf32, #tpu.memory_space<vmem>>
        %dma_wait3A_644 = arith.constant 0 : i32
        %dma_wait3A_645 = arith.constant 0 : i32
        %dma_wait3A_646 = tpu.memref_slice %arg2[%arg0, %dma_wait3A_644, %dma_wait3A_645] : memref<2x10240x32xf32, #tpu.memory_space<hbm>> -> memref<1x128x32xf32, #tpu.memory_space<hbm>>
        %dma_wait3A_647 = tpu.memref_squeeze %dma_wait3A_646 : memref<1x128x32xf32, #tpu.memory_space<hbm>> -> memref<128x32xf32, #tpu.memory_space<hbm>>
        tpu.wait_dma2 semaphore(%dma_wait3A_639 : memref<!tpu.dma_semaphore, #tpu.memory_space<semaphore_mem>>) src(%dma_wait3A_647 : memref<128x32xf32, #tpu.memory_space<hbm>>) dst(%dma_wait3A_643 : memref<128x32xf32, #tpu.memory_space<vmem>>)
      } else {
      }
      %add3A_539 = arith.constant 1 : i32
      %add3A_540 = arith.addi %add3A_536, %add3A_539 : i32
      %lt3A = arith.constant 158 : i32
      %lt3A_541 = arith.cmpi slt, %add3A_540, %lt3A : i32
      %convert_element_type3A_542 = arith.extui %lt3A_541 : i1 to i32
      %cond3A_543 = arith.constant 0 : i32
      %cond3A_544 = arith.cmpi ne, %convert_element_type3A_542, %cond3A_543 : i32
      scf.if %cond3A_544 {
        %add3A_628 = arith.constant 1 : i32
        %add3A_629 = arith.addi %add3A_536, %add3A_628 : i32
        %dma_start3A_630 = arith.constant 1 : i32
        %dma_start3A_631 = arith.constant 1 : i32
        %dma_start3A_632 = arith.constant 0 : i32
        %dma_start3A_633 = arith.constant 0 : i32
        %dma_start3A_634 = tpu.memref_slice %arg9[%dma_start3A_630, %dma_start3A_632, %dma_start3A_633] : memref<2x128x32xf32, #tpu.memory_space<vmem>> -> memref<1x128x32xf32, #tpu.memory_space<vmem>>
        %dma_start3A_635 = tpu.memref_squeeze %dma_start3A_634 : memref<1x128x32xf32, #tpu.memory_space<vmem>> -> memref<128x32xf32, #tpu.memory_space<vmem>>
        %dma_start3A_636 = arith.constant 0 : i32
        %dma_start3A_637 = tpu.memref_slice %arg7[%add3A_629, %dma_start3A_636] : memref<158x128xi32, #tpu.memory_space<vmem>> -> memref<1x128xi32, #tpu.memory_space<vmem>>
        %dma_start3A_638 = tpu.memref_squeeze %dma_start3A_637 : memref<1x128xi32, #tpu.memory_space<vmem>> -> memref<128xi32, #tpu.memory_space<vmem>>
        %dma_start3A_639 = arith.constant 0 : i32
        %dma_start3A_640 = arith.constant 0 : i32
        %dma_start3A_641 = tpu.memref_slice %arg13[%dma_start3A_639, %dma_start3A_640] : memref<10368x32xf32, #tpu.memory_space<vmem_shared>> -> memref<10368x32xf32, #tpu.memory_space<vmem_shared>>
        %dma_start3A_642 = tpu.memref_slice %arg14[%dma_start3A_631] : memref<2x!tpu.dma_semaphore, #tpu.memory_space<semaphore_mem>> -> memref<1x!tpu.dma_semaphore, #tpu.memory_space<semaphore_mem>>
        %dma_start3A_643 = tpu.memref_squeeze %dma_start3A_642 : memref<1x!tpu.dma_semaphore, #tpu.memory_space<semaphore_mem>> -> memref<!tpu.dma_semaphore, #tpu.memory_space<semaphore_mem>>
        tpu.enqueue_indirect_dma source(%dma_start3A_641 : memref<10368x32xf32, #tpu.memory_space<vmem_shared>>) target(%dma_start3A_635 : memref<128x32xf32, #tpu.memory_space<vmem>>) offsets(%dma_start3A_638 : memref<128xi32, #tpu.memory_space<vmem>>) semaphore(%dma_start3A_643 : memref<!tpu.dma_semaphore, #tpu.memory_space<semaphore_mem>>)
      } else {
      }
      %dma_wait3A_545 = arith.constant 0 : i32
      %dma_wait3A_546 = arith.constant 0 : i32
      %dma_wait3A_547 = arith.constant 0 : i32
      %dma_wait3A_548 = arith.constant 0 : i32
      %dma_wait3A_549 = tpu.memref_slice %arg9[%dma_wait3A_545, %dma_wait3A_547, %dma_wait3A_548] : memref<2x128x32xf32, #tpu.memory_space<vmem>> -> memref<1x128x32xf32, #tpu.memory_space<vmem>>
      %dma_wait3A_550 = tpu.memref_squeeze %dma_wait3A_549 : memref<1x128x32xf32, #tpu.memory_space<vmem>> -> memref<128x32xf32, #tpu.memory_space<vmem>>
      %dma_wait3A_551 = arith.constant 0 : i32
      %dma_wait3A_552 = arith.constant 0 : i32
      %dma_wait3A_553 = tpu.memref_slice %arg2[%arg0, %dma_wait3A_551, %dma_wait3A_552] : memref<2x10240x32xf32, #tpu.memory_space<hbm>> -> memref<1x128x32xf32, #tpu.memory_space<hbm>>
      %dma_wait3A_554 = tpu.memref_squeeze %dma_wait3A_553 : memref<1x128x32xf32, #tpu.memory_space<hbm>> -> memref<128x32xf32, #tpu.memory_space<hbm>>
      %dma_wait3A_555 = tpu.memref_slice %arg14[%dma_wait3A_546] : memref<2x!tpu.dma_semaphore, #tpu.memory_space<semaphore_mem>> -> memref<1x!tpu.dma_semaphore, #tpu.memory_space<semaphore_mem>>
      %dma_wait3A_556 = tpu.memref_squeeze %dma_wait3A_555 : memref<1x!tpu.dma_semaphore, #tpu.memory_space<semaphore_mem>> -> memref<!tpu.dma_semaphore, #tpu.memory_space<semaphore_mem>>
      %dma_wait3A_557 = arith.constant 0 : i32
      %dma_wait3A_558 = arith.constant 0 : i32
      %dma_wait3A_559 = tpu.memref_slice %arg9[%dma_wait3A_545, %dma_wait3A_557, %dma_wait3A_558] : memref<2x128x32xf32, #tpu.memory_space<vmem>> -> memref<1x128x32xf32, #tpu.memory_space<vmem>>
      %dma_wait3A_560 = tpu.memref_squeeze %dma_wait3A_559 : memref<1x128x32xf32, #tpu.memory_space<vmem>> -> memref<128x32xf32, #tpu.memory_space<vmem>>
      %dma_wait3A_561 = arith.constant 0 : i32
      %dma_wait3A_562 = arith.constant 0 : i32
      %dma_wait3A_563 = tpu.memref_slice %arg2[%arg0, %dma_wait3A_561, %dma_wait3A_562] : memref<2x10240x32xf32, #tpu.memory_space<hbm>> -> memref<1x128x32xf32, #tpu.memory_space<hbm>>
      %dma_wait3A_564 = tpu.memref_squeeze %dma_wait3A_563 : memref<1x128x32xf32, #tpu.memory_space<hbm>> -> memref<128x32xf32, #tpu.memory_space<hbm>>
      tpu.wait_dma2 semaphore(%dma_wait3A_556 : memref<!tpu.dma_semaphore, #tpu.memory_space<semaphore_mem>>) src(%dma_wait3A_564 : memref<128x32xf32, #tpu.memory_space<hbm>>) dst(%dma_wait3A_560 : memref<128x32xf32, #tpu.memory_space<vmem>>)
      %dma_start3A_565 = arith.constant 0 : i32
      %dma_start3A_566 = arith.constant 0 : i32
      %dma_start3A_567 = arith.constant 0 : i32
      %dma_start3A_568 = arith.constant 0 : i32
      %dma_start3A_569 = tpu.memref_slice %arg9[%dma_start3A_565, %dma_start3A_567, %dma_start3A_568] : memref<2x128x32xf32, #tpu.memory_space<vmem>> -> memref<1x128x32xf32, #tpu.memory_space<vmem>>
      %dma_start3A_570 = tpu.memref_squeeze %dma_start3A_569 : memref<1x128x32xf32, #tpu.memory_space<vmem>> -> memref<128x32xf32, #tpu.memory_space<vmem>>
      %dma_start3A_571 = arith.constant 0 : i32
      %dma_start3A_572 = tpu.memref_slice %arg8[%add3A_536, %dma_start3A_571] : memref<158x128xi32, #tpu.memory_space<vmem>> -> memref<1x128xi32, #tpu.memory_space<vmem>>
      %dma_start3A_573 = tpu.memref_squeeze %dma_start3A_572 : memref<1x128xi32, #tpu.memory_space<vmem>> -> memref<128xi32, #tpu.memory_space<vmem>>
      %dma_start3A_574 = arith.constant 0 : i32
      %dma_start3A_575 = arith.constant 0 : i32
      %dma_start3A_576 = tpu.memref_slice %arg12[%dma_start3A_574, %dma_start3A_575] : memref<10368x32xf32, #tpu.memory_space<vmem_shared>> -> memref<10368x32xf32, #tpu.memory_space<vmem_shared>>
      %dma_start3A_577 = tpu.memref_slice %arg15[%dma_start3A_566] : memref<2x!tpu.dma_semaphore, #tpu.memory_space<semaphore_mem>> -> memref<1x!tpu.dma_semaphore, #tpu.memory_space<semaphore_mem>>
      %dma_start3A_578 = tpu.memref_squeeze %dma_start3A_577 : memref<1x!tpu.dma_semaphore, #tpu.memory_space<semaphore_mem>> -> memref<!tpu.dma_semaphore, #tpu.memory_space<semaphore_mem>>
      tpu.enqueue_indirect_dma source(%dma_start3A_570 : memref<128x32xf32, #tpu.memory_space<vmem>>) target(%dma_start3A_576 : memref<10368x32xf32, #tpu.memory_space<vmem_shared>>) offsets(%dma_start3A_573 : memref<128xi32, #tpu.memory_space<vmem>>) semaphore(%dma_start3A_578 : memref<!tpu.dma_semaphore, #tpu.memory_space<semaphore_mem>>) {add = true}
      %add3A_579 = arith.constant 1 : i32
      %add3A_580 = arith.addi %mul3A_535, %add3A_579 : i32
      %ge3A_581 = arith.constant 1 : i32
      %ge3A_582 = arith.cmpi sge, %add3A_580, %ge3A_581 : i32
      %convert_element_type3A_583 = arith.extui %ge3A_582 : i1 to i32
      %cond3A_584 = arith.constant 0 : i32
      %cond3A_585 = arith.cmpi ne, %convert_element_type3A_583, %cond3A_584 : i32
      scf.if %cond3A_585 {
        %dma_wait3A_628 = arith.constant 0 : i32
        %dma_wait3A_629 = arith.constant 0 : i32
        %dma_wait3A_630 = arith.constant 0 : i32
        %dma_wait3A_631 = arith.constant 0 : i32
        %dma_wait3A_632 = tpu.memref_slice %arg9[%dma_wait3A_628, %dma_wait3A_630, %dma_wait3A_631] : memref<2x128x32xf32, #tpu.memory_space<vmem>> -> memref<1x128x32xf32, #tpu.memory_space<vmem>>
        %dma_wait3A_633 = tpu.memref_squeeze %dma_wait3A_632 : memref<1x128x32xf32, #tpu.memory_space<vmem>> -> memref<128x32xf32, #tpu.memory_space<vmem>>
        %dma_wait3A_634 = arith.constant 0 : i32
        %dma_wait3A_635 = arith.constant 0 : i32
        %dma_wait3A_636 = tpu.memref_slice %arg2[%arg0, %dma_wait3A_634, %dma_wait3A_635] : memref<2x10240x32xf32, #tpu.memory_space<hbm>> -> memref<1x128x32xf32, #tpu.memory_space<hbm>>
        %dma_wait3A_637 = tpu.memref_squeeze %dma_wait3A_636 : memref<1x128x32xf32, #tpu.memory_space<hbm>> -> memref<128x32xf32, #tpu.memory_space<hbm>>
        %dma_wait3A_638 = tpu.memref_slice %arg15[%dma_wait3A_629] : memref<2x!tpu.dma_semaphore, #tpu.memory_space<semaphore_mem>> -> memref<1x!tpu.dma_semaphore, #tpu.memory_space<semaphore_mem>>
        %dma_wait3A_639 = tpu.memref_squeeze %dma_wait3A_638 : memref<1x!tpu.dma_semaphore, #tpu.memory_space<semaphore_mem>> -> memref<!tpu.dma_semaphore, #tpu.memory_space<semaphore_mem>>
        %dma_wait3A_640 = arith.constant 0 : i32
        %dma_wait3A_641 = arith.constant 0 : i32
        %dma_wait3A_642 = tpu.memref_slice %arg9[%dma_wait3A_628, %dma_wait3A_640, %dma_wait3A_641] : memref<2x128x32xf32, #tpu.memory_space<vmem>> -> memref<1x128x32xf32, #tpu.memory_space<vmem>>
        %dma_wait3A_643 = tpu.memref_squeeze %dma_wait3A_642 : memref<1x128x32xf32, #tpu.memory_space<vmem>> -> memref<128x32xf32, #tpu.memory_space<vmem>>
        %dma_wait3A_644 = arith.constant 0 : i32
        %dma_wait3A_645 = arith.constant 0 : i32
        %dma_wait3A_646 = tpu.memref_slice %arg2[%arg0, %dma_wait3A_644, %dma_wait3A_645] : memref<2x10240x32xf32, #tpu.memory_space<hbm>> -> memref<1x128x32xf32, #tpu.memory_space<hbm>>
        %dma_wait3A_647 = tpu.memref_squeeze %dma_wait3A_646 : memref<1x128x32xf32, #tpu.memory_space<hbm>> -> memref<128x32xf32, #tpu.memory_space<hbm>>
        tpu.wait_dma2 semaphore(%dma_wait3A_639 : memref<!tpu.dma_semaphore, #tpu.memory_space<semaphore_mem>>) src(%dma_wait3A_647 : memref<128x32xf32, #tpu.memory_space<hbm>>) dst(%dma_wait3A_643 : memref<128x32xf32, #tpu.memory_space<vmem>>)
      } else {
      }
      %add3A_586 = arith.constant 1 : i32
      %add3A_587 = arith.addi %add3A_580, %add3A_586 : i32
      %lt3A_588 = arith.constant 158 : i32
      %lt3A_589 = arith.cmpi slt, %add3A_587, %lt3A_588 : i32
      %convert_element_type3A_590 = arith.extui %lt3A_589 : i1 to i32
      %cond3A_591 = arith.constant 0 : i32
      %cond3A_592 = arith.cmpi ne, %convert_element_type3A_590, %cond3A_591 : i32
      scf.if %cond3A_592 {
        %add3A_628 = arith.constant 1 : i32
        %add3A_629 = arith.addi %add3A_580, %add3A_628 : i32
        %dma_start3A_630 = arith.constant 0 : i32
        %dma_start3A_631 = arith.constant 0 : i32
        %dma_start3A_632 = arith.constant 0 : i32
        %dma_start3A_633 = arith.constant 0 : i32
        %dma_start3A_634 = tpu.memref_slice %arg9[%dma_start3A_630, %dma_start3A_632, %dma_start3A_633] : memref<2x128x32xf32, #tpu.memory_space<vmem>> -> memref<1x128x32xf32, #tpu.memory_space<vmem>>
        %dma_start3A_635 = tpu.memref_squeeze %dma_start3A_634 : memref<1x128x32xf32, #tpu.memory_space<vmem>> -> memref<128x32xf32, #tpu.memory_space<vmem>>
        %dma_start3A_636 = arith.constant 0 : i32
        %dma_start3A_637 = tpu.memref_slice %arg7[%add3A_629, %dma_start3A_636] : memref<158x128xi32, #tpu.memory_space<vmem>> -> memref<1x128xi32, #tpu.memory_space<vmem>>
        %dma_start3A_638 = tpu.memref_squeeze %dma_start3A_637 : memref<1x128xi32, #tpu.memory_space<vmem>> -> memref<128xi32, #tpu.memory_space<vmem>>
        %dma_start3A_639 = arith.constant 0 : i32
        %dma_start3A_640 = arith.constant 0 : i32
        %dma_start3A_641 = tpu.memref_slice %arg13[%dma_start3A_639, %dma_start3A_640] : memref<10368x32xf32, #tpu.memory_space<vmem_shared>> -> memref<10368x32xf32, #tpu.memory_space<vmem_shared>>
        %dma_start3A_642 = tpu.memref_slice %arg14[%dma_start3A_631] : memref<2x!tpu.dma_semaphore, #tpu.memory_space<semaphore_mem>> -> memref<1x!tpu.dma_semaphore, #tpu.memory_space<semaphore_mem>>
        %dma_start3A_643 = tpu.memref_squeeze %dma_start3A_642 : memref<1x!tpu.dma_semaphore, #tpu.memory_space<semaphore_mem>> -> memref<!tpu.dma_semaphore, #tpu.memory_space<semaphore_mem>>
        tpu.enqueue_indirect_dma source(%dma_start3A_641 : memref<10368x32xf32, #tpu.memory_space<vmem_shared>>) target(%dma_start3A_635 : memref<128x32xf32, #tpu.memory_space<vmem>>) offsets(%dma_start3A_638 : memref<128xi32, #tpu.memory_space<vmem>>) semaphore(%dma_start3A_643 : memref<!tpu.dma_semaphore, #tpu.memory_space<semaphore_mem>>)
      } else {
      }
      %dma_wait3A_593 = arith.constant 1 : i32
      %dma_wait3A_594 = arith.constant 1 : i32
      %dma_wait3A_595 = arith.constant 0 : i32
      %dma_wait3A_596 = arith.constant 0 : i32
      %dma_wait3A_597 = tpu.memref_slice %arg9[%dma_wait3A_593, %dma_wait3A_595, %dma_wait3A_596] : memref<2x128x32xf32, #tpu.memory_space<vmem>> -> memref<1x128x32xf32, #tpu.memory_space<vmem>>
      %dma_wait3A_598 = tpu.memref_squeeze %dma_wait3A_597 : memref<1x128x32xf32, #tpu.memory_space<vmem>> -> memref<128x32xf32, #tpu.memory_space<vmem>>
      %dma_wait3A_599 = arith.constant 0 : i32
      %dma_wait3A_600 = arith.constant 0 : i32
      %dma_wait3A_601 = tpu.memref_slice %arg2[%arg0, %dma_wait3A_599, %dma_wait3A_600] : memref<2x10240x32xf32, #tpu.memory_space<hbm>> -> memref<1x128x32xf32, #tpu.memory_space<hbm>>
      %dma_wait3A_602 = tpu.memref_squeeze %dma_wait3A_601 : memref<1x128x32xf32, #tpu.memory_space<hbm>> -> memref<128x32xf32, #tpu.memory_space<hbm>>
      %dma_wait3A_603 = tpu.memref_slice %arg14[%dma_wait3A_594] : memref<2x!tpu.dma_semaphore, #tpu.memory_space<semaphore_mem>> -> memref<1x!tpu.dma_semaphore, #tpu.memory_space<semaphore_mem>>
      %dma_wait3A_604 = tpu.memref_squeeze %dma_wait3A_603 : memref<1x!tpu.dma_semaphore, #tpu.memory_space<semaphore_mem>> -> memref<!tpu.dma_semaphore, #tpu.memory_space<semaphore_mem>>
      %dma_wait3A_605 = arith.constant 0 : i32
      %dma_wait3A_606 = arith.constant 0 : i32
      %dma_wait3A_607 = tpu.memref_slice %arg9[%dma_wait3A_593, %dma_wait3A_605, %dma_wait3A_606] : memref<2x128x32xf32, #tpu.memory_space<vmem>> -> memref<1x128x32xf32, #tpu.memory_space<vmem>>
      %dma_wait3A_608 = tpu.memref_squeeze %dma_wait3A_607 : memref<1x128x32xf32, #tpu.memory_space<vmem>> -> memref<128x32xf32, #tpu.memory_space<vmem>>
      %dma_wait3A_609 = arith.constant 0 : i32
      %dma_wait3A_610 = arith.constant 0 : i32
      %dma_wait3A_611 = tpu.memref_slice %arg2[%arg0, %dma_wait3A_609, %dma_wait3A_610] : memref<2x10240x32xf32, #tpu.memory_space<hbm>> -> memref<1x128x32xf32, #tpu.memory_space<hbm>>
      %dma_wait3A_612 = tpu.memref_squeeze %dma_wait3A_611 : memref<1x128x32xf32, #tpu.memory_space<hbm>> -> memref<128x32xf32, #tpu.memory_space<hbm>>
      tpu.wait_dma2 semaphore(%dma_wait3A_604 : memref<!tpu.dma_semaphore, #tpu.memory_space<semaphore_mem>>) src(%dma_wait3A_612 : memref<128x32xf32, #tpu.memory_space<hbm>>) dst(%dma_wait3A_608 : memref<128x32xf32, #tpu.memory_space<vmem>>)
      %dma_start3A_613 = arith.constant 1 : i32
      %dma_start3A_614 = arith.constant 1 : i32
      %dma_start3A_615 = arith.constant 0 : i32
      %dma_start3A_616 = arith.constant 0 : i32
      %dma_start3A_617 = tpu.memref_slice %arg9[%dma_start3A_613, %dma_start3A_615, %dma_start3A_616] : memref<2x128x32xf32, #tpu.memory_space<vmem>> -> memref<1x128x32xf32, #tpu.memory_space<vmem>>
      %dma_start3A_618 = tpu.memref_squeeze %dma_start3A_617 : memref<1x128x32xf32, #tpu.memory_space<vmem>> -> memref<128x32xf32, #tpu.memory_space<vmem>>
      %dma_start3A_619 = arith.constant 0 : i32
      %dma_start3A_620 = tpu.memref_slice %arg8[%add3A_580, %dma_start3A_619] : memref<158x128xi32, #tpu.memory_space<vmem>> -> memref<1x128xi32, #tpu.memory_space<vmem>>
      %dma_start3A_621 = tpu.memref_squeeze %dma_start3A_620 : memref<1x128xi32, #tpu.memory_space<vmem>> -> memref<128xi32, #tpu.memory_space<vmem>>
      %dma_start3A_622 = arith.constant 0 : i32
      %dma_start3A_623 = arith.constant 0 : i32
      %dma_start3A_624 = tpu.memref_slice %arg12[%dma_start3A_622, %dma_start3A_623] : memref<10368x32xf32, #tpu.memory_space<vmem_shared>> -> memref<10368x32xf32, #tpu.memory_space<vmem_shared>>
      %dma_start3A_625 = tpu.memref_slice %arg15[%dma_start3A_614] : memref<2x!tpu.dma_semaphore, #tpu.memory_space<semaphore_mem>> -> memref<1x!tpu.dma_semaphore, #tpu.memory_space<semaphore_mem>>
      %dma_start3A_626 = tpu.memref_squeeze %dma_start3A_625 : memref<1x!tpu.dma_semaphore, #tpu.memory_space<semaphore_mem>> -> memref<!tpu.dma_semaphore, #tpu.memory_space<semaphore_mem>>
      tpu.enqueue_indirect_dma source(%dma_start3A_618 : memref<128x32xf32, #tpu.memory_space<vmem>>) target(%dma_start3A_624 : memref<10368x32xf32, #tpu.memory_space<vmem_shared>>) offsets(%dma_start3A_621 : memref<128xi32, #tpu.memory_space<vmem>>) semaphore(%dma_start3A_626 : memref<!tpu.dma_semaphore, #tpu.memory_space<semaphore_mem>>) {add = true}
      %scan3A_627 = arith.constant 0 : i32
      scf.yield %scan3A_627 : i32
    }
    %scan3A_362 = arith.constant 79 : i32
    %dma_wait3A_363 = arith.constant 1 : i32
    %dma_wait3A_364 = arith.constant 1 : i32
    %dma_wait3A_365 = arith.constant 0 : i32
    %dma_wait3A_366 = arith.constant 0 : i32
    %dma_wait3A_367 = tpu.memref_slice %arg9[%dma_wait3A_363, %dma_wait3A_365, %dma_wait3A_366] : memref<2x128x32xf32, #tpu.memory_space<vmem>> -> memref<1x128x32xf32, #tpu.memory_space<vmem>>
    %dma_wait3A_368 = tpu.memref_squeeze %dma_wait3A_367 : memref<1x128x32xf32, #tpu.memory_space<vmem>> -> memref<128x32xf32, #tpu.memory_space<vmem>>
    %dma_wait3A_369 = arith.constant 0 : i32
    %dma_wait3A_370 = arith.constant 0 : i32
    %dma_wait3A_371 = tpu.memref_slice %arg2[%arg0, %dma_wait3A_369, %dma_wait3A_370] : memref<2x10240x32xf32, #tpu.memory_space<hbm>> -> memref<1x128x32xf32, #tpu.memory_space<hbm>>
    %dma_wait3A_372 = tpu.memref_squeeze %dma_wait3A_371 : memref<1x128x32xf32, #tpu.memory_space<hbm>> -> memref<128x32xf32, #tpu.memory_space<hbm>>
    %dma_wait3A_373 = tpu.memref_slice %arg15[%dma_wait3A_364] : memref<2x!tpu.dma_semaphore, #tpu.memory_space<semaphore_mem>> -> memref<1x!tpu.dma_semaphore, #tpu.memory_space<semaphore_mem>>
    %dma_wait3A_374 = tpu.memref_squeeze %dma_wait3A_373 : memref<1x!tpu.dma_semaphore, #tpu.memory_space<semaphore_mem>> -> memref<!tpu.dma_semaphore, #tpu.memory_space<semaphore_mem>>
    %dma_wait3A_375 = arith.constant 0 : i32
    %dma_wait3A_376 = arith.constant 0 : i32
    %dma_wait3A_377 = tpu.memref_slice %arg9[%dma_wait3A_363, %dma_wait3A_375, %dma_wait3A_376] : memref<2x128x32xf32, #tpu.memory_space<vmem>> -> memref<1x128x32xf32, #tpu.memory_space<vmem>>
    %dma_wait3A_378 = tpu.memref_squeeze %dma_wait3A_377 : memref<1x128x32xf32, #tpu.memory_space<vmem>> -> memref<128x32xf32, #tpu.memory_space<vmem>>
    %dma_wait3A_379 = arith.constant 0 : i32
    %dma_wait3A_380 = arith.constant 0 : i32
    %dma_wait3A_381 = tpu.memref_slice %arg2[%arg0, %dma_wait3A_379, %dma_wait3A_380] : memref<2x10240x32xf32, #tpu.memory_space<hbm>> -> memref<1x128x32xf32, #tpu.memory_space<hbm>>
    %dma_wait3A_382 = tpu.memref_squeeze %dma_wait3A_381 : memref<1x128x32xf32, #tpu.memory_space<hbm>> -> memref<128x32xf32, #tpu.memory_space<hbm>>
    tpu.wait_dma2 semaphore(%dma_wait3A_374 : memref<!tpu.dma_semaphore, #tpu.memory_space<semaphore_mem>>) src(%dma_wait3A_382 : memref<128x32xf32, #tpu.memory_space<hbm>>) dst(%dma_wait3A_378 : memref<128x32xf32, #tpu.memory_space<vmem>>)
    %barrier3A_383 = arith.constant 0 : index
    tpu.barrier barrier_id(%barrier3A_383)
    "tpu.region"() ({
      %run_scoped3A_532 = tpu.sem_alloc : memref<!tpu.dma_semaphore, #tpu.memory_space<semaphore_mem>>
      %dma_start3A_533 = arith.constant 0 : i32
      %dma_start3A_534 = tpu.memref_slice %arg12[%mul3A_0, %dma_start3A_533] : memref<10368x32xf32, #tpu.memory_space<vmem_shared>> -> memref<640x32xf32, #tpu.memory_space<vmem_shared>>
      %dma_start3A_535 = arith.constant 0 : i32
      %dma_start3A_536 = tpu.memref_slice %arg12[%mul3A_0, %dma_start3A_535] : memref<10368x32xf32, #tpu.memory_space<vmem_shared>> -> memref<640x32xf32, #tpu.memory_space<vmem_shared>>
      tpu.enqueue_dma source(%dma_start3A_536 : memref<640x32xf32, #tpu.memory_space<vmem_shared>>) target(%arg10 : memref<640x32xf32, #tpu.memory_space<vmem>>) target_semaphore(%run_scoped3A_532 : memref<!tpu.dma_semaphore, #tpu.memory_space<semaphore_mem>>)
      %dma_wait3A_537 = arith.constant 0 : i32
      %dma_wait3A_538 = tpu.memref_slice %arg12[%mul3A_0, %dma_wait3A_537] : memref<10368x32xf32, #tpu.memory_space<vmem_shared>> -> memref<640x32xf32, #tpu.memory_space<vmem_shared>>
      %dma_wait3A_539 = arith.constant 0 : i32
      %dma_wait3A_540 = tpu.memref_slice %arg12[%mul3A_0, %dma_wait3A_539] : memref<10368x32xf32, #tpu.memory_space<vmem_shared>> -> memref<640x32xf32, #tpu.memory_space<vmem_shared>>
      tpu.wait_dma2 semaphore(%run_scoped3A_532 : memref<!tpu.dma_semaphore, #tpu.memory_space<semaphore_mem>>) src(%dma_wait3A_540 : memref<640x32xf32, #tpu.memory_space<vmem_shared>>) dst(%arg10 : memref<640x32xf32, #tpu.memory_space<vmem>>)
      tpu.yield
    }) : () -> ()
    %scan3A_384 = arith.constant 0 : i32
    %scan3A_385 = arith.constant 0 : i32
    %scan3A_386 = arith.constant 640 : i32
    %scan3A_387 = arith.addi %scan3A_385, %scan3A_386 : i32
    %scan3A_388 = arith.constant 1 : i32
    %scan3A_389 = scf.for %scan3A_532 = %scan3A_385 to %scan3A_387 step %scan3A_388 iter_args(%scan3A_533 = %scan3A_384) -> (i32)  : i32 {
      %broadcast_in_dim3A = vector.broadcast %scan3A_532 : i32 to vector<16xi32>
      %gather3A = tpu.vector_load_idx %arg11[%broadcast_in_dim3A] : memref<640xf32, #tpu.memory_space<vmem>>[vector<16xi32>], vector<16xf32>,
      %get3A = arith.index_cast %scan3A_532 : i32 to index
      %get3A_534 = arith.constant 0 : index
      %get3A_535 = tpu.vector_load %arg10[%get3A, %get3A_534] {strides = array<i32>} : memref<640x32xf32, #tpu.memory_space<vmem>>, vector<16xf32>,
      %mul3A_536 = arith.mulf %get3A_535, %gather3A : vector<16xf32>
      %swap3A = arith.index_cast %scan3A_532 : i32 to index
      %swap3A_537 = arith.constant 0 : index
      %swap3A_538 = tpu.vector_load %arg10[%swap3A, %swap3A_537] {strides = array<i32>} : memref<640x32xf32, #tpu.memory_space<vmem>>, vector<16xf32>,
      tpu.vector_store %arg10[%swap3A, %swap3A_537], %mul3A_536 {strides = array<i32>} : memref<640x32xf32, #tpu.memory_space<vmem>>, vector<16xf32>,
      %get3A_539 = arith.index_cast %scan3A_532 : i32 to index
      %get3A_540 = arith.constant 16 : index
      %get3A_541 = tpu.vector_load %arg10[%get3A_539, %get3A_540] {strides = array<i32>} : memref<640x32xf32, #tpu.memory_space<vmem>>, vector<16xf32>,
      %mul3A_542 = arith.mulf %get3A_541, %gather3A : vector<16xf32>
      %swap3A_543 = arith.index_cast %scan3A_532 : i32 to index
      %swap3A_544 = arith.constant 16 : index
      %swap3A_545 = tpu.vector_load %arg10[%swap3A_543, %swap3A_544] {strides = array<i32>} : memref<640x32xf32, #tpu.memory_space<vmem>>, vector<16xf32>,
      tpu.vector_store %arg10[%swap3A_543, %swap3A_544], %mul3A_542 {strides = array<i32>} : memref<640x32xf32, #tpu.memory_space<vmem>>, vector<16xf32>,
      %scan3A_546 = arith.constant 0 : i32
      scf.yield %scan3A_546 : i32
    }
    %scan3A_390 = arith.constant 640 : i32
    %run_scoped3A_391 = arith.constant 5 : i32
    "tpu.region"() ({
      %run_scoped3A_532 = tpu.sem_alloc : memref<!tpu.dma_semaphore, #tpu.memory_space<semaphore_mem>>
      %dma_start3A_533 = arith.constant 0 : i32
      %dma_start3A_534 = tpu.memref_slice %arg6[%run_scoped3A_391, %arg0, %mul3A_0, %dma_start3A_533] : memref<8x2x10240x32xf32, #tpu.memory_space<hbm>> -> memref<1x1x640x32xf32, #tpu.memory_space<hbm>>
      %dma_start3A_535 = tpu.memref_squeeze %dma_start3A_534 : memref<1x1x640x32xf32, #tpu.memory_space<hbm>> -> memref<640x32xf32, #tpu.memory_space<hbm>>
      %dma_start3A_536 = arith.constant 0 : i32
      %dma_start3A_537 = tpu.memref_slice %arg6[%run_scoped3A_391, %arg0, %mul3A_0, %dma_start3A_536] : memref<8x2x10240x32xf32, #tpu.memory_space<hbm>> -> memref<1x1x640x32xf32, #tpu.memory_space<hbm>>
      %dma_start3A_538 = tpu.memref_squeeze %dma_start3A_537 : memref<1x1x640x32xf32, #tpu.memory_space<hbm>> -> memref<640x32xf32, #tpu.memory_space<hbm>>
      tpu.enqueue_dma source(%arg10 : memref<640x32xf32, #tpu.memory_space<vmem>>) target(%dma_start3A_538 : memref<640x32xf32, #tpu.memory_space<hbm>>) target_semaphore(%run_scoped3A_532 : memref<!tpu.dma_semaphore, #tpu.memory_space<semaphore_mem>>)
      %dma_wait3A_539 = arith.constant 0 : i32
      %dma_wait3A_540 = tpu.memref_slice %arg6[%run_scoped3A_391, %arg0, %mul3A_0, %dma_wait3A_539] : memref<8x2x10240x32xf32, #tpu.memory_space<hbm>> -> memref<1x1x640x32xf32, #tpu.memory_space<hbm>>
      %dma_wait3A_541 = tpu.memref_squeeze %dma_wait3A_540 : memref<1x1x640x32xf32, #tpu.memory_space<hbm>> -> memref<640x32xf32, #tpu.memory_space<hbm>>
      %dma_wait3A_542 = arith.constant 0 : i32
      %dma_wait3A_543 = tpu.memref_slice %arg6[%run_scoped3A_391, %arg0, %mul3A_0, %dma_wait3A_542] : memref<8x2x10240x32xf32, #tpu.memory_space<hbm>> -> memref<1x1x640x32xf32, #tpu.memory_space<hbm>>
      %dma_wait3A_544 = tpu.memref_squeeze %dma_wait3A_543 : memref<1x1x640x32xf32, #tpu.memory_space<hbm>> -> memref<640x32xf32, #tpu.memory_space<hbm>>
      tpu.wait_dma2 semaphore(%run_scoped3A_532 : memref<!tpu.dma_semaphore, #tpu.memory_space<semaphore_mem>>) src(%arg10 : memref<640x32xf32, #tpu.memory_space<vmem>>) dst(%dma_wait3A_544 : memref<640x32xf32, #tpu.memory_space<hbm>>)
      tpu.yield
    }) : () -> ()
    %scan3A_392 = arith.constant 0 : i32
    %scan3A_393 = arith.constant 0 : i32
    %scan3A_394 = arith.constant 640 : i32
    %scan3A_395 = arith.addi %scan3A_393, %scan3A_394 : i32
    %scan3A_396 = arith.constant 1 : i32
    %scan3A_397 = scf.for %scan3A_532 = %scan3A_393 to %scan3A_395 step %scan3A_396 iter_args(%scan3A_533 = %scan3A_392) -> (i32)  : i32 {
      %broadcast_in_dim3A = vector.broadcast %scan3A_532 : i32 to vector<16xi32>
      %gather3A = tpu.vector_load_idx %arg11[%broadcast_in_dim3A] : memref<640xf32, #tpu.memory_space<vmem>>[vector<16xi32>], vector<16xf32>,
      %get3A = arith.index_cast %scan3A_532 : i32 to index
      %get3A_534 = arith.constant 0 : index
      %get3A_535 = tpu.vector_load %arg10[%get3A, %get3A_534] {strides = array<i32>} : memref<640x32xf32, #tpu.memory_space<vmem>>, vector<16xf32>,
      %mul3A_536 = arith.mulf %get3A_535, %gather3A : vector<16xf32>
      %swap3A = arith.index_cast %scan3A_532 : i32 to index
      %swap3A_537 = arith.constant 0 : index
      %swap3A_538 = tpu.vector_load %arg10[%swap3A, %swap3A_537] {strides = array<i32>} : memref<640x32xf32, #tpu.memory_space<vmem>>, vector<16xf32>,
      tpu.vector_store %arg10[%swap3A, %swap3A_537], %mul3A_536 {strides = array<i32>} : memref<640x32xf32, #tpu.memory_space<vmem>>, vector<16xf32>,
      %get3A_539 = arith.index_cast %scan3A_532 : i32 to index
      %get3A_540 = arith.constant 16 : index
      %get3A_541 = tpu.vector_load %arg10[%get3A_539, %get3A_540] {strides = array<i32>} : memref<640x32xf32, #tpu.memory_space<vmem>>, vector<16xf32>,
      %mul3A_542 = arith.mulf %get3A_541, %gather3A : vector<16xf32>
      %swap3A_543 = arith.index_cast %scan3A_532 : i32 to index
      %swap3A_544 = arith.constant 16 : index
      %swap3A_545 = tpu.vector_load %arg10[%swap3A_543, %swap3A_544] {strides = array<i32>} : memref<640x32xf32, #tpu.memory_space<vmem>>, vector<16xf32>,
      tpu.vector_store %arg10[%swap3A_543, %swap3A_544], %mul3A_542 {strides = array<i32>} : memref<640x32xf32, #tpu.memory_space<vmem>>, vector<16xf32>,
      %scan3A_546 = arith.constant 0 : i32
      scf.yield %scan3A_546 : i32
    }
    %scan3A_398 = arith.constant 640 : i32
    "tpu.region"() ({
      %run_scoped3A_532 = tpu.sem_alloc : memref<!tpu.dma_semaphore, #tpu.memory_space<semaphore_mem>>
      %dma_start3A_533 = arith.constant 0 : i32
      %dma_start3A_534 = tpu.memref_slice %arg12[%mul3A_0, %dma_start3A_533] : memref<10368x32xf32, #tpu.memory_space<vmem_shared>> -> memref<640x32xf32, #tpu.memory_space<vmem_shared>>
      %dma_start3A_535 = arith.constant 0 : i32
      %dma_start3A_536 = tpu.memref_slice %arg12[%mul3A_0, %dma_start3A_535] : memref<10368x32xf32, #tpu.memory_space<vmem_shared>> -> memref<640x32xf32, #tpu.memory_space<vmem_shared>>
      tpu.enqueue_dma source(%arg10 : memref<640x32xf32, #tpu.memory_space<vmem>>) target(%dma_start3A_536 : memref<640x32xf32, #tpu.memory_space<vmem_shared>>) target_semaphore(%run_scoped3A_532 : memref<!tpu.dma_semaphore, #tpu.memory_space<semaphore_mem>>)
      %dma_wait3A_537 = arith.constant 0 : i32
      %dma_wait3A_538 = tpu.memref_slice %arg12[%mul3A_0, %dma_wait3A_537] : memref<10368x32xf32, #tpu.memory_space<vmem_shared>> -> memref<640x32xf32, #tpu.memory_space<vmem_shared>>
      %dma_wait3A_539 = arith.constant 0 : i32
      %dma_wait3A_540 = tpu.memref_slice %arg12[%mul3A_0, %dma_wait3A_539] : memref<10368x32xf32, #tpu.memory_space<vmem_shared>> -> memref<640x32xf32, #tpu.memory_space<vmem_shared>>
      tpu.wait_dma2 semaphore(%run_scoped3A_532 : memref<!tpu.dma_semaphore, #tpu.memory_space<semaphore_mem>>) src(%arg10 : memref<640x32xf32, #tpu.memory_space<vmem>>) dst(%dma_wait3A_540 : memref<640x32xf32, #tpu.memory_space<vmem_shared>>)
      tpu.yield
    }) : () -> ()
    %scan3A_399 = arith.constant 0 : i32
    %scan3A_400 = arith.constant 0 : i32
    %scan3A_401 = arith.constant 640 : i32
    %scan3A_402 = arith.addi %scan3A_400, %scan3A_401 : i32
    %scan3A_403 = arith.constant 1 : i32
    %scan3A_404 = scf.for %scan3A_532 = %scan3A_400 to %scan3A_402 step %scan3A_403 iter_args(%scan3A_533 = %scan3A_399) -> (i32)  : i32 {
      %broadcast_in_dim3A = arith.constant 0.000000e+00 : f32
      %broadcast_in_dim3A_534 = vector.broadcast %broadcast_in_dim3A : f32 to vector<16xf32>
      %swap3A = arith.index_cast %scan3A_532 : i32 to index
      %swap3A_535 = arith.constant 0 : index
      %swap3A_536 = tpu.vector_load %arg10[%swap3A, %swap3A_535] {strides = array<i32>} : memref<640x32xf32, #tpu.memory_space<vmem>>, vector<16xf32>,
      tpu.vector_store %arg10[%swap3A, %swap3A_535], %broadcast_in_dim3A_534 {strides = array<i32>} : memref<640x32xf32, #tpu.memory_space<vmem>>, vector<16xf32>,
      %broadcast_in_dim3A_537 = arith.constant 0.000000e+00 : f32
      %broadcast_in_dim3A_538 = vector.broadcast %broadcast_in_dim3A_537 : f32 to vector<16xf32>
      %swap3A_539 = arith.index_cast %scan3A_532 : i32 to index
      %swap3A_540 = arith.constant 16 : index
      %swap3A_541 = tpu.vector_load %arg10[%swap3A_539, %swap3A_540] {strides = array<i32>} : memref<640x32xf32, #tpu.memory_space<vmem>>, vector<16xf32>,
      tpu.vector_store %arg10[%swap3A_539, %swap3A_540], %broadcast_in_dim3A_538 {strides = array<i32>} : memref<640x32xf32, #tpu.memory_space<vmem>>, vector<16xf32>,
      %scan3A_542 = arith.constant 0 : i32
      scf.yield %scan3A_542 : i32
    }
    %scan3A_405 = arith.constant 640 : i32
    "tpu.region"() ({
      %run_scoped3A_532 = tpu.sem_alloc : memref<!tpu.dma_semaphore, #tpu.memory_space<semaphore_mem>>
      %dma_start3A_533 = arith.constant 0 : i32
      %dma_start3A_534 = tpu.memref_slice %arg13[%mul3A_0, %dma_start3A_533] : memref<10368x32xf32, #tpu.memory_space<vmem_shared>> -> memref<640x32xf32, #tpu.memory_space<vmem_shared>>
      %dma_start3A_535 = arith.constant 0 : i32
      %dma_start3A_536 = tpu.memref_slice %arg13[%mul3A_0, %dma_start3A_535] : memref<10368x32xf32, #tpu.memory_space<vmem_shared>> -> memref<640x32xf32, #tpu.memory_space<vmem_shared>>
      tpu.enqueue_dma source(%arg10 : memref<640x32xf32, #tpu.memory_space<vmem>>) target(%dma_start3A_536 : memref<640x32xf32, #tpu.memory_space<vmem_shared>>) target_semaphore(%run_scoped3A_532 : memref<!tpu.dma_semaphore, #tpu.memory_space<semaphore_mem>>)
      %dma_wait3A_537 = arith.constant 0 : i32
      %dma_wait3A_538 = tpu.memref_slice %arg13[%mul3A_0, %dma_wait3A_537] : memref<10368x32xf32, #tpu.memory_space<vmem_shared>> -> memref<640x32xf32, #tpu.memory_space<vmem_shared>>
      %dma_wait3A_539 = arith.constant 0 : i32
      %dma_wait3A_540 = tpu.memref_slice %arg13[%mul3A_0, %dma_wait3A_539] : memref<10368x32xf32, #tpu.memory_space<vmem_shared>> -> memref<640x32xf32, #tpu.memory_space<vmem_shared>>
      tpu.wait_dma2 semaphore(%run_scoped3A_532 : memref<!tpu.dma_semaphore, #tpu.memory_space<semaphore_mem>>) src(%arg10 : memref<640x32xf32, #tpu.memory_space<vmem>>) dst(%dma_wait3A_540 : memref<640x32xf32, #tpu.memory_space<vmem_shared>>)
      tpu.yield
    }) : () -> ()
    %barrier3A_406 = arith.constant 0 : index
    tpu.barrier barrier_id(%barrier3A_406)
    %dma_start3A_407 = arith.constant 0 : i32
    %dma_start3A_408 = arith.constant 0 : i32
    %dma_start3A_409 = arith.constant 0 : i32
    %dma_start3A_410 = arith.constant 0 : i32
    %dma_start3A_411 = arith.constant 0 : i32
    %dma_start3A_412 = tpu.memref_slice %arg9[%dma_start3A_408, %dma_start3A_410, %dma_start3A_411] : memref<2x128x32xf32, #tpu.memory_space<vmem>> -> memref<1x128x32xf32, #tpu.memory_space<vmem>>
    %dma_start3A_413 = tpu.memref_squeeze %dma_start3A_412 : memref<1x128x32xf32, #tpu.memory_space<vmem>> -> memref<128x32xf32, #tpu.memory_space<vmem>>
    %dma_start3A_414 = arith.constant 0 : i32
    %dma_start3A_415 = tpu.memref_slice %arg7[%dma_start3A_407, %dma_start3A_414] : memref<158x128xi32, #tpu.memory_space<vmem>> -> memref<1x128xi32, #tpu.memory_space<vmem>>
    %dma_start3A_416 = tpu.memref_squeeze %dma_start3A_415 : memref<1x128xi32, #tpu.memory_space<vmem>> -> memref<128xi32, #tpu.memory_space<vmem>>
    %dma_start3A_417 = arith.constant 0 : i32
    %dma_start3A_418 = arith.constant 0 : i32
    %dma_start3A_419 = tpu.memref_slice %arg12[%dma_start3A_417, %dma_start3A_418] : memref<10368x32xf32, #tpu.memory_space<vmem_shared>> -> memref<10368x32xf32, #tpu.memory_space<vmem_shared>>
    %dma_start3A_420 = tpu.memref_slice %arg14[%dma_start3A_409] : memref<2x!tpu.dma_semaphore, #tpu.memory_space<semaphore_mem>> -> memref<1x!tpu.dma_semaphore, #tpu.memory_space<semaphore_mem>>
    %dma_start3A_421 = tpu.memref_squeeze %dma_start3A_420 : memref<1x!tpu.dma_semaphore, #tpu.memory_space<semaphore_mem>> -> memref<!tpu.dma_semaphore, #tpu.memory_space<semaphore_mem>>
    tpu.enqueue_indirect_dma source(%dma_start3A_419 : memref<10368x32xf32, #tpu.memory_space<vmem_shared>>) target(%dma_start3A_413 : memref<128x32xf32, #tpu.memory_space<vmem>>) offsets(%dma_start3A_416 : memref<128xi32, #tpu.memory_space<vmem>>) semaphore(%dma_start3A_421 : memref<!tpu.dma_semaphore, #tpu.memory_space<semaphore_mem>>)
    %scan3A_422 = arith.constant 0 : i32
    %scan3A_423 = arith.constant 0 : i32
    %scan3A_424 = arith.constant 79 : i32
    %scan3A_425 = arith.addi %scan3A_423, %scan3A_424 : i32
    %scan3A_426 = arith.constant 1 : i32
    %scan3A_427 = scf.for %scan3A_532 = %scan3A_423 to %scan3A_425 step %scan3A_426 iter_args(%scan3A_533 = %scan3A_422) -> (i32)  : i32 {
      %mul3A_534 = arith.constant 2 : i32
      %mul3A_535 = arith.muli %scan3A_532, %mul3A_534 : i32
      %add3A = arith.constant 0 : i32
      %add3A_536 = arith.addi %mul3A_535, %add3A : i32
      %ge3A = arith.constant 1 : i32
      %ge3A_537 = arith.cmpi sge, %add3A_536, %ge3A : i32
      %convert_element_type3A = arith.extui %ge3A_537 : i1 to i32
      %cond3A = arith.constant 0 : i32
      %cond3A_538 = arith.cmpi ne, %convert_element_type3A, %cond3A : i32
      scf.if %cond3A_538 {
        %dma_wait3A_628 = arith.constant 1 : i32
        %dma_wait3A_629 = arith.constant 1 : i32
        %dma_wait3A_630 = arith.constant 0 : i32
        %dma_wait3A_631 = arith.constant 0 : i32
        %dma_wait3A_632 = tpu.memref_slice %arg9[%dma_wait3A_628, %dma_wait3A_630, %dma_wait3A_631] : memref<2x128x32xf32, #tpu.memory_space<vmem>> -> memref<1x128x32xf32, #tpu.memory_space<vmem>>
        %dma_wait3A_633 = tpu.memref_squeeze %dma_wait3A_632 : memref<1x128x32xf32, #tpu.memory_space<vmem>> -> memref<128x32xf32, #tpu.memory_space<vmem>>
        %dma_wait3A_634 = arith.constant 0 : i32
        %dma_wait3A_635 = arith.constant 0 : i32
        %dma_wait3A_636 = tpu.memref_slice %arg2[%arg0, %dma_wait3A_634, %dma_wait3A_635] : memref<2x10240x32xf32, #tpu.memory_space<hbm>> -> memref<1x128x32xf32, #tpu.memory_space<hbm>>
        %dma_wait3A_637 = tpu.memref_squeeze %dma_wait3A_636 : memref<1x128x32xf32, #tpu.memory_space<hbm>> -> memref<128x32xf32, #tpu.memory_space<hbm>>
        %dma_wait3A_638 = tpu.memref_slice %arg15[%dma_wait3A_629] : memref<2x!tpu.dma_semaphore, #tpu.memory_space<semaphore_mem>> -> memref<1x!tpu.dma_semaphore, #tpu.memory_space<semaphore_mem>>
        %dma_wait3A_639 = tpu.memref_squeeze %dma_wait3A_638 : memref<1x!tpu.dma_semaphore, #tpu.memory_space<semaphore_mem>> -> memref<!tpu.dma_semaphore, #tpu.memory_space<semaphore_mem>>
        %dma_wait3A_640 = arith.constant 0 : i32
        %dma_wait3A_641 = arith.constant 0 : i32
        %dma_wait3A_642 = tpu.memref_slice %arg9[%dma_wait3A_628, %dma_wait3A_640, %dma_wait3A_641] : memref<2x128x32xf32, #tpu.memory_space<vmem>> -> memref<1x128x32xf32, #tpu.memory_space<vmem>>
        %dma_wait3A_643 = tpu.memref_squeeze %dma_wait3A_642 : memref<1x128x32xf32, #tpu.memory_space<vmem>> -> memref<128x32xf32, #tpu.memory_space<vmem>>
        %dma_wait3A_644 = arith.constant 0 : i32
        %dma_wait3A_645 = arith.constant 0 : i32
        %dma_wait3A_646 = tpu.memref_slice %arg2[%arg0, %dma_wait3A_644, %dma_wait3A_645] : memref<2x10240x32xf32, #tpu.memory_space<hbm>> -> memref<1x128x32xf32, #tpu.memory_space<hbm>>
        %dma_wait3A_647 = tpu.memref_squeeze %dma_wait3A_646 : memref<1x128x32xf32, #tpu.memory_space<hbm>> -> memref<128x32xf32, #tpu.memory_space<hbm>>
        tpu.wait_dma2 semaphore(%dma_wait3A_639 : memref<!tpu.dma_semaphore, #tpu.memory_space<semaphore_mem>>) src(%dma_wait3A_647 : memref<128x32xf32, #tpu.memory_space<hbm>>) dst(%dma_wait3A_643 : memref<128x32xf32, #tpu.memory_space<vmem>>)
      } else {
      }
      %add3A_539 = arith.constant 1 : i32
      %add3A_540 = arith.addi %add3A_536, %add3A_539 : i32
      %lt3A = arith.constant 158 : i32
      %lt3A_541 = arith.cmpi slt, %add3A_540, %lt3A : i32
      %convert_element_type3A_542 = arith.extui %lt3A_541 : i1 to i32
      %cond3A_543 = arith.constant 0 : i32
      %cond3A_544 = arith.cmpi ne, %convert_element_type3A_542, %cond3A_543 : i32
      scf.if %cond3A_544 {
        %add3A_628 = arith.constant 1 : i32
        %add3A_629 = arith.addi %add3A_536, %add3A_628 : i32
        %dma_start3A_630 = arith.constant 1 : i32
        %dma_start3A_631 = arith.constant 1 : i32
        %dma_start3A_632 = arith.constant 0 : i32
        %dma_start3A_633 = arith.constant 0 : i32
        %dma_start3A_634 = tpu.memref_slice %arg9[%dma_start3A_630, %dma_start3A_632, %dma_start3A_633] : memref<2x128x32xf32, #tpu.memory_space<vmem>> -> memref<1x128x32xf32, #tpu.memory_space<vmem>>
        %dma_start3A_635 = tpu.memref_squeeze %dma_start3A_634 : memref<1x128x32xf32, #tpu.memory_space<vmem>> -> memref<128x32xf32, #tpu.memory_space<vmem>>
        %dma_start3A_636 = arith.constant 0 : i32
        %dma_start3A_637 = tpu.memref_slice %arg7[%add3A_629, %dma_start3A_636] : memref<158x128xi32, #tpu.memory_space<vmem>> -> memref<1x128xi32, #tpu.memory_space<vmem>>
        %dma_start3A_638 = tpu.memref_squeeze %dma_start3A_637 : memref<1x128xi32, #tpu.memory_space<vmem>> -> memref<128xi32, #tpu.memory_space<vmem>>
        %dma_start3A_639 = arith.constant 0 : i32
        %dma_start3A_640 = arith.constant 0 : i32
        %dma_start3A_641 = tpu.memref_slice %arg12[%dma_start3A_639, %dma_start3A_640] : memref<10368x32xf32, #tpu.memory_space<vmem_shared>> -> memref<10368x32xf32, #tpu.memory_space<vmem_shared>>
        %dma_start3A_642 = tpu.memref_slice %arg14[%dma_start3A_631] : memref<2x!tpu.dma_semaphore, #tpu.memory_space<semaphore_mem>> -> memref<1x!tpu.dma_semaphore, #tpu.memory_space<semaphore_mem>>
        %dma_start3A_643 = tpu.memref_squeeze %dma_start3A_642 : memref<1x!tpu.dma_semaphore, #tpu.memory_space<semaphore_mem>> -> memref<!tpu.dma_semaphore, #tpu.memory_space<semaphore_mem>>
        tpu.enqueue_indirect_dma source(%dma_start3A_641 : memref<10368x32xf32, #tpu.memory_space<vmem_shared>>) target(%dma_start3A_635 : memref<128x32xf32, #tpu.memory_space<vmem>>) offsets(%dma_start3A_638 : memref<128xi32, #tpu.memory_space<vmem>>) semaphore(%dma_start3A_643 : memref<!tpu.dma_semaphore, #tpu.memory_space<semaphore_mem>>)
      } else {
      }
      %dma_wait3A_545 = arith.constant 0 : i32
      %dma_wait3A_546 = arith.constant 0 : i32
      %dma_wait3A_547 = arith.constant 0 : i32
      %dma_wait3A_548 = arith.constant 0 : i32
      %dma_wait3A_549 = tpu.memref_slice %arg9[%dma_wait3A_545, %dma_wait3A_547, %dma_wait3A_548] : memref<2x128x32xf32, #tpu.memory_space<vmem>> -> memref<1x128x32xf32, #tpu.memory_space<vmem>>
      %dma_wait3A_550 = tpu.memref_squeeze %dma_wait3A_549 : memref<1x128x32xf32, #tpu.memory_space<vmem>> -> memref<128x32xf32, #tpu.memory_space<vmem>>
      %dma_wait3A_551 = arith.constant 0 : i32
      %dma_wait3A_552 = arith.constant 0 : i32
      %dma_wait3A_553 = tpu.memref_slice %arg2[%arg0, %dma_wait3A_551, %dma_wait3A_552] : memref<2x10240x32xf32, #tpu.memory_space<hbm>> -> memref<1x128x32xf32, #tpu.memory_space<hbm>>
      %dma_wait3A_554 = tpu.memref_squeeze %dma_wait3A_553 : memref<1x128x32xf32, #tpu.memory_space<hbm>> -> memref<128x32xf32, #tpu.memory_space<hbm>>
      %dma_wait3A_555 = tpu.memref_slice %arg14[%dma_wait3A_546] : memref<2x!tpu.dma_semaphore, #tpu.memory_space<semaphore_mem>> -> memref<1x!tpu.dma_semaphore, #tpu.memory_space<semaphore_mem>>
      %dma_wait3A_556 = tpu.memref_squeeze %dma_wait3A_555 : memref<1x!tpu.dma_semaphore, #tpu.memory_space<semaphore_mem>> -> memref<!tpu.dma_semaphore, #tpu.memory_space<semaphore_mem>>
      %dma_wait3A_557 = arith.constant 0 : i32
      %dma_wait3A_558 = arith.constant 0 : i32
      %dma_wait3A_559 = tpu.memref_slice %arg9[%dma_wait3A_545, %dma_wait3A_557, %dma_wait3A_558] : memref<2x128x32xf32, #tpu.memory_space<vmem>> -> memref<1x128x32xf32, #tpu.memory_space<vmem>>
      %dma_wait3A_560 = tpu.memref_squeeze %dma_wait3A_559 : memref<1x128x32xf32, #tpu.memory_space<vmem>> -> memref<128x32xf32, #tpu.memory_space<vmem>>
      %dma_wait3A_561 = arith.constant 0 : i32
      %dma_wait3A_562 = arith.constant 0 : i32
      %dma_wait3A_563 = tpu.memref_slice %arg2[%arg0, %dma_wait3A_561, %dma_wait3A_562] : memref<2x10240x32xf32, #tpu.memory_space<hbm>> -> memref<1x128x32xf32, #tpu.memory_space<hbm>>
      %dma_wait3A_564 = tpu.memref_squeeze %dma_wait3A_563 : memref<1x128x32xf32, #tpu.memory_space<hbm>> -> memref<128x32xf32, #tpu.memory_space<hbm>>
      tpu.wait_dma2 semaphore(%dma_wait3A_556 : memref<!tpu.dma_semaphore, #tpu.memory_space<semaphore_mem>>) src(%dma_wait3A_564 : memref<128x32xf32, #tpu.memory_space<hbm>>) dst(%dma_wait3A_560 : memref<128x32xf32, #tpu.memory_space<vmem>>)
      %dma_start3A_565 = arith.constant 0 : i32
      %dma_start3A_566 = arith.constant 0 : i32
      %dma_start3A_567 = arith.constant 0 : i32
      %dma_start3A_568 = arith.constant 0 : i32
      %dma_start3A_569 = tpu.memref_slice %arg9[%dma_start3A_565, %dma_start3A_567, %dma_start3A_568] : memref<2x128x32xf32, #tpu.memory_space<vmem>> -> memref<1x128x32xf32, #tpu.memory_space<vmem>>
      %dma_start3A_570 = tpu.memref_squeeze %dma_start3A_569 : memref<1x128x32xf32, #tpu.memory_space<vmem>> -> memref<128x32xf32, #tpu.memory_space<vmem>>
      %dma_start3A_571 = arith.constant 0 : i32
      %dma_start3A_572 = tpu.memref_slice %arg8[%add3A_536, %dma_start3A_571] : memref<158x128xi32, #tpu.memory_space<vmem>> -> memref<1x128xi32, #tpu.memory_space<vmem>>
      %dma_start3A_573 = tpu.memref_squeeze %dma_start3A_572 : memref<1x128xi32, #tpu.memory_space<vmem>> -> memref<128xi32, #tpu.memory_space<vmem>>
      %dma_start3A_574 = arith.constant 0 : i32
      %dma_start3A_575 = arith.constant 0 : i32
      %dma_start3A_576 = tpu.memref_slice %arg13[%dma_start3A_574, %dma_start3A_575] : memref<10368x32xf32, #tpu.memory_space<vmem_shared>> -> memref<10368x32xf32, #tpu.memory_space<vmem_shared>>
      %dma_start3A_577 = tpu.memref_slice %arg15[%dma_start3A_566] : memref<2x!tpu.dma_semaphore, #tpu.memory_space<semaphore_mem>> -> memref<1x!tpu.dma_semaphore, #tpu.memory_space<semaphore_mem>>
      %dma_start3A_578 = tpu.memref_squeeze %dma_start3A_577 : memref<1x!tpu.dma_semaphore, #tpu.memory_space<semaphore_mem>> -> memref<!tpu.dma_semaphore, #tpu.memory_space<semaphore_mem>>
      tpu.enqueue_indirect_dma source(%dma_start3A_570 : memref<128x32xf32, #tpu.memory_space<vmem>>) target(%dma_start3A_576 : memref<10368x32xf32, #tpu.memory_space<vmem_shared>>) offsets(%dma_start3A_573 : memref<128xi32, #tpu.memory_space<vmem>>) semaphore(%dma_start3A_578 : memref<!tpu.dma_semaphore, #tpu.memory_space<semaphore_mem>>) {add = true}
      %add3A_579 = arith.constant 1 : i32
      %add3A_580 = arith.addi %mul3A_535, %add3A_579 : i32
      %ge3A_581 = arith.constant 1 : i32
      %ge3A_582 = arith.cmpi sge, %add3A_580, %ge3A_581 : i32
      %convert_element_type3A_583 = arith.extui %ge3A_582 : i1 to i32
      %cond3A_584 = arith.constant 0 : i32
      %cond3A_585 = arith.cmpi ne, %convert_element_type3A_583, %cond3A_584 : i32
      scf.if %cond3A_585 {
        %dma_wait3A_628 = arith.constant 0 : i32
        %dma_wait3A_629 = arith.constant 0 : i32
        %dma_wait3A_630 = arith.constant 0 : i32
        %dma_wait3A_631 = arith.constant 0 : i32
        %dma_wait3A_632 = tpu.memref_slice %arg9[%dma_wait3A_628, %dma_wait3A_630, %dma_wait3A_631] : memref<2x128x32xf32, #tpu.memory_space<vmem>> -> memref<1x128x32xf32, #tpu.memory_space<vmem>>
        %dma_wait3A_633 = tpu.memref_squeeze %dma_wait3A_632 : memref<1x128x32xf32, #tpu.memory_space<vmem>> -> memref<128x32xf32, #tpu.memory_space<vmem>>
        %dma_wait3A_634 = arith.constant 0 : i32
        %dma_wait3A_635 = arith.constant 0 : i32
        %dma_wait3A_636 = tpu.memref_slice %arg2[%arg0, %dma_wait3A_634, %dma_wait3A_635] : memref<2x10240x32xf32, #tpu.memory_space<hbm>> -> memref<1x128x32xf32, #tpu.memory_space<hbm>>
        %dma_wait3A_637 = tpu.memref_squeeze %dma_wait3A_636 : memref<1x128x32xf32, #tpu.memory_space<hbm>> -> memref<128x32xf32, #tpu.memory_space<hbm>>
        %dma_wait3A_638 = tpu.memref_slice %arg15[%dma_wait3A_629] : memref<2x!tpu.dma_semaphore, #tpu.memory_space<semaphore_mem>> -> memref<1x!tpu.dma_semaphore, #tpu.memory_space<semaphore_mem>>
        %dma_wait3A_639 = tpu.memref_squeeze %dma_wait3A_638 : memref<1x!tpu.dma_semaphore, #tpu.memory_space<semaphore_mem>> -> memref<!tpu.dma_semaphore, #tpu.memory_space<semaphore_mem>>
        %dma_wait3A_640 = arith.constant 0 : i32
        %dma_wait3A_641 = arith.constant 0 : i32
        %dma_wait3A_642 = tpu.memref_slice %arg9[%dma_wait3A_628, %dma_wait3A_640, %dma_wait3A_641] : memref<2x128x32xf32, #tpu.memory_space<vmem>> -> memref<1x128x32xf32, #tpu.memory_space<vmem>>
        %dma_wait3A_643 = tpu.memref_squeeze %dma_wait3A_642 : memref<1x128x32xf32, #tpu.memory_space<vmem>> -> memref<128x32xf32, #tpu.memory_space<vmem>>
        %dma_wait3A_644 = arith.constant 0 : i32
        %dma_wait3A_645 = arith.constant 0 : i32
        %dma_wait3A_646 = tpu.memref_slice %arg2[%arg0, %dma_wait3A_644, %dma_wait3A_645] : memref<2x10240x32xf32, #tpu.memory_space<hbm>> -> memref<1x128x32xf32, #tpu.memory_space<hbm>>
        %dma_wait3A_647 = tpu.memref_squeeze %dma_wait3A_646 : memref<1x128x32xf32, #tpu.memory_space<hbm>> -> memref<128x32xf32, #tpu.memory_space<hbm>>
        tpu.wait_dma2 semaphore(%dma_wait3A_639 : memref<!tpu.dma_semaphore, #tpu.memory_space<semaphore_mem>>) src(%dma_wait3A_647 : memref<128x32xf32, #tpu.memory_space<hbm>>) dst(%dma_wait3A_643 : memref<128x32xf32, #tpu.memory_space<vmem>>)
      } else {
      }
      %add3A_586 = arith.constant 1 : i32
      %add3A_587 = arith.addi %add3A_580, %add3A_586 : i32
      %lt3A_588 = arith.constant 158 : i32
      %lt3A_589 = arith.cmpi slt, %add3A_587, %lt3A_588 : i32
      %convert_element_type3A_590 = arith.extui %lt3A_589 : i1 to i32
      %cond3A_591 = arith.constant 0 : i32
      %cond3A_592 = arith.cmpi ne, %convert_element_type3A_590, %cond3A_591 : i32
      scf.if %cond3A_592 {
        %add3A_628 = arith.constant 1 : i32
        %add3A_629 = arith.addi %add3A_580, %add3A_628 : i32
        %dma_start3A_630 = arith.constant 0 : i32
        %dma_start3A_631 = arith.constant 0 : i32
        %dma_start3A_632 = arith.constant 0 : i32
        %dma_start3A_633 = arith.constant 0 : i32
        %dma_start3A_634 = tpu.memref_slice %arg9[%dma_start3A_630, %dma_start3A_632, %dma_start3A_633] : memref<2x128x32xf32, #tpu.memory_space<vmem>> -> memref<1x128x32xf32, #tpu.memory_space<vmem>>
        %dma_start3A_635 = tpu.memref_squeeze %dma_start3A_634 : memref<1x128x32xf32, #tpu.memory_space<vmem>> -> memref<128x32xf32, #tpu.memory_space<vmem>>
        %dma_start3A_636 = arith.constant 0 : i32
        %dma_start3A_637 = tpu.memref_slice %arg7[%add3A_629, %dma_start3A_636] : memref<158x128xi32, #tpu.memory_space<vmem>> -> memref<1x128xi32, #tpu.memory_space<vmem>>
        %dma_start3A_638 = tpu.memref_squeeze %dma_start3A_637 : memref<1x128xi32, #tpu.memory_space<vmem>> -> memref<128xi32, #tpu.memory_space<vmem>>
        %dma_start3A_639 = arith.constant 0 : i32
        %dma_start3A_640 = arith.constant 0 : i32
        %dma_start3A_641 = tpu.memref_slice %arg12[%dma_start3A_639, %dma_start3A_640] : memref<10368x32xf32, #tpu.memory_space<vmem_shared>> -> memref<10368x32xf32, #tpu.memory_space<vmem_shared>>
        %dma_start3A_642 = tpu.memref_slice %arg14[%dma_start3A_631] : memref<2x!tpu.dma_semaphore, #tpu.memory_space<semaphore_mem>> -> memref<1x!tpu.dma_semaphore, #tpu.memory_space<semaphore_mem>>
        %dma_start3A_643 = tpu.memref_squeeze %dma_start3A_642 : memref<1x!tpu.dma_semaphore, #tpu.memory_space<semaphore_mem>> -> memref<!tpu.dma_semaphore, #tpu.memory_space<semaphore_mem>>
        tpu.enqueue_indirect_dma source(%dma_start3A_641 : memref<10368x32xf32, #tpu.memory_space<vmem_shared>>) target(%dma_start3A_635 : memref<128x32xf32, #tpu.memory_space<vmem>>) offsets(%dma_start3A_638 : memref<128xi32, #tpu.memory_space<vmem>>) semaphore(%dma_start3A_643 : memref<!tpu.dma_semaphore, #tpu.memory_space<semaphore_mem>>)
      } else {
      }
      %dma_wait3A_593 = arith.constant 1 : i32
      %dma_wait3A_594 = arith.constant 1 : i32
      %dma_wait3A_595 = arith.constant 0 : i32
      %dma_wait3A_596 = arith.constant 0 : i32
      %dma_wait3A_597 = tpu.memref_slice %arg9[%dma_wait3A_593, %dma_wait3A_595, %dma_wait3A_596] : memref<2x128x32xf32, #tpu.memory_space<vmem>> -> memref<1x128x32xf32, #tpu.memory_space<vmem>>
      %dma_wait3A_598 = tpu.memref_squeeze %dma_wait3A_597 : memref<1x128x32xf32, #tpu.memory_space<vmem>> -> memref<128x32xf32, #tpu.memory_space<vmem>>
      %dma_wait3A_599 = arith.constant 0 : i32
      %dma_wait3A_600 = arith.constant 0 : i32
      %dma_wait3A_601 = tpu.memref_slice %arg2[%arg0, %dma_wait3A_599, %dma_wait3A_600] : memref<2x10240x32xf32, #tpu.memory_space<hbm>> -> memref<1x128x32xf32, #tpu.memory_space<hbm>>
      %dma_wait3A_602 = tpu.memref_squeeze %dma_wait3A_601 : memref<1x128x32xf32, #tpu.memory_space<hbm>> -> memref<128x32xf32, #tpu.memory_space<hbm>>
      %dma_wait3A_603 = tpu.memref_slice %arg14[%dma_wait3A_594] : memref<2x!tpu.dma_semaphore, #tpu.memory_space<semaphore_mem>> -> memref<1x!tpu.dma_semaphore, #tpu.memory_space<semaphore_mem>>
      %dma_wait3A_604 = tpu.memref_squeeze %dma_wait3A_603 : memref<1x!tpu.dma_semaphore, #tpu.memory_space<semaphore_mem>> -> memref<!tpu.dma_semaphore, #tpu.memory_space<semaphore_mem>>
      %dma_wait3A_605 = arith.constant 0 : i32
      %dma_wait3A_606 = arith.constant 0 : i32
      %dma_wait3A_607 = tpu.memref_slice %arg9[%dma_wait3A_593, %dma_wait3A_605, %dma_wait3A_606] : memref<2x128x32xf32, #tpu.memory_space<vmem>> -> memref<1x128x32xf32, #tpu.memory_space<vmem>>
      %dma_wait3A_608 = tpu.memref_squeeze %dma_wait3A_607 : memref<1x128x32xf32, #tpu.memory_space<vmem>> -> memref<128x32xf32, #tpu.memory_space<vmem>>
      %dma_wait3A_609 = arith.constant 0 : i32
      %dma_wait3A_610 = arith.constant 0 : i32
      %dma_wait3A_611 = tpu.memref_slice %arg2[%arg0, %dma_wait3A_609, %dma_wait3A_610] : memref<2x10240x32xf32, #tpu.memory_space<hbm>> -> memref<1x128x32xf32, #tpu.memory_space<hbm>>
      %dma_wait3A_612 = tpu.memref_squeeze %dma_wait3A_611 : memref<1x128x32xf32, #tpu.memory_space<hbm>> -> memref<128x32xf32, #tpu.memory_space<hbm>>
      tpu.wait_dma2 semaphore(%dma_wait3A_604 : memref<!tpu.dma_semaphore, #tpu.memory_space<semaphore_mem>>) src(%dma_wait3A_612 : memref<128x32xf32, #tpu.memory_space<hbm>>) dst(%dma_wait3A_608 : memref<128x32xf32, #tpu.memory_space<vmem>>)
      %dma_start3A_613 = arith.constant 1 : i32
      %dma_start3A_614 = arith.constant 1 : i32
      %dma_start3A_615 = arith.constant 0 : i32
      %dma_start3A_616 = arith.constant 0 : i32
      %dma_start3A_617 = tpu.memref_slice %arg9[%dma_start3A_613, %dma_start3A_615, %dma_start3A_616] : memref<2x128x32xf32, #tpu.memory_space<vmem>> -> memref<1x128x32xf32, #tpu.memory_space<vmem>>
      %dma_start3A_618 = tpu.memref_squeeze %dma_start3A_617 : memref<1x128x32xf32, #tpu.memory_space<vmem>> -> memref<128x32xf32, #tpu.memory_space<vmem>>
      %dma_start3A_619 = arith.constant 0 : i32
      %dma_start3A_620 = tpu.memref_slice %arg8[%add3A_580, %dma_start3A_619] : memref<158x128xi32, #tpu.memory_space<vmem>> -> memref<1x128xi32, #tpu.memory_space<vmem>>
      %dma_start3A_621 = tpu.memref_squeeze %dma_start3A_620 : memref<1x128xi32, #tpu.memory_space<vmem>> -> memref<128xi32, #tpu.memory_space<vmem>>
      %dma_start3A_622 = arith.constant 0 : i32
      %dma_start3A_623 = arith.constant 0 : i32
      %dma_start3A_624 = tpu.memref_slice %arg13[%dma_start3A_622, %dma_start3A_623] : memref<10368x32xf32, #tpu.memory_space<vmem_shared>> -> memref<10368x32xf32, #tpu.memory_space<vmem_shared>>
      %dma_start3A_625 = tpu.memref_slice %arg15[%dma_start3A_614] : memref<2x!tpu.dma_semaphore, #tpu.memory_space<semaphore_mem>> -> memref<1x!tpu.dma_semaphore, #tpu.memory_space<semaphore_mem>>
      %dma_start3A_626 = tpu.memref_squeeze %dma_start3A_625 : memref<1x!tpu.dma_semaphore, #tpu.memory_space<semaphore_mem>> -> memref<!tpu.dma_semaphore, #tpu.memory_space<semaphore_mem>>
      tpu.enqueue_indirect_dma source(%dma_start3A_618 : memref<128x32xf32, #tpu.memory_space<vmem>>) target(%dma_start3A_624 : memref<10368x32xf32, #tpu.memory_space<vmem_shared>>) offsets(%dma_start3A_621 : memref<128xi32, #tpu.memory_space<vmem>>) semaphore(%dma_start3A_626 : memref<!tpu.dma_semaphore, #tpu.memory_space<semaphore_mem>>) {add = true}
      %scan3A_627 = arith.constant 0 : i32
      scf.yield %scan3A_627 : i32
    }
    %scan3A_428 = arith.constant 79 : i32
    %dma_wait3A_429 = arith.constant 1 : i32
    %dma_wait3A_430 = arith.constant 1 : i32
    %dma_wait3A_431 = arith.constant 0 : i32
    %dma_wait3A_432 = arith.constant 0 : i32
    %dma_wait3A_433 = tpu.memref_slice %arg9[%dma_wait3A_429, %dma_wait3A_431, %dma_wait3A_432] : memref<2x128x32xf32, #tpu.memory_space<vmem>> -> memref<1x128x32xf32, #tpu.memory_space<vmem>>
    %dma_wait3A_434 = tpu.memref_squeeze %dma_wait3A_433 : memref<1x128x32xf32, #tpu.memory_space<vmem>> -> memref<128x32xf32, #tpu.memory_space<vmem>>
    %dma_wait3A_435 = arith.constant 0 : i32
    %dma_wait3A_436 = arith.constant 0 : i32
    %dma_wait3A_437 = tpu.memref_slice %arg2[%arg0, %dma_wait3A_435, %dma_wait3A_436] : memref<2x10240x32xf32, #tpu.memory_space<hbm>> -> memref<1x128x32xf32, #tpu.memory_space<hbm>>
    %dma_wait3A_438 = tpu.memref_squeeze %dma_wait3A_437 : memref<1x128x32xf32, #tpu.memory_space<hbm>> -> memref<128x32xf32, #tpu.memory_space<hbm>>
    %dma_wait3A_439 = tpu.memref_slice %arg15[%dma_wait3A_430] : memref<2x!tpu.dma_semaphore, #tpu.memory_space<semaphore_mem>> -> memref<1x!tpu.dma_semaphore, #tpu.memory_space<semaphore_mem>>
    %dma_wait3A_440 = tpu.memref_squeeze %dma_wait3A_439 : memref<1x!tpu.dma_semaphore, #tpu.memory_space<semaphore_mem>> -> memref<!tpu.dma_semaphore, #tpu.memory_space<semaphore_mem>>
    %dma_wait3A_441 = arith.constant 0 : i32
    %dma_wait3A_442 = arith.constant 0 : i32
    %dma_wait3A_443 = tpu.memref_slice %arg9[%dma_wait3A_429, %dma_wait3A_441, %dma_wait3A_442] : memref<2x128x32xf32, #tpu.memory_space<vmem>> -> memref<1x128x32xf32, #tpu.memory_space<vmem>>
    %dma_wait3A_444 = tpu.memref_squeeze %dma_wait3A_443 : memref<1x128x32xf32, #tpu.memory_space<vmem>> -> memref<128x32xf32, #tpu.memory_space<vmem>>
    %dma_wait3A_445 = arith.constant 0 : i32
    %dma_wait3A_446 = arith.constant 0 : i32
    %dma_wait3A_447 = tpu.memref_slice %arg2[%arg0, %dma_wait3A_445, %dma_wait3A_446] : memref<2x10240x32xf32, #tpu.memory_space<hbm>> -> memref<1x128x32xf32, #tpu.memory_space<hbm>>
    %dma_wait3A_448 = tpu.memref_squeeze %dma_wait3A_447 : memref<1x128x32xf32, #tpu.memory_space<hbm>> -> memref<128x32xf32, #tpu.memory_space<hbm>>
    tpu.wait_dma2 semaphore(%dma_wait3A_440 : memref<!tpu.dma_semaphore, #tpu.memory_space<semaphore_mem>>) src(%dma_wait3A_448 : memref<128x32xf32, #tpu.memory_space<hbm>>) dst(%dma_wait3A_444 : memref<128x32xf32, #tpu.memory_space<vmem>>)
    %barrier3A_449 = arith.constant 0 : index
    tpu.barrier barrier_id(%barrier3A_449)
    "tpu.region"() ({
      %run_scoped3A_532 = tpu.sem_alloc : memref<!tpu.dma_semaphore, #tpu.memory_space<semaphore_mem>>
      %dma_start3A_533 = arith.constant 0 : i32
      %dma_start3A_534 = tpu.memref_slice %arg13[%mul3A_0, %dma_start3A_533] : memref<10368x32xf32, #tpu.memory_space<vmem_shared>> -> memref<640x32xf32, #tpu.memory_space<vmem_shared>>
      %dma_start3A_535 = arith.constant 0 : i32
      %dma_start3A_536 = tpu.memref_slice %arg13[%mul3A_0, %dma_start3A_535] : memref<10368x32xf32, #tpu.memory_space<vmem_shared>> -> memref<640x32xf32, #tpu.memory_space<vmem_shared>>
      tpu.enqueue_dma source(%dma_start3A_536 : memref<640x32xf32, #tpu.memory_space<vmem_shared>>) target(%arg10 : memref<640x32xf32, #tpu.memory_space<vmem>>) target_semaphore(%run_scoped3A_532 : memref<!tpu.dma_semaphore, #tpu.memory_space<semaphore_mem>>)
      %dma_wait3A_537 = arith.constant 0 : i32
      %dma_wait3A_538 = tpu.memref_slice %arg13[%mul3A_0, %dma_wait3A_537] : memref<10368x32xf32, #tpu.memory_space<vmem_shared>> -> memref<640x32xf32, #tpu.memory_space<vmem_shared>>
      %dma_wait3A_539 = arith.constant 0 : i32
      %dma_wait3A_540 = tpu.memref_slice %arg13[%mul3A_0, %dma_wait3A_539] : memref<10368x32xf32, #tpu.memory_space<vmem_shared>> -> memref<640x32xf32, #tpu.memory_space<vmem_shared>>
      tpu.wait_dma2 semaphore(%run_scoped3A_532 : memref<!tpu.dma_semaphore, #tpu.memory_space<semaphore_mem>>) src(%dma_wait3A_540 : memref<640x32xf32, #tpu.memory_space<vmem_shared>>) dst(%arg10 : memref<640x32xf32, #tpu.memory_space<vmem>>)
      tpu.yield
    }) : () -> ()
    %scan3A_450 = arith.constant 0 : i32
    %scan3A_451 = arith.constant 0 : i32
    %scan3A_452 = arith.constant 640 : i32
    %scan3A_453 = arith.addi %scan3A_451, %scan3A_452 : i32
    %scan3A_454 = arith.constant 1 : i32
    %scan3A_455 = scf.for %scan3A_532 = %scan3A_451 to %scan3A_453 step %scan3A_454 iter_args(%scan3A_533 = %scan3A_450) -> (i32)  : i32 {
      %broadcast_in_dim3A = vector.broadcast %scan3A_532 : i32 to vector<16xi32>
      %gather3A = tpu.vector_load_idx %arg11[%broadcast_in_dim3A] : memref<640xf32, #tpu.memory_space<vmem>>[vector<16xi32>], vector<16xf32>,
      %get3A = arith.index_cast %scan3A_532 : i32 to index
      %get3A_534 = arith.constant 0 : index
      %get3A_535 = tpu.vector_load %arg10[%get3A, %get3A_534] {strides = array<i32>} : memref<640x32xf32, #tpu.memory_space<vmem>>, vector<16xf32>,
      %mul3A_536 = arith.mulf %get3A_535, %gather3A : vector<16xf32>
      %swap3A = arith.index_cast %scan3A_532 : i32 to index
      %swap3A_537 = arith.constant 0 : index
      %swap3A_538 = tpu.vector_load %arg10[%swap3A, %swap3A_537] {strides = array<i32>} : memref<640x32xf32, #tpu.memory_space<vmem>>, vector<16xf32>,
      tpu.vector_store %arg10[%swap3A, %swap3A_537], %mul3A_536 {strides = array<i32>} : memref<640x32xf32, #tpu.memory_space<vmem>>, vector<16xf32>,
      %get3A_539 = arith.index_cast %scan3A_532 : i32 to index
      %get3A_540 = arith.constant 16 : index
      %get3A_541 = tpu.vector_load %arg10[%get3A_539, %get3A_540] {strides = array<i32>} : memref<640x32xf32, #tpu.memory_space<vmem>>, vector<16xf32>,
      %mul3A_542 = arith.mulf %get3A_541, %gather3A : vector<16xf32>
      %swap3A_543 = arith.index_cast %scan3A_532 : i32 to index
      %swap3A_544 = arith.constant 16 : index
      %swap3A_545 = tpu.vector_load %arg10[%swap3A_543, %swap3A_544] {strides = array<i32>} : memref<640x32xf32, #tpu.memory_space<vmem>>, vector<16xf32>,
      tpu.vector_store %arg10[%swap3A_543, %swap3A_544], %mul3A_542 {strides = array<i32>} : memref<640x32xf32, #tpu.memory_space<vmem>>, vector<16xf32>,
      %scan3A_546 = arith.constant 0 : i32
      scf.yield %scan3A_546 : i32
    }
    %scan3A_456 = arith.constant 640 : i32
    %run_scoped3A_457 = arith.constant 6 : i32
    "tpu.region"() ({
      %run_scoped3A_532 = tpu.sem_alloc : memref<!tpu.dma_semaphore, #tpu.memory_space<semaphore_mem>>
      %dma_start3A_533 = arith.constant 0 : i32
      %dma_start3A_534 = tpu.memref_slice %arg6[%run_scoped3A_457, %arg0, %mul3A_0, %dma_start3A_533] : memref<8x2x10240x32xf32, #tpu.memory_space<hbm>> -> memref<1x1x640x32xf32, #tpu.memory_space<hbm>>
      %dma_start3A_535 = tpu.memref_squeeze %dma_start3A_534 : memref<1x1x640x32xf32, #tpu.memory_space<hbm>> -> memref<640x32xf32, #tpu.memory_space<hbm>>
      %dma_start3A_536 = arith.constant 0 : i32
      %dma_start3A_537 = tpu.memref_slice %arg6[%run_scoped3A_457, %arg0, %mul3A_0, %dma_start3A_536] : memref<8x2x10240x32xf32, #tpu.memory_space<hbm>> -> memref<1x1x640x32xf32, #tpu.memory_space<hbm>>
      %dma_start3A_538 = tpu.memref_squeeze %dma_start3A_537 : memref<1x1x640x32xf32, #tpu.memory_space<hbm>> -> memref<640x32xf32, #tpu.memory_space<hbm>>
      tpu.enqueue_dma source(%arg10 : memref<640x32xf32, #tpu.memory_space<vmem>>) target(%dma_start3A_538 : memref<640x32xf32, #tpu.memory_space<hbm>>) target_semaphore(%run_scoped3A_532 : memref<!tpu.dma_semaphore, #tpu.memory_space<semaphore_mem>>)
      %dma_wait3A_539 = arith.constant 0 : i32
      %dma_wait3A_540 = tpu.memref_slice %arg6[%run_scoped3A_457, %arg0, %mul3A_0, %dma_wait3A_539] : memref<8x2x10240x32xf32, #tpu.memory_space<hbm>> -> memref<1x1x640x32xf32, #tpu.memory_space<hbm>>
      %dma_wait3A_541 = tpu.memref_squeeze %dma_wait3A_540 : memref<1x1x640x32xf32, #tpu.memory_space<hbm>> -> memref<640x32xf32, #tpu.memory_space<hbm>>
      %dma_wait3A_542 = arith.constant 0 : i32
      %dma_wait3A_543 = tpu.memref_slice %arg6[%run_scoped3A_457, %arg0, %mul3A_0, %dma_wait3A_542] : memref<8x2x10240x32xf32, #tpu.memory_space<hbm>> -> memref<1x1x640x32xf32, #tpu.memory_space<hbm>>
      %dma_wait3A_544 = tpu.memref_squeeze %dma_wait3A_543 : memref<1x1x640x32xf32, #tpu.memory_space<hbm>> -> memref<640x32xf32, #tpu.memory_space<hbm>>
      tpu.wait_dma2 semaphore(%run_scoped3A_532 : memref<!tpu.dma_semaphore, #tpu.memory_space<semaphore_mem>>) src(%arg10 : memref<640x32xf32, #tpu.memory_space<vmem>>) dst(%dma_wait3A_544 : memref<640x32xf32, #tpu.memory_space<hbm>>)
      tpu.yield
    }) : () -> ()
    %scan3A_458 = arith.constant 0 : i32
    %scan3A_459 = arith.constant 0 : i32
    %scan3A_460 = arith.constant 640 : i32
    %scan3A_461 = arith.addi %scan3A_459, %scan3A_460 : i32
    %scan3A_462 = arith.constant 1 : i32
    %scan3A_463 = scf.for %scan3A_532 = %scan3A_459 to %scan3A_461 step %scan3A_462 iter_args(%scan3A_533 = %scan3A_458) -> (i32)  : i32 {
      %broadcast_in_dim3A = vector.broadcast %scan3A_532 : i32 to vector<16xi32>
      %gather3A = tpu.vector_load_idx %arg11[%broadcast_in_dim3A] : memref<640xf32, #tpu.memory_space<vmem>>[vector<16xi32>], vector<16xf32>,
      %get3A = arith.index_cast %scan3A_532 : i32 to index
      %get3A_534 = arith.constant 0 : index
      %get3A_535 = tpu.vector_load %arg10[%get3A, %get3A_534] {strides = array<i32>} : memref<640x32xf32, #tpu.memory_space<vmem>>, vector<16xf32>,
      %mul3A_536 = arith.mulf %get3A_535, %gather3A : vector<16xf32>
      %swap3A = arith.index_cast %scan3A_532 : i32 to index
      %swap3A_537 = arith.constant 0 : index
      %swap3A_538 = tpu.vector_load %arg10[%swap3A, %swap3A_537] {strides = array<i32>} : memref<640x32xf32, #tpu.memory_space<vmem>>, vector<16xf32>,
      tpu.vector_store %arg10[%swap3A, %swap3A_537], %mul3A_536 {strides = array<i32>} : memref<640x32xf32, #tpu.memory_space<vmem>>, vector<16xf32>,
      %get3A_539 = arith.index_cast %scan3A_532 : i32 to index
      %get3A_540 = arith.constant 16 : index
      %get3A_541 = tpu.vector_load %arg10[%get3A_539, %get3A_540] {strides = array<i32>} : memref<640x32xf32, #tpu.memory_space<vmem>>, vector<16xf32>,
      %mul3A_542 = arith.mulf %get3A_541, %gather3A : vector<16xf32>
      %swap3A_543 = arith.index_cast %scan3A_532 : i32 to index
      %swap3A_544 = arith.constant 16 : index
      %swap3A_545 = tpu.vector_load %arg10[%swap3A_543, %swap3A_544] {strides = array<i32>} : memref<640x32xf32, #tpu.memory_space<vmem>>, vector<16xf32>,
      tpu.vector_store %arg10[%swap3A_543, %swap3A_544], %mul3A_542 {strides = array<i32>} : memref<640x32xf32, #tpu.memory_space<vmem>>, vector<16xf32>,
      %scan3A_546 = arith.constant 0 : i32
      scf.yield %scan3A_546 : i32
    }
    %scan3A_464 = arith.constant 640 : i32
    "tpu.region"() ({
      %run_scoped3A_532 = tpu.sem_alloc : memref<!tpu.dma_semaphore, #tpu.memory_space<semaphore_mem>>
      %dma_start3A_533 = arith.constant 0 : i32
      %dma_start3A_534 = tpu.memref_slice %arg13[%mul3A_0, %dma_start3A_533] : memref<10368x32xf32, #tpu.memory_space<vmem_shared>> -> memref<640x32xf32, #tpu.memory_space<vmem_shared>>
      %dma_start3A_535 = arith.constant 0 : i32
      %dma_start3A_536 = tpu.memref_slice %arg13[%mul3A_0, %dma_start3A_535] : memref<10368x32xf32, #tpu.memory_space<vmem_shared>> -> memref<640x32xf32, #tpu.memory_space<vmem_shared>>
      tpu.enqueue_dma source(%arg10 : memref<640x32xf32, #tpu.memory_space<vmem>>) target(%dma_start3A_536 : memref<640x32xf32, #tpu.memory_space<vmem_shared>>) target_semaphore(%run_scoped3A_532 : memref<!tpu.dma_semaphore, #tpu.memory_space<semaphore_mem>>)
      %dma_wait3A_537 = arith.constant 0 : i32
      %dma_wait3A_538 = tpu.memref_slice %arg13[%mul3A_0, %dma_wait3A_537] : memref<10368x32xf32, #tpu.memory_space<vmem_shared>> -> memref<640x32xf32, #tpu.memory_space<vmem_shared>>
      %dma_wait3A_539 = arith.constant 0 : i32
      %dma_wait3A_540 = tpu.memref_slice %arg13[%mul3A_0, %dma_wait3A_539] : memref<10368x32xf32, #tpu.memory_space<vmem_shared>> -> memref<640x32xf32, #tpu.memory_space<vmem_shared>>
      tpu.wait_dma2 semaphore(%run_scoped3A_532 : memref<!tpu.dma_semaphore, #tpu.memory_space<semaphore_mem>>) src(%arg10 : memref<640x32xf32, #tpu.memory_space<vmem>>) dst(%dma_wait3A_540 : memref<640x32xf32, #tpu.memory_space<vmem_shared>>)
      tpu.yield
    }) : () -> ()
    %scan3A_465 = arith.constant 0 : i32
    %scan3A_466 = arith.constant 0 : i32
    %scan3A_467 = arith.constant 640 : i32
    %scan3A_468 = arith.addi %scan3A_466, %scan3A_467 : i32
    %scan3A_469 = arith.constant 1 : i32
    %scan3A_470 = scf.for %scan3A_532 = %scan3A_466 to %scan3A_468 step %scan3A_469 iter_args(%scan3A_533 = %scan3A_465) -> (i32)  : i32 {
      %broadcast_in_dim3A = arith.constant 0.000000e+00 : f32
      %broadcast_in_dim3A_534 = vector.broadcast %broadcast_in_dim3A : f32 to vector<16xf32>
      %swap3A = arith.index_cast %scan3A_532 : i32 to index
      %swap3A_535 = arith.constant 0 : index
      %swap3A_536 = tpu.vector_load %arg10[%swap3A, %swap3A_535] {strides = array<i32>} : memref<640x32xf32, #tpu.memory_space<vmem>>, vector<16xf32>,
      tpu.vector_store %arg10[%swap3A, %swap3A_535], %broadcast_in_dim3A_534 {strides = array<i32>} : memref<640x32xf32, #tpu.memory_space<vmem>>, vector<16xf32>,
      %broadcast_in_dim3A_537 = arith.constant 0.000000e+00 : f32
      %broadcast_in_dim3A_538 = vector.broadcast %broadcast_in_dim3A_537 : f32 to vector<16xf32>
      %swap3A_539 = arith.index_cast %scan3A_532 : i32 to index
      %swap3A_540 = arith.constant 16 : index
      %swap3A_541 = tpu.vector_load %arg10[%swap3A_539, %swap3A_540] {strides = array<i32>} : memref<640x32xf32, #tpu.memory_space<vmem>>, vector<16xf32>,
      tpu.vector_store %arg10[%swap3A_539, %swap3A_540], %broadcast_in_dim3A_538 {strides = array<i32>} : memref<640x32xf32, #tpu.memory_space<vmem>>, vector<16xf32>,
      %scan3A_542 = arith.constant 0 : i32
      scf.yield %scan3A_542 : i32
    }
    %scan3A_471 = arith.constant 640 : i32
    "tpu.region"() ({
      %run_scoped3A_532 = tpu.sem_alloc : memref<!tpu.dma_semaphore, #tpu.memory_space<semaphore_mem>>
      %dma_start3A_533 = arith.constant 0 : i32
      %dma_start3A_534 = tpu.memref_slice %arg12[%mul3A_0, %dma_start3A_533] : memref<10368x32xf32, #tpu.memory_space<vmem_shared>> -> memref<640x32xf32, #tpu.memory_space<vmem_shared>>
      %dma_start3A_535 = arith.constant 0 : i32
      %dma_start3A_536 = tpu.memref_slice %arg12[%mul3A_0, %dma_start3A_535] : memref<10368x32xf32, #tpu.memory_space<vmem_shared>> -> memref<640x32xf32, #tpu.memory_space<vmem_shared>>
      tpu.enqueue_dma source(%arg10 : memref<640x32xf32, #tpu.memory_space<vmem>>) target(%dma_start3A_536 : memref<640x32xf32, #tpu.memory_space<vmem_shared>>) target_semaphore(%run_scoped3A_532 : memref<!tpu.dma_semaphore, #tpu.memory_space<semaphore_mem>>)
      %dma_wait3A_537 = arith.constant 0 : i32
      %dma_wait3A_538 = tpu.memref_slice %arg12[%mul3A_0, %dma_wait3A_537] : memref<10368x32xf32, #tpu.memory_space<vmem_shared>> -> memref<640x32xf32, #tpu.memory_space<vmem_shared>>
      %dma_wait3A_539 = arith.constant 0 : i32
      %dma_wait3A_540 = tpu.memref_slice %arg12[%mul3A_0, %dma_wait3A_539] : memref<10368x32xf32, #tpu.memory_space<vmem_shared>> -> memref<640x32xf32, #tpu.memory_space<vmem_shared>>
      tpu.wait_dma2 semaphore(%run_scoped3A_532 : memref<!tpu.dma_semaphore, #tpu.memory_space<semaphore_mem>>) src(%arg10 : memref<640x32xf32, #tpu.memory_space<vmem>>) dst(%dma_wait3A_540 : memref<640x32xf32, #tpu.memory_space<vmem_shared>>)
      tpu.yield
    }) : () -> ()
    %barrier3A_472 = arith.constant 0 : index
    tpu.barrier barrier_id(%barrier3A_472)
    %dma_start3A_473 = arith.constant 0 : i32
    %dma_start3A_474 = arith.constant 0 : i32
    %dma_start3A_475 = arith.constant 0 : i32
    %dma_start3A_476 = arith.constant 0 : i32
    %dma_start3A_477 = arith.constant 0 : i32
    %dma_start3A_478 = tpu.memref_slice %arg9[%dma_start3A_474, %dma_start3A_476, %dma_start3A_477] : memref<2x128x32xf32, #tpu.memory_space<vmem>> -> memref<1x128x32xf32, #tpu.memory_space<vmem>>
    %dma_start3A_479 = tpu.memref_squeeze %dma_start3A_478 : memref<1x128x32xf32, #tpu.memory_space<vmem>> -> memref<128x32xf32, #tpu.memory_space<vmem>>
    %dma_start3A_480 = arith.constant 0 : i32
    %dma_start3A_481 = tpu.memref_slice %arg7[%dma_start3A_473, %dma_start3A_480] : memref<158x128xi32, #tpu.memory_space<vmem>> -> memref<1x128xi32, #tpu.memory_space<vmem>>
    %dma_start3A_482 = tpu.memref_squeeze %dma_start3A_481 : memref<1x128xi32, #tpu.memory_space<vmem>> -> memref<128xi32, #tpu.memory_space<vmem>>
    %dma_start3A_483 = arith.constant 0 : i32
    %dma_start3A_484 = arith.constant 0 : i32
    %dma_start3A_485 = tpu.memref_slice %arg13[%dma_start3A_483, %dma_start3A_484] : memref<10368x32xf32, #tpu.memory_space<vmem_shared>> -> memref<10368x32xf32, #tpu.memory_space<vmem_shared>>
    %dma_start3A_486 = tpu.memref_slice %arg14[%dma_start3A_475] : memref<2x!tpu.dma_semaphore, #tpu.memory_space<semaphore_mem>> -> memref<1x!tpu.dma_semaphore, #tpu.memory_space<semaphore_mem>>
    %dma_start3A_487 = tpu.memref_squeeze %dma_start3A_486 : memref<1x!tpu.dma_semaphore, #tpu.memory_space<semaphore_mem>> -> memref<!tpu.dma_semaphore, #tpu.memory_space<semaphore_mem>>
    tpu.enqueue_indirect_dma source(%dma_start3A_485 : memref<10368x32xf32, #tpu.memory_space<vmem_shared>>) target(%dma_start3A_479 : memref<128x32xf32, #tpu.memory_space<vmem>>) offsets(%dma_start3A_482 : memref<128xi32, #tpu.memory_space<vmem>>) semaphore(%dma_start3A_487 : memref<!tpu.dma_semaphore, #tpu.memory_space<semaphore_mem>>)
    %scan3A_488 = arith.constant 0 : i32
    %scan3A_489 = arith.constant 0 : i32
    %scan3A_490 = arith.constant 79 : i32
    %scan3A_491 = arith.addi %scan3A_489, %scan3A_490 : i32
    %scan3A_492 = arith.constant 1 : i32
    %scan3A_493 = scf.for %scan3A_532 = %scan3A_489 to %scan3A_491 step %scan3A_492 iter_args(%scan3A_533 = %scan3A_488) -> (i32)  : i32 {
      %mul3A_534 = arith.constant 2 : i32
      %mul3A_535 = arith.muli %scan3A_532, %mul3A_534 : i32
      %add3A = arith.constant 0 : i32
      %add3A_536 = arith.addi %mul3A_535, %add3A : i32
      %ge3A = arith.constant 1 : i32
      %ge3A_537 = arith.cmpi sge, %add3A_536, %ge3A : i32
      %convert_element_type3A = arith.extui %ge3A_537 : i1 to i32
      %cond3A = arith.constant 0 : i32
      %cond3A_538 = arith.cmpi ne, %convert_element_type3A, %cond3A : i32
      scf.if %cond3A_538 {
        %dma_wait3A_628 = arith.constant 1 : i32
        %dma_wait3A_629 = arith.constant 1 : i32
        %dma_wait3A_630 = arith.constant 0 : i32
        %dma_wait3A_631 = arith.constant 0 : i32
        %dma_wait3A_632 = tpu.memref_slice %arg9[%dma_wait3A_628, %dma_wait3A_630, %dma_wait3A_631] : memref<2x128x32xf32, #tpu.memory_space<vmem>> -> memref<1x128x32xf32, #tpu.memory_space<vmem>>
        %dma_wait3A_633 = tpu.memref_squeeze %dma_wait3A_632 : memref<1x128x32xf32, #tpu.memory_space<vmem>> -> memref<128x32xf32, #tpu.memory_space<vmem>>
        %dma_wait3A_634 = arith.constant 0 : i32
        %dma_wait3A_635 = arith.constant 0 : i32
        %dma_wait3A_636 = tpu.memref_slice %arg2[%arg0, %dma_wait3A_634, %dma_wait3A_635] : memref<2x10240x32xf32, #tpu.memory_space<hbm>> -> memref<1x128x32xf32, #tpu.memory_space<hbm>>
        %dma_wait3A_637 = tpu.memref_squeeze %dma_wait3A_636 : memref<1x128x32xf32, #tpu.memory_space<hbm>> -> memref<128x32xf32, #tpu.memory_space<hbm>>
        %dma_wait3A_638 = tpu.memref_slice %arg15[%dma_wait3A_629] : memref<2x!tpu.dma_semaphore, #tpu.memory_space<semaphore_mem>> -> memref<1x!tpu.dma_semaphore, #tpu.memory_space<semaphore_mem>>
        %dma_wait3A_639 = tpu.memref_squeeze %dma_wait3A_638 : memref<1x!tpu.dma_semaphore, #tpu.memory_space<semaphore_mem>> -> memref<!tpu.dma_semaphore, #tpu.memory_space<semaphore_mem>>
        %dma_wait3A_640 = arith.constant 0 : i32
        %dma_wait3A_641 = arith.constant 0 : i32
        %dma_wait3A_642 = tpu.memref_slice %arg9[%dma_wait3A_628, %dma_wait3A_640, %dma_wait3A_641] : memref<2x128x32xf32, #tpu.memory_space<vmem>> -> memref<1x128x32xf32, #tpu.memory_space<vmem>>
        %dma_wait3A_643 = tpu.memref_squeeze %dma_wait3A_642 : memref<1x128x32xf32, #tpu.memory_space<vmem>> -> memref<128x32xf32, #tpu.memory_space<vmem>>
        %dma_wait3A_644 = arith.constant 0 : i32
        %dma_wait3A_645 = arith.constant 0 : i32
        %dma_wait3A_646 = tpu.memref_slice %arg2[%arg0, %dma_wait3A_644, %dma_wait3A_645] : memref<2x10240x32xf32, #tpu.memory_space<hbm>> -> memref<1x128x32xf32, #tpu.memory_space<hbm>>
        %dma_wait3A_647 = tpu.memref_squeeze %dma_wait3A_646 : memref<1x128x32xf32, #tpu.memory_space<hbm>> -> memref<128x32xf32, #tpu.memory_space<hbm>>
        tpu.wait_dma2 semaphore(%dma_wait3A_639 : memref<!tpu.dma_semaphore, #tpu.memory_space<semaphore_mem>>) src(%dma_wait3A_647 : memref<128x32xf32, #tpu.memory_space<hbm>>) dst(%dma_wait3A_643 : memref<128x32xf32, #tpu.memory_space<vmem>>)
      } else {
      }
      %add3A_539 = arith.constant 1 : i32
      %add3A_540 = arith.addi %add3A_536, %add3A_539 : i32
      %lt3A = arith.constant 158 : i32
      %lt3A_541 = arith.cmpi slt, %add3A_540, %lt3A : i32
      %convert_element_type3A_542 = arith.extui %lt3A_541 : i1 to i32
      %cond3A_543 = arith.constant 0 : i32
      %cond3A_544 = arith.cmpi ne, %convert_element_type3A_542, %cond3A_543 : i32
      scf.if %cond3A_544 {
        %add3A_628 = arith.constant 1 : i32
        %add3A_629 = arith.addi %add3A_536, %add3A_628 : i32
        %dma_start3A_630 = arith.constant 1 : i32
        %dma_start3A_631 = arith.constant 1 : i32
        %dma_start3A_632 = arith.constant 0 : i32
        %dma_start3A_633 = arith.constant 0 : i32
        %dma_start3A_634 = tpu.memref_slice %arg9[%dma_start3A_630, %dma_start3A_632, %dma_start3A_633] : memref<2x128x32xf32, #tpu.memory_space<vmem>> -> memref<1x128x32xf32, #tpu.memory_space<vmem>>
        %dma_start3A_635 = tpu.memref_squeeze %dma_start3A_634 : memref<1x128x32xf32, #tpu.memory_space<vmem>> -> memref<128x32xf32, #tpu.memory_space<vmem>>
        %dma_start3A_636 = arith.constant 0 : i32
        %dma_start3A_637 = tpu.memref_slice %arg7[%add3A_629, %dma_start3A_636] : memref<158x128xi32, #tpu.memory_space<vmem>> -> memref<1x128xi32, #tpu.memory_space<vmem>>
        %dma_start3A_638 = tpu.memref_squeeze %dma_start3A_637 : memref<1x128xi32, #tpu.memory_space<vmem>> -> memref<128xi32, #tpu.memory_space<vmem>>
        %dma_start3A_639 = arith.constant 0 : i32
        %dma_start3A_640 = arith.constant 0 : i32
        %dma_start3A_641 = tpu.memref_slice %arg13[%dma_start3A_639, %dma_start3A_640] : memref<10368x32xf32, #tpu.memory_space<vmem_shared>> -> memref<10368x32xf32, #tpu.memory_space<vmem_shared>>
        %dma_start3A_642 = tpu.memref_slice %arg14[%dma_start3A_631] : memref<2x!tpu.dma_semaphore, #tpu.memory_space<semaphore_mem>> -> memref<1x!tpu.dma_semaphore, #tpu.memory_space<semaphore_mem>>
        %dma_start3A_643 = tpu.memref_squeeze %dma_start3A_642 : memref<1x!tpu.dma_semaphore, #tpu.memory_space<semaphore_mem>> -> memref<!tpu.dma_semaphore, #tpu.memory_space<semaphore_mem>>
        tpu.enqueue_indirect_dma source(%dma_start3A_641 : memref<10368x32xf32, #tpu.memory_space<vmem_shared>>) target(%dma_start3A_635 : memref<128x32xf32, #tpu.memory_space<vmem>>) offsets(%dma_start3A_638 : memref<128xi32, #tpu.memory_space<vmem>>) semaphore(%dma_start3A_643 : memref<!tpu.dma_semaphore, #tpu.memory_space<semaphore_mem>>)
      } else {
      }
      %dma_wait3A_545 = arith.constant 0 : i32
      %dma_wait3A_546 = arith.constant 0 : i32
      %dma_wait3A_547 = arith.constant 0 : i32
      %dma_wait3A_548 = arith.constant 0 : i32
      %dma_wait3A_549 = tpu.memref_slice %arg9[%dma_wait3A_545, %dma_wait3A_547, %dma_wait3A_548] : memref<2x128x32xf32, #tpu.memory_space<vmem>> -> memref<1x128x32xf32, #tpu.memory_space<vmem>>
      %dma_wait3A_550 = tpu.memref_squeeze %dma_wait3A_549 : memref<1x128x32xf32, #tpu.memory_space<vmem>> -> memref<128x32xf32, #tpu.memory_space<vmem>>
      %dma_wait3A_551 = arith.constant 0 : i32
      %dma_wait3A_552 = arith.constant 0 : i32
      %dma_wait3A_553 = tpu.memref_slice %arg2[%arg0, %dma_wait3A_551, %dma_wait3A_552] : memref<2x10240x32xf32, #tpu.memory_space<hbm>> -> memref<1x128x32xf32, #tpu.memory_space<hbm>>
      %dma_wait3A_554 = tpu.memref_squeeze %dma_wait3A_553 : memref<1x128x32xf32, #tpu.memory_space<hbm>> -> memref<128x32xf32, #tpu.memory_space<hbm>>
      %dma_wait3A_555 = tpu.memref_slice %arg14[%dma_wait3A_546] : memref<2x!tpu.dma_semaphore, #tpu.memory_space<semaphore_mem>> -> memref<1x!tpu.dma_semaphore, #tpu.memory_space<semaphore_mem>>
      %dma_wait3A_556 = tpu.memref_squeeze %dma_wait3A_555 : memref<1x!tpu.dma_semaphore, #tpu.memory_space<semaphore_mem>> -> memref<!tpu.dma_semaphore, #tpu.memory_space<semaphore_mem>>
      %dma_wait3A_557 = arith.constant 0 : i32
      %dma_wait3A_558 = arith.constant 0 : i32
      %dma_wait3A_559 = tpu.memref_slice %arg9[%dma_wait3A_545, %dma_wait3A_557, %dma_wait3A_558] : memref<2x128x32xf32, #tpu.memory_space<vmem>> -> memref<1x128x32xf32, #tpu.memory_space<vmem>>
      %dma_wait3A_560 = tpu.memref_squeeze %dma_wait3A_559 : memref<1x128x32xf32, #tpu.memory_space<vmem>> -> memref<128x32xf32, #tpu.memory_space<vmem>>
      %dma_wait3A_561 = arith.constant 0 : i32
      %dma_wait3A_562 = arith.constant 0 : i32
      %dma_wait3A_563 = tpu.memref_slice %arg2[%arg0, %dma_wait3A_561, %dma_wait3A_562] : memref<2x10240x32xf32, #tpu.memory_space<hbm>> -> memref<1x128x32xf32, #tpu.memory_space<hbm>>
      %dma_wait3A_564 = tpu.memref_squeeze %dma_wait3A_563 : memref<1x128x32xf32, #tpu.memory_space<hbm>> -> memref<128x32xf32, #tpu.memory_space<hbm>>
      tpu.wait_dma2 semaphore(%dma_wait3A_556 : memref<!tpu.dma_semaphore, #tpu.memory_space<semaphore_mem>>) src(%dma_wait3A_564 : memref<128x32xf32, #tpu.memory_space<hbm>>) dst(%dma_wait3A_560 : memref<128x32xf32, #tpu.memory_space<vmem>>)
      %dma_start3A_565 = arith.constant 0 : i32
      %dma_start3A_566 = arith.constant 0 : i32
      %dma_start3A_567 = arith.constant 0 : i32
      %dma_start3A_568 = arith.constant 0 : i32
      %dma_start3A_569 = tpu.memref_slice %arg9[%dma_start3A_565, %dma_start3A_567, %dma_start3A_568] : memref<2x128x32xf32, #tpu.memory_space<vmem>> -> memref<1x128x32xf32, #tpu.memory_space<vmem>>
      %dma_start3A_570 = tpu.memref_squeeze %dma_start3A_569 : memref<1x128x32xf32, #tpu.memory_space<vmem>> -> memref<128x32xf32, #tpu.memory_space<vmem>>
      %dma_start3A_571 = arith.constant 0 : i32
      %dma_start3A_572 = tpu.memref_slice %arg8[%add3A_536, %dma_start3A_571] : memref<158x128xi32, #tpu.memory_space<vmem>> -> memref<1x128xi32, #tpu.memory_space<vmem>>
      %dma_start3A_573 = tpu.memref_squeeze %dma_start3A_572 : memref<1x128xi32, #tpu.memory_space<vmem>> -> memref<128xi32, #tpu.memory_space<vmem>>
      %dma_start3A_574 = arith.constant 0 : i32
      %dma_start3A_575 = arith.constant 0 : i32
      %dma_start3A_576 = tpu.memref_slice %arg12[%dma_start3A_574, %dma_start3A_575] : memref<10368x32xf32, #tpu.memory_space<vmem_shared>> -> memref<10368x32xf32, #tpu.memory_space<vmem_shared>>
      %dma_start3A_577 = tpu.memref_slice %arg15[%dma_start3A_566] : memref<2x!tpu.dma_semaphore, #tpu.memory_space<semaphore_mem>> -> memref<1x!tpu.dma_semaphore, #tpu.memory_space<semaphore_mem>>
      %dma_start3A_578 = tpu.memref_squeeze %dma_start3A_577 : memref<1x!tpu.dma_semaphore, #tpu.memory_space<semaphore_mem>> -> memref<!tpu.dma_semaphore, #tpu.memory_space<semaphore_mem>>
      tpu.enqueue_indirect_dma source(%dma_start3A_570 : memref<128x32xf32, #tpu.memory_space<vmem>>) target(%dma_start3A_576 : memref<10368x32xf32, #tpu.memory_space<vmem_shared>>) offsets(%dma_start3A_573 : memref<128xi32, #tpu.memory_space<vmem>>) semaphore(%dma_start3A_578 : memref<!tpu.dma_semaphore, #tpu.memory_space<semaphore_mem>>) {add = true}
      %add3A_579 = arith.constant 1 : i32
      %add3A_580 = arith.addi %mul3A_535, %add3A_579 : i32
      %ge3A_581 = arith.constant 1 : i32
      %ge3A_582 = arith.cmpi sge, %add3A_580, %ge3A_581 : i32
      %convert_element_type3A_583 = arith.extui %ge3A_582 : i1 to i32
      %cond3A_584 = arith.constant 0 : i32
      %cond3A_585 = arith.cmpi ne, %convert_element_type3A_583, %cond3A_584 : i32
      scf.if %cond3A_585 {
        %dma_wait3A_628 = arith.constant 0 : i32
        %dma_wait3A_629 = arith.constant 0 : i32
        %dma_wait3A_630 = arith.constant 0 : i32
        %dma_wait3A_631 = arith.constant 0 : i32
        %dma_wait3A_632 = tpu.memref_slice %arg9[%dma_wait3A_628, %dma_wait3A_630, %dma_wait3A_631] : memref<2x128x32xf32, #tpu.memory_space<vmem>> -> memref<1x128x32xf32, #tpu.memory_space<vmem>>
        %dma_wait3A_633 = tpu.memref_squeeze %dma_wait3A_632 : memref<1x128x32xf32, #tpu.memory_space<vmem>> -> memref<128x32xf32, #tpu.memory_space<vmem>>
        %dma_wait3A_634 = arith.constant 0 : i32
        %dma_wait3A_635 = arith.constant 0 : i32
        %dma_wait3A_636 = tpu.memref_slice %arg2[%arg0, %dma_wait3A_634, %dma_wait3A_635] : memref<2x10240x32xf32, #tpu.memory_space<hbm>> -> memref<1x128x32xf32, #tpu.memory_space<hbm>>
        %dma_wait3A_637 = tpu.memref_squeeze %dma_wait3A_636 : memref<1x128x32xf32, #tpu.memory_space<hbm>> -> memref<128x32xf32, #tpu.memory_space<hbm>>
        %dma_wait3A_638 = tpu.memref_slice %arg15[%dma_wait3A_629] : memref<2x!tpu.dma_semaphore, #tpu.memory_space<semaphore_mem>> -> memref<1x!tpu.dma_semaphore, #tpu.memory_space<semaphore_mem>>
        %dma_wait3A_639 = tpu.memref_squeeze %dma_wait3A_638 : memref<1x!tpu.dma_semaphore, #tpu.memory_space<semaphore_mem>> -> memref<!tpu.dma_semaphore, #tpu.memory_space<semaphore_mem>>
        %dma_wait3A_640 = arith.constant 0 : i32
        %dma_wait3A_641 = arith.constant 0 : i32
        %dma_wait3A_642 = tpu.memref_slice %arg9[%dma_wait3A_628, %dma_wait3A_640, %dma_wait3A_641] : memref<2x128x32xf32, #tpu.memory_space<vmem>> -> memref<1x128x32xf32, #tpu.memory_space<vmem>>
        %dma_wait3A_643 = tpu.memref_squeeze %dma_wait3A_642 : memref<1x128x32xf32, #tpu.memory_space<vmem>> -> memref<128x32xf32, #tpu.memory_space<vmem>>
        %dma_wait3A_644 = arith.constant 0 : i32
        %dma_wait3A_645 = arith.constant 0 : i32
        %dma_wait3A_646 = tpu.memref_slice %arg2[%arg0, %dma_wait3A_644, %dma_wait3A_645] : memref<2x10240x32xf32, #tpu.memory_space<hbm>> -> memref<1x128x32xf32, #tpu.memory_space<hbm>>
        %dma_wait3A_647 = tpu.memref_squeeze %dma_wait3A_646 : memref<1x128x32xf32, #tpu.memory_space<hbm>> -> memref<128x32xf32, #tpu.memory_space<hbm>>
        tpu.wait_dma2 semaphore(%dma_wait3A_639 : memref<!tpu.dma_semaphore, #tpu.memory_space<semaphore_mem>>) src(%dma_wait3A_647 : memref<128x32xf32, #tpu.memory_space<hbm>>) dst(%dma_wait3A_643 : memref<128x32xf32, #tpu.memory_space<vmem>>)
      } else {
      }
      %add3A_586 = arith.constant 1 : i32
      %add3A_587 = arith.addi %add3A_580, %add3A_586 : i32
      %lt3A_588 = arith.constant 158 : i32
      %lt3A_589 = arith.cmpi slt, %add3A_587, %lt3A_588 : i32
      %convert_element_type3A_590 = arith.extui %lt3A_589 : i1 to i32
      %cond3A_591 = arith.constant 0 : i32
      %cond3A_592 = arith.cmpi ne, %convert_element_type3A_590, %cond3A_591 : i32
      scf.if %cond3A_592 {
        %add3A_628 = arith.constant 1 : i32
        %add3A_629 = arith.addi %add3A_580, %add3A_628 : i32
        %dma_start3A_630 = arith.constant 0 : i32
        %dma_start3A_631 = arith.constant 0 : i32
        %dma_start3A_632 = arith.constant 0 : i32
        %dma_start3A_633 = arith.constant 0 : i32
        %dma_start3A_634 = tpu.memref_slice %arg9[%dma_start3A_630, %dma_start3A_632, %dma_start3A_633] : memref<2x128x32xf32, #tpu.memory_space<vmem>> -> memref<1x128x32xf32, #tpu.memory_space<vmem>>
        %dma_start3A_635 = tpu.memref_squeeze %dma_start3A_634 : memref<1x128x32xf32, #tpu.memory_space<vmem>> -> memref<128x32xf32, #tpu.memory_space<vmem>>
        %dma_start3A_636 = arith.constant 0 : i32
        %dma_start3A_637 = tpu.memref_slice %arg7[%add3A_629, %dma_start3A_636] : memref<158x128xi32, #tpu.memory_space<vmem>> -> memref<1x128xi32, #tpu.memory_space<vmem>>
        %dma_start3A_638 = tpu.memref_squeeze %dma_start3A_637 : memref<1x128xi32, #tpu.memory_space<vmem>> -> memref<128xi32, #tpu.memory_space<vmem>>
        %dma_start3A_639 = arith.constant 0 : i32
        %dma_start3A_640 = arith.constant 0 : i32
        %dma_start3A_641 = tpu.memref_slice %arg13[%dma_start3A_639, %dma_start3A_640] : memref<10368x32xf32, #tpu.memory_space<vmem_shared>> -> memref<10368x32xf32, #tpu.memory_space<vmem_shared>>
        %dma_start3A_642 = tpu.memref_slice %arg14[%dma_start3A_631] : memref<2x!tpu.dma_semaphore, #tpu.memory_space<semaphore_mem>> -> memref<1x!tpu.dma_semaphore, #tpu.memory_space<semaphore_mem>>
        %dma_start3A_643 = tpu.memref_squeeze %dma_start3A_642 : memref<1x!tpu.dma_semaphore, #tpu.memory_space<semaphore_mem>> -> memref<!tpu.dma_semaphore, #tpu.memory_space<semaphore_mem>>
        tpu.enqueue_indirect_dma source(%dma_start3A_641 : memref<10368x32xf32, #tpu.memory_space<vmem_shared>>) target(%dma_start3A_635 : memref<128x32xf32, #tpu.memory_space<vmem>>) offsets(%dma_start3A_638 : memref<128xi32, #tpu.memory_space<vmem>>) semaphore(%dma_start3A_643 : memref<!tpu.dma_semaphore, #tpu.memory_space<semaphore_mem>>)
      } else {
      }
      %dma_wait3A_593 = arith.constant 1 : i32
      %dma_wait3A_594 = arith.constant 1 : i32
      %dma_wait3A_595 = arith.constant 0 : i32
      %dma_wait3A_596 = arith.constant 0 : i32
      %dma_wait3A_597 = tpu.memref_slice %arg9[%dma_wait3A_593, %dma_wait3A_595, %dma_wait3A_596] : memref<2x128x32xf32, #tpu.memory_space<vmem>> -> memref<1x128x32xf32, #tpu.memory_space<vmem>>
      %dma_wait3A_598 = tpu.memref_squeeze %dma_wait3A_597 : memref<1x128x32xf32, #tpu.memory_space<vmem>> -> memref<128x32xf32, #tpu.memory_space<vmem>>
      %dma_wait3A_599 = arith.constant 0 : i32
      %dma_wait3A_600 = arith.constant 0 : i32
      %dma_wait3A_601 = tpu.memref_slice %arg2[%arg0, %dma_wait3A_599, %dma_wait3A_600] : memref<2x10240x32xf32, #tpu.memory_space<hbm>> -> memref<1x128x32xf32, #tpu.memory_space<hbm>>
      %dma_wait3A_602 = tpu.memref_squeeze %dma_wait3A_601 : memref<1x128x32xf32, #tpu.memory_space<hbm>> -> memref<128x32xf32, #tpu.memory_space<hbm>>
      %dma_wait3A_603 = tpu.memref_slice %arg14[%dma_wait3A_594] : memref<2x!tpu.dma_semaphore, #tpu.memory_space<semaphore_mem>> -> memref<1x!tpu.dma_semaphore, #tpu.memory_space<semaphore_mem>>
      %dma_wait3A_604 = tpu.memref_squeeze %dma_wait3A_603 : memref<1x!tpu.dma_semaphore, #tpu.memory_space<semaphore_mem>> -> memref<!tpu.dma_semaphore, #tpu.memory_space<semaphore_mem>>
      %dma_wait3A_605 = arith.constant 0 : i32
      %dma_wait3A_606 = arith.constant 0 : i32
      %dma_wait3A_607 = tpu.memref_slice %arg9[%dma_wait3A_593, %dma_wait3A_605, %dma_wait3A_606] : memref<2x128x32xf32, #tpu.memory_space<vmem>> -> memref<1x128x32xf32, #tpu.memory_space<vmem>>
      %dma_wait3A_608 = tpu.memref_squeeze %dma_wait3A_607 : memref<1x128x32xf32, #tpu.memory_space<vmem>> -> memref<128x32xf32, #tpu.memory_space<vmem>>
      %dma_wait3A_609 = arith.constant 0 : i32
      %dma_wait3A_610 = arith.constant 0 : i32
      %dma_wait3A_611 = tpu.memref_slice %arg2[%arg0, %dma_wait3A_609, %dma_wait3A_610] : memref<2x10240x32xf32, #tpu.memory_space<hbm>> -> memref<1x128x32xf32, #tpu.memory_space<hbm>>
      %dma_wait3A_612 = tpu.memref_squeeze %dma_wait3A_611 : memref<1x128x32xf32, #tpu.memory_space<hbm>> -> memref<128x32xf32, #tpu.memory_space<hbm>>
      tpu.wait_dma2 semaphore(%dma_wait3A_604 : memref<!tpu.dma_semaphore, #tpu.memory_space<semaphore_mem>>) src(%dma_wait3A_612 : memref<128x32xf32, #tpu.memory_space<hbm>>) dst(%dma_wait3A_608 : memref<128x32xf32, #tpu.memory_space<vmem>>)
      %dma_start3A_613 = arith.constant 1 : i32
      %dma_start3A_614 = arith.constant 1 : i32
      %dma_start3A_615 = arith.constant 0 : i32
      %dma_start3A_616 = arith.constant 0 : i32
      %dma_start3A_617 = tpu.memref_slice %arg9[%dma_start3A_613, %dma_start3A_615, %dma_start3A_616] : memref<2x128x32xf32, #tpu.memory_space<vmem>> -> memref<1x128x32xf32, #tpu.memory_space<vmem>>
      %dma_start3A_618 = tpu.memref_squeeze %dma_start3A_617 : memref<1x128x32xf32, #tpu.memory_space<vmem>> -> memref<128x32xf32, #tpu.memory_space<vmem>>
      %dma_start3A_619 = arith.constant 0 : i32
      %dma_start3A_620 = tpu.memref_slice %arg8[%add3A_580, %dma_start3A_619] : memref<158x128xi32, #tpu.memory_space<vmem>> -> memref<1x128xi32, #tpu.memory_space<vmem>>
      %dma_start3A_621 = tpu.memref_squeeze %dma_start3A_620 : memref<1x128xi32, #tpu.memory_space<vmem>> -> memref<128xi32, #tpu.memory_space<vmem>>
      %dma_start3A_622 = arith.constant 0 : i32
      %dma_start3A_623 = arith.constant 0 : i32
      %dma_start3A_624 = tpu.memref_slice %arg12[%dma_start3A_622, %dma_start3A_623] : memref<10368x32xf32, #tpu.memory_space<vmem_shared>> -> memref<10368x32xf32, #tpu.memory_space<vmem_shared>>
      %dma_start3A_625 = tpu.memref_slice %arg15[%dma_start3A_614] : memref<2x!tpu.dma_semaphore, #tpu.memory_space<semaphore_mem>> -> memref<1x!tpu.dma_semaphore, #tpu.memory_space<semaphore_mem>>
      %dma_start3A_626 = tpu.memref_squeeze %dma_start3A_625 : memref<1x!tpu.dma_semaphore, #tpu.memory_space<semaphore_mem>> -> memref<!tpu.dma_semaphore, #tpu.memory_space<semaphore_mem>>
      tpu.enqueue_indirect_dma source(%dma_start3A_618 : memref<128x32xf32, #tpu.memory_space<vmem>>) target(%dma_start3A_624 : memref<10368x32xf32, #tpu.memory_space<vmem_shared>>) offsets(%dma_start3A_621 : memref<128xi32, #tpu.memory_space<vmem>>) semaphore(%dma_start3A_626 : memref<!tpu.dma_semaphore, #tpu.memory_space<semaphore_mem>>) {add = true}
      %scan3A_627 = arith.constant 0 : i32
      scf.yield %scan3A_627 : i32
    }
    %scan3A_494 = arith.constant 79 : i32
    %dma_wait3A_495 = arith.constant 1 : i32
    %dma_wait3A_496 = arith.constant 1 : i32
    %dma_wait3A_497 = arith.constant 0 : i32
    %dma_wait3A_498 = arith.constant 0 : i32
    %dma_wait3A_499 = tpu.memref_slice %arg9[%dma_wait3A_495, %dma_wait3A_497, %dma_wait3A_498] : memref<2x128x32xf32, #tpu.memory_space<vmem>> -> memref<1x128x32xf32, #tpu.memory_space<vmem>>
    %dma_wait3A_500 = tpu.memref_squeeze %dma_wait3A_499 : memref<1x128x32xf32, #tpu.memory_space<vmem>> -> memref<128x32xf32, #tpu.memory_space<vmem>>
    %dma_wait3A_501 = arith.constant 0 : i32
    %dma_wait3A_502 = arith.constant 0 : i32
    %dma_wait3A_503 = tpu.memref_slice %arg2[%arg0, %dma_wait3A_501, %dma_wait3A_502] : memref<2x10240x32xf32, #tpu.memory_space<hbm>> -> memref<1x128x32xf32, #tpu.memory_space<hbm>>
    %dma_wait3A_504 = tpu.memref_squeeze %dma_wait3A_503 : memref<1x128x32xf32, #tpu.memory_space<hbm>> -> memref<128x32xf32, #tpu.memory_space<hbm>>
    %dma_wait3A_505 = tpu.memref_slice %arg15[%dma_wait3A_496] : memref<2x!tpu.dma_semaphore, #tpu.memory_space<semaphore_mem>> -> memref<1x!tpu.dma_semaphore, #tpu.memory_space<semaphore_mem>>
    %dma_wait3A_506 = tpu.memref_squeeze %dma_wait3A_505 : memref<1x!tpu.dma_semaphore, #tpu.memory_space<semaphore_mem>> -> memref<!tpu.dma_semaphore, #tpu.memory_space<semaphore_mem>>
    %dma_wait3A_507 = arith.constant 0 : i32
    %dma_wait3A_508 = arith.constant 0 : i32
    %dma_wait3A_509 = tpu.memref_slice %arg9[%dma_wait3A_495, %dma_wait3A_507, %dma_wait3A_508] : memref<2x128x32xf32, #tpu.memory_space<vmem>> -> memref<1x128x32xf32, #tpu.memory_space<vmem>>
    %dma_wait3A_510 = tpu.memref_squeeze %dma_wait3A_509 : memref<1x128x32xf32, #tpu.memory_space<vmem>> -> memref<128x32xf32, #tpu.memory_space<vmem>>
    %dma_wait3A_511 = arith.constant 0 : i32
    %dma_wait3A_512 = arith.constant 0 : i32
    %dma_wait3A_513 = tpu.memref_slice %arg2[%arg0, %dma_wait3A_511, %dma_wait3A_512] : memref<2x10240x32xf32, #tpu.memory_space<hbm>> -> memref<1x128x32xf32, #tpu.memory_space<hbm>>
    %dma_wait3A_514 = tpu.memref_squeeze %dma_wait3A_513 : memref<1x128x32xf32, #tpu.memory_space<hbm>> -> memref<128x32xf32, #tpu.memory_space<hbm>>
    tpu.wait_dma2 semaphore(%dma_wait3A_506 : memref<!tpu.dma_semaphore, #tpu.memory_space<semaphore_mem>>) src(%dma_wait3A_514 : memref<128x32xf32, #tpu.memory_space<hbm>>) dst(%dma_wait3A_510 : memref<128x32xf32, #tpu.memory_space<vmem>>)
    %barrier3A_515 = arith.constant 0 : index
    tpu.barrier barrier_id(%barrier3A_515)
    "tpu.region"() ({
      %run_scoped3A_532 = tpu.sem_alloc : memref<!tpu.dma_semaphore, #tpu.memory_space<semaphore_mem>>
      %dma_start3A_533 = arith.constant 0 : i32
      %dma_start3A_534 = tpu.memref_slice %arg12[%mul3A_0, %dma_start3A_533] : memref<10368x32xf32, #tpu.memory_space<vmem_shared>> -> memref<640x32xf32, #tpu.memory_space<vmem_shared>>
      %dma_start3A_535 = arith.constant 0 : i32
      %dma_start3A_536 = tpu.memref_slice %arg12[%mul3A_0, %dma_start3A_535] : memref<10368x32xf32, #tpu.memory_space<vmem_shared>> -> memref<640x32xf32, #tpu.memory_space<vmem_shared>>
      tpu.enqueue_dma source(%dma_start3A_536 : memref<640x32xf32, #tpu.memory_space<vmem_shared>>) target(%arg10 : memref<640x32xf32, #tpu.memory_space<vmem>>) target_semaphore(%run_scoped3A_532 : memref<!tpu.dma_semaphore, #tpu.memory_space<semaphore_mem>>)
      %dma_wait3A_537 = arith.constant 0 : i32
      %dma_wait3A_538 = tpu.memref_slice %arg12[%mul3A_0, %dma_wait3A_537] : memref<10368x32xf32, #tpu.memory_space<vmem_shared>> -> memref<640x32xf32, #tpu.memory_space<vmem_shared>>
      %dma_wait3A_539 = arith.constant 0 : i32
      %dma_wait3A_540 = tpu.memref_slice %arg12[%mul3A_0, %dma_wait3A_539] : memref<10368x32xf32, #tpu.memory_space<vmem_shared>> -> memref<640x32xf32, #tpu.memory_space<vmem_shared>>
      tpu.wait_dma2 semaphore(%run_scoped3A_532 : memref<!tpu.dma_semaphore, #tpu.memory_space<semaphore_mem>>) src(%dma_wait3A_540 : memref<640x32xf32, #tpu.memory_space<vmem_shared>>) dst(%arg10 : memref<640x32xf32, #tpu.memory_space<vmem>>)
      tpu.yield
    }) : () -> ()
    %scan3A_516 = arith.constant 0 : i32
    %scan3A_517 = arith.constant 0 : i32
    %scan3A_518 = arith.constant 640 : i32
    %scan3A_519 = arith.addi %scan3A_517, %scan3A_518 : i32
    %scan3A_520 = arith.constant 1 : i32
    %scan3A_521 = scf.for %scan3A_532 = %scan3A_517 to %scan3A_519 step %scan3A_520 iter_args(%scan3A_533 = %scan3A_516) -> (i32)  : i32 {
      %broadcast_in_dim3A = vector.broadcast %scan3A_532 : i32 to vector<16xi32>
      %gather3A = tpu.vector_load_idx %arg11[%broadcast_in_dim3A] : memref<640xf32, #tpu.memory_space<vmem>>[vector<16xi32>], vector<16xf32>,
      %get3A = arith.index_cast %scan3A_532 : i32 to index
      %get3A_534 = arith.constant 0 : index
      %get3A_535 = tpu.vector_load %arg10[%get3A, %get3A_534] {strides = array<i32>} : memref<640x32xf32, #tpu.memory_space<vmem>>, vector<16xf32>,
      %mul3A_536 = arith.mulf %get3A_535, %gather3A : vector<16xf32>
      %swap3A = arith.index_cast %scan3A_532 : i32 to index
      %swap3A_537 = arith.constant 0 : index
      %swap3A_538 = tpu.vector_load %arg10[%swap3A, %swap3A_537] {strides = array<i32>} : memref<640x32xf32, #tpu.memory_space<vmem>>, vector<16xf32>,
      tpu.vector_store %arg10[%swap3A, %swap3A_537], %mul3A_536 {strides = array<i32>} : memref<640x32xf32, #tpu.memory_space<vmem>>, vector<16xf32>,
      %get3A_539 = arith.index_cast %scan3A_532 : i32 to index
      %get3A_540 = arith.constant 16 : index
      %get3A_541 = tpu.vector_load %arg10[%get3A_539, %get3A_540] {strides = array<i32>} : memref<640x32xf32, #tpu.memory_space<vmem>>, vector<16xf32>,
      %mul3A_542 = arith.mulf %get3A_541, %gather3A : vector<16xf32>
      %swap3A_543 = arith.index_cast %scan3A_532 : i32 to index
      %swap3A_544 = arith.constant 16 : index
      %swap3A_545 = tpu.vector_load %arg10[%swap3A_543, %swap3A_544] {strides = array<i32>} : memref<640x32xf32, #tpu.memory_space<vmem>>, vector<16xf32>,
      tpu.vector_store %arg10[%swap3A_543, %swap3A_544], %mul3A_542 {strides = array<i32>} : memref<640x32xf32, #tpu.memory_space<vmem>>, vector<16xf32>,
      %scan3A_546 = arith.constant 0 : i32
      scf.yield %scan3A_546 : i32
    }
    %scan3A_522 = arith.constant 640 : i32
    %run_scoped3A_523 = arith.constant 7 : i32
    "tpu.region"() ({
      %run_scoped3A_532 = tpu.sem_alloc : memref<!tpu.dma_semaphore, #tpu.memory_space<semaphore_mem>>
      %dma_start3A_533 = arith.constant 0 : i32
      %dma_start3A_534 = tpu.memref_slice %arg6[%run_scoped3A_523, %arg0, %mul3A_0, %dma_start3A_533] : memref<8x2x10240x32xf32, #tpu.memory_space<hbm>> -> memref<1x1x640x32xf32, #tpu.memory_space<hbm>>
      %dma_start3A_535 = tpu.memref_squeeze %dma_start3A_534 : memref<1x1x640x32xf32, #tpu.memory_space<hbm>> -> memref<640x32xf32, #tpu.memory_space<hbm>>
      %dma_start3A_536 = arith.constant 0 : i32
      %dma_start3A_537 = tpu.memref_slice %arg6[%run_scoped3A_523, %arg0, %mul3A_0, %dma_start3A_536] : memref<8x2x10240x32xf32, #tpu.memory_space<hbm>> -> memref<1x1x640x32xf32, #tpu.memory_space<hbm>>
      %dma_start3A_538 = tpu.memref_squeeze %dma_start3A_537 : memref<1x1x640x32xf32, #tpu.memory_space<hbm>> -> memref<640x32xf32, #tpu.memory_space<hbm>>
      tpu.enqueue_dma source(%arg10 : memref<640x32xf32, #tpu.memory_space<vmem>>) target(%dma_start3A_538 : memref<640x32xf32, #tpu.memory_space<hbm>>) target_semaphore(%run_scoped3A_532 : memref<!tpu.dma_semaphore, #tpu.memory_space<semaphore_mem>>)
      %dma_wait3A_539 = arith.constant 0 : i32
      %dma_wait3A_540 = tpu.memref_slice %arg6[%run_scoped3A_523, %arg0, %mul3A_0, %dma_wait3A_539] : memref<8x2x10240x32xf32, #tpu.memory_space<hbm>> -> memref<1x1x640x32xf32, #tpu.memory_space<hbm>>
      %dma_wait3A_541 = tpu.memref_squeeze %dma_wait3A_540 : memref<1x1x640x32xf32, #tpu.memory_space<hbm>> -> memref<640x32xf32, #tpu.memory_space<hbm>>
      %dma_wait3A_542 = arith.constant 0 : i32
      %dma_wait3A_543 = tpu.memref_slice %arg6[%run_scoped3A_523, %arg0, %mul3A_0, %dma_wait3A_542] : memref<8x2x10240x32xf32, #tpu.memory_space<hbm>> -> memref<1x1x640x32xf32, #tpu.memory_space<hbm>>
      %dma_wait3A_544 = tpu.memref_squeeze %dma_wait3A_543 : memref<1x1x640x32xf32, #tpu.memory_space<hbm>> -> memref<640x32xf32, #tpu.memory_space<hbm>>
      tpu.wait_dma2 semaphore(%run_scoped3A_532 : memref<!tpu.dma_semaphore, #tpu.memory_space<semaphore_mem>>) src(%arg10 : memref<640x32xf32, #tpu.memory_space<vmem>>) dst(%dma_wait3A_544 : memref<640x32xf32, #tpu.memory_space<hbm>>)
      tpu.yield
    }) : () -> ()
    %scan3A_524 = arith.constant 0 : i32
    %scan3A_525 = arith.constant 0 : i32
    %scan3A_526 = arith.constant 640 : i32
    %scan3A_527 = arith.addi %scan3A_525, %scan3A_526 : i32
    %scan3A_528 = arith.constant 1 : i32
    %scan3A_529 = scf.for %scan3A_532 = %scan3A_525 to %scan3A_527 step %scan3A_528 iter_args(%scan3A_533 = %scan3A_524) -> (i32)  : i32 {
      %broadcast_in_dim3A = vector.broadcast %scan3A_532 : i32 to vector<16xi32>
      %gather3A = tpu.vector_load_idx %arg11[%broadcast_in_dim3A] : memref<640xf32, #tpu.memory_space<vmem>>[vector<16xi32>], vector<16xf32>,
      %get3A = arith.index_cast %scan3A_532 : i32 to index
      %get3A_534 = arith.constant 0 : index
      %get3A_535 = tpu.vector_load %arg10[%get3A, %get3A_534] {strides = array<i32>} : memref<640x32xf32, #tpu.memory_space<vmem>>, vector<16xf32>,
      %mul3A_536 = arith.mulf %get3A_535, %gather3A : vector<16xf32>
      %swap3A = arith.index_cast %scan3A_532 : i32 to index
      %swap3A_537 = arith.constant 0 : index
      %swap3A_538 = tpu.vector_load %arg10[%swap3A, %swap3A_537] {strides = array<i32>} : memref<640x32xf32, #tpu.memory_space<vmem>>, vector<16xf32>,
      tpu.vector_store %arg10[%swap3A, %swap3A_537], %mul3A_536 {strides = array<i32>} : memref<640x32xf32, #tpu.memory_space<vmem>>, vector<16xf32>,
      %get3A_539 = arith.index_cast %scan3A_532 : i32 to index
      %get3A_540 = arith.constant 16 : index
      %get3A_541 = tpu.vector_load %arg10[%get3A_539, %get3A_540] {strides = array<i32>} : memref<640x32xf32, #tpu.memory_space<vmem>>, vector<16xf32>,
      %mul3A_542 = arith.mulf %get3A_541, %gather3A : vector<16xf32>
      %swap3A_543 = arith.index_cast %scan3A_532 : i32 to index
      %swap3A_544 = arith.constant 16 : index
      %swap3A_545 = tpu.vector_load %arg10[%swap3A_543, %swap3A_544] {strides = array<i32>} : memref<640x32xf32, #tpu.memory_space<vmem>>, vector<16xf32>,
      tpu.vector_store %arg10[%swap3A_543, %swap3A_544], %mul3A_542 {strides = array<i32>} : memref<640x32xf32, #tpu.memory_space<vmem>>, vector<16xf32>,
      %scan3A_546 = arith.constant 0 : i32
      scf.yield %scan3A_546 : i32
    }
    %scan3A_530 = arith.constant 640 : i32
    "tpu.region"() ({
      %run_scoped3A_532 = tpu.sem_alloc : memref<!tpu.dma_semaphore, #tpu.memory_space<semaphore_mem>>
      %dma_start3A_533 = arith.constant 0 : i32
      %dma_start3A_534 = tpu.memref_slice %arg12[%mul3A_0, %dma_start3A_533] : memref<10368x32xf32, #tpu.memory_space<vmem_shared>> -> memref<640x32xf32, #tpu.memory_space<vmem_shared>>
      %dma_start3A_535 = arith.constant 0 : i32
      %dma_start3A_536 = tpu.memref_slice %arg12[%mul3A_0, %dma_start3A_535] : memref<10368x32xf32, #tpu.memory_space<vmem_shared>> -> memref<640x32xf32, #tpu.memory_space<vmem_shared>>
      tpu.enqueue_dma source(%arg10 : memref<640x32xf32, #tpu.memory_space<vmem>>) target(%dma_start3A_536 : memref<640x32xf32, #tpu.memory_space<vmem_shared>>) target_semaphore(%run_scoped3A_532 : memref<!tpu.dma_semaphore, #tpu.memory_space<semaphore_mem>>)
      %dma_wait3A_537 = arith.constant 0 : i32
      %dma_wait3A_538 = tpu.memref_slice %arg12[%mul3A_0, %dma_wait3A_537] : memref<10368x32xf32, #tpu.memory_space<vmem_shared>> -> memref<640x32xf32, #tpu.memory_space<vmem_shared>>
      %dma_wait3A_539 = arith.constant 0 : i32
      %dma_wait3A_540 = tpu.memref_slice %arg12[%mul3A_0, %dma_wait3A_539] : memref<10368x32xf32, #tpu.memory_space<vmem_shared>> -> memref<640x32xf32, #tpu.memory_space<vmem_shared>>
      tpu.wait_dma2 semaphore(%run_scoped3A_532 : memref<!tpu.dma_semaphore, #tpu.memory_space<semaphore_mem>>) src(%arg10 : memref<640x32xf32, #tpu.memory_space<vmem>>) dst(%dma_wait3A_540 : memref<640x32xf32, #tpu.memory_space<vmem_shared>>)
      tpu.yield
    }) : () -> ()
    %barrier3A_531 = arith.constant 0 : index
    tpu.barrier barrier_id(%barrier3A_531)
    return
  }
}

#map = affine_map<(d0, d1) -> (0, 0, 0)>
#map1 = affine_map<(d0, d1) -> (0)>
module attributes {stable_mosaic.version = 14 : i64} {
  func.func @_deg_body(%arg0: i32, %arg1: i32, %arg2: memref<16x158x128xi32, #tpu.memory_space<hbm>>, %arg3: memref<10240xf32, #tpu.memory_space<hbm>>, %arg4: memref<128xf32, #tpu.memory_space<vmem>>, %arg5: memref<640xf32, #tpu.memory_space<vmem>>, %arg6: memref<158x128xi32, #tpu.memory_space<vmem>>, %arg7: memref<10368xf32, #tpu.memory_space<vmem_shared>>) attributes {dimension_semantics = [#tpu.dimension_semantics<core_parallel>, #tpu.dimension_semantics<subcore_parallel>], iteration_bounds = array<i64: 1, 16>, scalar_prefetch = 0 : i64, scratch_operands = 4 : i64, tpu.core_type = #tpu.core_type<sc_vector_subcore>, window_params = [{transform_indices = #map}, {transform_indices = #map1}]} {
    %mul3A = arith.constant 640 : i32
    %mul3A_0 = arith.muli %arg1, %mul3A : i32
    %scan3A = arith.constant 0 : i32
    %scan3A_1 = arith.constant 0 : i32
    %scan3A_2 = arith.constant 40 : i32
    %scan3A_3 = arith.addi %scan3A_1, %scan3A_2 : i32
    %scan3A_4 = arith.constant 1 : i32
    %scan3A_5 = scf.for %scan3A_24 = %scan3A_1 to %scan3A_3 step %scan3A_4 iter_args(%scan3A_25 = %scan3A) -> (i32)  : i32 {
      %broadcast_in_dim3A = arith.constant 0.000000e+00 : f32
      %broadcast_in_dim3A_26 = vector.broadcast %broadcast_in_dim3A : f32 to vector<16xf32>
      %mul3A_27 = arith.constant 16 : i32
      %mul3A_28 = arith.muli %scan3A_24, %mul3A_27 : i32
      %swap3A = arith.index_cast %mul3A_28 : i32 to index
      %swap3A_29 = tpu.vector_load %arg5[%swap3A] {strides = array<i32>} : memref<640xf32, #tpu.memory_space<vmem>>, vector<16xf32>,
      tpu.vector_store %arg5[%swap3A], %broadcast_in_dim3A_26 {strides = array<i32>} : memref<640xf32, #tpu.memory_space<vmem>>, vector<16xf32>,
      %scan3A_30 = arith.constant 0 : i32
      scf.yield %scan3A_30 : i32
    }
    %scan3A_6 = arith.constant 40 : i32
    %scan3A_7 = arith.constant 0 : i32
    %scan3A_8 = arith.constant 0 : i32
    %scan3A_9 = arith.constant 8 : i32
    %scan3A_10 = arith.addi %scan3A_8, %scan3A_9 : i32
    %scan3A_11 = arith.constant 1 : i32
    %scan3A_12 = scf.for %scan3A_24 = %scan3A_8 to %scan3A_10 step %scan3A_11 iter_args(%scan3A_25 = %scan3A_7) -> (i32)  : i32 {
      %broadcast_in_dim3A = arith.constant 1.000000e+00 : f32
      %broadcast_in_dim3A_26 = vector.broadcast %broadcast_in_dim3A : f32 to vector<16xf32>
      %mul3A_27 = arith.constant 16 : i32
      %mul3A_28 = arith.muli %scan3A_24, %mul3A_27 : i32
      %swap3A = arith.index_cast %mul3A_28 : i32 to index
      %swap3A_29 = tpu.vector_load %arg4[%swap3A] {strides = array<i32>} : memref<128xf32, #tpu.memory_space<vmem>>, vector<16xf32>,
      tpu.vector_store %arg4[%swap3A], %broadcast_in_dim3A_26 {strides = array<i32>} : memref<128xf32, #tpu.memory_space<vmem>>, vector<16xf32>,
      %scan3A_30 = arith.constant 0 : i32
      scf.yield %scan3A_30 : i32
    }
    %scan3A_13 = arith.constant 8 : i32
    "tpu.region"() ({
      %run_scoped3A = tpu.sem_alloc : memref<!tpu.dma_semaphore, #tpu.memory_space<semaphore_mem>>
      %dma_start3A = tpu.memref_slice %arg7[%mul3A_0] : memref<10368xf32, #tpu.memory_space<vmem_shared>> -> memref<640xf32, #tpu.memory_space<vmem_shared>>
      %dma_start3A_24 = tpu.memref_slice %arg7[%mul3A_0] : memref<10368xf32, #tpu.memory_space<vmem_shared>> -> memref<640xf32, #tpu.memory_space<vmem_shared>>
      tpu.enqueue_dma source(%arg5 : memref<640xf32, #tpu.memory_space<vmem>>) target(%dma_start3A_24 : memref<640xf32, #tpu.memory_space<vmem_shared>>) target_semaphore(%run_scoped3A : memref<!tpu.dma_semaphore, #tpu.memory_space<semaphore_mem>>)
      %dma_wait3A = tpu.memref_slice %arg7[%mul3A_0] : memref<10368xf32, #tpu.memory_space<vmem_shared>> -> memref<640xf32, #tpu.memory_space<vmem_shared>>
      %dma_wait3A_25 = tpu.memref_slice %arg7[%mul3A_0] : memref<10368xf32, #tpu.memory_space<vmem_shared>> -> memref<640xf32, #tpu.memory_space<vmem_shared>>
      tpu.wait_dma2 semaphore(%run_scoped3A : memref<!tpu.dma_semaphore, #tpu.memory_space<semaphore_mem>>) src(%arg5 : memref<640xf32, #tpu.memory_space<vmem>>) dst(%dma_wait3A_25 : memref<640xf32, #tpu.memory_space<vmem_shared>>)
      tpu.yield
    }) : () -> ()
    %eq3A = arith.constant 0 : i32
    %eq3A_14 = arith.cmpi eq, %arg1, %eq3A : i32
    %convert_element_type3A = arith.extui %eq3A_14 : i1 to i32
    %cond3A = arith.constant 0 : i32
    %cond3A_15 = arith.cmpi ne, %convert_element_type3A, %cond3A : i32
    scf.if %cond3A_15 {
      "tpu.region"() ({
        %run_scoped3A = tpu.sem_alloc : memref<!tpu.dma_semaphore, #tpu.memory_space<semaphore_mem>>
        %dma_start3A = arith.constant 0 : i32
        %dma_start3A_24 = tpu.memref_slice %arg5[%dma_start3A] : memref<640xf32, #tpu.memory_space<vmem>> -> memref<128xf32, #tpu.memory_space<vmem>>
        %dma_start3A_25 = arith.constant 10240 : i32
        %dma_start3A_26 = tpu.memref_slice %arg7[%dma_start3A_25] : memref<10368xf32, #tpu.memory_space<vmem_shared>> -> memref<128xf32, #tpu.memory_space<vmem_shared>>
        %dma_start3A_27 = arith.constant 10240 : i32
        %dma_start3A_28 = tpu.memref_slice %arg7[%dma_start3A_27] : memref<10368xf32, #tpu.memory_space<vmem_shared>> -> memref<128xf32, #tpu.memory_space<vmem_shared>>
        %dma_start3A_29 = arith.constant 0 : i32
        %dma_start3A_30 = tpu.memref_slice %arg5[%dma_start3A_29] : memref<640xf32, #tpu.memory_space<vmem>> -> memref<128xf32, #tpu.memory_space<vmem>>
        tpu.enqueue_dma source(%dma_start3A_30 : memref<128xf32, #tpu.memory_space<vmem>>) target(%dma_start3A_28 : memref<128xf32, #tpu.memory_space<vmem_shared>>) target_semaphore(%run_scoped3A : memref<!tpu.dma_semaphore, #tpu.memory_space<semaphore_mem>>)
        %dma_wait3A = arith.constant 0 : i32
        %dma_wait3A_31 = tpu.memref_slice %arg5[%dma_wait3A] : memref<640xf32, #tpu.memory_space<vmem>> -> memref<128xf32, #tpu.memory_space<vmem>>
        %dma_wait3A_32 = arith.constant 10240 : i32
        %dma_wait3A_33 = tpu.memref_slice %arg7[%dma_wait3A_32] : memref<10368xf32, #tpu.memory_space<vmem_shared>> -> memref<128xf32, #tpu.memory_space<vmem_shared>>
        %dma_wait3A_34 = arith.constant 10240 : i32
        %dma_wait3A_35 = tpu.memref_slice %arg7[%dma_wait3A_34] : memref<10368xf32, #tpu.memory_space<vmem_shared>> -> memref<128xf32, #tpu.memory_space<vmem_shared>>
        %dma_wait3A_36 = arith.constant 0 : i32
        %dma_wait3A_37 = tpu.memref_slice %arg5[%dma_wait3A_36] : memref<640xf32, #tpu.memory_space<vmem>> -> memref<128xf32, #tpu.memory_space<vmem>>
        tpu.wait_dma2 semaphore(%run_scoped3A : memref<!tpu.dma_semaphore, #tpu.memory_space<semaphore_mem>>) src(%dma_wait3A_37 : memref<128xf32, #tpu.memory_space<vmem>>) dst(%dma_wait3A_35 : memref<128xf32, #tpu.memory_space<vmem_shared>>)
        tpu.yield
      }) : () -> ()
    } else {
    }
    "tpu.region"() ({
      %run_scoped3A = tpu.sem_alloc : memref<!tpu.dma_semaphore, #tpu.memory_space<semaphore_mem>>
      %dma_start3A = arith.constant 0 : i32
      %dma_start3A_24 = arith.constant 0 : i32
      %dma_start3A_25 = tpu.memref_slice %arg2[%arg1, %dma_start3A, %dma_start3A_24] : memref<16x158x128xi32, #tpu.memory_space<hbm>> -> memref<1x158x128xi32, #tpu.memory_space<hbm>>
      %dma_start3A_26 = tpu.memref_squeeze %dma_start3A_25 : memref<1x158x128xi32, #tpu.memory_space<hbm>> -> memref<158x128xi32, #tpu.memory_space<hbm>>
      %dma_start3A_27 = arith.constant 0 : i32
      %dma_start3A_28 = arith.constant 0 : i32
      %dma_start3A_29 = tpu.memref_slice %arg2[%arg1, %dma_start3A_27, %dma_start3A_28] : memref<16x158x128xi32, #tpu.memory_space<hbm>> -> memref<1x158x128xi32, #tpu.memory_space<hbm>>
      %dma_start3A_30 = tpu.memref_squeeze %dma_start3A_29 : memref<1x158x128xi32, #tpu.memory_space<hbm>> -> memref<158x128xi32, #tpu.memory_space<hbm>>
      tpu.enqueue_dma source(%dma_start3A_30 : memref<158x128xi32, #tpu.memory_space<hbm>>) target(%arg6 : memref<158x128xi32, #tpu.memory_space<vmem>>) target_semaphore(%run_scoped3A : memref<!tpu.dma_semaphore, #tpu.memory_space<semaphore_mem>>)
      %dma_wait3A = arith.constant 0 : i32
      %dma_wait3A_31 = arith.constant 0 : i32
      %dma_wait3A_32 = tpu.memref_slice %arg2[%arg1, %dma_wait3A, %dma_wait3A_31] : memref<16x158x128xi32, #tpu.memory_space<hbm>> -> memref<1x158x128xi32, #tpu.memory_space<hbm>>
      %dma_wait3A_33 = tpu.memref_squeeze %dma_wait3A_32 : memref<1x158x128xi32, #tpu.memory_space<hbm>> -> memref<158x128xi32, #tpu.memory_space<hbm>>
      %dma_wait3A_34 = arith.constant 0 : i32
      %dma_wait3A_35 = arith.constant 0 : i32
      %dma_wait3A_36 = tpu.memref_slice %arg2[%arg1, %dma_wait3A_34, %dma_wait3A_35] : memref<16x158x128xi32, #tpu.memory_space<hbm>> -> memref<1x158x128xi32, #tpu.memory_space<hbm>>
      %dma_wait3A_37 = tpu.memref_squeeze %dma_wait3A_36 : memref<1x158x128xi32, #tpu.memory_space<hbm>> -> memref<158x128xi32, #tpu.memory_space<hbm>>
      tpu.wait_dma2 semaphore(%run_scoped3A : memref<!tpu.dma_semaphore, #tpu.memory_space<semaphore_mem>>) src(%dma_wait3A_37 : memref<158x128xi32, #tpu.memory_space<hbm>>) dst(%arg6 : memref<158x128xi32, #tpu.memory_space<vmem>>)
      tpu.yield
    }) : () -> ()
    %barrier3A = arith.constant 0 : index
    tpu.barrier barrier_id(%barrier3A)
    %scan3A_16 = arith.constant 0 : i32
    %scan3A_17 = arith.constant 0 : i32
    %scan3A_18 = arith.constant 158 : i32
    %scan3A_19 = arith.addi %scan3A_17, %scan3A_18 : i32
    %scan3A_20 = arith.constant 1 : i32
    %scan3A_21 = scf.for %scan3A_24 = %scan3A_17 to %scan3A_19 step %scan3A_20 iter_args(%scan3A_25 = %scan3A_16) -> (i32)  : i32 {
      "tpu.region"() ({
        %run_scoped3A = tpu.sem_alloc : memref<!tpu.dma_semaphore, #tpu.memory_space<semaphore_mem>>
        %dma_start3A = arith.constant 0 : i32
        %dma_start3A_27 = tpu.memref_slice %arg6[%scan3A_24, %dma_start3A] : memref<158x128xi32, #tpu.memory_space<vmem>> -> memref<1x128xi32, #tpu.memory_space<vmem>>
        %dma_start3A_28 = tpu.memref_squeeze %dma_start3A_27 : memref<1x128xi32, #tpu.memory_space<vmem>> -> memref<128xi32, #tpu.memory_space<vmem>>
        %dma_start3A_29 = arith.constant 0 : i32
        %dma_start3A_30 = tpu.memref_slice %arg7[%dma_start3A_29] : memref<10368xf32, #tpu.memory_space<vmem_shared>> -> memref<10368xf32, #tpu.memory_space<vmem_shared>>
        tpu.enqueue_indirect_dma source(%arg4 : memref<128xf32, #tpu.memory_space<vmem>>) target(%dma_start3A_30 : memref<10368xf32, #tpu.memory_space<vmem_shared>>) offsets(%dma_start3A_28 : memref<128xi32, #tpu.memory_space<vmem>>) semaphore(%run_scoped3A : memref<!tpu.dma_semaphore, #tpu.memory_space<semaphore_mem>>) {add = true}
        %dma_wait3A = arith.constant 0 : i32
        %dma_wait3A_31 = tpu.memref_slice %arg6[%scan3A_24, %dma_wait3A] : memref<158x128xi32, #tpu.memory_space<vmem>> -> memref<1x128xi32, #tpu.memory_space<vmem>>
        %dma_wait3A_32 = tpu.memref_squeeze %dma_wait3A_31 : memref<1x128xi32, #tpu.memory_space<vmem>> -> memref<128xi32, #tpu.memory_space<vmem>>
        %dma_wait3A_33 = arith.constant 0 : i32
        %dma_wait3A_34 = tpu.memref_slice %arg7[%dma_wait3A_33] : memref<10368xf32, #tpu.memory_space<vmem_shared>> -> memref<10368xf32, #tpu.memory_space<vmem_shared>>
        tpu.wait_indirect_dma semaphore(%run_scoped3A : memref<!tpu.dma_semaphore, #tpu.memory_space<semaphore_mem>>) src(%arg4 : memref<128xf32, #tpu.memory_space<vmem>>) dst(%dma_wait3A_34 : memref<10368xf32, #tpu.memory_space<vmem_shared>>)
        tpu.yield
      }) : () -> ()
      %scan3A_26 = arith.constant 0 : i32
      scf.yield %scan3A_26 : i32
    }
    %scan3A_22 = arith.constant 158 : i32
    %barrier3A_23 = arith.constant 0 : index
    tpu.barrier barrier_id(%barrier3A_23)
    "tpu.region"() ({
      %run_scoped3A = tpu.sem_alloc : memref<!tpu.dma_semaphore, #tpu.memory_space<semaphore_mem>>
      %dma_start3A = tpu.memref_slice %arg3[%mul3A_0] : memref<10240xf32, #tpu.memory_space<hbm>> -> memref<640xf32, #tpu.memory_space<hbm>>
      %dma_start3A_24 = tpu.memref_slice %arg7[%mul3A_0] : memref<10368xf32, #tpu.memory_space<vmem_shared>> -> memref<640xf32, #tpu.memory_space<vmem_shared>>
      tpu.enqueue_dma source(%dma_start3A_24 : memref<640xf32, #tpu.memory_space<vmem_shared>>) target(%dma_start3A : memref<640xf32, #tpu.memory_space<hbm>>) target_semaphore(%run_scoped3A : memref<!tpu.dma_semaphore, #tpu.memory_space<semaphore_mem>>)
      %dma_wait3A = tpu.memref_slice %arg3[%mul3A_0] : memref<10240xf32, #tpu.memory_space<hbm>> -> memref<640xf32, #tpu.memory_space<hbm>>
      %dma_wait3A_25 = tpu.memref_slice %arg7[%mul3A_0] : memref<10368xf32, #tpu.memory_space<vmem_shared>> -> memref<640xf32, #tpu.memory_space<vmem_shared>>
      tpu.wait_dma2 semaphore(%run_scoped3A : memref<!tpu.dma_semaphore, #tpu.memory_space<semaphore_mem>>) src(%dma_wait3A_25 : memref<640xf32, #tpu.memory_space<vmem_shared>>) dst(%dma_wait3A : memref<640xf32, #tpu.memory_space<hbm>>)
      tpu.yield
    }) : () -> ()
    return
  }
}

module attributes {stable_mosaic.version = 14 : i64} {
  func.func @_mlp_body(%arg0: i32, %arg1: memref<1280x128xf32, #tpu.memory_space<vmem>>, %arg2: memref<128x64xf32, #tpu.memory_space<vmem>>, %arg3: memref<64x64xf32, #tpu.memory_space<vmem>>, %arg4: memref<1280x64xf32, #tpu.memory_space<vmem>>, %arg5: memref<2x1280x32xf32, #tpu.memory_space<vmem>>) attributes {dimension_semantics = [#tpu.dimension_semantics<arbitrary>], iteration_bounds = array<i64: 8>, scalar_prefetch = 0 : i64, scratch_operands = 0 : i64, tpu.core_type = #tpu.core_type<tc>, window_params = [{transform_indices = @transform_0, window_bounds = array<i64: 1280, 128>}, {pipeline_mode = #tpu.pipeline_mode<synchronous>, transform_indices = @transform_1, window_bounds = array<i64: 128, 64>}, {pipeline_mode = #tpu.pipeline_mode<synchronous>, transform_indices = @transform_2, window_bounds = array<i64: 64, 64>}, {transform_indices = @transform_3, window_bounds = array<i64: 1280, 64>}, {transform_indices = @transform_4, window_bounds = array<i64: 2, 1280, 32>}]} {
    %get3A = arith.constant 0 : index
    %get3A_0 = arith.constant 0 : index
    %get3A_1 = vector.load %arg1[%get3A, %get3A_0] : memref<1280x128xf32, #tpu.memory_space<vmem>>, vector<1280x128xf32>
    %get3A_2 = arith.constant 0 : index
    %get3A_3 = arith.constant 0 : index
    %get3A_4 = vector.load %arg2[%get3A_2, %get3A_3] : memref<128x64xf32, #tpu.memory_space<vmem>>, vector<128x64xf32>
    %dot_general3A = arith.constant dense<0.000000e+00> : vector<1280x64xf32>
    %dot_general3A_5 = tpu.matmul %get3A_1, %get3A_4, %dot_general3A {dimension_numbers = #tpu.dot_dimension_numbers<[1], [0], [0], [1], [0, 0, 1, 1], [], []>, transpose_lhs_hint = false} : vector<1280x128xf32>, vector<128x64xf32>, vector<1280x64xf32> -> vector<1280x64xf32>
    %max3A = arith.constant 0.000000e+00 : f32
    %max3A_6 = vector.broadcast %max3A : f32 to vector<1280x64xf32>
    %max3A_7 = arith.maximumf %dot_general3A_5, %max3A_6 : vector<1280x64xf32>
    %get3A_8 = arith.constant 0 : index
    %get3A_9 = arith.constant 0 : index
    %get3A_10 = vector.load %arg3[%get3A_8, %get3A_9] : memref<64x64xf32, #tpu.memory_space<vmem>>, vector<64x64xf32>
    %dot_general3A_11 = arith.constant dense<0.000000e+00> : vector<1280x64xf32>
    %dot_general3A_12 = tpu.matmul %max3A_7, %get3A_10, %dot_general3A_11 {dimension_numbers = #tpu.dot_dimension_numbers<[1], [0], [0], [1], [0, 0, 1, 1], [], []>, transpose_lhs_hint = false} : vector<1280x64xf32>, vector<64x64xf32>, vector<1280x64xf32> -> vector<1280x64xf32>
    %swap3A = arith.constant 0 : index
    %swap3A_13 = arith.constant 0 : index
    %swap3A_14 = vector.load %arg4[%swap3A, %swap3A_13] : memref<1280x64xf32, #tpu.memory_space<vmem>>, vector<1280x64xf32>
    tpu.vector_store %arg4[%swap3A, %swap3A_13], %dot_general3A_12 {strides = array<i32>} : memref<1280x64xf32, #tpu.memory_space<vmem>>, vector<1280x64xf32>,
    %slice3A = vector.extract_strided_slice %dot_general3A_12 {offsets = [0, 0], sizes = [1280, 32], strides = [1, 1]} : vector<1280x64xf32> to vector<1280x32xf32>
    %swap3A_15 = arith.constant 0 : index
    %swap3A_16 = arith.constant 0 : index
    %swap3A_17 = arith.constant 0 : index
    %swap3A_18 = vector.load %arg5[%swap3A_15, %swap3A_16, %swap3A_17] : memref<2x1280x32xf32, #tpu.memory_space<vmem>>, vector<1x1280x32xf32>
    %swap3A_19 = vector.shape_cast %swap3A_18 : vector<1x1280x32xf32> to vector<1280x32xf32>
    %swap3A_20 = vector.shape_cast %slice3A : vector<1280x32xf32> to vector<1x1280x32xf32>
    tpu.vector_store %arg5[%swap3A_15, %swap3A_16, %swap3A_17], %swap3A_20 {strides = array<i32>} : memref<2x1280x32xf32, #tpu.memory_space<vmem>>, vector<1x1280x32xf32>,
    %slice3A_21 = vector.extract_strided_slice %dot_general3A_12 {offsets = [0, 32], sizes = [1280, 32], strides = [1, 1]} : vector<1280x64xf32> to vector<1280x32xf32>
    %swap3A_22 = arith.constant 1 : index
    %swap3A_23 = arith.constant 0 : index
    %swap3A_24 = arith.constant 0 : index
    %swap3A_25 = vector.load %arg5[%swap3A_22, %swap3A_23, %swap3A_24] : memref<2x1280x32xf32, #tpu.memory_space<vmem>>, vector<1x1280x32xf32>
    %swap3A_26 = vector.shape_cast %swap3A_25 : vector<1x1280x32xf32> to vector<1280x32xf32>
    %swap3A_27 = vector.shape_cast %slice3A_21 : vector<1280x32xf32> to vector<1x1280x32xf32>
    tpu.vector_store %arg5[%swap3A_22, %swap3A_23, %swap3A_24], %swap3A_27 {strides = array<i32>} : memref<2x1280x32xf32, #tpu.memory_space<vmem>>, vector<1x1280x32xf32>,
    return
  }
  func.func @transform_0(%arg0: i32) -> (i32, i32) {
    %c0_i32 = arith.constant 0 : i32
    %c0_i32_0 = arith.constant 0 : i32
    return %arg0, %c0_i32 : i32, i32
  }
  func.func @transform_1(%arg0: i32) -> (i32, i32) {
    %c0_i32 = arith.constant 0 : i32
    %c0_i32_0 = arith.constant 0 : i32
    %c0_i32_1 = arith.constant 0 : i32
    return %c0_i32, %c0_i32_0 : i32, i32
  }
  func.func @transform_2(%arg0: i32) -> (i32, i32) {
    %c0_i32 = arith.constant 0 : i32
    %c0_i32_0 = arith.constant 0 : i32
    %c0_i32_1 = arith.constant 0 : i32
    return %c0_i32, %c0_i32_0 : i32, i32
  }
  func.func @transform_3(%arg0: i32) -> (i32, i32) {
    %c0_i32 = arith.constant 0 : i32
    %c0_i32_0 = arith.constant 0 : i32
    return %arg0, %c0_i32 : i32, i32
  }
  func.func @transform_4(%arg0: i32) -> (i32, i32, i32) {
    %c0_i32 = arith.constant 0 : i32
    %c0_i32_0 = arith.constant 0 : i32
    %c0_i32_1 = arith.constant 0 : i32
    return %c0_i32, %arg0, %c0_i32_0 : i32, i32, i32
  }
}

module attributes {stable_mosaic.version = 14 : i64} {
  func.func @_dis_body(%arg0: memref<80x128xf32, #tpu.memory_space<vmem>>, %arg1: memref<80x128xf32, #tpu.memory_space<vmem>>) attributes {dimension_semantics = [], scalar_prefetch = 0 : i64, scratch_operands = 0 : i64, tpu.core_type = #tpu.core_type<tc>} {
    %get3A = arith.constant 0 : index
    %get3A_0 = arith.constant 0 : index
    %get3A_1 = vector.load %arg0[%get3A, %get3A_0] : memref<80x128xf32, #tpu.memory_space<vmem>>, vector<80x128xf32>
    %gt3A = arith.constant 0.000000e+00 : f32
    %gt3A_2 = vector.broadcast %gt3A : f32 to vector<80x128xf32>
    %gt3A_3 = arith.cmpf ogt, %get3A_1, %gt3A_2 : vector<80x128xf32>
    %max3A = arith.constant 1.000000e+00 : f32
    %max3A_4 = vector.broadcast %max3A : f32 to vector<80x128xf32>
    %max3A_5 = arith.maximumf %get3A_1, %max3A_4 : vector<80x128xf32>
    %rsqrt3A = math.rsqrt %max3A_5 : vector<80x128xf32>
    %jit3A = arith.constant 0.000000e+00 : f32
    %broadcast_in_dim3A = vector.broadcast %jit3A : f32 to vector<80x128xf32>
    %select_n3A = arith.select %gt3A_3, %rsqrt3A, %broadcast_in_dim3A : vector<80x128xi1>, vector<80x128xf32>
    %swap3A = arith.constant 0 : index
    %swap3A_6 = arith.constant 0 : index
    %swap3A_7 = vector.load %arg1[%swap3A, %swap3A_6] : memref<80x128xf32, #tpu.memory_space<vmem>>, vector<80x128xf32>
    tpu.vector_store %arg1[%swap3A, %swap3A_6], %select_n3A {strides = array<i32>} : memref<80x128xf32, #tpu.memory_space<vmem>>, vector<80x128xf32>,
    return
  }
}

module attributes {stable_mosaic.version = 14 : i64} {
  func.func @_se_body(%arg0: i32, %arg1: memref<1280x64xf32, #tpu.memory_space<vmem>>, %arg2: memref<8x2x1280x32xf32, #tpu.memory_space<vmem>>, %arg3: memref<9x9xf32, #tpu.memory_space<vmem>>, %arg4: memref<9x9xf32, #tpu.memory_space<vmem>>, %arg5: memref<1280x32xf32, #tpu.memory_space<vmem>>, %arg6: memref<1280x32xf32, #tpu.memory_space<vmem>>) attributes {dimension_semantics = [#tpu.dimension_semantics<arbitrary>], iteration_bounds = array<i64: 8>, scalar_prefetch = 0 : i64, scratch_operands = 0 : i64, tpu.core_type = #tpu.core_type<tc>, window_params = [{transform_indices = @transform_0, window_bounds = array<i64: 1280, 64>}, {transform_indices = @transform_1, window_bounds = array<i64: 8, 2, 1280, 32>}, {pipeline_mode = #tpu.pipeline_mode<synchronous>, transform_indices = @transform_2, window_bounds = array<i64: 9, 9>}, {pipeline_mode = #tpu.pipeline_mode<synchronous>, transform_indices = @transform_3, window_bounds = array<i64: 9, 9>}, {transform_indices = @transform_4, window_bounds = array<i64: 1280, 32>}, {transform_indices = @transform_5, window_bounds = array<i64: 1280, 32>}]} {
    %get3A = arith.constant 0 : index
    %get3A_0 = arith.constant 0 : index
    %get3A_1 = vector.load %arg1[%get3A, %get3A_0] : memref<1280x64xf32, #tpu.memory_space<vmem>>, vector<1280x64xf32>
    %get3A_2 = arith.constant 0 : index
    %get3A_3 = arith.constant 0 : index
    %get3A_4 = arith.constant 0 : index
    %get3A_5 = arith.constant 0 : index
    %get3A_6 = vector.load %arg2[%get3A_2, %get3A_3, %get3A_4, %get3A_5] : memref<8x2x1280x32xf32, #tpu.memory_space<vmem>>, vector<8x2x1280x32xf32>
    %broadcast_in_dim3A = arith.constant 1.000000e+00 : f32
    %broadcast_in_dim3A_7 = vector.broadcast %broadcast_in_dim3A : f32 to vector<1x64xf32>
    %broadcast_in_dim3A_8 = arith.constant 1.000000e+00 : f32
    %broadcast_in_dim3A_9 = vector.broadcast %broadcast_in_dim3A_8 : f32 to vector<32xf32>
    %dot_general3A = arith.constant dense<0.000000e+00> : vector<1x1280xf32>
    %dot_general3A_10 = tpu.matmul %broadcast_in_dim3A_7, %get3A_1, %dot_general3A {dimension_numbers = #tpu.dot_dimension_numbers<[1], [1], [0], [0], [0, 0, 1, 0], [], []>, transpose_lhs_hint = false} : vector<1x64xf32>, vector<1280x64xf32>, vector<1x1280xf32> -> vector<1x1280xf32>
    %slice3A = vector.extract_strided_slice %get3A_6 {offsets = [0, 0, 0, 0], sizes = [8, 1, 1280, 32], strides = [1, 1, 1, 1]} : vector<8x2x1280x32xf32> to vector<8x1x1280x32xf32>
    %squeeze3A = vector.shape_cast %slice3A : vector<8x1x1280x32xf32> to vector<8x1280x32xf32>
    %slice3A_11 = vector.extract_strided_slice %get3A_6 {offsets = [0, 1, 0, 0], sizes = [8, 1, 1280, 32], strides = [1, 1, 1, 1]} : vector<8x2x1280x32xf32> to vector<8x1x1280x32xf32>
    %squeeze3A_12 = vector.shape_cast %slice3A_11 : vector<8x1x1280x32xf32> to vector<8x1280x32xf32>
    %add3A = arith.addf %squeeze3A, %squeeze3A_12 : vector<8x1280x32xf32>
    %dot_general3A_13 = arith.constant dense<0.000000e+00> : vector<8x1280xf32>
    %dot_general3A_14 = tpu.matmul %add3A, %broadcast_in_dim3A_9, %dot_general3A_13 {dimension_numbers = #tpu.dot_dimension_numbers<[2], [0], [0, 1], [], [0, 0, 0, 1], [], []>, transpose_lhs_hint = false} : vector<8x1280x32xf32>, vector<32xf32>, vector<8x1280xf32> -> vector<8x1280xf32>
    %concatenate3A = tpu.concatenate %dot_general3A_10, %dot_general3A_14 in 0 : vector<1x1280xf32>, vector<8x1280xf32> -> vector<9x1280xf32>
    %mul3A = arith.constant 2.500000e-02 : f32
    %mul3A_15 = vector.broadcast %mul3A : f32 to vector<9x1280xf32>
    %mul3A_16 = arith.mulf %concatenate3A, %mul3A_15 : vector<9x1280xf32>
    %iota3A = tpu.iota {dimensions = array<i32: 0>} : vector<9x9xi32>
    %iota3A_17 = tpu.iota {dimensions = array<i32: 1>} : vector<9x9xi32>
    %eq3A = arith.cmpi eq, %iota3A, %iota3A_17 : vector<9x9xi32>
    %convert_element_type3A = arith.extui %eq3A : vector<9x9xi1> to vector<9x9xi32>
    %convert_element_type3A_18 = arith.sitofp %convert_element_type3A : vector<9x9xi32> to vector<9x9xf32>
    %dot_general3A_19 = arith.constant dense<0.000000e+00> : vector<1280x9xf32>
    %dot_general3A_20 = tpu.matmul %mul3A_16, %convert_element_type3A_18, %dot_general3A_19 {dimension_numbers = #tpu.dot_dimension_numbers<[0], [0], [1], [1], [0, 1, 1, 1], [], []>, transpose_lhs_hint = false} : vector<9x1280xf32>, vector<9x9xf32>, vector<1280x9xf32> -> vector<1280x9xf32>
    %get3A_21 = arith.constant 0 : index
    %get3A_22 = arith.constant 0 : index
    %get3A_23 = vector.load %arg3[%get3A_21, %get3A_22] : memref<9x9xf32, #tpu.memory_space<vmem>>, vector<9x9xf32>
    %dot_general3A_24 = arith.constant dense<0.000000e+00> : vector<1280x9xf32>
    %dot_general3A_25 = tpu.matmul %dot_general3A_20, %get3A_23, %dot_general3A_24 {dimension_numbers = #tpu.dot_dimension_numbers<[1], [0], [0], [1], [0, 0, 1, 1], [], []>, transpose_lhs_hint = false} : vector<1280x9xf32>, vector<9x9xf32>, vector<1280x9xf32> -> vector<1280x9xf32>
    %max3A = arith.constant 0.000000e+00 : f32
    %max3A_26 = vector.broadcast %max3A : f32 to vector<1280x9xf32>
    %max3A_27 = arith.maximumf %dot_general3A_25, %max3A_26 : vector<1280x9xf32>
    %get3A_28 = arith.constant 0 : index
    %get3A_29 = arith.constant 0 : index
    %get3A_30 = vector.load %arg4[%get3A_28, %get3A_29] : memref<9x9xf32, #tpu.memory_space<vmem>>, vector<9x9xf32>
    %dot_general3A_31 = arith.constant dense<0.000000e+00> : vector<1280x9xf32>
    %dot_general3A_32 = tpu.matmul %max3A_27, %get3A_30, %dot_general3A_31 {dimension_numbers = #tpu.dot_dimension_numbers<[1], [0], [0], [1], [0, 0, 1, 1], [], []>, transpose_lhs_hint = false} : vector<1280x9xf32>, vector<9x9xf32>, vector<1280x9xf32> -> vector<1280x9xf32>
    %logistic3A = arith.negf %dot_general3A_32 : vector<1280x9xf32>
    %logistic3A_33 = math.exp %logistic3A : vector<1280x9xf32>
    %logistic3A_34 = arith.constant 1.000000e+00 : f32
    %logistic3A_35 = vector.broadcast %logistic3A_34 : f32 to vector<1280x9xf32>
    %logistic3A_36 = arith.addf %logistic3A_35, %logistic3A_33 : vector<1280x9xf32>
    %logistic3A_37 = arith.divf %logistic3A_35, %logistic3A_36 : vector<1280x9xf32>
    %slice3A_38 = vector.extract_strided_slice %logistic3A_37 {offsets = [0, 0], sizes = [1280, 1], strides = [1, 1]} : vector<1280x9xf32> to vector<1280x1xf32>
    %slice3A_39 = vector.extract_strided_slice %get3A_1 {offsets = [0, 0], sizes = [1280, 32], strides = [1, 1]} : vector<1280x64xf32> to vector<1280x32xf32>
    %mul3A_40 = vector.broadcast %slice3A_38 : vector<1280x1xf32> to vector<1280x32xf32>
    %mul3A_41 = arith.mulf %mul3A_40, %slice3A_39 : vector<1280x32xf32>
    %slice3A_42 = vector.extract_strided_slice %logistic3A_37 {offsets = [0, 0], sizes = [1280, 1], strides = [1, 1]} : vector<1280x9xf32> to vector<1280x1xf32>
    %slice3A_43 = vector.extract_strided_slice %get3A_1 {offsets = [0, 32], sizes = [1280, 32], strides = [1, 1]} : vector<1280x64xf32> to vector<1280x32xf32>
    %mul3A_44 = vector.broadcast %slice3A_42 : vector<1280x1xf32> to vector<1280x32xf32>
    %mul3A_45 = arith.mulf %mul3A_44, %slice3A_43 : vector<1280x32xf32>
    %slice3A_46 = vector.extract_strided_slice %logistic3A_37 {offsets = [0, 1], sizes = [1280, 1], strides = [1, 1]} : vector<1280x9xf32> to vector<1280x1xf32>
    %slice3A_47 = vector.extract_strided_slice %get3A_6 {offsets = [0, 0, 0, 0], sizes = [1, 1, 1280, 32], strides = [1, 1, 1, 1]} : vector<8x2x1280x32xf32> to vector<1x1x1280x32xf32>
    %squeeze3A_48 = vector.shape_cast %slice3A_47 : vector<1x1x1280x32xf32> to vector<1280x32xf32>
    %mul3A_49 = vector.broadcast %slice3A_46 : vector<1280x1xf32> to vector<1280x32xf32>
    %mul3A_50 = arith.mulf %mul3A_49, %squeeze3A_48 : vector<1280x32xf32>
    %add3A_51 = arith.addf %mul3A_41, %mul3A_50 : vector<1280x32xf32>
    %slice3A_52 = vector.extract_strided_slice %logistic3A_37 {offsets = [0, 1], sizes = [1280, 1], strides = [1, 1]} : vector<1280x9xf32> to vector<1280x1xf32>
    %slice3A_53 = vector.extract_strided_slice %get3A_6 {offsets = [0, 1, 0, 0], sizes = [1, 1, 1280, 32], strides = [1, 1, 1, 1]} : vector<8x2x1280x32xf32> to vector<1x1x1280x32xf32>
    %squeeze3A_54 = vector.shape_cast %slice3A_53 : vector<1x1x1280x32xf32> to vector<1280x32xf32>
    %mul3A_55 = vector.broadcast %slice3A_52 : vector<1280x1xf32> to vector<1280x32xf32>
    %mul3A_56 = arith.mulf %mul3A_55, %squeeze3A_54 : vector<1280x32xf32>
    %add3A_57 = arith.addf %mul3A_45, %mul3A_56 : vector<1280x32xf32>
    %slice3A_58 = vector.extract_strided_slice %logistic3A_37 {offsets = [0, 2], sizes = [1280, 1], strides = [1, 1]} : vector<1280x9xf32> to vector<1280x1xf32>
    %slice3A_59 = vector.extract_strided_slice %get3A_6 {offsets = [1, 0, 0, 0], sizes = [1, 1, 1280, 32], strides = [1, 1, 1, 1]} : vector<8x2x1280x32xf32> to vector<1x1x1280x32xf32>
    %squeeze3A_60 = vector.shape_cast %slice3A_59 : vector<1x1x1280x32xf32> to vector<1280x32xf32>
    %mul3A_61 = vector.broadcast %slice3A_58 : vector<1280x1xf32> to vector<1280x32xf32>
    %mul3A_62 = arith.mulf %mul3A_61, %squeeze3A_60 : vector<1280x32xf32>
    %add3A_63 = arith.addf %add3A_51, %mul3A_62 : vector<1280x32xf32>
    %slice3A_64 = vector.extract_strided_slice %logistic3A_37 {offsets = [0, 2], sizes = [1280, 1], strides = [1, 1]} : vector<1280x9xf32> to vector<1280x1xf32>
    %slice3A_65 = vector.extract_strided_slice %get3A_6 {offsets = [1, 1, 0, 0], sizes = [1, 1, 1280, 32], strides = [1, 1, 1, 1]} : vector<8x2x1280x32xf32> to vector<1x1x1280x32xf32>
    %squeeze3A_66 = vector.shape_cast %slice3A_65 : vector<1x1x1280x32xf32> to vector<1280x32xf32>
    %mul3A_67 = vector.broadcast %slice3A_64 : vector<1280x1xf32> to vector<1280x32xf32>
    %mul3A_68 = arith.mulf %mul3A_67, %squeeze3A_66 : vector<1280x32xf32>
    %add3A_69 = arith.addf %add3A_57, %mul3A_68 : vector<1280x32xf32>
    %slice3A_70 = vector.extract_strided_slice %logistic3A_37 {offsets = [0, 3], sizes = [1280, 1], strides = [1, 1]} : vector<1280x9xf32> to vector<1280x1xf32>
    %slice3A_71 = vector.extract_strided_slice %get3A_6 {offsets = [2, 0, 0, 0], sizes = [1, 1, 1280, 32], strides = [1, 1, 1, 1]} : vector<8x2x1280x32xf32> to vector<1x1x1280x32xf32>
    %squeeze3A_72 = vector.shape_cast %slice3A_71 : vector<1x1x1280x32xf32> to vector<1280x32xf32>
    %mul3A_73 = vector.broadcast %slice3A_70 : vector<1280x1xf32> to vector<1280x32xf32>
    %mul3A_74 = arith.mulf %mul3A_73, %squeeze3A_72 : vector<1280x32xf32>
    %add3A_75 = arith.addf %add3A_63, %mul3A_74 : vector<1280x32xf32>
    %slice3A_76 = vector.extract_strided_slice %logistic3A_37 {offsets = [0, 3], sizes = [1280, 1], strides = [1, 1]} : vector<1280x9xf32> to vector<1280x1xf32>
    %slice3A_77 = vector.extract_strided_slice %get3A_6 {offsets = [2, 1, 0, 0], sizes = [1, 1, 1280, 32], strides = [1, 1, 1, 1]} : vector<8x2x1280x32xf32> to vector<1x1x1280x32xf32>
    %squeeze3A_78 = vector.shape_cast %slice3A_77 : vector<1x1x1280x32xf32> to vector<1280x32xf32>
    %mul3A_79 = vector.broadcast %slice3A_76 : vector<1280x1xf32> to vector<1280x32xf32>
    %mul3A_80 = arith.mulf %mul3A_79, %squeeze3A_78 : vector<1280x32xf32>
    %add3A_81 = arith.addf %add3A_69, %mul3A_80 : vector<1280x32xf32>
    %slice3A_82 = vector.extract_strided_slice %logistic3A_37 {offsets = [0, 4], sizes = [1280, 1], strides = [1, 1]} : vector<1280x9xf32> to vector<1280x1xf32>
    %slice3A_83 = vector.extract_strided_slice %get3A_6 {offsets = [3, 0, 0, 0], sizes = [1, 1, 1280, 32], strides = [1, 1, 1, 1]} : vector<8x2x1280x32xf32> to vector<1x1x1280x32xf32>
    %squeeze3A_84 = vector.shape_cast %slice3A_83 : vector<1x1x1280x32xf32> to vector<1280x32xf32>
    %mul3A_85 = vector.broadcast %slice3A_82 : vector<1280x1xf32> to vector<1280x32xf32>
    %mul3A_86 = arith.mulf %mul3A_85, %squeeze3A_84 : vector<1280x32xf32>
    %add3A_87 = arith.addf %add3A_75, %mul3A_86 : vector<1280x32xf32>
    %slice3A_88 = vector.extract_strided_slice %logistic3A_37 {offsets = [0, 4], sizes = [1280, 1], strides = [1, 1]} : vector<1280x9xf32> to vector<1280x1xf32>
    %slice3A_89 = vector.extract_strided_slice %get3A_6 {offsets = [3, 1, 0, 0], sizes = [1, 1, 1280, 32], strides = [1, 1, 1, 1]} : vector<8x2x1280x32xf32> to vector<1x1x1280x32xf32>
    %squeeze3A_90 = vector.shape_cast %slice3A_89 : vector<1x1x1280x32xf32> to vector<1280x32xf32>
    %mul3A_91 = vector.broadcast %slice3A_88 : vector<1280x1xf32> to vector<1280x32xf32>
    %mul3A_92 = arith.mulf %mul3A_91, %squeeze3A_90 : vector<1280x32xf32>
    %add3A_93 = arith.addf %add3A_81, %mul3A_92 : vector<1280x32xf32>
    %slice3A_94 = vector.extract_strided_slice %logistic3A_37 {offsets = [0, 5], sizes = [1280, 1], strides = [1, 1]} : vector<1280x9xf32> to vector<1280x1xf32>
    %slice3A_95 = vector.extract_strided_slice %get3A_6 {offsets = [4, 0, 0, 0], sizes = [1, 1, 1280, 32], strides = [1, 1, 1, 1]} : vector<8x2x1280x32xf32> to vector<1x1x1280x32xf32>
    %squeeze3A_96 = vector.shape_cast %slice3A_95 : vector<1x1x1280x32xf32> to vector<1280x32xf32>
    %mul3A_97 = vector.broadcast %slice3A_94 : vector<1280x1xf32> to vector<1280x32xf32>
    %mul3A_98 = arith.mulf %mul3A_97, %squeeze3A_96 : vector<1280x32xf32>
    %add3A_99 = arith.addf %add3A_87, %mul3A_98 : vector<1280x32xf32>
    %slice3A_100 = vector.extract_strided_slice %logistic3A_37 {offsets = [0, 5], sizes = [1280, 1], strides = [1, 1]} : vector<1280x9xf32> to vector<1280x1xf32>
    %slice3A_101 = vector.extract_strided_slice %get3A_6 {offsets = [4, 1, 0, 0], sizes = [1, 1, 1280, 32], strides = [1, 1, 1, 1]} : vector<8x2x1280x32xf32> to vector<1x1x1280x32xf32>
    %squeeze3A_102 = vector.shape_cast %slice3A_101 : vector<1x1x1280x32xf32> to vector<1280x32xf32>
    %mul3A_103 = vector.broadcast %slice3A_100 : vector<1280x1xf32> to vector<1280x32xf32>
    %mul3A_104 = arith.mulf %mul3A_103, %squeeze3A_102 : vector<1280x32xf32>
    %add3A_105 = arith.addf %add3A_93, %mul3A_104 : vector<1280x32xf32>
    %slice3A_106 = vector.extract_strided_slice %logistic3A_37 {offsets = [0, 6], sizes = [1280, 1], strides = [1, 1]} : vector<1280x9xf32> to vector<1280x1xf32>
    %slice3A_107 = vector.extract_strided_slice %get3A_6 {offsets = [5, 0, 0, 0], sizes = [1, 1, 1280, 32], strides = [1, 1, 1, 1]} : vector<8x2x1280x32xf32> to vector<1x1x1280x32xf32>
    %squeeze3A_108 = vector.shape_cast %slice3A_107 : vector<1x1x1280x32xf32> to vector<1280x32xf32>
    %mul3A_109 = vector.broadcast %slice3A_106 : vector<1280x1xf32> to vector<1280x32xf32>
    %mul3A_110 = arith.mulf %mul3A_109, %squeeze3A_108 : vector<1280x32xf32>
    %add3A_111 = arith.addf %add3A_99, %mul3A_110 : vector<1280x32xf32>
    %slice3A_112 = vector.extract_strided_slice %logistic3A_37 {offsets = [0, 6], sizes = [1280, 1], strides = [1, 1]} : vector<1280x9xf32> to vector<1280x1xf32>
    %slice3A_113 = vector.extract_strided_slice %get3A_6 {offsets = [5, 1, 0, 0], sizes = [1, 1, 1280, 32], strides = [1, 1, 1, 1]} : vector<8x2x1280x32xf32> to vector<1x1x1280x32xf32>
    %squeeze3A_114 = vector.shape_cast %slice3A_113 : vector<1x1x1280x32xf32> to vector<1280x32xf32>
    %mul3A_115 = vector.broadcast %slice3A_112 : vector<1280x1xf32> to vector<1280x32xf32>
    %mul3A_116 = arith.mulf %mul3A_115, %squeeze3A_114 : vector<1280x32xf32>
    %add3A_117 = arith.addf %add3A_105, %mul3A_116 : vector<1280x32xf32>
    %slice3A_118 = vector.extract_strided_slice %logistic3A_37 {offsets = [0, 7], sizes = [1280, 1], strides = [1, 1]} : vector<1280x9xf32> to vector<1280x1xf32>
    %slice3A_119 = vector.extract_strided_slice %get3A_6 {offsets = [6, 0, 0, 0], sizes = [1, 1, 1280, 32], strides = [1, 1, 1, 1]} : vector<8x2x1280x32xf32> to vector<1x1x1280x32xf32>
    %squeeze3A_120 = vector.shape_cast %slice3A_119 : vector<1x1x1280x32xf32> to vector<1280x32xf32>
    %mul3A_121 = vector.broadcast %slice3A_118 : vector<1280x1xf32> to vector<1280x32xf32>
    %mul3A_122 = arith.mulf %mul3A_121, %squeeze3A_120 : vector<1280x32xf32>
    %add3A_123 = arith.addf %add3A_111, %mul3A_122 : vector<1280x32xf32>
    %slice3A_124 = vector.extract_strided_slice %logistic3A_37 {offsets = [0, 7], sizes = [1280, 1], strides = [1, 1]} : vector<1280x9xf32> to vector<1280x1xf32>
    %slice3A_125 = vector.extract_strided_slice %get3A_6 {offsets = [6, 1, 0, 0], sizes = [1, 1, 1280, 32], strides = [1, 1, 1, 1]} : vector<8x2x1280x32xf32> to vector<1x1x1280x32xf32>
    %squeeze3A_126 = vector.shape_cast %slice3A_125 : vector<1x1x1280x32xf32> to vector<1280x32xf32>
    %mul3A_127 = vector.broadcast %slice3A_124 : vector<1280x1xf32> to vector<1280x32xf32>
    %mul3A_128 = arith.mulf %mul3A_127, %squeeze3A_126 : vector<1280x32xf32>
    %add3A_129 = arith.addf %add3A_117, %mul3A_128 : vector<1280x32xf32>
    %slice3A_130 = vector.extract_strided_slice %logistic3A_37 {offsets = [0, 8], sizes = [1280, 1], strides = [1, 1]} : vector<1280x9xf32> to vector<1280x1xf32>
    %slice3A_131 = vector.extract_strided_slice %get3A_6 {offsets = [7, 0, 0, 0], sizes = [1, 1, 1280, 32], strides = [1, 1, 1, 1]} : vector<8x2x1280x32xf32> to vector<1x1x1280x32xf32>
    %squeeze3A_132 = vector.shape_cast %slice3A_131 : vector<1x1x1280x32xf32> to vector<1280x32xf32>
    %mul3A_133 = vector.broadcast %slice3A_130 : vector<1280x1xf32> to vector<1280x32xf32>
    %mul3A_134 = arith.mulf %mul3A_133, %squeeze3A_132 : vector<1280x32xf32>
    %add3A_135 = arith.addf %add3A_123, %mul3A_134 : vector<1280x32xf32>
    %slice3A_136 = vector.extract_strided_slice %logistic3A_37 {offsets = [0, 8], sizes = [1280, 1], strides = [1, 1]} : vector<1280x9xf32> to vector<1280x1xf32>
    %slice3A_137 = vector.extract_strided_slice %get3A_6 {offsets = [7, 1, 0, 0], sizes = [1, 1, 1280, 32], strides = [1, 1, 1, 1]} : vector<8x2x1280x32xf32> to vector<1x1x1280x32xf32>
    %squeeze3A_138 = vector.shape_cast %slice3A_137 : vector<1x1x1280x32xf32> to vector<1280x32xf32>
    %mul3A_139 = vector.broadcast %slice3A_136 : vector<1280x1xf32> to vector<1280x32xf32>
    %mul3A_140 = arith.mulf %mul3A_139, %squeeze3A_138 : vector<1280x32xf32>
    %add3A_141 = arith.addf %add3A_129, %mul3A_140 : vector<1280x32xf32>
    %slice3A_142 = vector.extract_strided_slice %add3A_141 {offsets = [0, 0], sizes = [1280, 8], strides = [1, 1]} : vector<1280x32xf32> to vector<1280x8xf32>
    %reduce_max3A = arith.constant dense<0xFF800000> : vector<1280xf32>
    %reduce_max3A_143 = vector.multi_reduction <maximumf>, %add3A_135, %reduce_max3A [1] : vector<1280x32xf32> to vector<1280xf32>
    %broadcast_in_dim3A_144 = vector.shape_cast %reduce_max3A_143 : vector<1280xf32> to vector<1280x1xf32>
    %reduce_max3A_145 = arith.constant dense<0xFF800000> : vector<1280xf32>
    %reduce_max3A_146 = vector.multi_reduction <maximumf>, %slice3A_142, %reduce_max3A_145 [1] : vector<1280x8xf32> to vector<1280xf32>
    %broadcast_in_dim3A_147 = vector.shape_cast %reduce_max3A_146 : vector<1280xf32> to vector<1280x1xf32>
    %max3A_148 = arith.maximumf %broadcast_in_dim3A_144, %broadcast_in_dim3A_147 : vector<1280x1xf32>
    %sub3A = vector.broadcast %max3A_148 : vector<1280x1xf32> to vector<1280x32xf32>
    %sub3A_149 = arith.subf %add3A_135, %sub3A : vector<1280x32xf32>
    %exp3A = math.exp %sub3A_149 : vector<1280x32xf32>
    %reduce_sum3A = arith.constant dense<0.000000e+00> : vector<1280xf32>
    %reduce_sum3A_150 = vector.multi_reduction <add>, %exp3A, %reduce_sum3A [1] : vector<1280x32xf32> to vector<1280xf32>
    %broadcast_in_dim3A_151 = vector.shape_cast %reduce_sum3A_150 : vector<1280xf32> to vector<1280x1xf32>
    %sub3A_152 = vector.broadcast %max3A_148 : vector<1280x1xf32> to vector<1280x8xf32>
    %sub3A_153 = arith.subf %slice3A_142, %sub3A_152 : vector<1280x8xf32>
    %exp3A_154 = math.exp %sub3A_153 : vector<1280x8xf32>
    %reduce_sum3A_155 = arith.constant dense<0.000000e+00> : vector<1280xf32>
    %reduce_sum3A_156 = vector.multi_reduction <add>, %exp3A_154, %reduce_sum3A_155 [1] : vector<1280x8xf32> to vector<1280xf32>
    %broadcast_in_dim3A_157 = vector.shape_cast %reduce_sum3A_156 : vector<1280xf32> to vector<1280x1xf32>
    %add3A_158 = arith.addf %broadcast_in_dim3A_151, %broadcast_in_dim3A_157 : vector<1280x1xf32>
    %log3A = math.log %add3A_158 : vector<1280x1xf32>
    %add3A_159 = arith.addf %max3A_148, %log3A : vector<1280x1xf32>
    %sub3A_160 = vector.broadcast %add3A_159 : vector<1280x1xf32> to vector<1280x32xf32>
    %sub3A_161 = arith.subf %add3A_135, %sub3A_160 : vector<1280x32xf32>
    %swap3A = arith.constant 0 : index
    %swap3A_162 = arith.constant 0 : index
    %swap3A_163 = vector.load %arg5[%swap3A, %swap3A_162] : memref<1280x32xf32, #tpu.memory_space<vmem>>, vector<1280x32xf32>
    tpu.vector_store %arg5[%swap3A, %swap3A_162], %sub3A_161 {strides = array<i32>} : memref<1280x32xf32, #tpu.memory_space<vmem>>, vector<1280x32xf32>,
    %sub3A_164 = vector.broadcast %add3A_159 : vector<1280x1xf32> to vector<1280x32xf32>
    %sub3A_165 = arith.subf %add3A_141, %sub3A_164 : vector<1280x32xf32>
    %swap3A_166 = arith.constant 0 : index
    %swap3A_167 = arith.constant 0 : index
    %swap3A_168 = vector.load %arg6[%swap3A_166, %swap3A_167] : memref<1280x32xf32, #tpu.memory_space<vmem>>, vector<1280x32xf32>
    tpu.vector_store %arg6[%swap3A_166, %swap3A_167], %sub3A_165 {strides = array<i32>} : memref<1280x32xf32, #tpu.memory_space<vmem>>, vector<1280x32xf32>,
    return
  }
  func.func @transform_0(%arg0: i32) -> (i32, i32) {
    %c0_i32 = arith.constant 0 : i32
    %c0_i32_0 = arith.constant 0 : i32
    return %arg0, %c0_i32 : i32, i32
  }
  func.func @transform_1(%arg0: i32) -> (i32, i32, i32, i32) {
    %c0_i32 = arith.constant 0 : i32
    %c0_i32_0 = arith.constant 0 : i32
    %c0_i32_1 = arith.constant 0 : i32
    %c0_i32_2 = arith.constant 0 : i32
    return %c0_i32, %c0_i32_0, %arg0, %c0_i32_1 : i32, i32, i32, i32
  }
  func.func @transform_2(%arg0: i32) -> (i32, i32) {
    %c0_i32 = arith.constant 0 : i32
    %c0_i32_0 = arith.constant 0 : i32
    %c0_i32_1 = arith.constant 0 : i32
    return %c0_i32, %c0_i32_0 : i32, i32
  }
  func.func @transform_3(%arg0: i32) -> (i32, i32) {
    %c0_i32 = arith.constant 0 : i32
    %c0_i32_0 = arith.constant 0 : i32
    %c0_i32_1 = arith.constant 0 : i32
    return %c0_i32, %c0_i32_0 : i32, i32
  }
  func.func @transform_4(%arg0: i32) -> (i32, i32) {
    %c0_i32 = arith.constant 0 : i32
    %c0_i32_0 = arith.constant 0 : i32
    return %arg0, %c0_i32 : i32, i32
  }
  func.func @transform_5(%arg0: i32) -> (i32, i32) {
    %c0_i32 = arith.constant 0 : i32
    %c0_i32_0 = arith.constant 0 : i32
    return %arg0, %c0_i32 : i32, i32
  }
}

</mosaic_0001>

<sc_bundles>
// kernel: kernel.10.cloned.1.call-start
scs
__scs_entry_jumppad:
0x0: {  	(pc) =	sbr.rel $0x88, $3  }
0x1: {  	(tag) =	ssettag $0x0;
	lr =	simm.s32 $0x1  }
0x2: {  	[smem:$0x3F9B] =	sst lr;
	_ =	strace $0xD0000000  }
0x3: {  	_ = 	snop  }
0x4: {  	_ = 	snop  }
0x5: {  	_ = 	snop  }
0x6: {  	_ = 	snop  }
0x7: {  	_ = 	snop  }
__scs_overlays_trampoline_lowered:
0x8: {  	[smem:$0x3FAA] =	sst s0  }
0x9: {  	[smem:$0x3FAB] =	sst s1  }
0xa: {  	[smem:$0x3FAC] =	sst s2  }
0xb: {  	[smem:$0x3FAD] =	sst s3  }
0xc: {  	[smem:$0x3FAE] =	sst s4  }
0xd: {  	[smem:$0x3FAF] =	sst s5  }
0xe: {  	[smem:$0x3FB0] =	sst s6  }
0xf: {  	[smem:$0x3FB1] =	sst s7  }
0x10: {  	[smem:$0x3FB2] =	sst s8  }
0x11: {  	[smem:$0x3FB3] =	sst s9;
	s0 =	simm.s32 @!p0 $0x0  }
0x12: {  	s1 =	sld [smem:$0x3F99];
	s0 =	simm.s32 @p0 $0x1  }
0x13: {  	[smem:$0x3FB4] =	sst s0;
	s0 =	simm.s32 @!p1 $0x0  }
0x14: {  	s2 =	sld [smem:$0x3F98];
	s0 =	simm.s32 @p1 $0x1  }
0x15: {  	[smem:$0x3FB5] =	sst s0;
	s0 =	simm.s32 @!p2 $0x0  }
0x16: {  	s3 =	sld [smem:$0x3FDB];
	s0 =	simm.s32 @p2 $0x1  }
0x17: {  	s4 =	simm.s32 $0x1BF5;
	[smem:$0x3FB7] =	sst s0  }
0x18: {  	s0 =	sld [smem:$0x3F9A];
	_ =	swait.ge [sflag:s4], $0x0  }
0x19: {  	s7 =	sld [smem:$0x3F9B]  }
0x1a: {  	s8 =	sadd.s32 $0xFFFFE003, lr  }
0x1b: {  	s9 =	sadd.s32 $0xFFFFFEF7, lr;
	s5 =	simm.s32 $0xFFFFFFFF;
	p2 =	slt.u32 s8, $0xFFFFF086  }
0x1c: {  	p1 =	slt.u32 s9, $0xF7A;
	s5 =	simm.s32 @!p2 $0x0  }
0x1d: {  	s5 =	simm.s32 @p1 $0x1;
	p0 =	seq.s32 s7, s2  }
0x1e: {  	s7 =	smul.u32 @!p0 $0xF7A, s2;
	p2 =	seq.s32 @!p0 s5, $0x0  }
0x1f: {  	s9 =	smul.u32 $0xF7A, s1;
	s8 =	simm.s32 @!p0 $0x1BF5;
	p2 =	por !p2, p0  }
0x20: {  	[sflag:s8] =	ssyncset.s32 @!p0 $0xFFFFF086;
	s6 =	sadd.s32 @!p0 s3, s7;
	s7 =	simm.s32 @!p0 $0x108  }
0x21: {  	s3 =	sadd.s32 s3, s9;
	s6 =	sadd.s32 @!p0 $0x88, s6;
	s7 =	simm.s32 @p2 $0x1082  }
0x22: {  	[simem:s7], [sflag:s8] =	dma.local @!p0 [hbm:s6], $0xF7A  }
0x23: {  	s9 =	sor.u32 $0xD0000000, s2;
	s6 =	simm.s32 $0x108;
	_ =	swait.ge @!p0 [sflag:s8], $0x0  }
0x24: {  	s3 =	sadd.s32 $0x88, s3;
	s6 =	simm.s32 @!p1 $0x1082;
	[sflag:s4] =	ssyncset.s32 $0xFFFFF086  }
0x25: {  	[simem:s6], [sflag:s4] =	dma.local [hbm:s3], $0xF7A  }
0x26: {  	[smem:$0x3F9B] =	sst s1;
	(tag) =	ssettag s2;
	_ =	strace s9  }
0x27: {  	s1 =	sld [smem:$0x3FAB]  }
0x28: {  	s2 =	sld [smem:$0x3FAC]  }
0x29: {  	s4 =	sld [smem:$0x3FAE]  }
0x2a: {  	p0 =	seq.s32 s5, $0x0;
	s5 =	sld [smem:$0x3FAF]  }
0x2b: {  	s6 =	sld [smem:$0x3FB0]  }
0x2c: {  	s7 =	sld [smem:$0x3FB1]  }
0x2d: {  	s3 =	simm.s32 $0x108;
	s8 =	sld [smem:$0x3FB2]  }
0x2e: {  	s3 =	simm.s32 @!p0 $0x1082;
	s9 =	sld [smem:$0x3FB3]  }
0x2f: {  	lr =	sadd.s32 s0, s3;
	s0 =	sld [smem:$0x3FAA]  }
0x30: {  	s3 =	sld [smem:$0x3FAD]  }
0x31: {  	[smem:$0x3FB6] =	sst s10  }
0x32: {  	s10 =	sld [smem:$0x3FB4];
	_ =	sdelay $0x3  }
0x33: {  	p0 =	seq.s32 s10, $0x1;
	s10 =	sld [smem:$0x3FB6];
	_ =	sdelay $0x3  }
0x34: {  	[smem:$0x3FB6] =	sst s10  }
0x35: {  	s10 =	sld [smem:$0x3FB5];
	_ =	sdelay $0x3  }
0x36: {  	p1 =	seq.s32 s10, $0x1;
	s10 =	sld [smem:$0x3FB6];
	_ =	sdelay $0x3  }
0x37: {  	[smem:$0x3FB6] =	sst s10  }
0x38: {  	s10 =	sld [smem:$0x3FB7]  }
0x39: {  	_ = 	snop;
	(pc) =	sbr.ind lr, $3  }
0x3a: {  	_ = 	snop  }
0x3b: {  	_ = 	snop  }
0x3c: {  	p2 =	seq.s32 s10, $0x1;
	s10 =	sld [smem:$0x3FB6]  }
0x3d: {  	_ =	shalt  }
0x3e: {  	_ =	shalt  }
0x3f: {  	_ =	shalt  }
0x40: {  	_ =	shalt  }
0x41: {  	_ =	shalt  }
0x42: {  	_ =	shalt  }
0x43: {  	_ =	shalt  }
0x44: {  	_ =	shalt  }
0x45: {  	_ =	shalt  }
0x46: {  	_ =	shalt  }
0x47: {  	_ =	shalt  }
0x48: {  	_ =	shalt  }
0x49: {  	_ =	shalt  }
0x4a: {  	_ =	shalt  }
0x4b: {  	_ =	shalt  }
0x4c: {  	_ =	shalt  }
0x4d: {  	_ =	shalt  }
0x4e: {  	_ =	shalt  }
0x4f: {  	_ =	shalt  }
0x50: {  	_ =	shalt  }
0x51: {  	_ =	shalt  }
0x52: {  	_ =	shalt  }
0x53: {  	_ =	shalt  }
0x54: {  	_ =	shalt  }
0x55: {  	_ =	shalt  }
0x56: {  	_ =	shalt  }
0x57: {  	_ =	shalt  }
0x58: {  	_ =	shalt  }
0x59: {  	_ =	shalt  }
0x5a: {  	_ =	shalt  }
0x5b: {  	_ =	shalt  }
0x5c: {  	_ =	shalt  }
0x5d: {  	_ =	shalt  }
0x5e: {  	_ =	shalt  }
0x5f: {  	_ =	shalt  }
0x60: {  	_ =	shalt  }
0x61: {  	_ =	shalt  }
0x62: {  	_ =	shalt  }
0x63: {  	_ =	shalt  }
0x64: {  	_ =	shalt  }
0x65: {  	_ =	shalt  }
0x66: {  	_ =	shalt  }
0x67: {  	_ =	shalt  }
0x68: {  	_ =	shalt  }
0x69: {  	_ =	shalt  }
0x6a: {  	_ =	shalt  }
0x6b: {  	_ =	shalt  }
0x6c: {  	_ =	shalt  }
0x6d: {  	_ =	shalt  }
0x6e: {  	_ =	shalt  }
0x6f: {  	_ =	shalt  }
0x70: {  	_ =	shalt  }
0x71: {  	_ =	shalt  }
0x72: {  	_ =	shalt  }
0x73: {  	_ =	shalt  }
0x74: {  	_ =	shalt  }
0x75: {  	_ =	shalt  }
0x76: {  	_ =	shalt  }
0x77: {  	_ =	shalt  }
0x78: {  	_ =	shalt  }
0x79: {  	_ =	shalt  }
0x7a: {  	_ =	shalt  }
0x7b: {  	_ =	shalt  }
0x7c: {  	_ =	shalt  }
0x7d: {  	_ =	shalt  }
0x7e: {  	_ =	shalt  }
0x7f: {  	_ =	shalt  }
0x80: {  	_ =	shalt  }
0x81: {  	_ =	shalt  }
0x82: {  	_ =	shalt  }
0x83: {  	_ =	shalt  }
0x84: {  	_ =	shalt  }
0x85: {  	_ =	shalt  }
0x86: {  	_ =	shalt  }
0x87: {  	_ =	shalt  }
.Lfunc_end0:
.L_simem_size_0:
called_computation.1_lowered:
.L_overlay_start_0:
0x88: {  	s2 =	sld [smem:$0x3FD9]  }
0x89: {  	s3 =	sld [smem:$0x3FFE];
	_ =	sdelay $0x1  }
0x8a: {  	s1 =	srdreg.scid  }
0x8b: {  	s0 =	sand.u32 $0x1, s1  }
0x8c: {  	s17 =	sshll.u32 s0, $0xA;
	s2 =	sadd.s32 s3, s2  }
0x8d: {  	s2 =	sadd.s32 s2, s17  }
0x8e: {  	[smem:$0x3FC2] =	sst s2  }
0x8f: {  	_ = 	snop  }
0x90: {  	s2 =	sld [smem:$0x3FD0];
	(tm) =	ssettm $0x1  }
0x91: {  	s18 =	sld [smem:$0x3FFB];
	_ =	sdelay $0x3  }
0x92: {  	_ =	strace s18  }
0x93: {  	s3 =	sld [smem:$0x3FFC];
	_ =	sdelay $0x3  }
0x94: {  	_ =	strace s3  }
0x95: {  	s3 =	sld [smem:$0x3FFD];
	_ =	sdelay $0x3  }
0x96: {  	_ =	strace s3  }
0x97: {  	_ =	strace $0x8FFFFFFF  }
0x98: {  	s19 =	sld [smem:$0x3FDB];
	_ =	sdelay $0x1  }
0x99: {  	s4 =	simm.s32 $_scs_section_size  }
0x9a: {  	s5 =	simm.s32 $_size__tile_overlayer_lowered;
	s6 =	simm.s32 $_tile_overlayer_lowered  }
0x9b: {  	s22 =	simm.s32 $0x1BFF;
	s21 =	sshll.u32 s6, $0x1;
	s3 =	sadd.s32 s4, s19  }
0x9c: {  	s7 =	simm.s32 $0x0;
	s20 =	sshll.u32 s5, $0x1;
	s5 =	sadd.s32 s21, s3  }
0x9d: {  	[timem:s7], [sflag:s22] =	dma.local [hbm:s5], s20  }
0x9e: {  	_ =	swait.ge [sflag:s22], s20  }
0x9f: {  	s4 =	ssub.s32 $0x0, s20;
	[sflag:s22] =	ssyncset.done $0x0  }
0xa0: {  	[sflag:s22] =	ssyncadd.s32 s4;
	_ =	sdelay $0x1  }
0xa1: {  	s23 =	simm.s32 $0x1B8B  }
0xa2: {  	_ =	swait.ge [sflag:s23], $0x1  }
0xa3: {  	[sflag:s23] =	ssyncset.done $0x0  }
0xa4: {  	s25 =	simm.s32 $0x1B8E;
	s24 =	sld [smem:$0x3FFE];
	[sflag:s23] =	ssyncadd.s32 $0xFFFFFFFF  }
0xa5: {  	s26 =	simm.s32 $execute0_lowered;
	[smem:$0x3FD2] =	sst s25  }
0xa6: {  	s5 =	sshll.u32 s26, $0x1;
	_ =	strace $0x80000049;
	[dreg:$0x1] =	wrdreg $0xFFFFFFFF  }
0xa7: {  	s28 =	simm.s32 $_size_execute0_lowered;
	s3 =	sadd.s32 s3, s5;
	[dreg:$0x0] =	wrdreg $0x0  }
0xa8: {  	s5 =	sshll.u32 s28, $0x1;
	[dreg:$0x2] =	wrdreg s3  }
0xa9: {  	[dreg:$0x3] =	wrdreg s5  }
0xaa: {  	[dreg:$0x4] =	wrdreg $0xC0  }
0xab: {  	_ =	task [dreg:s7], $0x5FFFF  }
0xac: {  	[dreg:$0x1] =	wrdreg $0xFFFFFFFF  }
0xad: {  	[dreg:$0x0] =	wrdreg $0x60  }
0xae: {  	[dreg:$0x2] =	wrdreg s24  }
0xaf: {  	[dreg:$0x3] =	wrdreg s2  }
0xb0: {  	[dreg:$0x4] =	wrdreg $0x110800  }
0xb1: {  	[dreg:$0x5] =	wrdreg $0x161800  }
0xb2: {  	[dreg:$0x6] =	wrdreg $0x9  }
0xb3: {  	_ =	task.clear_ibuf [dreg:s7], $0x7FFFF;
	_ =	strace $0x90000049  }
0xb4: {  	s29 =	simm.s32 $0x9;
	_ =	strace $0x8000004B  }
0xb5: {  	_ =	swait.ge [sflag:s29], $0x1  }
0xb6: {  	[sflag:s29] =	ssyncadd.s32 $0xFFFFFFFF  }
0xb7: {  	_ =	strace $0x9000004B  }
0xb8: {  	_ =	sfence  }
0xb9: {  	s30 =	sld [smem:$0x0];
	_ =	sdelay $0x2  }
0xba: {  	s31 =	sshll.u32 s1, $0xD;
	s1 =	sshrl.u32 s1, $0x2  }
0xbb: {  	s3 =	sand.u32 $0x4000, s31;
	s1 =	sadd.s32 s1, s30  }
0xbc: {  	s0 =	sor.u32 s3, s0;
	s1 =	sshll.u32 s1, $0x11  }
0xbd: {  	s0 =	sor.u32 s1, s0  }
0xbe: {  	s0 =	sadd.s32 $0x8F2B, s0  }
0xbf: {  	[sflag:s0] =	ssyncadd.remote.s32 $0x1  }
0xc0: {  	_ =	sfence.sel $0xFFFF  }
0xc1: {  	[dreg:$0x0] =	wrdreg $0xFFFFFFFF;
	(pc) =	sbr.abs _section_cstart, $3  }
0xc2: {  	[dreg:$0x1] =	wrdreg $0xFFFFFFFF  }
0xc3: {  	_ =	task.clear_ibuf [dreg:s7], $0x2FFFF;
	_ =	strace $0x9FFFFFFF  }
0xc4: {  	(tm) =	ssettm $0x7FFFFFFF  }
0xc5: {  	_ =	shalt  }
tec
execute0_lowered:
.L_overlay_start_1:
0x0: {  	(tag) =	ssettag $0x1  }
0x1: {  	s0 =	rddreg [dreg:$0x0]  }
0x2: {  	s1 =	rddreg [dreg:$0x1]  }
0x3: {  	s2 =	rddreg [dreg:$0x2];
	s4 =	srdreg.scid  }
0x4: {  	s3 =	rddreg [dreg:$0x3];
	s9 =	stileid.u32;
	s28 =	simm.s32 $0x1  }
0x5: {  	s29 =	simm.s32 $0x3;
	s30 =	simm.s32 $0x100;
	s7 =	smul.u32 $0x5000, s9  }
0x6: {  	s5 =	sand.u32 $0x1, s4;
	s4 =	simm.s32 $0x0;
	s8 =	smul.u32 $0x50, s9  }
0x7: {  	s31 =	simm.s32 $0x2;
	s9 =	smul.u32 $0x9E0, s9;
	[smem:$0x7FF] =	sst s4  }
0x8: {  	s6 =	smul.u32 $0x50000, s5;
	s5 =	ssub.s32 $0x2, s5;
	_ =	strace $0x8000004A  }
0x9: {  	s8 =	sadd.s32 s8, s0;
	s10 =	sadd.s32 s9, s0;
	s20 =	sshrl.u32 s5, $0x1  }
0xa: {  	s1 =	sadd.s32 s1, s9;
	s9 =	sadd.s32 s7, s2;
	s6 =	sadd.s32 s7, s6  }
0xb: {  	s5 =	ssub.s32 s5, s20;
	s21 =	sadd.s32 $0x15800, s10;
	[dreg:$0x6] =	wrdreg s1  }
0xc: {  	s22 =	sadd.s32 $0x1200, s8;
	s10 =	sadd.s32 s7, s3;
	s20 =	simm.s32 $0x5  }
0xd: {  	s1 =	simm.s32 $0x4;
	s7 =	simm.s32 $0x9D80;
	[dreg:$0x5] =	wrdreg s21  }
0xe: {  	s8 =	simm.s32 $0x0;
	s6 =	sshrl.u32 s6, $0x3;
	[dreg:$0x7] =	wrdreg s22  }
0xf: {  	s19 =	smax.u32 s5, $0x1;
	s21 =	simm.s32 $0x4F00;
	s22 =	simm.s32 $0x10E00  }
0x10: {  	s5 =	simm.s32 $0x4E80;
	s0 =	sadd.s32 s6, s0;
	s6 =	simm.s32 $0x9D00  }
0x11: {  	s23 =	sadd.s32 $0x1800, s0;
	s24 =	sadd.s32 $0x1F600, s0;
	s25 =	sadd.s32 $0x33600, s0  }
0x12: {  	s26 =	sadd.s32 $0x47600, s0;
	s14 =	sadd.s32 $0x5B600, s0;
	[dreg:$0x8] =	wrdreg s23  }
0x13: {  	s15 =	sadd.s32 $0x6F600, s0;
	s16 =	sadd.s32 $0x83600, s0;
	[dreg:$0x9] =	wrdreg s24  }
0x14: {  	s17 =	sadd.s32 $0x97600, s0;
	s18 =	sadd.s32 $0xAB600, s0;
	[dreg:$0xa] =	wrdreg s25  }
0x15: {  	s0 =	simm.s32 $0x4F80;
	[dreg:$0xb] =	wrdreg s26;
	s23 =	simm.s32 $0xBE00  }
0x16: {  	v0 =	vimm.f32 $0.0e+00;
	s24 =	simm.s32 $0x80;
	s25 =	simm.s32 $0x9E00;
	s26 =	simm.s32 $0xAE00  }
.LBB2_1:
0x17: {  	s11 =	rddreg [dreg:$0x5]  }
0x18: {  	[tilespmem:s4], [sflag:$0x5] =	stream.linear.gather [hbm4b:s11+s4], $0x4F00, $0x38;
	[tilespmem:$0x1B280] =	vst v63  }
0x19: {  	_ =	swait.ge [sflag:s20], $0x4F00  }
0x1a: {  	[sflag:s20] =	ssyncset.done $0x0  }
0x1b: {  	s13 =	rddreg [dreg:$0x6];
	[sflag:s20] =	ssyncadd.s32 $0xFFFFB100  }
0x1c: {  	[tilespmem:s21], [sflag:$0x5] =	stream.linear.gather [hbm4b:s13+s4], $0x4F00, $0x38;
	[tilespmem:$0x1B280] =	vst v63  }
0x1d: {  	_ =	swait.ge [sflag:s20], $0x4F00  }
0x1e: {  	[sflag:s20] =	ssyncset.done $0x0  }
0x1f: {  	s12 =	rddreg [dreg:$0x7];
	[sflag:s20] =	ssyncadd.s32 $0xFFFFB100  }
0x20: {  	[tilespmem:s22], [sflag:$0x5] =	stream.linear.gather [hbm4b:s12+s4], $0x280, $0x38;
	[tilespmem:$0x1B280] =	vst v63  }
0x21: {  	_ =	swait.ge [sflag:s20], $0x280  }
0x22: {  	[sflag:s20] =	ssyncset.done $0x0  }
0x23: {  	s13 =	rddreg [dreg:$0x8];
	[sflag:s20] =	ssyncadd.s32 $0xFFFFFD80  }
0x24: {  	v1 =	vmov s4;
	[tilespmem:s23], [sflag:$0x5] =	stream.linear.gather [hbm4b:s13+s4], $0x5000, $0x38;
	[tilespmem:$0x1B280] =	vst v63  }
0x25: {  	_ =	swait.ge [sflag:s20], $0x5000  }
0x26: {  	[sflag:s20] =	ssyncset.done $0x0  }
0x27: {  	s11 =	simm.s32 $0xBE10;
	[sflag:s20] =	ssyncadd.s32 $0xFFFFB000  }
0x28: {  	v2 =	vld [tilespmem:s11+$0xFFFFFFF0]  }
0x29: {  	v3 =	vld.idx.msk [tilespmem:v1+s22+$0x0], $0xffff  }
0x2a: {  	v4 =	vld [tilespmem:s11+$0x0];
	_ =	sdelay $0x2  }
0x2b: {  	s12 =	simm.s32 $0x1  }
0x2c: {  	s13 =	simm.s32 $0x2;
	v1 =	vmov s12;
	s12 =	simm.s32 $0xBE10  }
.LBB2_2:
0x2d: {  	p0 =	sne.s32 s13, $0x27F;
	v2 =	vmul.f32 v2, v3;
	v3 =	vmul.f32 v4, v3;
	_ =	sdelay $0x1  }
0x2e: {  	s12 =	sadd.s32 $0x20, s12;
	[tilespmem:s11+$0xFFFFFFF0] =	vst v2  }
0x2f: {  	v2 =	vld [tilespmem:s12+$0xFFFFFFF0];
	[tilespmem:s11+$0x0] =	vst v3;
	s11 =	smov.u32 s12  }
0x30: {  	v3 =	vld.idx.msk [tilespmem:v1+s22+$0x0], $0xffff  }
.Ltmp0:
0x31: {  	v4 =	vld [tilespmem:s12+$0x0];
	(pc) =	sbr.rel @p0 .LBB2_2-.Ltmp0, $2  }
0x32: {  	_ =	sdelay $0x2  }
0x33: {  	v1 =	vmov s13;
	s13 =	sadd.s32 $0x1, s13  }
0x34: {  	v2 =	vmul.f32 v2, v3  }
0x35: {  	v3 =	vmul.f32 v4, v3  }
0x36: {  	s12 =	sadd.s32 $0x20, s12;
	[tilespmem:s11+$0xFFFFFFF0] =	vst v2  }
0x37: {  	v2 =	vld [tilespmem:s12+$0xFFFFFFF0];
	[tilespmem:s11+$0x0] =	vst v3  }
0x38: {  	v1 =	vld.idx.msk [tilespmem:v1+s22+$0x0], $0xffff  }
0x39: {  	v3 =	vld [tilespmem:s12+$0x0];
	_ =	sdelay $0x3  }
0x3a: {  	v2 =	vmul.f32 v2, v1  }
0x3b: {  	v1 =	vmul.f32 v3, v1  }
0x3c: {  	[tilespmem:s12+$0xFFFFFFF0] =	vst v2  }
0x3d: {  	[tilespmem:s12+$0x0] =	vst v1  }
0x3e: {  	[spmem:s9] =	stream.linear.scatter [tilespmem:s23], [sflag:$0x5], $0x5000, $0x38;
	[tilespmem:$0x1B280] =	vst v63  }
0x3f: {  	_ =	swait.ge [sflag:s20], $0x5000  }
0x40: {  	[sflag:s20] =	ssyncset.done $0x0  }
0x41: {  	s11 =	simm.s32 $0x80;
	s12 =	simm.s32 $0x0;
	[sflag:s20] =	ssyncadd.s32 $0xFFFFB000  }
.LBB2_4:
0x42: {  	p0 =	sne.s32 s11, $0x13F80;
	[tilespmem:s12+$0xBE00] =	vst v0;
	s13 =	smov.u32 s11;
	s11 =	sadd.s32 $0x80, s11  }
.Ltmp1:
0x43: {  	[tilespmem:s12+$0xBE10] =	vst v0;
	(pc) =	sbr.rel @p0 .LBB2_4-.Ltmp1, $2  }
0x44: {  	_ =	sdelay $0x2  }
0x45: {  	s12 =	sshra.s32 s13, $0x2  }
0x46: {  	[tilespmem:s12+$0xBE00] =	vst v0  }
0x47: {  	[tilespmem:s12+$0xBE10] =	vst v0  }
0x48: {  	[spmem:s10] =	stream.linear.scatter [tilespmem:s23], [sflag:$0x5], $0x5000, $0x38;
	[tilespmem:$0x1B280] =	vst v63  }
0x49: {  	_ =	swait.ge [sflag:s20], $0x5000  }
0x4a: {  	[sflag:s20] =	ssyncset.done $0x0  }
0x4b: {  	[sflag:s20] =	ssyncadd.s32 $0xFFFFB000  }
0x4c: {  	[bflag:$0x0] =	sbarrier.arrive $0xFFFF  }
0x4d: {  	[tilespmem:s25], [sflag:$0x1] =	stream.indirect.gather [spmem:s2], $0x20, s4, s24, $0xb8;
	[tilespmem:$0x1B280] =	vst v63  }
0x4e: {  	_ = 	snop  }
0x4f: {  	[tilespmem:s26], [sflag:$0x2] =	stream.indirect.gather [spmem:s2], $0x20, s24, s24, $0xb8;
	[tilespmem:$0x1B280] =	vst v63  }
0x50: {  	_ =	swait.ge [sflag:s28], $0x1000  }
0x51: {  	[sflag:s28] =	ssyncset.done $0x0  }
0x52: {  	[sflag:s28] =	ssyncadd.s32 $0xFFFFF000  }
0x53: {  	[spmem:s3] =	stream.indirect.scatter.add.f32 [tilespmem:s25], [sflag:$0x3], $0x20, s21, s24, $0xb8;
	[tilespmem:$0x1B280] =	vst v63  }
0x54: {  	_ =	swait.ge [sflag:s29], $0x1000  }
0x55: {  	[sflag:s29] =	ssyncset.done $0x0  }
0x56: {  	[sflag:s29] =	ssyncadd.s32 $0xFFFFF000  }
0x57: {  	[tilespmem:s25], [sflag:$0x1] =	stream.indirect.gather [spmem:s2], $0x20, s30, s24, $0xb8;
	[tilespmem:$0x1B280] =	vst v63  }
0x58: {  	_ =	swait.ge [sflag:s31], $0x1000  }
0x59: {  	[sflag:s31] =	ssyncset.done $0x0  }
0x5a: {  	[sflag:s31] =	ssyncadd.s32 $0xFFFFF000  }
0x5b: {  	[spmem:s3] =	stream.indirect.scatter.add.f32 [tilespmem:s26], [sflag:$0x4], $0x20, s0, s24, $0xb8;
	[tilespmem:$0x1B280] =	vst v63  }
0x5c: {  	_ =	swait.ge [sflag:s1], $0x1000  }
0x5d: {  	[sflag:s1] =	ssyncset.done $0x0  }
0x5e: {  	s11 =	simm.s32 $0x180;
	[sflag:s1] =	ssyncadd.s32 $0xFFFFF000  }
0x5f: {  	[tilespmem:s26], [sflag:$0x2] =	stream.indirect.gather [spmem:s2], $0x20, s11, s24, $0xb8;
	[tilespmem:$0x1B280] =	vst v63  }
0x60: {  	_ =	swait.ge [sflag:s28], $0x1000  }
0x61: {  	[sflag:s28] =	ssyncset.done $0x0  }
0x62: {  	s12 =	simm.s32 $0x5000;
	[sflag:s28] =	ssyncadd.s32 $0xFFFFF000  }
0x63: {  	[spmem:s3] =	stream.indirect.scatter.add.f32 [tilespmem:s25], [sflag:$0x3], $0x20, s12, s24, $0xb8;
	[tilespmem:$0x1B280] =	vst v63  }
0x64: {  	_ =	swait.ge [sflag:s29], $0x1000  }
0x65: {  	[sflag:s29] =	ssyncset.done $0x0  }
0x66: {  	s13 =	simm.s32 $0x200;
	[sflag:s29] =	ssyncadd.s32 $0xFFFFF000  }
0x67: {  	[tilespmem:s25], [sflag:$0x1] =	stream.indirect.gather [spmem:s2], $0x20, s13, s24, $0xb8;
	[tilespmem:$0x1B280] =	vst v63  }
0x68: {  	_ =	swait.ge [sflag:s31], $0x1000  }
0x69: {  	[sflag:s31] =	ssyncset.done $0x0  }
0x6a: {  	s11 =	simm.s32 $0xFFFED000;
	s12 =	simm.s32 $0x5080;
	[sflag:s31] =	ssyncadd.s32 $0xFFFFF000  }
.LBB2_6:
0x6b: {  	[spmem:s3] =	stream.indirect.scatter.add.f32 [tilespmem:s26], [sflag:$0x4], $0x20, s12, s24, $0xb8;
	[tilespmem:$0x1B280] =	vst v63  }
0x6c: {  	s12 =	smov.u32 s11  }
0x6d: {  	p0 =	sne.s32 s11, $0xFFFFFC00;
	s11 =	sadd.s32 $0x400, s11;
	_ =	swait.ge [sflag:s1], $0x1000  }
0x6e: {  	s12 =	sshra.s32 s12, $0x2;
	[sflag:s1] =	ssyncset.done $0x0  }
0x6f: {  	s13 =	sadd.s32 $0x4E80, s12;
	[sflag:s1] =	ssyncadd.s32 $0xFFFFF000  }
0x70: {  	[tilespmem:s26], [sflag:$0x2] =	stream.indirect.gather [spmem:s2], $0x20, s13, s24, $0xb8;
	[tilespmem:$0x1B280] =	vst v63  }
0x71: {  	_ =	swait.ge [sflag:s28], $0x1000  }
0x72: {  	[sflag:s28] =	ssyncset.done $0x0  }
0x73: {  	s13 =	sadd.s32 $0x9D00, s12;
	[sflag:s28] =	ssyncadd.s32 $0xFFFFF000  }
0x74: {  	[spmem:s3] =	stream.indirect.scatter.add.f32 [tilespmem:s25], [sflag:$0x3], $0x20, s13, s24, $0xb8;
	[tilespmem:$0x1B280] =	vst v63  }
0x75: {  	_ =	swait.ge [sflag:s29], $0x1000  }
0x76: {  	[sflag:s29] =	ssyncset.done $0x0  }
.Ltmp2:
0x77: {  	s13 =	sadd.s32 $0x4F00, s12;
	[sflag:s29] =	ssyncadd.s32 $0xFFFFF000;
	(pc) =	sbr.rel @p0 .LBB2_6-.Ltmp2, $4  }
0x78: {  	[tilespmem:s25], [sflag:$0x1] =	stream.indirect.gather [spmem:s2], $0x20, s13, s24, $0xb8;
	[tilespmem:$0x1B280] =	vst v63  }
0x79: {  	_ =	swait.ge [sflag:s31], $0x1000  }
0x7a: {  	[sflag:s31] =	ssyncset.done $0x0  }
0x7b: {  	s12 =	sadd.s32 $0x9D80, s12;
	[sflag:s31] =	ssyncadd.s32 $0xFFFFF000  }
0x7c: {  	[spmem:s3] =	stream.indirect.scatter.add.f32 [tilespmem:s26], [sflag:$0x4], $0x20, s12, s24, $0xb8;
	[tilespmem:$0x1B280] =	vst v63  }
0x7d: {  	_ =	swait.ge [sflag:s1], $0x1000  }
0x7e: {  	[sflag:s1] =	ssyncset.done $0x0  }
0x7f: {  	[sflag:s1] =	ssyncadd.s32 $0xFFFFF000  }
0x80: {  	[tilespmem:s26], [sflag:$0x2] =	stream.indirect.gather [spmem:s2], $0x20, s5, s24, $0xb8;
	[tilespmem:$0x1B280] =	vst v63  }
0x81: {  	_ =	swait.ge [sflag:s28], $0x1000  }
0x82: {  	[sflag:s28] =	ssyncset.done $0x0  }
0x83: {  	[sflag:s28] =	ssyncadd.s32 $0xFFFFF000  }
0x84: {  	[spmem:s3] =	stream.indirect.scatter.add.f32 [tilespmem:s25], [sflag:$0x3], $0x20, s6, s24, $0xb8;
	[tilespmem:$0x1B280] =	vst v63  }
0x85: {  	_ =	swait.ge [sflag:s29], $0x1000  }
0x86: {  	[sflag:s29] =	ssyncset.done $0x0  }
0x87: {  	[sflag:s29] =	ssyncadd.s32 $0xFFFFF000  }
0x88: {  	_ =	swait.ge [sflag:s31], $0x1000  }
0x89: {  	[sflag:s31] =	ssyncset.done $0x0  }
0x8a: {  	[sflag:s31] =	ssyncadd.s32 $0xFFFFF000  }
0x8b: {  	[spmem:s3] =	stream.indirect.scatter.add.f32 [tilespmem:s26], [sflag:$0x4], $0x20, s7, s24, $0xb8;
	[tilespmem:$0x1B280] =	vst v63  }
0x8c: {  	_ =	swait.ge [sflag:s1], $0x1000  }
0x8d: {  	[sflag:s1] =	ssyncset.done $0x0  }
0x8e: {  	[sflag:s1] =	ssyncadd.s32 $0xFFFFF000  }
0x8f: {  	s11 =	simm.s32 $0x0;
	[bflag:$0x0] =	sbarrier.arrive $0xFFFF  }
0x90: {  	v1 =	vmov s11;
	[tilespmem:s23], [sflag:$0x5] =	stream.linear.gather [spmem:s10], $0x5000, $0x38;
	[tilespmem:$0x1B280] =	vst v63  }
0x91: {  	_ =	swait.ge [sflag:s20], $0x5000  }
0x92: {  	[sflag:s20] =	ssyncset.done $0x0  }
0x93: {  	s11 =	simm.s32 $0xBE10;
	[sflag:s20] =	ssyncadd.s32 $0xFFFFB000  }
0x94: {  	v2 =	vld [tilespmem:s11+$0xFFFFFFF0]  }
0x95: {  	v3 =	vld.idx.msk [tilespmem:v1+s22+$0x0], $0xffff  }
0x96: {  	v4 =	vld [tilespmem:s11+$0x0];
	_ =	sdelay $0x2  }
0x97: {  	s13 =	simm.s32 $0x1  }
0x98: {  	s12 =	simm.s32 $0xBE10;
	v1 =	vmov s13;
	s13 =	simm.s32 $0x2  }
.LBB2_8:
0x99: {  	p0 =	sne.s32 s13, $0x27F;
	v2 =	vmul.f32 v2, v3;
	v3 =	vmul.f32 v4, v3;
	_ =	sdelay $0x1  }
0x9a: {  	s12 =	sadd.s32 $0x20, s12;
	[tilespmem:s11+$0xFFFFFFF0] =	vst v2  }
0x9b: {  	v2 =	vld [tilespmem:s12+$0xFFFFFFF0];
	[tilespmem:s11+$0x0] =	vst v3;
	s11 =	smov.u32 s12  }
0x9c: {  	v3 =	vld.idx.msk [tilespmem:v1+s22+$0x0], $0xffff  }
.Ltmp3:
0x9d: {  	v4 =	vld [tilespmem:s12+$0x0];
	(pc) =	sbr.rel @p0 .LBB2_8-.Ltmp3, $2  }
0x9e: {  	_ =	sdelay $0x2  }
0x9f: {  	v1 =	vmov s13;
	s13 =	sadd.s32 $0x1, s13  }
0xa0: {  	v2 =	vmul.f32 v2, v3  }
0xa1: {  	v3 =	vmul.f32 v4, v3  }
0xa2: {  	s12 =	sadd.s32 $0x20, s12;
	[tilespmem:s11+$0xFFFFFFF0] =	vst v2  }
0xa3: {  	v2 =	vld [tilespmem:s12+$0xFFFFFFF0];
	[tilespmem:s11+$0x0] =	vst v3  }
0xa4: {  	v1 =	vld.idx.msk [tilespmem:v1+s22+$0x0], $0xffff  }
0xa5: {  	v3 =	vld [tilespmem:s12+$0x0];
	_ =	sdelay $0x3  }
0xa6: {  	v2 =	vmul.f32 v2, v1  }
0xa7: {  	v1 =	vmul.f32 v3, v1  }
0xa8: {  	[tilespmem:s12+$0xFFFFFFF0] =	vst v2  }
0xa9: {  	s13 =	rddreg [dreg:$0x9];
	s11 =	simm.s32 $0x0;
	[tilespmem:s12+$0x0] =	vst v1  }
0xaa: {  	v1 =	vmov s11;
	[hbm4b:s13+s11] =	stream.linear.scatter [tilespmem:s23], [sflag:$0x5], $0x5000, $0x38;
	[tilespmem:$0x1B280] =	vst v63  }
0xab: {  	_ =	swait.ge [sflag:s20], $0x5000  }
0xac: {  	[sflag:s20] =	ssyncset.done $0x0  }
0xad: {  	s11 =	simm.s32 $0xBE10;
	[sflag:s20] =	ssyncadd.s32 $0xFFFFB000  }
0xae: {  	v2 =	vld [tilespmem:s11+$0xFFFFFFF0]  }
0xaf: {  	v3 =	vld.idx.msk [tilespmem:v1+s22+$0x0], $0xffff  }
0xb0: {  	v4 =	vld [tilespmem:s11+$0x0];
	_ =	sdelay $0x2  }
0xb1: {  	s13 =	simm.s32 $0x1  }
0xb2: {  	s12 =	simm.s32 $0xBE10;
	v1 =	vmov s13;
	s13 =	simm.s32 $0x2  }
.LBB2_10:
0xb3: {  	p0 =	sne.s32 s13, $0x27F;
	v2 =	vmul.f32 v2, v3;
	v3 =	vmul.f32 v4, v3;
	_ =	sdelay $0x1  }
0xb4: {  	s12 =	sadd.s32 $0x20, s12;
	[tilespmem:s11+$0xFFFFFFF0] =	vst v2  }
0xb5: {  	v2 =	vld [tilespmem:s12+$0xFFFFFFF0];
	[tilespmem:s11+$0x0] =	vst v3;
	s11 =	smov.u32 s12  }
0xb6: {  	v3 =	vld.idx.msk [tilespmem:v1+s22+$0x0], $0xffff  }
.Ltmp4:
0xb7: {  	v4 =	vld [tilespmem:s12+$0x0];
	(pc) =	sbr.rel @p0 .LBB2_10-.Ltmp4, $2  }
0xb8: {  	_ =	sdelay $0x2  }
0xb9: {  	v1 =	vmov s13;
	s13 =	sadd.s32 $0x1, s13  }
0xba: {  	v2 =	vmul.f32 v2, v3  }
0xbb: {  	v3 =	vmul.f32 v4, v3  }
0xbc: {  	s12 =	sadd.s32 $0x20, s12;
	[tilespmem:s11+$0xFFFFFFF0] =	vst v2  }
0xbd: {  	v2 =	vld [tilespmem:s12+$0xFFFFFFF0];
	[tilespmem:s11+$0x0] =	vst v3  }
0xbe: {  	v1 =	vld.idx.msk [tilespmem:v1+s22+$0x0], $0xffff  }
0xbf: {  	v3 =	vld [tilespmem:s12+$0x0];
	_ =	sdelay $0x3  }
0xc0: {  	v2 =	vmul.f32 v2, v1  }
0xc1: {  	v1 =	vmul.f32 v3, v1  }
0xc2: {  	[tilespmem:s12+$0xFFFFFFF0] =	vst v2  }
0xc3: {  	[tilespmem:s12+$0x0] =	vst v1  }
0xc4: {  	[spmem:s10] =	stream.linear.scatter [tilespmem:s23], [sflag:$0x5], $0x5000, $0x38;
	[tilespmem:$0x1B280] =	vst v63  }
0xc5: {  	_ =	swait.ge [sflag:s20], $0x5000  }
0xc6: {  	[sflag:s20] =	ssyncset.done $0x0  }
0xc7: {  	s11 =	simm.s32 $0x80;
	s12 =	simm.s32 $0x0;
	[sflag:s20] =	ssyncadd.s32 $0xFFFFB000  }
.LBB2_12:
0xc8: {  	p0 =	sne.s32 s11, $0x13F80;
	[tilespmem:s12+$0xBE00] =	vst v0;
	s13 =	smov.u32 s11;
	s11 =	sadd.s32 $0x80, s11  }
.Ltmp5:
0xc9: {  	[tilespmem:s12+$0xBE10] =	vst v0;
	(pc) =	sbr.rel @p0 .LBB2_12-.Ltmp5, $2  }
0xca: {  	_ =	sdelay $0x2  }
0xcb: {  	s12 =	sshra.s32 s13, $0x2  }
0xcc: {  	[tilespmem:s12+$0xBE00] =	vst v0  }
0xcd: {  	[tilespmem:s12+$0xBE10] =	vst v0  }
0xce: {  	[spmem:s9] =	stream.linear.scatter [tilespmem:s23], [sflag:$0x5], $0x5000, $0x38;
	[tilespmem:$0x1B280] =	vst v63  }
0xcf: {  	_ =	swait.ge [sflag:s20], $0x5000  }
0xd0: {  	[sflag:s20] =	ssyncset.done $0x0  }
0xd1: {  	[sflag:s20] =	ssyncadd.s32 $0xFFFFB000  }
0xd2: {  	[bflag:$0x0] =	sbarrier.arrive $0xFFFF  }
0xd3: {  	[tilespmem:s25], [sflag:$0x1] =	stream.indirect.gather [spmem:s3], $0x20, s4, s24, $0xb8;
	[tilespmem:$0x1B280] =	vst v63  }
0xd4: {  	_ = 	snop  }
0xd5: {  	[tilespmem:s26], [sflag:$0x2] =	stream.indirect.gather [spmem:s3], $0x20, s24, s24, $0xb8;
	[tilespmem:$0x1B280] =	vst v63  }
0xd6: {  	_ =	swait.ge [sflag:s28], $0x1000  }
0xd7: {  	[sflag:s28] =	ssyncset.done $0x0  }
0xd8: {  	[sflag:s28] =	ssyncadd.s32 $0xFFFFF000  }
0xd9: {  	[spmem:s2] =	stream.indirect.scatter.add.f32 [tilespmem:s25], [sflag:$0x3], $0x20, s21, s24, $0xb8;
	[tilespmem:$0x1B280] =	vst v63  }
0xda: {  	_ =	swait.ge [sflag:s29], $0x1000  }
0xdb: {  	[sflag:s29] =	ssyncset.done $0x0  }
0xdc: {  	[sflag:s29] =	ssyncadd.s32 $0xFFFFF000  }
0xdd: {  	[tilespmem:s25], [sflag:$0x1] =	stream.indirect.gather [spmem:s3], $0x20, s30, s24, $0xb8;
	[tilespmem:$0x1B280] =	vst v63  }
0xde: {  	_ =	swait.ge [sflag:s31], $0x1000  }
0xdf: {  	[sflag:s31] =	ssyncset.done $0x0  }
0xe0: {  	[sflag:s31] =	ssyncadd.s32 $0xFFFFF000  }
0xe1: {  	[spmem:s2] =	stream.indirect.scatter.add.f32 [tilespmem:s26], [sflag:$0x4], $0x20, s0, s24, $0xb8;
	[tilespmem:$0x1B280] =	vst v63  }
0xe2: {  	_ =	swait.ge [sflag:s1], $0x1000  }
0xe3: {  	[sflag:s1] =	ssyncset.done $0x0  }
0xe4: {  	s11 =	simm.s32 $0x180;
	[sflag:s1] =	ssyncadd.s32 $0xFFFFF000  }
0xe5: {  	[tilespmem:s26], [sflag:$0x2] =	stream.indirect.gather [spmem:s3], $0x20, s11, s24, $0xb8;
	[tilespmem:$0x1B280] =	vst v63  }
0xe6: {  	_ =	swait.ge [sflag:s28], $0x1000  }
0xe7: {  	[sflag:s28] =	ssyncset.done $0x0  }
0xe8: {  	s12 =	simm.s32 $0x5000;
	[sflag:s28] =	ssyncadd.s32 $0xFFFFF000  }
0xe9: {  	[spmem:s2] =	stream.indirect.scatter.add.f32 [tilespmem:s25], [sflag:$0x3], $0x20, s12, s24, $0xb8;
	[tilespmem:$0x1B280] =	vst v63  }
0xea: {  	_ =	swait.ge [sflag:s29], $0x1000  }
0xeb: {  	[sflag:s29] =	ssyncset.done $0x0  }
0xec: {  	s13 =	simm.s32 $0x200;
	[sflag:s29] =	ssyncadd.s32 $0xFFFFF000  }
0xed: {  	[tilespmem:s25], [sflag:$0x1] =	stream.indirect.gather [spmem:s3], $0x20, s13, s24, $0xb8;
	[tilespmem:$0x1B280] =	vst v63  }
0xee: {  	_ =	swait.ge [sflag:s31], $0x1000  }
0xef: {  	[sflag:s31] =	ssyncset.done $0x0  }
0xf0: {  	s11 =	simm.s32 $0xFFFED000;
	s12 =	simm.s32 $0x5080;
	[sflag:s31] =	ssyncadd.s32 $0xFFFFF000  }
.LBB2_14:
0xf1: {  	[spmem:s2] =	stream.indirect.scatter.add.f32 [tilespmem:s26], [sflag:$0x4], $0x20, s12, s24, $0xb8;
	[tilespmem:$0x1B280] =	vst v63  }
0xf2: {  	s12 =	smov.u32 s11  }
0xf3: {  	p0 =	sne.s32 s11, $0xFFFFFC00;
	s11 =	sadd.s32 $0x400, s11;
	_ =	swait.ge [sflag:s1], $0x1000  }
0xf4: {  	s12 =	sshra.s32 s12, $0x2;
	[sflag:s1] =	ssyncset.done $0x0  }
0xf5: {  	s13 =	sadd.s32 $0x4E80, s12;
	[sflag:s1] =	ssyncadd.s32 $0xFFFFF000  }
0xf6: {  	[tilespmem:s26], [sflag:$0x2] =	stream.indirect.gather [spmem:s3], $0x20, s13, s24, $0xb8;
	[tilespmem:$0x1B280] =	vst v63  }
0xf7: {  	_ =	swait.ge [sflag:s28], $0x1000  }
0xf8: {  	[sflag:s28] =	ssyncset.done $0x0  }
0xf9: {  	s13 =	sadd.s32 $0x9D00, s12;
	[sflag:s28] =	ssyncadd.s32 $0xFFFFF000  }
0xfa: {  	[spmem:s2] =	stream.indirect.scatter.add.f32 [tilespmem:s25], [sflag:$0x3], $0x20, s13, s24, $0xb8;
	[tilespmem:$0x1B280] =	vst v63  }
0xfb: {  	_ =	swait.ge [sflag:s29], $0x1000  }
0xfc: {  	[sflag:s29] =	ssyncset.done $0x0  }
.Ltmp6:
0xfd: {  	s13 =	sadd.s32 $0x4F00, s12;
	[sflag:s29] =	ssyncadd.s32 $0xFFFFF000;
	(pc) =	sbr.rel @p0 .LBB2_14-.Ltmp6, $4  }
0xfe: {  	[tilespmem:s25], [sflag:$0x1] =	stream.indirect.gather [spmem:s3], $0x20, s13, s24, $0xb8;
	[tilespmem:$0x1B280] =	vst v63  }
0xff: {  	_ =	swait.ge [sflag:s31], $0x1000  }
0x100: {  	[sflag:s31] =	ssyncset.done $0x0  }
0x101: {  	s12 =	sadd.s32 $0x9D80, s12;
	[sflag:s31] =	ssyncadd.s32 $0xFFFFF000  }
0x102: {  	[spmem:s2] =	stream.indirect.scatter.add.f32 [tilespmem:s26], [sflag:$0x4], $0x20, s12, s24, $0xb8;
	[tilespmem:$0x1B280] =	vst v63  }
0x103: {  	_ =	swait.ge [sflag:s1], $0x1000  }
0x104: {  	[sflag:s1] =	ssyncset.done $0x0  }
0x105: {  	[sflag:s1] =	ssyncadd.s32 $0xFFFFF000  }
0x106: {  	[tilespmem:s26], [sflag:$0x2] =	stream.indirect.gather [spmem:s3], $0x20, s5, s24, $0xb8;
	[tilespmem:$0x1B280] =	vst v63  }
0x107: {  	_ =	swait.ge [sflag:s28], $0x1000  }
0x108: {  	[sflag:s28] =	ssyncset.done $0x0  }
0x109: {  	[sflag:s28] =	ssyncadd.s32 $0xFFFFF000  }
0x10a: {  	[spmem:s2] =	stream.indirect.scatter.add.f32 [tilespmem:s25], [sflag:$0x3], $0x20, s6, s24, $0xb8;
	[tilespmem:$0x1B280] =	vst v63  }
0x10b: {  	_ =	swait.ge [sflag:s29], $0x1000  }
0x10c: {  	[sflag:s29] =	ssyncset.done $0x0  }
0x10d: {  	[sflag:s29] =	ssyncadd.s32 $0xFFFFF000  }
0x10e: {  	_ =	swait.ge [sflag:s31], $0x1000  }
0x10f: {  	[sflag:s31] =	ssyncset.done $0x0  }
0x110: {  	[sflag:s31] =	ssyncadd.s32 $0xFFFFF000  }
0x111: {  	[spmem:s2] =	stream.indirect.scatter.add.f32 [tilespmem:s26], [sflag:$0x4], $0x20, s7, s24, $0xb8;
	[tilespmem:$0x1B280] =	vst v63  }
0x112: {  	_ =	swait.ge [sflag:s1], $0x1000  }
0x113: {  	[sflag:s1] =	ssyncset.done $0x0  }
0x114: {  	[sflag:s1] =	ssyncadd.s32 $0xFFFFF000  }
0x115: {  	s11 =	simm.s32 $0x0;
	[bflag:$0x0] =	sbarrier.arrive $0xFFFF  }
0x116: {  	v1 =	vmov s11;
	[tilespmem:s23], [sflag:$0x5] =	stream.linear.gather [spmem:s9], $0x5000, $0x38;
	[tilespmem:$0x1B280] =	vst v63  }
0x117: {  	_ =	swait.ge [sflag:s20], $0x5000  }
0x118: {  	[sflag:s20] =	ssyncset.done $0x0  }
0x119: {  	s11 =	simm.s32 $0xBE10;
	[sflag:s20] =	ssyncadd.s32 $0xFFFFB000  }
0x11a: {  	v2 =	vld [tilespmem:s11+$0xFFFFFFF0]  }
0x11b: {  	v3 =	vld.idx.msk [tilespmem:v1+s22+$0x0], $0xffff  }
0x11c: {  	v4 =	vld [tilespmem:s11+$0x0];
	_ =	sdelay $0x2  }
0x11d: {  	s13 =	simm.s32 $0x1  }
0x11e: {  	s12 =	simm.s32 $0xBE10;
	v1 =	vmov s13;
	s13 =	simm.s32 $0x2  }
.LBB2_16:
0x11f: {  	p0 =	sne.s32 s13, $0x27F;
	v2 =	vmul.f32 v2, v3;
	v3 =	vmul.f32 v4, v3;
	_ =	sdelay $0x1  }
0x120: {  	s12 =	sadd.s32 $0x20, s12;
	[tilespmem:s11+$0xFFFFFFF0] =	vst v2  }
0x121: {  	v2 =	vld [tilespmem:s12+$0xFFFFFFF0];
	[tilespmem:s11+$0x0] =	vst v3;
	s11 =	smov.u32 s12  }
0x122: {  	v3 =	vld.idx.msk [tilespmem:v1+s22+$0x0], $0xffff  }
.Ltmp7:
0x123: {  	v4 =	vld [tilespmem:s12+$0x0];
	(pc) =	sbr.rel @p0 .LBB2_16-.Ltmp7, $2  }
0x124: {  	_ =	sdelay $0x2  }
0x125: {  	v1 =	vmov s13;
	s13 =	sadd.s32 $0x1, s13  }
0x126: {  	v2 =	vmul.f32 v2, v3  }
0x127: {  	v3 =	vmul.f32 v4, v3  }
0x128: {  	s12 =	sadd.s32 $0x20, s12;
	[tilespmem:s11+$0xFFFFFFF0] =	vst v2  }
0x129: {  	v2 =	vld [tilespmem:s12+$0xFFFFFFF0];
	[tilespmem:s11+$0x0] =	vst v3  }
0x12a: {  	v1 =	vld.idx.msk [tilespmem:v1+s22+$0x0], $0xffff  }
0x12b: {  	v3 =	vld [tilespmem:s12+$0x0];
	_ =	sdelay $0x3  }
0x12c: {  	v2 =	vmul.f32 v2, v1  }
0x12d: {  	v1 =	vmul.f32 v3, v1  }
0x12e: {  	[tilespmem:s12+$0xFFFFFFF0] =	vst v2  }
0x12f: {  	s13 =	rddreg [dreg:$0xa];
	s11 =	simm.s32 $0x0;
	[tilespmem:s12+$0x0] =	vst v1  }
0x130: {  	v1 =	vmov s11;
	[hbm4b:s13+s11] =	stream.linear.scatter [tilespmem:s23], [sflag:$0x5], $0x5000, $0x38;
	[tilespmem:$0x1B280] =	vst v63  }
0x131: {  	_ =	swait.ge [sflag:s20], $0x5000  }
0x132: {  	[sflag:s20] =	ssyncset.done $0x0  }
0x133: {  	s11 =	simm.s32 $0xBE10;
	[sflag:s20] =	ssyncadd.s32 $0xFFFFB000  }
0x134: {  	v2 =	vld [tilespmem:s11+$0xFFFFFFF0]  }
0x135: {  	v3 =	vld.idx.msk [tilespmem:v1+s22+$0x0], $0xffff  }
0x136: {  	v4 =	vld [tilespmem:s11+$0x0];
	_ =	sdelay $0x2  }
0x137: {  	s13 =	simm.s32 $0x1  }
0x138: {  	s12 =	simm.s32 $0xBE10;
	v1 =	vmov s13;
	s13 =	simm.s32 $0x2  }
.LBB2_18:
0x139: {  	p0 =	sne.s32 s13, $0x27F;
	v2 =	vmul.f32 v2, v3;
	v3 =	vmul.f32 v4, v3;
	_ =	sdelay $0x1  }
0x13a: {  	s12 =	sadd.s32 $0x20, s12;
	[tilespmem:s11+$0xFFFFFFF0] =	vst v2  }
0x13b: {  	v2 =	vld [tilespmem:s12+$0xFFFFFFF0];
	[tilespmem:s11+$0x0] =	vst v3;
	s11 =	smov.u32 s12  }
0x13c: {  	v3 =	vld.idx.msk [tilespmem:v1+s22+$0x0], $0xffff  }
.Ltmp8:
0x13d: {  	v4 =	vld [tilespmem:s12+$0x0];
	(pc) =	sbr.rel @p0 .LBB2_18-.Ltmp8, $2  }
0x13e: {  	_ =	sdelay $0x2  }
0x13f: {  	v1 =	vmov s13;
	s13 =	sadd.s32 $0x1, s13  }
0x140: {  	v2 =	vmul.f32 v2, v3  }
0x141: {  	v3 =	vmul.f32 v4, v3  }
0x142: {  	s12 =	sadd.s32 $0x20, s12;
	[tilespmem:s11+$0xFFFFFFF0] =	vst v2  }
0x143: {  	v2 =	vld [tilespmem:s12+$0xFFFFFFF0];
	[tilespmem:s11+$0x0] =	vst v3  }
0x144: {  	v1 =	vld.idx.msk [tilespmem:v1+s22+$0x0], $0xffff  }
0x145: {  	v3 =	vld [tilespmem:s12+$0x0];
	_ =	sdelay $0x3  }
0x146: {  	v2 =	vmul.f32 v2, v1  }
0x147: {  	v1 =	vmul.f32 v3, v1  }
0x148: {  	[tilespmem:s12+$0xFFFFFFF0] =	vst v2  }
0x149: {  	[tilespmem:s12+$0x0] =	vst v1  }
0x14a: {  	[spmem:s9] =	stream.linear.scatter [tilespmem:s23], [sflag:$0x5], $0x5000, $0x38;
	[tilespmem:$0x1B280] =	vst v63  }
0x14b: {  	_ =	swait.ge [sflag:s20], $0x5000  }
0x14c: {  	[sflag:s20] =	ssyncset.done $0x0  }
0x14d: {  	s11 =	simm.s32 $0x80;
	s12 =	simm.s32 $0x0;
	[sflag:s20] =	ssyncadd.s32 $0xFFFFB000  }
.LBB2_20:
0x14e: {  	p0 =	sne.s32 s11, $0x13F80;
	[tilespmem:s12+$0xBE00] =	vst v0;
	s13 =	smov.u32 s11;
	s11 =	sadd.s32 $0x80, s11  }
.Ltmp9:
0x14f: {  	[tilespmem:s12+$0xBE10] =	vst v0;
	(pc) =	sbr.rel @p0 .LBB2_20-.Ltmp9, $2  }
0x150: {  	_ =	sdelay $0x2  }
0x151: {  	s12 =	sshra.s32 s13, $0x2  }
0x152: {  	[tilespmem:s12+$0xBE00] =	vst v0  }
0x153: {  	[tilespmem:s12+$0xBE10] =	vst v0  }
0x154: {  	[spmem:s10] =	stream.linear.scatter [tilespmem:s23], [sflag:$0x5], $0x5000, $0x38;
	[tilespmem:$0x1B280] =	vst v63  }
0x155: {  	_ =	swait.ge [sflag:s20], $0x5000  }
0x156: {  	[sflag:s20] =	ssyncset.done $0x0  }
0x157: {  	[sflag:s20] =	ssyncadd.s32 $0xFFFFB000  }
0x158: {  	[bflag:$0x0] =	sbarrier.arrive $0xFFFF  }
0x159: {  	[tilespmem:s25], [sflag:$0x1] =	stream.indirect.gather [spmem:s2], $0x20, s4, s24, $0xb8;
	[tilespmem:$0x1B280] =	vst v63  }
0x15a: {  	_ = 	snop  }
0x15b: {  	[tilespmem:s26], [sflag:$0x2] =	stream.indirect.gather [spmem:s2], $0x20, s24, s24, $0xb8;
	[tilespmem:$0x1B280] =	vst v63  }
0x15c: {  	_ =	swait.ge [sflag:s28], $0x1000  }
0x15d: {  	[sflag:s28] =	ssyncset.done $0x0  }
0x15e: {  	[sflag:s28] =	ssyncadd.s32 $0xFFFFF000  }
0x15f: {  	[spmem:s3] =	stream.indirect.scatter.add.f32 [tilespmem:s25], [sflag:$0x3], $0x20, s21, s24, $0xb8;
	[tilespmem:$0x1B280] =	vst v63  }
0x160: {  	_ =	swait.ge [sflag:s29], $0x1000  }
0x161: {  	[sflag:s29] =	ssyncset.done $0x0  }
0x162: {  	[sflag:s29] =	ssyncadd.s32 $0xFFFFF000  }
0x163: {  	[tilespmem:s25], [sflag:$0x1] =	stream.indirect.gather [spmem:s2], $0x20, s30, s24, $0xb8;
	[tilespmem:$0x1B280] =	vst v63  }
0x164: {  	_ =	swait.ge [sflag:s31], $0x1000  }
0x165: {  	[sflag:s31] =	ssyncset.done $0x0  }
0x166: {  	[sflag:s31] =	ssyncadd.s32 $0xFFFFF000  }
0x167: {  	[spmem:s3] =	stream.indirect.scatter.add.f32 [tilespmem:s26], [sflag:$0x4], $0x20, s0, s24, $0xb8;
	[tilespmem:$0x1B280] =	vst v63  }
0x168: {  	_ =	swait.ge [sflag:s1], $0x1000  }
0x169: {  	[sflag:s1] =	ssyncset.done $0x0  }
0x16a: {  	s11 =	simm.s32 $0x180;
	[sflag:s1] =	ssyncadd.s32 $0xFFFFF000  }
0x16b: {  	[tilespmem:s26], [sflag:$0x2] =	stream.indirect.gather [spmem:s2], $0x20, s11, s24, $0xb8;
	[tilespmem:$0x1B280] =	vst v63  }
0x16c: {  	_ =	swait.ge [sflag:s28], $0x1000  }
0x16d: {  	[sflag:s28] =	ssyncset.done $0x0  }
0x16e: {  	s12 =	simm.s32 $0x5000;
	[sflag:s28] =	ssyncadd.s32 $0xFFFFF000  }
0x16f: {  	[spmem:s3] =	stream.indirect.scatter.add.f32 [tilespmem:s25], [sflag:$0x3], $0x20, s12, s24, $0xb8;
	[tilespmem:$0x1B280] =	vst v63  }
0x170: {  	_ =	swait.ge [sflag:s29], $0x1000  }
0x171: {  	[sflag:s29] =	ssyncset.done $0x0  }
0x172: {  	s13 =	simm.s32 $0x200;
	[sflag:s29] =	ssyncadd.s32 $0xFFFFF000  }
0x173: {  	[tilespmem:s25], [sflag:$0x1] =	stream.indirect.gather [spmem:s2], $0x20, s13, s24, $0xb8;
	[tilespmem:$0x1B280] =	vst v63  }
0x174: {  	_ =	swait.ge [sflag:s31], $0x1000  }
0x175: {  	[sflag:s31] =	ssyncset.done $0x0  }
0x176: {  	s11 =	simm.s32 $0xFFFED000;
	s12 =	simm.s32 $0x5080;
	[sflag:s31] =	ssyncadd.s32 $0xFFFFF000  }
.LBB2_22:
0x177: {  	[spmem:s3] =	stream.indirect.scatter.add.f32 [tilespmem:s26], [sflag:$0x4], $0x20, s12, s24, $0xb8;
	[tilespmem:$0x1B280] =	vst v63  }
0x178: {  	s12 =	smov.u32 s11  }
0x179: {  	p0 =	sne.s32 s11, $0xFFFFFC00;
	s11 =	sadd.s32 $0x400, s11;
	_ =	swait.ge [sflag:s1], $0x1000  }
0x17a: {  	s12 =	sshra.s32 s12, $0x2;
	[sflag:s1] =	ssyncset.done $0x0  }
0x17b: {  	s13 =	sadd.s32 $0x4E80, s12;
	[sflag:s1] =	ssyncadd.s32 $0xFFFFF000  }
0x17c: {  	[tilespmem:s26], [sflag:$0x2] =	stream.indirect.gather [spmem:s2], $0x20, s13, s24, $0xb8;
	[tilespmem:$0x1B280] =	vst v63  }
0x17d: {  	_ =	swait.ge [sflag:s28], $0x1000  }
0x17e: {  	[sflag:s28] =	ssyncset.done $0x0  }
0x17f: {  	s13 =	sadd.s32 $0x9D00, s12;
	[sflag:s28] =	ssyncadd.s32 $0xFFFFF000  }
0x180: {  	[spmem:s3] =	stream.indirect.scatter.add.f32 [tilespmem:s25], [sflag:$0x3], $0x20, s13, s24, $0xb8;
	[tilespmem:$0x1B280] =	vst v63  }
0x181: {  	_ =	swait.ge [sflag:s29], $0x1000  }
0x182: {  	[sflag:s29] =	ssyncset.done $0x0  }
.Ltmp10:
0x183: {  	s13 =	sadd.s32 $0x4F00, s12;
	[sflag:s29] =	ssyncadd.s32 $0xFFFFF000;
	(pc) =	sbr.rel @p0 .LBB2_22-.Ltmp10, $4  }
0x184: {  	[tilespmem:s25], [sflag:$0x1] =	stream.indirect.gather [spmem:s2], $0x20, s13, s24, $0xb8;
	[tilespmem:$0x1B280] =	vst v63  }
0x185: {  	_ =	swait.ge [sflag:s31], $0x1000  }
0x186: {  	[sflag:s31] =	ssyncset.done $0x0  }
0x187: {  	s12 =	sadd.s32 $0x9D80, s12;
	[sflag:s31] =	ssyncadd.s32 $0xFFFFF000  }
0x188: {  	[spmem:s3] =	stream.indirect.scatter.add.f32 [tilespmem:s26], [sflag:$0x4], $0x20, s12, s24, $0xb8;
	[tilespmem:$0x1B280] =	vst v63  }
0x189: {  	_ =	swait.ge [sflag:s1], $0x1000  }
0x18a: {  	[sflag:s1] =	ssyncset.done $0x0  }
0x18b: {  	[sflag:s1] =	ssyncadd.s32 $0xFFFFF000  }
0x18c: {  	[tilespmem:s26], [sflag:$0x2] =	stream.indirect.gather [spmem:s2], $0x20, s5, s24, $0xb8;
	[tilespmem:$0x1B280] =	vst v63  }
0x18d: {  	_ =	swait.ge [sflag:s28], $0x1000  }
0x18e: {  	[sflag:s28] =	ssyncset.done $0x0  }
0x18f: {  	[sflag:s28] =	ssyncadd.s32 $0xFFFFF000  }
0x190: {  	[spmem:s3] =	stream.indirect.scatter.add.f32 [tilespmem:s25], [sflag:$0x3], $0x20, s6, s24, $0xb8;
	[tilespmem:$0x1B280] =	vst v63  }
0x191: {  	_ =	swait.ge [sflag:s29], $0x1000  }
0x192: {  	[sflag:s29] =	ssyncset.done $0x0  }
0x193: {  	[sflag:s29] =	ssyncadd.s32 $0xFFFFF000  }
0x194: {  	_ =	swait.ge [sflag:s31], $0x1000  }
0x195: {  	[sflag:s31] =	ssyncset.done $0x0  }
0x196: {  	[sflag:s31] =	ssyncadd.s32 $0xFFFFF000  }
0x197: {  	[spmem:s3] =	stream.indirect.scatter.add.f32 [tilespmem:s26], [sflag:$0x4], $0x20, s7, s24, $0xb8;
	[tilespmem:$0x1B280] =	vst v63  }
0x198: {  	_ =	swait.ge [sflag:s1], $0x1000  }
0x199: {  	[sflag:s1] =	ssyncset.done $0x0  }
0x19a: {  	[sflag:s1] =	ssyncadd.s32 $0xFFFFF000  }
0x19b: {  	s11 =	simm.s32 $0x0;
	[bflag:$0x0] =	sbarrier.arrive $0xFFFF  }
0x19c: {  	v1 =	vmov s11;
	[tilespmem:s23], [sflag:$0x5] =	stream.linear.gather [spmem:s10], $0x5000, $0x38;
	[tilespmem:$0x1B280] =	vst v63  }
0x19d: {  	_ =	swait.ge [sflag:s20], $0x5000  }
0x19e: {  	[sflag:s20] =	ssyncset.done $0x0  }
0x19f: {  	s11 =	simm.s32 $0xBE10;
	[sflag:s20] =	ssyncadd.s32 $0xFFFFB000  }
0x1a0: {  	v2 =	vld [tilespmem:s11+$0xFFFFFFF0]  }
0x1a1: {  	v3 =	vld.idx.msk [tilespmem:v1+s22+$0x0], $0xffff  }
0x1a2: {  	v4 =	vld [tilespmem:s11+$0x0];
	_ =	sdelay $0x2  }
0x1a3: {  	s13 =	simm.s32 $0x1  }
0x1a4: {  	s12 =	simm.s32 $0xBE10;
	v1 =	vmov s13;
	s13 =	simm.s32 $0x2  }
.LBB2_24:
0x1a5: {  	p0 =	sne.s32 s13, $0x27F;
	v2 =	vmul.f32 v2, v3;
	v3 =	vmul.f32 v4, v3;
	_ =	sdelay $0x1  }
0x1a6: {  	s12 =	sadd.s32 $0x20, s12;
	[tilespmem:s11+$0xFFFFFFF0] =	vst v2  }
0x1a7: {  	v2 =	vld [tilespmem:s12+$0xFFFFFFF0];
	[tilespmem:s11+$0x0] =	vst v3;
	s11 =	smov.u32 s12  }
0x1a8: {  	v3 =	vld.idx.msk [tilespmem:v1+s22+$0x0], $0xffff  }
.Ltmp11:
0x1a9: {  	v4 =	vld [tilespmem:s12+$0x0];
	(pc) =	sbr.rel @p0 .LBB2_24-.Ltmp11, $2  }
0x1aa: {  	_ =	sdelay $0x2  }
0x1ab: {  	v1 =	vmov s13;
	s13 =	sadd.s32 $0x1, s13  }
0x1ac: {  	v2 =	vmul.f32 v2, v3  }
0x1ad: {  	v3 =	vmul.f32 v4, v3  }
0x1ae: {  	s12 =	sadd.s32 $0x20, s12;
	[tilespmem:s11+$0xFFFFFFF0] =	vst v2  }
0x1af: {  	v2 =	vld [tilespmem:s12+$0xFFFFFFF0];
	[tilespmem:s11+$0x0] =	vst v3  }
0x1b0: {  	v1 =	vld.idx.msk [tilespmem:v1+s22+$0x0], $0xffff  }
0x1b1: {  	v3 =	vld [tilespmem:s12+$0x0];
	_ =	sdelay $0x3  }
0x1b2: {  	v2 =	vmul.f32 v2, v1  }
0x1b3: {  	v1 =	vmul.f32 v3, v1  }
0x1b4: {  	[tilespmem:s12+$0xFFFFFFF0] =	vst v2  }
0x1b5: {  	s13 =	rddreg [dreg:$0xb];
	s11 =	simm.s32 $0x0;
	[tilespmem:s12+$0x0] =	vst v1  }
0x1b6: {  	v1 =	vmov s11;
	[hbm4b:s13+s11] =	stream.linear.scatter [tilespmem:s23], [sflag:$0x5], $0x5000, $0x38;
	[tilespmem:$0x1B280] =	vst v63  }
0x1b7: {  	_ =	swait.ge [sflag:s20], $0x5000  }
0x1b8: {  	[sflag:s20] =	ssyncset.done $0x0  }
0x1b9: {  	s11 =	simm.s32 $0xBE10;
	[sflag:s20] =	ssyncadd.s32 $0xFFFFB000  }
0x1ba: {  	v2 =	vld [tilespmem:s11+$0xFFFFFFF0]  }
0x1bb: {  	v3 =	vld.idx.msk [tilespmem:v1+s22+$0x0], $0xffff  }
0x1bc: {  	v4 =	vld [tilespmem:s11+$0x0];
	_ =	sdelay $0x2  }
0x1bd: {  	s13 =	simm.s32 $0x1  }
0x1be: {  	s12 =	simm.s32 $0xBE10;
	v1 =	vmov s13;
	s13 =	simm.s32 $0x2  }
.LBB2_26:
0x1bf: {  	p0 =	sne.s32 s13, $0x27F;
	v2 =	vmul.f32 v2, v3;
	v3 =	vmul.f32 v4, v3;
	_ =	sdelay $0x1  }
0x1c0: {  	s12 =	sadd.s32 $0x20, s12;
	[tilespmem:s11+$0xFFFFFFF0] =	vst v2  }
0x1c1: {  	v2 =	vld [tilespmem:s12+$0xFFFFFFF0];
	[tilespmem:s11+$0x0] =	vst v3;
	s11 =	smov.u32 s12  }
0x1c2: {  	v3 =	vld.idx.msk [tilespmem:v1+s22+$0x0], $0xffff  }
.Ltmp12:
0x1c3: {  	v4 =	vld [tilespmem:s12+$0x0];
	(pc) =	sbr.rel @p0 .LBB2_26-.Ltmp12, $2  }
0x1c4: {  	_ =	sdelay $0x2  }
0x1c5: {  	v1 =	vmov s13;
	s13 =	sadd.s32 $0x1, s13  }
0x1c6: {  	v2 =	vmul.f32 v2, v3  }
0x1c7: {  	v3 =	vmul.f32 v4, v3  }
0x1c8: {  	s12 =	sadd.s32 $0x20, s12;
	[tilespmem:s11+$0xFFFFFFF0] =	vst v2  }
0x1c9: {  	v2 =	vld [tilespmem:s12+$0xFFFFFFF0];
	[tilespmem:s11+$0x0] =	vst v3  }
0x1ca: {  	v1 =	vld.idx.msk [tilespmem:v1+s22+$0x0], $0xffff  }
0x1cb: {  	v3 =	vld [tilespmem:s12+$0x0];
	_ =	sdelay $0x3  }
0x1cc: {  	v2 =	vmul.f32 v2, v1  }
0x1cd: {  	v1 =	vmul.f32 v3, v1  }
0x1ce: {  	[tilespmem:s12+$0xFFFFFFF0] =	vst v2  }
0x1cf: {  	[tilespmem:s12+$0x0] =	vst v1  }
0x1d0: {  	[spmem:s10] =	stream.linear.scatter [tilespmem:s23], [sflag:$0x5], $0x5000, $0x38;
	[tilespmem:$0x1B280] =	vst v63  }
0x1d1: {  	_ =	swait.ge [sflag:s20], $0x5000  }
0x1d2: {  	[sflag:s20] =	ssyncset.done $0x0  }
0x1d3: {  	s11 =	simm.s32 $0x80;
	s12 =	simm.s32 $0x0;
	[sflag:s20] =	ssyncadd.s32 $0xFFFFB000  }
.LBB2_28:
0x1d4: {  	p0 =	sne.s32 s11, $0x13F80;
	[tilespmem:s12+$0xBE00] =	vst v0;
	s13 =	smov.u32 s11;
	s11 =	sadd.s32 $0x80, s11  }
.Ltmp13:
0x1d5: {  	[tilespmem:s12+$0xBE10] =	vst v0;
	(pc) =	sbr.rel @p0 .LBB2_28-.Ltmp13, $2  }
0x1d6: {  	_ =	sdelay $0x2  }
0x1d7: {  	s12 =	sshra.s32 s13, $0x2  }
0x1d8: {  	[tilespmem:s12+$0xBE00] =	vst v0  }
0x1d9: {  	[tilespmem:s12+$0xBE10] =	vst v0  }
0x1da: {  	[spmem:s9] =	stream.linear.scatter [tilespmem:s23], [sflag:$0x5], $0x5000, $0x38;
	[tilespmem:$0x1B280] =	vst v63  }
0x1db: {  	_ =	swait.ge [sflag:s20], $0x5000  }
0x1dc: {  	[sflag:s20] =	ssyncset.done $0x0  }
0x1dd: {  	[sflag:s20] =	ssyncadd.s32 $0xFFFFB000  }
0x1de: {  	[bflag:$0x0] =	sbarrier.arrive $0xFFFF  }
0x1df: {  	[tilespmem:s25], [sflag:$0x1] =	stream.indirect.gather [spmem:s3], $0x20, s4, s24, $0xb8;
	[tilespmem:$0x1B280] =	vst v63  }
0x1e0: {  	_ = 	snop  }
0x1e1: {  	[tilespmem:s26], [sflag:$0x2] =	stream.indirect.gather [spmem:s3], $0x20, s24, s24, $0xb8;
	[tilespmem:$0x1B280] =	vst v63  }
0x1e2: {  	_ =	swait.ge [sflag:s28], $0x1000  }
0x1e3: {  	[sflag:s28] =	ssyncset.done $0x0  }
0x1e4: {  	[sflag:s28] =	ssyncadd.s32 $0xFFFFF000  }
0x1e5: {  	[spmem:s2] =	stream.indirect.scatter.add.f32 [tilespmem:s25], [sflag:$0x3], $0x20, s21, s24, $0xb8;
	[tilespmem:$0x1B280] =	vst v63  }
0x1e6: {  	_ =	swait.ge [sflag:s29], $0x1000  }
0x1e7: {  	[sflag:s29] =	ssyncset.done $0x0  }
0x1e8: {  	[sflag:s29] =	ssyncadd.s32 $0xFFFFF000  }
0x1e9: {  	[tilespmem:s25], [sflag:$0x1] =	stream.indirect.gather [spmem:s3], $0x20, s30, s24, $0xb8;
	[tilespmem:$0x1B280] =	vst v63  }
0x1ea: {  	_ =	swait.ge [sflag:s31], $0x1000  }
0x1eb: {  	[sflag:s31] =	ssyncset.done $0x0  }
0x1ec: {  	[sflag:s31] =	ssyncadd.s32 $0xFFFFF000  }
0x1ed: {  	[spmem:s2] =	stream.indirect.scatter.add.f32 [tilespmem:s26], [sflag:$0x4], $0x20, s0, s24, $0xb8;
	[tilespmem:$0x1B280] =	vst v63  }
0x1ee: {  	_ =	swait.ge [sflag:s1], $0x1000  }
0x1ef: {  	[sflag:s1] =	ssyncset.done $0x0  }
0x1f0: {  	s11 =	simm.s32 $0x180;
	[sflag:s1] =	ssyncadd.s32 $0xFFFFF000  }
0x1f1: {  	[tilespmem:s26], [sflag:$0x2] =	stream.indirect.gather [spmem:s3], $0x20, s11, s24, $0xb8;
	[tilespmem:$0x1B280] =	vst v63  }
0x1f2: {  	_ =	swait.ge [sflag:s28], $0x1000  }
0x1f3: {  	[sflag:s28] =	ssyncset.done $0x0  }
0x1f4: {  	s12 =	simm.s32 $0x5000;
	[sflag:s28] =	ssyncadd.s32 $0xFFFFF000  }
0x1f5: {  	[spmem:s2] =	stream.indirect.scatter.add.f32 [tilespmem:s25], [sflag:$0x3], $0x20, s12, s24, $0xb8;
	[tilespmem:$0x1B280] =	vst v63  }
0x1f6: {  	_ =	swait.ge [sflag:s29], $0x1000  }
0x1f7: {  	[sflag:s29] =	ssyncset.done $0x0  }
0x1f8: {  	s13 =	simm.s32 $0x200;
	[sflag:s29] =	ssyncadd.s32 $0xFFFFF000  }
0x1f9: {  	[tilespmem:s25], [sflag:$0x1] =	stream.indirect.gather [spmem:s3], $0x20, s13, s24, $0xb8;
	[tilespmem:$0x1B280] =	vst v63  }
0x1fa: {  	_ =	swait.ge [sflag:s31], $0x1000  }
0x1fb: {  	[sflag:s31] =	ssyncset.done $0x0  }
0x1fc: {  	s11 =	simm.s32 $0xFFFED000;
	s12 =	simm.s32 $0x5080;
	[sflag:s31] =	ssyncadd.s32 $0xFFFFF000  }
.LBB2_30:
0x1fd: {  	[spmem:s2] =	stream.indirect.scatter.add.f32 [tilespmem:s26], [sflag:$0x4], $0x20, s12, s24, $0xb8;
	[tilespmem:$0x1B280] =	vst v63  }
0x1fe: {  	s12 =	smov.u32 s11  }
0x1ff: {  	p0 =	sne.s32 s11, $0xFFFFFC00;
	s11 =	sadd.s32 $0x400, s11;
	_ =	swait.ge [sflag:s1], $0x1000  }
0x200: {  	s12 =	sshra.s32 s12, $0x2;
	[sflag:s1] =	ssyncset.done $0x0  }
0x201: {  	s13 =	sadd.s32 $0x4E80, s12;
	[sflag:s1] =	ssyncadd.s32 $0xFFFFF000  }
0x202: {  	[tilespmem:s26], [sflag:$0x2] =	stream.indirect.gather [spmem:s3], $0x20, s13, s24, $0xb8;
	[tilespmem:$0x1B280] =	vst v63  }
0x203: {  	_ =	swait.ge [sflag:s28], $0x1000  }
0x204: {  	[sflag:s28] =	ssyncset.done $0x0  }
0x205: {  	s13 =	sadd.s32 $0x9D00, s12;
	[sflag:s28] =	ssyncadd.s32 $0xFFFFF000  }
0x206: {  	[spmem:s2] =	stream.indirect.scatter.add.f32 [tilespmem:s25], [sflag:$0x3], $0x20, s13, s24, $0xb8;
	[tilespmem:$0x1B280] =	vst v63  }
0x207: {  	_ =	swait.ge [sflag:s29], $0x1000  }
0x208: {  	[sflag:s29] =	ssyncset.done $0x0  }
.Ltmp14:
0x209: {  	s13 =	sadd.s32 $0x4F00, s12;
	[sflag:s29] =	ssyncadd.s32 $0xFFFFF000;
	(pc) =	sbr.rel @p0 .LBB2_30-.Ltmp14, $4  }
0x20a: {  	[tilespmem:s25], [sflag:$0x1] =	stream.indirect.gather [spmem:s3], $0x20, s13, s24, $0xb8;
	[tilespmem:$0x1B280] =	vst v63  }
0x20b: {  	_ =	swait.ge [sflag:s31], $0x1000  }
0x20c: {  	[sflag:s31] =	ssyncset.done $0x0  }
0x20d: {  	s12 =	sadd.s32 $0x9D80, s12;
	[sflag:s31] =	ssyncadd.s32 $0xFFFFF000  }
0x20e: {  	[spmem:s2] =	stream.indirect.scatter.add.f32 [tilespmem:s26], [sflag:$0x4], $0x20, s12, s24, $0xb8;
	[tilespmem:$0x1B280] =	vst v63  }
0x20f: {  	_ =	swait.ge [sflag:s1], $0x1000  }
0x210: {  	[sflag:s1] =	ssyncset.done $0x0  }
0x211: {  	[sflag:s1] =	ssyncadd.s32 $0xFFFFF000  }
0x212: {  	[tilespmem:s26], [sflag:$0x2] =	stream.indirect.gather [spmem:s3], $0x20, s5, s24, $0xb8;
	[tilespmem:$0x1B280] =	vst v63  }
0x213: {  	_ =	swait.ge [sflag:s28], $0x1000  }
0x214: {  	[sflag:s28] =	ssyncset.done $0x0  }
0x215: {  	[sflag:s28] =	ssyncadd.s32 $0xFFFFF000  }
0x216: {  	[spmem:s2] =	stream.indirect.scatter.add.f32 [tilespmem:s25], [sflag:$0x3], $0x20, s6, s24, $0xb8;
	[tilespmem:$0x1B280] =	vst v63  }
0x217: {  	_ =	swait.ge [sflag:s29], $0x1000  }
0x218: {  	[sflag:s29] =	ssyncset.done $0x0  }
0x219: {  	[sflag:s29] =	ssyncadd.s32 $0xFFFFF000  }
0x21a: {  	_ =	swait.ge [sflag:s31], $0x1000  }
0x21b: {  	[sflag:s31] =	ssyncset.done $0x0  }
0x21c: {  	[sflag:s31] =	ssyncadd.s32 $0xFFFFF000  }
0x21d: {  	[spmem:s2] =	stream.indirect.scatter.add.f32 [tilespmem:s26], [sflag:$0x4], $0x20, s7, s24, $0xb8;
	[tilespmem:$0x1B280] =	vst v63  }
0x21e: {  	_ =	swait.ge [sflag:s1], $0x1000  }
0x21f: {  	[sflag:s1] =	ssyncset.done $0x0  }
0x220: {  	[sflag:s1] =	ssyncadd.s32 $0xFFFFF000  }
0x221: {  	s11 =	simm.s32 $0x0;
	[bflag:$0x0] =	sbarrier.arrive $0xFFFF  }
0x222: {  	v1 =	vmov s11;
	[tilespmem:s23], [sflag:$0x5] =	stream.linear.gather [spmem:s9], $0x5000, $0x38;
	[tilespmem:$0x1B280] =	vst v63  }
0x223: {  	_ =	swait.ge [sflag:s20], $0x5000  }
0x224: {  	[sflag:s20] =	ssyncset.done $0x0  }
0x225: {  	s11 =	simm.s32 $0xBE10;
	[sflag:s20] =	ssyncadd.s32 $0xFFFFB000  }
0x226: {  	v2 =	vld [tilespmem:s11+$0xFFFFFFF0]  }
0x227: {  	v3 =	vld.idx.msk [tilespmem:v1+s22+$0x0], $0xffff  }
0x228: {  	v4 =	vld [tilespmem:s11+$0x0];
	_ =	sdelay $0x2  }
0x229: {  	s13 =	simm.s32 $0x1  }
0x22a: {  	s12 =	simm.s32 $0xBE10;
	v1 =	vmov s13;
	s13 =	simm.s32 $0x2  }
.LBB2_32:
0x22b: {  	p0 =	sne.s32 s13, $0x27F;
	v2 =	vmul.f32 v2, v3;
	v3 =	vmul.f32 v4, v3;
	_ =	sdelay $0x1  }
0x22c: {  	s12 =	sadd.s32 $0x20, s12;
	[tilespmem:s11+$0xFFFFFFF0] =	vst v2  }
0x22d: {  	v2 =	vld [tilespmem:s12+$0xFFFFFFF0];
	[tilespmem:s11+$0x0] =	vst v3;
	s11 =	smov.u32 s12  }
0x22e: {  	v3 =	vld.idx.msk [tilespmem:v1+s22+$0x0], $0xffff  }
.Ltmp15:
0x22f: {  	v4 =	vld [tilespmem:s12+$0x0];
	(pc) =	sbr.rel @p0 .LBB2_32-.Ltmp15, $2  }
0x230: {  	_ =	sdelay $0x2  }
0x231: {  	v1 =	vmov s13;
	s13 =	sadd.s32 $0x1, s13  }
0x232: {  	v2 =	vmul.f32 v2, v3  }
0x233: {  	v3 =	vmul.f32 v4, v3  }
0x234: {  	s12 =	sadd.s32 $0x20, s12;
	[tilespmem:s11+$0xFFFFFFF0] =	vst v2  }
0x235: {  	v2 =	vld [tilespmem:s12+$0xFFFFFFF0];
	[tilespmem:s11+$0x0] =	vst v3  }
0x236: {  	v1 =	vld.idx.msk [tilespmem:v1+s22+$0x0], $0xffff  }
0x237: {  	v3 =	vld [tilespmem:s12+$0x0];
	_ =	sdelay $0x3  }
0x238: {  	v2 =	vmul.f32 v2, v1  }
0x239: {  	v1 =	vmul.f32 v3, v1  }
0x23a: {  	[tilespmem:s12+$0xFFFFFFF0] =	vst v2  }
0x23b: {  	[tilespmem:s12+$0x0] =	vst v1;
	s12 =	simm.s32 $0x0  }
0x23c: {  	[hbm4b:s14+s12] =	stream.linear.scatter [tilespmem:s23], [sflag:$0x5], $0x5000, $0x38;
	[tilespmem:$0x1B280] =	vst v63  }
0x23d: {  	v1 =	vmov s12;
	_ =	swait.ge [sflag:s20], $0x5000  }
0x23e: {  	[sflag:s20] =	ssyncset.done $0x0  }
0x23f: {  	s11 =	simm.s32 $0xBE10;
	[sflag:s20] =	ssyncadd.s32 $0xFFFFB000  }
0x240: {  	v2 =	vld [tilespmem:s11+$0xFFFFFFF0]  }
0x241: {  	v4 =	vld [tilespmem:s11+$0x0]  }
0x242: {  	v3 =	vld.idx.msk [tilespmem:v1+s22+$0x0], $0xffff;
	_ =	sdelay $0x2  }
0x243: {  	s13 =	simm.s32 $0x1  }
0x244: {  	s12 =	simm.s32 $0xBE10;
	v1 =	vmov s13;
	s13 =	simm.s32 $0x2  }
.LBB2_34:
0x245: {  	p0 =	sne.s32 s13, $0x27F;
	v2 =	vmul.f32 v2, v3;
	v3 =	vmul.f32 v4, v3;
	_ =	sdelay $0x1  }
0x246: {  	s12 =	sadd.s32 $0x20, s12;
	[tilespmem:s11+$0xFFFFFFF0] =	vst v2  }
0x247: {  	v2 =	vld [tilespmem:s12+$0xFFFFFFF0];
	[tilespmem:s11+$0x0] =	vst v3;
	s11 =	smov.u32 s12  }
0x248: {  	v3 =	vld.idx.msk [tilespmem:v1+s22+$0x0], $0xffff  }
.Ltmp16:
0x249: {  	v4 =	vld [tilespmem:s12+$0x0];
	(pc) =	sbr.rel @p0 .LBB2_34-.Ltmp16, $2  }
0x24a: {  	_ =	sdelay $0x2  }
0x24b: {  	v1 =	vmov s13;
	s13 =	sadd.s32 $0x1, s13  }
0x24c: {  	v2 =	vmul.f32 v2, v3  }
0x24d: {  	v3 =	vmul.f32 v4, v3  }
0x24e: {  	s12 =	sadd.s32 $0x20, s12;
	[tilespmem:s11+$0xFFFFFFF0] =	vst v2  }
0x24f: {  	v2 =	vld [tilespmem:s12+$0xFFFFFFF0];
	[tilespmem:s11+$0x0] =	vst v3  }
0x250: {  	v1 =	vld.idx.msk [tilespmem:v1+s22+$0x0], $0xffff  }
0x251: {  	v3 =	vld [tilespmem:s12+$0x0];
	_ =	sdelay $0x3  }
0x252: {  	v2 =	vmul.f32 v2, v1  }
0x253: {  	v1 =	vmul.f32 v3, v1  }
0x254: {  	[tilespmem:s12+$0xFFFFFFF0] =	vst v2  }
0x255: {  	[tilespmem:s12+$0x0] =	vst v1  }
0x256: {  	[spmem:s9] =	stream.linear.scatter [tilespmem:s23], [sflag:$0x5], $0x5000, $0x38;
	[tilespmem:$0x1B280] =	vst v63  }
0x257: {  	_ =	swait.ge [sflag:s20], $0x5000  }
0x258: {  	[sflag:s20] =	ssyncset.done $0x0  }
0x259: {  	s11 =	simm.s32 $0x80;
	s12 =	simm.s32 $0x0;
	[sflag:s20] =	ssyncadd.s32 $0xFFFFB000  }
.LBB2_36:
0x25a: {  	p0 =	sne.s32 s11, $0x13F80;
	[tilespmem:s12+$0xBE00] =	vst v0;
	s13 =	smov.u32 s11;
	s11 =	sadd.s32 $0x80, s11  }
.Ltmp17:
0x25b: {  	[tilespmem:s12+$0xBE10] =	vst v0;
	(pc) =	sbr.rel @p0 .LBB2_36-.Ltmp17, $2  }
0x25c: {  	_ =	sdelay $0x2  }
0x25d: {  	s12 =	sshra.s32 s13, $0x2  }
0x25e: {  	[tilespmem:s12+$0xBE00] =	vst v0  }
0x25f: {  	[tilespmem:s12+$0xBE10] =	vst v0  }
0x260: {  	[spmem:s10] =	stream.linear.scatter [tilespmem:s23], [sflag:$0x5], $0x5000, $0x38;
	[tilespmem:$0x1B280] =	vst v63  }
0x261: {  	_ =	swait.ge [sflag:s20], $0x5000  }
0x262: {  	[sflag:s20] =	ssyncset.done $0x0  }
0x263: {  	[sflag:s20] =	ssyncadd.s32 $0xFFFFB000  }
0x264: {  	[bflag:$0x0] =	sbarrier.arrive $0xFFFF  }
0x265: {  	[tilespmem:s25], [sflag:$0x1] =	stream.indirect.gather [spmem:s2], $0x20, s4, s24, $0xb8;
	[tilespmem:$0x1B280] =	vst v63  }
0x266: {  	_ = 	snop  }
0x267: {  	[tilespmem:s26], [sflag:$0x2] =	stream.indirect.gather [spmem:s2], $0x20, s24, s24, $0xb8;
	[tilespmem:$0x1B280] =	vst v63  }
0x268: {  	_ =	swait.ge [sflag:s28], $0x1000  }
0x269: {  	[sflag:s28] =	ssyncset.done $0x0  }
0x26a: {  	[sflag:s28] =	ssyncadd.s32 $0xFFFFF000  }
0x26b: {  	[spmem:s3] =	stream.indirect.scatter.add.f32 [tilespmem:s25], [sflag:$0x3], $0x20, s21, s24, $0xb8;
	[tilespmem:$0x1B280] =	vst v63  }
0x26c: {  	_ =	swait.ge [sflag:s29], $0x1000  }
0x26d: {  	[sflag:s29] =	ssyncset.done $0x0  }
0x26e: {  	[sflag:s29] =	ssyncadd.s32 $0xFFFFF000  }
0x26f: {  	[tilespmem:s25], [sflag:$0x1] =	stream.indirect.gather [spmem:s2], $0x20, s30, s24, $0xb8;
	[tilespmem:$0x1B280] =	vst v63  }
0x270: {  	_ =	swait.ge [sflag:s31], $0x1000  }
0x271: {  	[sflag:s31] =	ssyncset.done $0x0  }
0x272: {  	[sflag:s31] =	ssyncadd.s32 $0xFFFFF000  }
0x273: {  	[spmem:s3] =	stream.indirect.scatter.add.f32 [tilespmem:s26], [sflag:$0x4], $0x20, s0, s24, $0xb8;
	[tilespmem:$0x1B280] =	vst v63  }
0x274: {  	_ =	swait.ge [sflag:s1], $0x1000  }
0x275: {  	[sflag:s1] =	ssyncset.done $0x0  }
0x276: {  	s11 =	simm.s32 $0x180;
	[sflag:s1] =	ssyncadd.s32 $0xFFFFF000  }
0x277: {  	[tilespmem:s26], [sflag:$0x2] =	stream.indirect.gather [spmem:s2], $0x20, s11, s24, $0xb8;
	[tilespmem:$0x1B280] =	vst v63  }
0x278: {  	_ =	swait.ge [sflag:s28], $0x1000  }
0x279: {  	[sflag:s28] =	ssyncset.done $0x0  }
0x27a: {  	s12 =	simm.s32 $0x5000;
	[sflag:s28] =	ssyncadd.s32 $0xFFFFF000  }
0x27b: {  	[spmem:s3] =	stream.indirect.scatter.add.f32 [tilespmem:s25], [sflag:$0x3], $0x20, s12, s24, $0xb8;
	[tilespmem:$0x1B280] =	vst v63  }
0x27c: {  	_ =	swait.ge [sflag:s29], $0x1000  }
0x27d: {  	[sflag:s29] =	ssyncset.done $0x0  }
0x27e: {  	s13 =	simm.s32 $0x200;
	[sflag:s29] =	ssyncadd.s32 $0xFFFFF000  }
0x27f: {  	[tilespmem:s25], [sflag:$0x1] =	stream.indirect.gather [spmem:s2], $0x20, s13, s24, $0xb8;
	[tilespmem:$0x1B280] =	vst v63  }
0x280: {  	_ =	swait.ge [sflag:s31], $0x1000  }
0x281: {  	[sflag:s31] =	ssyncset.done $0x0  }
0x282: {  	s11 =	simm.s32 $0xFFFED000;
	s12 =	simm.s32 $0x5080;
	[sflag:s31] =	ssyncadd.s32 $0xFFFFF000  }
.LBB2_38:
0x283: {  	[spmem:s3] =	stream.indirect.scatter.add.f32 [tilespmem:s26], [sflag:$0x4], $0x20, s12, s24, $0xb8;
	[tilespmem:$0x1B280] =	vst v63  }
0x284: {  	s12 =	smov.u32 s11  }
0x285: {  	p0 =	sne.s32 s11, $0xFFFFFC00;
	s11 =	sadd.s32 $0x400, s11;
	_ =	swait.ge [sflag:s1], $0x1000  }
0x286: {  	s12 =	sshra.s32 s12, $0x2;
	[sflag:s1] =	ssyncset.done $0x0  }
0x287: {  	s13 =	sadd.s32 $0x4E80, s12;
	[sflag:s1] =	ssyncadd.s32 $0xFFFFF000  }
0x288: {  	[tilespmem:s26], [sflag:$0x2] =	stream.indirect.gather [spmem:s2], $0x20, s13, s24, $0xb8;
	[tilespmem:$0x1B280] =	vst v63  }
0x289: {  	_ =	swait.ge [sflag:s28], $0x1000  }
0x28a: {  	[sflag:s28] =	ssyncset.done $0x0  }
0x28b: {  	s13 =	sadd.s32 $0x9D00, s12;
	[sflag:s28] =	ssyncadd.s32 $0xFFFFF000  }
0x28c: {  	[spmem:s3] =	stream.indirect.scatter.add.f32 [tilespmem:s25], [sflag:$0x3], $0x20, s13, s24, $0xb8;
	[tilespmem:$0x1B280] =	vst v63  }
0x28d: {  	_ =	swait.ge [sflag:s29], $0x1000  }
0x28e: {  	[sflag:s29] =	ssyncset.done $0x0  }
.Ltmp18:
0x28f: {  	s13 =	sadd.s32 $0x4F00, s12;
	[sflag:s29] =	ssyncadd.s32 $0xFFFFF000;
	(pc) =	sbr.rel @p0 .LBB2_38-.Ltmp18, $4  }
0x290: {  	[tilespmem:s25], [sflag:$0x1] =	stream.indirect.gather [spmem:s2], $0x20, s13, s24, $0xb8;
	[tilespmem:$0x1B280] =	vst v63  }
0x291: {  	_ =	swait.ge [sflag:s31], $0x1000  }
0x292: {  	[sflag:s31] =	ssyncset.done $0x0  }
0x293: {  	s12 =	sadd.s32 $0x9D80, s12;
	[sflag:s31] =	ssyncadd.s32 $0xFFFFF000  }
0x294: {  	[spmem:s3] =	stream.indirect.scatter.add.f32 [tilespmem:s26], [sflag:$0x4], $0x20, s12, s24, $0xb8;
	[tilespmem:$0x1B280] =	vst v63  }
0x295: {  	_ =	swait.ge [sflag:s1], $0x1000  }
0x296: {  	[sflag:s1] =	ssyncset.done $0x0  }
0x297: {  	[sflag:s1] =	ssyncadd.s32 $0xFFFFF000  }
0x298: {  	[tilespmem:s26], [sflag:$0x2] =	stream.indirect.gather [spmem:s2], $0x20, s5, s24, $0xb8;
	[tilespmem:$0x1B280] =	vst v63  }
0x299: {  	_ =	swait.ge [sflag:s28], $0x1000  }
0x29a: {  	[sflag:s28] =	ssyncset.done $0x0  }
0x29b: {  	[sflag:s28] =	ssyncadd.s32 $0xFFFFF000  }
0x29c: {  	[spmem:s3] =	stream.indirect.scatter.add.f32 [tilespmem:s25], [sflag:$0x3], $0x20, s6, s24, $0xb8;
	[tilespmem:$0x1B280] =	vst v63  }
0x29d: {  	_ =	swait.ge [sflag:s29], $0x1000  }
0x29e: {  	[sflag:s29] =	ssyncset.done $0x0  }
0x29f: {  	[sflag:s29] =	ssyncadd.s32 $0xFFFFF000  }
0x2a0: {  	_ =	swait.ge [sflag:s31], $0x1000  }
0x2a1: {  	[sflag:s31] =	ssyncset.done $0x0  }
0x2a2: {  	[sflag:s31] =	ssyncadd.s32 $0xFFFFF000  }
0x2a3: {  	[spmem:s3] =	stream.indirect.scatter.add.f32 [tilespmem:s26], [sflag:$0x4], $0x20, s7, s24, $0xb8;
	[tilespmem:$0x1B280] =	vst v63  }
0x2a4: {  	_ =	swait.ge [sflag:s1], $0x1000  }
0x2a5: {  	[sflag:s1] =	ssyncset.done $0x0  }
0x2a6: {  	[sflag:s1] =	ssyncadd.s32 $0xFFFFF000  }
0x2a7: {  	s11 =	simm.s32 $0x0;
	[bflag:$0x0] =	sbarrier.arrive $0xFFFF  }
0x2a8: {  	v1 =	vmov s11;
	[tilespmem:s23], [sflag:$0x5] =	stream.linear.gather [spmem:s10], $0x5000, $0x38;
	[tilespmem:$0x1B280] =	vst v63  }
0x2a9: {  	_ =	swait.ge [sflag:s20], $0x5000  }
0x2aa: {  	[sflag:s20] =	ssyncset.done $0x0  }
0x2ab: {  	s11 =	simm.s32 $0xBE10;
	[sflag:s20] =	ssyncadd.s32 $0xFFFFB000  }
0x2ac: {  	v2 =	vld [tilespmem:s11+$0xFFFFFFF0]  }
0x2ad: {  	v3 =	vld.idx.msk [tilespmem:v1+s22+$0x0], $0xffff  }
0x2ae: {  	v4 =	vld [tilespmem:s11+$0x0];
	_ =	sdelay $0x2  }
0x2af: {  	s13 =	simm.s32 $0x1  }
0x2b0: {  	s12 =	simm.s32 $0xBE10;
	v1 =	vmov s13;
	s13 =	simm.s32 $0x2  }
.LBB2_40:
0x2b1: {  	p0 =	sne.s32 s13, $0x27F;
	v2 =	vmul.f32 v2, v3;
	v3 =	vmul.f32 v4, v3;
	_ =	sdelay $0x1  }
0x2b2: {  	s12 =	sadd.s32 $0x20, s12;
	[tilespmem:s11+$0xFFFFFFF0] =	vst v2  }
0x2b3: {  	v2 =	vld [tilespmem:s12+$0xFFFFFFF0];
	[tilespmem:s11+$0x0] =	vst v3;
	s11 =	smov.u32 s12  }
0x2b4: {  	v3 =	vld.idx.msk [tilespmem:v1+s22+$0x0], $0xffff  }
.Ltmp19:
0x2b5: {  	v4 =	vld [tilespmem:s12+$0x0];
	(pc) =	sbr.rel @p0 .LBB2_40-.Ltmp19, $2  }
0x2b6: {  	_ =	sdelay $0x2  }
0x2b7: {  	v1 =	vmov s13;
	s13 =	sadd.s32 $0x1, s13  }
0x2b8: {  	v2 =	vmul.f32 v2, v3  }
0x2b9: {  	v3 =	vmul.f32 v4, v3  }
0x2ba: {  	s12 =	sadd.s32 $0x20, s12;
	[tilespmem:s11+$0xFFFFFFF0] =	vst v2  }
0x2bb: {  	v2 =	vld [tilespmem:s12+$0xFFFFFFF0];
	[tilespmem:s11+$0x0] =	vst v3  }
0x2bc: {  	v1 =	vld.idx.msk [tilespmem:v1+s22+$0x0], $0xffff  }
0x2bd: {  	v3 =	vld [tilespmem:s12+$0x0];
	_ =	sdelay $0x3  }
0x2be: {  	v2 =	vmul.f32 v2, v1  }
0x2bf: {  	v1 =	vmul.f32 v3, v1  }
0x2c0: {  	[tilespmem:s12+$0xFFFFFFF0] =	vst v2  }
0x2c1: {  	[tilespmem:s12+$0x0] =	vst v1;
	s12 =	simm.s32 $0x0  }
0x2c2: {  	[hbm4b:s15+s12] =	stream.linear.scatter [tilespmem:s23], [sflag:$0x5], $0x5000, $0x38;
	[tilespmem:$0x1B280] =	vst v63  }
0x2c3: {  	v1 =	vmov s12;
	_ =	swait.ge [sflag:s20], $0x5000  }
0x2c4: {  	[sflag:s20] =	ssyncset.done $0x0  }
0x2c5: {  	s11 =	simm.s32 $0xBE10;
	[sflag:s20] =	ssyncadd.s32 $0xFFFFB000  }
0x2c6: {  	v2 =	vld [tilespmem:s11+$0xFFFFFFF0]  }
0x2c7: {  	v4 =	vld [tilespmem:s11+$0x0]  }
0x2c8: {  	v3 =	vld.idx.msk [tilespmem:v1+s22+$0x0], $0xffff;
	_ =	sdelay $0x2  }
0x2c9: {  	s13 =	simm.s32 $0x1  }
0x2ca: {  	s12 =	simm.s32 $0xBE10;
	v1 =	vmov s13;
	s13 =	simm.s32 $0x2  }
.LBB2_42:
0x2cb: {  	p0 =	sne.s32 s13, $0x27F;
	v2 =	vmul.f32 v2, v3;
	v3 =	vmul.f32 v4, v3;
	_ =	sdelay $0x1  }
0x2cc: {  	s12 =	sadd.s32 $0x20, s12;
	[tilespmem:s11+$0xFFFFFFF0] =	vst v2  }
0x2cd: {  	v2 =	vld [tilespmem:s12+$0xFFFFFFF0];
	[tilespmem:s11+$0x0] =	vst v3;
	s11 =	smov.u32 s12  }
0x2ce: {  	v3 =	vld.idx.msk [tilespmem:v1+s22+$0x0], $0xffff  }
.Ltmp20:
0x2cf: {  	v4 =	vld [tilespmem:s12+$0x0];
	(pc) =	sbr.rel @p0 .LBB2_42-.Ltmp20, $2  }
0x2d0: {  	_ =	sdelay $0x2  }
0x2d1: {  	v1 =	vmov s13;
	s13 =	sadd.s32 $0x1, s13  }
0x2d2: {  	v2 =	vmul.f32 v2, v3  }
0x2d3: {  	v3 =	vmul.f32 v4, v3  }
0x2d4: {  	s12 =	sadd.s32 $0x20, s12;
	[tilespmem:s11+$0xFFFFFFF0] =	vst v2  }
0x2d5: {  	v2 =	vld [tilespmem:s12+$0xFFFFFFF0];
	[tilespmem:s11+$0x0] =	vst v3  }
0x2d6: {  	v1 =	vld.idx.msk [tilespmem:v1+s22+$0x0], $0xffff  }
0x2d7: {  	v3 =	vld [tilespmem:s12+$0x0];
	_ =	sdelay $0x3  }
0x2d8: {  	v2 =	vmul.f32 v2, v1  }
0x2d9: {  	v1 =	vmul.f32 v3, v1  }
0x2da: {  	[tilespmem:s12+$0xFFFFFFF0] =	vst v2  }
0x2db: {  	[tilespmem:s12+$0x0] =	vst v1  }
0x2dc: {  	[spmem:s10] =	stream.linear.scatter [tilespmem:s23], [sflag:$0x5], $0x5000, $0x38;
	[tilespmem:$0x1B280] =	vst v63  }
0x2dd: {  	_ =	swait.ge [sflag:s20], $0x5000  }
0x2de: {  	[sflag:s20] =	ssyncset.done $0x0  }
0x2df: {  	s11 =	simm.s32 $0x80;
	s12 =	simm.s32 $0x0;
	[sflag:s20] =	ssyncadd.s32 $0xFFFFB000  }
.LBB2_44:
0x2e0: {  	p0 =	sne.s32 s11, $0x13F80;
	[tilespmem:s12+$0xBE00] =	vst v0;
	s13 =	smov.u32 s11;
	s11 =	sadd.s32 $0x80, s11  }
.Ltmp21:
0x2e1: {  	[tilespmem:s12+$0xBE10] =	vst v0;
	(pc) =	sbr.rel @p0 .LBB2_44-.Ltmp21, $2  }
0x2e2: {  	_ =	sdelay $0x2  }
0x2e3: {  	s12 =	sshra.s32 s13, $0x2  }
0x2e4: {  	[tilespmem:s12+$0xBE00] =	vst v0  }
0x2e5: {  	[tilespmem:s12+$0xBE10] =	vst v0  }
0x2e6: {  	[spmem:s9] =	stream.linear.scatter [tilespmem:s23], [sflag:$0x5], $0x5000, $0x38;
	[tilespmem:$0x1B280] =	vst v63  }
0x2e7: {  	_ =	swait.ge [sflag:s20], $0x5000  }
0x2e8: {  	[sflag:s20] =	ssyncset.done $0x0  }
0x2e9: {  	[sflag:s20] =	ssyncadd.s32 $0xFFFFB000  }
0x2ea: {  	[bflag:$0x0] =	sbarrier.arrive $0xFFFF  }
0x2eb: {  	[tilespmem:s25], [sflag:$0x1] =	stream.indirect.gather [spmem:s3], $0x20, s4, s24, $0xb8;
	[tilespmem:$0x1B280] =	vst v63  }
0x2ec: {  	_ = 	snop  }
0x2ed: {  	[tilespmem:s26], [sflag:$0x2] =	stream.indirect.gather [spmem:s3], $0x20, s24, s24, $0xb8;
	[tilespmem:$0x1B280] =	vst v63  }
0x2ee: {  	_ =	swait.ge [sflag:s28], $0x1000  }
0x2ef: {  	[sflag:s28] =	ssyncset.done $0x0  }
0x2f0: {  	[sflag:s28] =	ssyncadd.s32 $0xFFFFF000  }
0x2f1: {  	[spmem:s2] =	stream.indirect.scatter.add.f32 [tilespmem:s25], [sflag:$0x3], $0x20, s21, s24, $0xb8;
	[tilespmem:$0x1B280] =	vst v63  }
0x2f2: {  	_ =	swait.ge [sflag:s29], $0x1000  }
0x2f3: {  	[sflag:s29] =	ssyncset.done $0x0  }
0x2f4: {  	[sflag:s29] =	ssyncadd.s32 $0xFFFFF000  }
0x2f5: {  	[tilespmem:s25], [sflag:$0x1] =	stream.indirect.gather [spmem:s3], $0x20, s30, s24, $0xb8;
	[tilespmem:$0x1B280] =	vst v63  }
0x2f6: {  	_ =	swait.ge [sflag:s31], $0x1000  }
0x2f7: {  	[sflag:s31] =	ssyncset.done $0x0  }
0x2f8: {  	[sflag:s31] =	ssyncadd.s32 $0xFFFFF000  }
0x2f9: {  	[spmem:s2] =	stream.indirect.scatter.add.f32 [tilespmem:s26], [sflag:$0x4], $0x20, s0, s24, $0xb8;
	[tilespmem:$0x1B280] =	vst v63  }
0x2fa: {  	_ =	swait.ge [sflag:s1], $0x1000  }
0x2fb: {  	[sflag:s1] =	ssyncset.done $0x0  }
0x2fc: {  	s11 =	simm.s32 $0x180;
	[sflag:s1] =	ssyncadd.s32 $0xFFFFF000  }
0x2fd: {  	[tilespmem:s26], [sflag:$0x2] =	stream.indirect.gather [spmem:s3], $0x20, s11, s24, $0xb8;
	[tilespmem:$0x1B280] =	vst v63  }
0x2fe: {  	_ =	swait.ge [sflag:s28], $0x1000  }
0x2ff: {  	[sflag:s28] =	ssyncset.done $0x0  }
0x300: {  	s12 =	simm.s32 $0x5000;
	[sflag:s28] =	ssyncadd.s32 $0xFFFFF000  }
0x301: {  	[spmem:s2] =	stream.indirect.scatter.add.f32 [tilespmem:s25], [sflag:$0x3], $0x20, s12, s24, $0xb8;
	[tilespmem:$0x1B280] =	vst v63  }
0x302: {  	_ =	swait.ge [sflag:s29], $0x1000  }
0x303: {  	[sflag:s29] =	ssyncset.done $0x0  }
0x304: {  	s13 =	simm.s32 $0x200;
	[sflag:s29] =	ssyncadd.s32 $0xFFFFF000  }
0x305: {  	[tilespmem:s25], [sflag:$0x1] =	stream.indirect.gather [spmem:s3], $0x20, s13, s24, $0xb8;
	[tilespmem:$0x1B280] =	vst v63  }
0x306: {  	_ =	swait.ge [sflag:s31], $0x1000  }
0x307: {  	[sflag:s31] =	ssyncset.done $0x0  }
0x308: {  	s11 =	simm.s32 $0xFFFED000;
	s12 =	simm.s32 $0x5080;
	[sflag:s31] =	ssyncadd.s32 $0xFFFFF000  }
.LBB2_46:
0x309: {  	[spmem:s2] =	stream.indirect.scatter.add.f32 [tilespmem:s26], [sflag:$0x4], $0x20, s12, s24, $0xb8;
	[tilespmem:$0x1B280] =	vst v63  }
0x30a: {  	s12 =	smov.u32 s11  }
0x30b: {  	p0 =	sne.s32 s11, $0xFFFFFC00;
	s11 =	sadd.s32 $0x400, s11;
	_ =	swait.ge [sflag:s1], $0x1000  }
0x30c: {  	s12 =	sshra.s32 s12, $0x2;
	[sflag:s1] =	ssyncset.done $0x0  }
0x30d: {  	s13 =	sadd.s32 $0x4E80, s12;
	[sflag:s1] =	ssyncadd.s32 $0xFFFFF000  }
0x30e: {  	[tilespmem:s26], [sflag:$0x2] =	stream.indirect.gather [spmem:s3], $0x20, s13, s24, $0xb8;
	[tilespmem:$0x1B280] =	vst v63  }
0x30f: {  	_ =	swait.ge [sflag:s28], $0x1000  }
0x310: {  	[sflag:s28] =	ssyncset.done $0x0  }
0x311: {  	s13 =	sadd.s32 $0x9D00, s12;
	[sflag:s28] =	ssyncadd.s32 $0xFFFFF000  }
0x312: {  	[spmem:s2] =	stream.indirect.scatter.add.f32 [tilespmem:s25], [sflag:$0x3], $0x20, s13, s24, $0xb8;
	[tilespmem:$0x1B280] =	vst v63  }
0x313: {  	_ =	swait.ge [sflag:s29], $0x1000  }
0x314: {  	[sflag:s29] =	ssyncset.done $0x0  }
.Ltmp22:
0x315: {  	s13 =	sadd.s32 $0x4F00, s12;
	[sflag:s29] =	ssyncadd.s32 $0xFFFFF000;
	(pc) =	sbr.rel @p0 .LBB2_46-.Ltmp22, $4  }
0x316: {  	[tilespmem:s25], [sflag:$0x1] =	stream.indirect.gather [spmem:s3], $0x20, s13, s24, $0xb8;
	[tilespmem:$0x1B280] =	vst v63  }
0x317: {  	_ =	swait.ge [sflag:s31], $0x1000  }
0x318: {  	[sflag:s31] =	ssyncset.done $0x0  }
0x319: {  	s12 =	sadd.s32 $0x9D80, s12;
	[sflag:s31] =	ssyncadd.s32 $0xFFFFF000  }
0x31a: {  	[spmem:s2] =	stream.indirect.scatter.add.f32 [tilespmem:s26], [sflag:$0x4], $0x20, s12, s24, $0xb8;
	[tilespmem:$0x1B280] =	vst v63  }
0x31b: {  	_ =	swait.ge [sflag:s1], $0x1000  }
0x31c: {  	[sflag:s1] =	ssyncset.done $0x0  }
0x31d: {  	[sflag:s1] =	ssyncadd.s32 $0xFFFFF000  }
0x31e: {  	[tilespmem:s26], [sflag:$0x2] =	stream.indirect.gather [spmem:s3], $0x20, s5, s24, $0xb8;
	[tilespmem:$0x1B280] =	vst v63  }
0x31f: {  	_ =	swait.ge [sflag:s28], $0x1000  }
0x320: {  	[sflag:s28] =	ssyncset.done $0x0  }
0x321: {  	[sflag:s28] =	ssyncadd.s32 $0xFFFFF000  }
0x322: {  	[spmem:s2] =	stream.indirect.scatter.add.f32 [tilespmem:s25], [sflag:$0x3], $0x20, s6, s24, $0xb8;
	[tilespmem:$0x1B280] =	vst v63  }
0x323: {  	_ =	swait.ge [sflag:s29], $0x1000  }
0x324: {  	[sflag:s29] =	ssyncset.done $0x0  }
0x325: {  	[sflag:s29] =	ssyncadd.s32 $0xFFFFF000  }
0x326: {  	_ =	swait.ge [sflag:s31], $0x1000  }
0x327: {  	[sflag:s31] =	ssyncset.done $0x0  }
0x328: {  	[sflag:s31] =	ssyncadd.s32 $0xFFFFF000  }
0x329: {  	[spmem:s2] =	stream.indirect.scatter.add.f32 [tilespmem:s26], [sflag:$0x4], $0x20, s7, s24, $0xb8;
	[tilespmem:$0x1B280] =	vst v63  }
0x32a: {  	_ =	swait.ge [sflag:s1], $0x1000  }
0x32b: {  	[sflag:s1] =	ssyncset.done $0x0  }
0x32c: {  	[sflag:s1] =	ssyncadd.s32 $0xFFFFF000  }
0x32d: {  	s11 =	simm.s32 $0x0;
	[bflag:$0x0] =	sbarrier.arrive $0xFFFF  }
0x32e: {  	v1 =	vmov s11;
	[tilespmem:s23], [sflag:$0x5] =	stream.linear.gather [spmem:s9], $0x5000, $0x38;
	[tilespmem:$0x1B280] =	vst v63  }
0x32f: {  	_ =	swait.ge [sflag:s20], $0x5000  }
0x330: {  	[sflag:s20] =	ssyncset.done $0x0  }
0x331: {  	s11 =	simm.s32 $0xBE10;
	[sflag:s20] =	ssyncadd.s32 $0xFFFFB000  }
0x332: {  	v2 =	vld [tilespmem:s11+$0xFFFFFFF0]  }
0x333: {  	v3 =	vld.idx.msk [tilespmem:v1+s22+$0x0], $0xffff  }
0x334: {  	v4 =	vld [tilespmem:s11+$0x0];
	_ =	sdelay $0x2  }
0x335: {  	s13 =	simm.s32 $0x1  }
0x336: {  	s12 =	simm.s32 $0xBE10;
	v1 =	vmov s13;
	s13 =	simm.s32 $0x2  }
.LBB2_48:
0x337: {  	p0 =	sne.s32 s13, $0x27F;
	v2 =	vmul.f32 v2, v3;
	v3 =	vmul.f32 v4, v3;
	_ =	sdelay $0x1  }
0x338: {  	s12 =	sadd.s32 $0x20, s12;
	[tilespmem:s11+$0xFFFFFFF0] =	vst v2  }
0x339: {  	v2 =	vld [tilespmem:s12+$0xFFFFFFF0];
	[tilespmem:s11+$0x0] =	vst v3;
	s11 =	smov.u32 s12  }
0x33a: {  	v3 =	vld.idx.msk [tilespmem:v1+s22+$0x0], $0xffff  }
.Ltmp23:
0x33b: {  	v4 =	vld [tilespmem:s12+$0x0];
	(pc) =	sbr.rel @p0 .LBB2_48-.Ltmp23, $2  }
0x33c: {  	_ =	sdelay $0x2  }
0x33d: {  	v1 =	vmov s13;
	s13 =	sadd.s32 $0x1, s13  }
0x33e: {  	v2 =	vmul.f32 v2, v3  }
0x33f: {  	v3 =	vmul.f32 v4, v3  }
0x340: {  	s12 =	sadd.s32 $0x20, s12;
	[tilespmem:s11+$0xFFFFFFF0] =	vst v2  }
0x341: {  	v2 =	vld [tilespmem:s12+$0xFFFFFFF0];
	[tilespmem:s11+$0x0] =	vst v3  }
0x342: {  	v1 =	vld.idx.msk [tilespmem:v1+s22+$0x0], $0xffff  }
0x343: {  	v3 =	vld [tilespmem:s12+$0x0];
	_ =	sdelay $0x3  }
0x344: {  	v2 =	vmul.f32 v2, v1  }
0x345: {  	v1 =	vmul.f32 v3, v1  }
0x346: {  	[tilespmem:s12+$0xFFFFFFF0] =	vst v2  }
0x347: {  	[tilespmem:s12+$0x0] =	vst v1;
	s12 =	simm.s32 $0x0  }
0x348: {  	[hbm4b:s16+s12] =	stream.linear.scatter [tilespmem:s23], [sflag:$0x5], $0x5000, $0x38;
	[tilespmem:$0x1B280] =	vst v63  }
0x349: {  	v1 =	vmov s12;
	_ =	swait.ge [sflag:s20], $0x5000  }
0x34a: {  	[sflag:s20] =	ssyncset.done $0x0  }
0x34b: {  	s11 =	simm.s32 $0xBE10;
	[sflag:s20] =	ssyncadd.s32 $0xFFFFB000  }
0x34c: {  	v2 =	vld [tilespmem:s11+$0xFFFFFFF0]  }
0x34d: {  	v4 =	vld [tilespmem:s11+$0x0]  }
0x34e: {  	v3 =	vld.idx.msk [tilespmem:v1+s22+$0x0], $0xffff;
	_ =	sdelay $0x2  }
0x34f: {  	s13 =	simm.s32 $0x1  }
0x350: {  	s12 =	simm.s32 $0xBE10;
	v1 =	vmov s13;
	s13 =	simm.s32 $0x2  }
.LBB2_50:
0x351: {  	p0 =	sne.s32 s13, $0x27F;
	v2 =	vmul.f32 v2, v3;
	v3 =	vmul.f32 v4, v3;
	_ =	sdelay $0x1  }
0x352: {  	s12 =	sadd.s32 $0x20, s12;
	[tilespmem:s11+$0xFFFFFFF0] =	vst v2  }
0x353: {  	v2 =	vld [tilespmem:s12+$0xFFFFFFF0];
	[tilespmem:s11+$0x0] =	vst v3;
	s11 =	smov.u32 s12  }
0x354: {  	v3 =	vld.idx.msk [tilespmem:v1+s22+$0x0], $0xffff  }
.Ltmp24:
0x355: {  	v4 =	vld [tilespmem:s12+$0x0];
	(pc) =	sbr.rel @p0 .LBB2_50-.Ltmp24, $2  }
0x356: {  	_ =	sdelay $0x2  }
0x357: {  	v1 =	vmov s13;
	s13 =	sadd.s32 $0x1, s13  }
0x358: {  	v2 =	vmul.f32 v2, v3  }
0x359: {  	v3 =	vmul.f32 v4, v3  }
0x35a: {  	s12 =	sadd.s32 $0x20, s12;
	[tilespmem:s11+$0xFFFFFFF0] =	vst v2  }
0x35b: {  	v2 =	vld [tilespmem:s12+$0xFFFFFFF0];
	[tilespmem:s11+$0x0] =	vst v3  }
0x35c: {  	v1 =	vld.idx.msk [tilespmem:v1+s22+$0x0], $0xffff  }
0x35d: {  	v3 =	vld [tilespmem:s12+$0x0];
	_ =	sdelay $0x3  }
0x35e: {  	v2 =	vmul.f32 v2, v1  }
0x35f: {  	v1 =	vmul.f32 v3, v1  }
0x360: {  	[tilespmem:s12+$0xFFFFFFF0] =	vst v2  }
0x361: {  	[tilespmem:s12+$0x0] =	vst v1  }
0x362: {  	[spmem:s9] =	stream.linear.scatter [tilespmem:s23], [sflag:$0x5], $0x5000, $0x38;
	[tilespmem:$0x1B280] =	vst v63  }
0x363: {  	_ =	swait.ge [sflag:s20], $0x5000  }
0x364: {  	[sflag:s20] =	ssyncset.done $0x0  }
0x365: {  	s11 =	simm.s32 $0x80;
	s12 =	simm.s32 $0x0;
	[sflag:s20] =	ssyncadd.s32 $0xFFFFB000  }
.LBB2_52:
0x366: {  	p0 =	sne.s32 s11, $0x13F80;
	[tilespmem:s12+$0xBE00] =	vst v0;
	s13 =	smov.u32 s11;
	s11 =	sadd.s32 $0x80, s11  }
.Ltmp25:
0x367: {  	[tilespmem:s12+$0xBE10] =	vst v0;
	(pc) =	sbr.rel @p0 .LBB2_52-.Ltmp25, $2  }
0x368: {  	_ =	sdelay $0x2  }
0x369: {  	s12 =	sshra.s32 s13, $0x2  }
0x36a: {  	[tilespmem:s12+$0xBE00] =	vst v0  }
0x36b: {  	[tilespmem:s12+$0xBE10] =	vst v0  }
0x36c: {  	[spmem:s10] =	stream.linear.scatter [tilespmem:s23], [sflag:$0x5], $0x5000, $0x38;
	[tilespmem:$0x1B280] =	vst v63  }
0x36d: {  	_ =	swait.ge [sflag:s20], $0x5000  }
0x36e: {  	[sflag:s20] =	ssyncset.done $0x0  }
0x36f: {  	[sflag:s20] =	ssyncadd.s32 $0xFFFFB000  }
0x370: {  	[bflag:$0x0] =	sbarrier.arrive $0xFFFF  }
0x371: {  	[tilespmem:s25], [sflag:$0x1] =	stream.indirect.gather [spmem:s2], $0x20, s4, s24, $0xb8;
	[tilespmem:$0x1B280] =	vst v63  }
0x372: {  	_ = 	snop  }
0x373: {  	[tilespmem:s26], [sflag:$0x2] =	stream.indirect.gather [spmem:s2], $0x20, s24, s24, $0xb8;
	[tilespmem:$0x1B280] =	vst v63  }
0x374: {  	_ =	swait.ge [sflag:s28], $0x1000  }
0x375: {  	[sflag:s28] =	ssyncset.done $0x0  }
0x376: {  	[sflag:s28] =	ssyncadd.s32 $0xFFFFF000  }
0x377: {  	[spmem:s3] =	stream.indirect.scatter.add.f32 [tilespmem:s25], [sflag:$0x3], $0x20, s21, s24, $0xb8;
	[tilespmem:$0x1B280] =	vst v63  }
0x378: {  	_ =	swait.ge [sflag:s29], $0x1000  }
0x379: {  	[sflag:s29] =	ssyncset.done $0x0  }
0x37a: {  	[sflag:s29] =	ssyncadd.s32 $0xFFFFF000  }
0x37b: {  	[tilespmem:s25], [sflag:$0x1] =	stream.indirect.gather [spmem:s2], $0x20, s30, s24, $0xb8;
	[tilespmem:$0x1B280] =	vst v63  }
0x37c: {  	_ =	swait.ge [sflag:s31], $0x1000  }
0x37d: {  	[sflag:s31] =	ssyncset.done $0x0  }
0x37e: {  	[sflag:s31] =	ssyncadd.s32 $0xFFFFF000  }
0x37f: {  	[spmem:s3] =	stream.indirect.scatter.add.f32 [tilespmem:s26], [sflag:$0x4], $0x20, s0, s24, $0xb8;
	[tilespmem:$0x1B280] =	vst v63  }
0x380: {  	_ =	swait.ge [sflag:s1], $0x1000  }
0x381: {  	[sflag:s1] =	ssyncset.done $0x0  }
0x382: {  	s11 =	simm.s32 $0x180;
	[sflag:s1] =	ssyncadd.s32 $0xFFFFF000  }
0x383: {  	[tilespmem:s26], [sflag:$0x2] =	stream.indirect.gather [spmem:s2], $0x20, s11, s24, $0xb8;
	[tilespmem:$0x1B280] =	vst v63  }
0x384: {  	_ =	swait.ge [sflag:s28], $0x1000  }
0x385: {  	[sflag:s28] =	ssyncset.done $0x0  }
0x386: {  	s12 =	simm.s32 $0x5000;
	[sflag:s28] =	ssyncadd.s32 $0xFFFFF000  }
0x387: {  	[spmem:s3] =	stream.indirect.scatter.add.f32 [tilespmem:s25], [sflag:$0x3], $0x20, s12, s24, $0xb8;
	[tilespmem:$0x1B280] =	vst v63  }
0x388: {  	_ =	swait.ge [sflag:s29], $0x1000  }
0x389: {  	[sflag:s29] =	ssyncset.done $0x0  }
0x38a: {  	s13 =	simm.s32 $0x200;
	[sflag:s29] =	ssyncadd.s32 $0xFFFFF000  }
0x38b: {  	[tilespmem:s25], [sflag:$0x1] =	stream.indirect.gather [spmem:s2], $0x20, s13, s24, $0xb8;
	[tilespmem:$0x1B280] =	vst v63  }
0x38c: {  	_ =	swait.ge [sflag:s31], $0x1000  }
0x38d: {  	[sflag:s31] =	ssyncset.done $0x0  }
0x38e: {  	s11 =	simm.s32 $0xFFFED000;
	s12 =	simm.s32 $0x5080;
	[sflag:s31] =	ssyncadd.s32 $0xFFFFF000  }
.LBB2_54:
0x38f: {  	[spmem:s3] =	stream.indirect.scatter.add.f32 [tilespmem:s26], [sflag:$0x4], $0x20, s12, s24, $0xb8;
	[tilespmem:$0x1B280] =	vst v63  }
0x390: {  	s12 =	smov.u32 s11  }
0x391: {  	p0 =	sne.s32 s11, $0xFFFFFC00;
	s11 =	sadd.s32 $0x400, s11;
	_ =	swait.ge [sflag:s1], $0x1000  }
0x392: {  	s12 =	sshra.s32 s12, $0x2;
	[sflag:s1] =	ssyncset.done $0x0  }
0x393: {  	s13 =	sadd.s32 $0x4E80, s12;
	[sflag:s1] =	ssyncadd.s32 $0xFFFFF000  }
0x394: {  	[tilespmem:s26], [sflag:$0x2] =	stream.indirect.gather [spmem:s2], $0x20, s13, s24, $0xb8;
	[tilespmem:$0x1B280] =	vst v63  }
0x395: {  	_ =	swait.ge [sflag:s28], $0x1000  }
0x396: {  	[sflag:s28] =	ssyncset.done $0x0  }
0x397: {  	s13 =	sadd.s32 $0x9D00, s12;
	[sflag:s28] =	ssyncadd.s32 $0xFFFFF000  }
0x398: {  	[spmem:s3] =	stream.indirect.scatter.add.f32 [tilespmem:s25], [sflag:$0x3], $0x20, s13, s24, $0xb8;
	[tilespmem:$0x1B280] =	vst v63  }
0x399: {  	_ =	swait.ge [sflag:s29], $0x1000  }
0x39a: {  	[sflag:s29] =	ssyncset.done $0x0  }
.Ltmp26:
0x39b: {  	s13 =	sadd.s32 $0x4F00, s12;
	[sflag:s29] =	ssyncadd.s32 $0xFFFFF000;
	(pc) =	sbr.rel @p0 .LBB2_54-.Ltmp26, $4  }
0x39c: {  	[tilespmem:s25], [sflag:$0x1] =	stream.indirect.gather [spmem:s2], $0x20, s13, s24, $0xb8;
	[tilespmem:$0x1B280] =	vst v63  }
0x39d: {  	_ =	swait.ge [sflag:s31], $0x1000  }
0x39e: {  	[sflag:s31] =	ssyncset.done $0x0  }
0x39f: {  	s12 =	sadd.s32 $0x9D80, s12;
	[sflag:s31] =	ssyncadd.s32 $0xFFFFF000  }
0x3a0: {  	[spmem:s3] =	stream.indirect.scatter.add.f32 [tilespmem:s26], [sflag:$0x4], $0x20, s12, s24, $0xb8;
	[tilespmem:$0x1B280] =	vst v63  }
0x3a1: {  	_ =	swait.ge [sflag:s1], $0x1000  }
0x3a2: {  	[sflag:s1] =	ssyncset.done $0x0  }
0x3a3: {  	[sflag:s1] =	ssyncadd.s32 $0xFFFFF000  }
0x3a4: {  	[tilespmem:s26], [sflag:$0x2] =	stream.indirect.gather [spmem:s2], $0x20, s5, s24, $0xb8;
	[tilespmem:$0x1B280] =	vst v63  }
0x3a5: {  	_ =	swait.ge [sflag:s28], $0x1000  }
0x3a6: {  	[sflag:s28] =	ssyncset.done $0x0  }
0x3a7: {  	[sflag:s28] =	ssyncadd.s32 $0xFFFFF000  }
0x3a8: {  	[spmem:s3] =	stream.indirect.scatter.add.f32 [tilespmem:s25], [sflag:$0x3], $0x20, s6, s24, $0xb8;
	[tilespmem:$0x1B280] =	vst v63  }
0x3a9: {  	_ =	swait.ge [sflag:s29], $0x1000  }
0x3aa: {  	[sflag:s29] =	ssyncset.done $0x0  }
0x3ab: {  	[sflag:s29] =	ssyncadd.s32 $0xFFFFF000  }
0x3ac: {  	_ =	swait.ge [sflag:s31], $0x1000  }
0x3ad: {  	[sflag:s31] =	ssyncset.done $0x0  }
0x3ae: {  	[sflag:s31] =	ssyncadd.s32 $0xFFFFF000  }
0x3af: {  	[spmem:s3] =	stream.indirect.scatter.add.f32 [tilespmem:s26], [sflag:$0x4], $0x20, s7, s24, $0xb8;
	[tilespmem:$0x1B280] =	vst v63  }
0x3b0: {  	_ =	swait.ge [sflag:s1], $0x1000  }
0x3b1: {  	[sflag:s1] =	ssyncset.done $0x0  }
0x3b2: {  	[sflag:s1] =	ssyncadd.s32 $0xFFFFF000  }
0x3b3: {  	s11 =	simm.s32 $0x0;
	[bflag:$0x0] =	sbarrier.arrive $0xFFFF  }
0x3b4: {  	v1 =	vmov s11;
	[tilespmem:s23], [sflag:$0x5] =	stream.linear.gather [spmem:s10], $0x5000, $0x38;
	[tilespmem:$0x1B280] =	vst v63  }
0x3b5: {  	_ =	swait.ge [sflag:s20], $0x5000  }
0x3b6: {  	[sflag:s20] =	ssyncset.done $0x0  }
0x3b7: {  	s11 =	simm.s32 $0xBE10;
	[sflag:s20] =	ssyncadd.s32 $0xFFFFB000  }
0x3b8: {  	v2 =	vld [tilespmem:s11+$0xFFFFFFF0]  }
0x3b9: {  	v3 =	vld.idx.msk [tilespmem:v1+s22+$0x0], $0xffff  }
0x3ba: {  	v4 =	vld [tilespmem:s11+$0x0];
	_ =	sdelay $0x2  }
0x3bb: {  	s13 =	simm.s32 $0x1  }
0x3bc: {  	s12 =	simm.s32 $0xBE10;
	v1 =	vmov s13;
	s13 =	simm.s32 $0x2  }
.LBB2_56:
0x3bd: {  	p0 =	sne.s32 s13, $0x27F;
	v2 =	vmul.f32 v2, v3;
	v3 =	vmul.f32 v4, v3;
	_ =	sdelay $0x1  }
0x3be: {  	s12 =	sadd.s32 $0x20, s12;
	[tilespmem:s11+$0xFFFFFFF0] =	vst v2  }
0x3bf: {  	v2 =	vld [tilespmem:s12+$0xFFFFFFF0];
	[tilespmem:s11+$0x0] =	vst v3;
	s11 =	smov.u32 s12  }
0x3c0: {  	v3 =	vld.idx.msk [tilespmem:v1+s22+$0x0], $0xffff  }
.Ltmp27:
0x3c1: {  	v4 =	vld [tilespmem:s12+$0x0];
	(pc) =	sbr.rel @p0 .LBB2_56-.Ltmp27, $2  }
0x3c2: {  	_ =	sdelay $0x2  }
0x3c3: {  	v1 =	vmov s13;
	s13 =	sadd.s32 $0x1, s13  }
0x3c4: {  	v2 =	vmul.f32 v2, v3  }
0x3c5: {  	v3 =	vmul.f32 v4, v3  }
0x3c6: {  	s12 =	sadd.s32 $0x20, s12;
	[tilespmem:s11+$0xFFFFFFF0] =	vst v2  }
0x3c7: {  	v2 =	vld [tilespmem:s12+$0xFFFFFFF0];
	[tilespmem:s11+$0x0] =	vst v3  }
0x3c8: {  	v1 =	vld.idx.msk [tilespmem:v1+s22+$0x0], $0xffff  }
0x3c9: {  	v3 =	vld [tilespmem:s12+$0x0];
	_ =	sdelay $0x3  }
0x3ca: {  	v2 =	vmul.f32 v2, v1  }
0x3cb: {  	v1 =	vmul.f32 v3, v1  }
0x3cc: {  	[tilespmem:s12+$0xFFFFFFF0] =	vst v2  }
0x3cd: {  	[tilespmem:s12+$0x0] =	vst v1;
	s12 =	simm.s32 $0x0  }
0x3ce: {  	[hbm4b:s17+s12] =	stream.linear.scatter [tilespmem:s23], [sflag:$0x5], $0x5000, $0x38;
	[tilespmem:$0x1B280] =	vst v63  }
0x3cf: {  	v1 =	vmov s12;
	_ =	swait.ge [sflag:s20], $0x5000  }
0x3d0: {  	[sflag:s20] =	ssyncset.done $0x0  }
0x3d1: {  	s11 =	simm.s32 $0xBE10;
	[sflag:s20] =	ssyncadd.s32 $0xFFFFB000  }
0x3d2: {  	v2 =	vld [tilespmem:s11+$0xFFFFFFF0]  }
0x3d3: {  	v4 =	vld [tilespmem:s11+$0x0]  }
0x3d4: {  	v3 =	vld.idx.msk [tilespmem:v1+s22+$0x0], $0xffff;
	_ =	sdelay $0x2  }
0x3d5: {  	s13 =	simm.s32 $0x1  }
0x3d6: {  	s12 =	simm.s32 $0xBE10;
	v1 =	vmov s13;
	s13 =	simm.s32 $0x2  }
.LBB2_58:
0x3d7: {  	p0 =	sne.s32 s13, $0x27F;
	v2 =	vmul.f32 v2, v3;
	v3 =	vmul.f32 v4, v3;
	_ =	sdelay $0x1  }
0x3d8: {  	s12 =	sadd.s32 $0x20, s12;
	[tilespmem:s11+$0xFFFFFFF0] =	vst v2  }
0x3d9: {  	v2 =	vld [tilespmem:s12+$0xFFFFFFF0];
	[tilespmem:s11+$0x0] =	vst v3;
	s11 =	smov.u32 s12  }
0x3da: {  	v3 =	vld.idx.msk [tilespmem:v1+s22+$0x0], $0xffff  }
.Ltmp28:
0x3db: {  	v4 =	vld [tilespmem:s12+$0x0];
	(pc) =	sbr.rel @p0 .LBB2_58-.Ltmp28, $2  }
0x3dc: {  	_ =	sdelay $0x2  }
0x3dd: {  	v1 =	vmov s13;
	s13 =	sadd.s32 $0x1, s13  }
0x3de: {  	v2 =	vmul.f32 v2, v3  }
0x3df: {  	v3 =	vmul.f32 v4, v3  }
0x3e0: {  	s12 =	sadd.s32 $0x20, s12;
	[tilespmem:s11+$0xFFFFFFF0] =	vst v2  }
0x3e1: {  	v2 =	vld [tilespmem:s12+$0xFFFFFFF0];
	[tilespmem:s11+$0x0] =	vst v3  }
0x3e2: {  	v1 =	vld.idx.msk [tilespmem:v1+s22+$0x0], $0xffff  }
0x3e3: {  	v3 =	vld [tilespmem:s12+$0x0];
	_ =	sdelay $0x3  }
0x3e4: {  	v2 =	vmul.f32 v2, v1  }
0x3e5: {  	v1 =	vmul.f32 v3, v1  }
0x3e6: {  	[tilespmem:s12+$0xFFFFFFF0] =	vst v2  }
0x3e7: {  	[tilespmem:s12+$0x0] =	vst v1  }
0x3e8: {  	[spmem:s10] =	stream.linear.scatter [tilespmem:s23], [sflag:$0x5], $0x5000, $0x38;
	[tilespmem:$0x1B280] =	vst v63  }
0x3e9: {  	_ =	swait.ge [sflag:s20], $0x5000  }
0x3ea: {  	[sflag:s20] =	ssyncset.done $0x0  }
0x3eb: {  	s11 =	simm.s32 $0x80;
	s12 =	simm.s32 $0x0;
	[sflag:s20] =	ssyncadd.s32 $0xFFFFB000  }
.LBB2_60:
0x3ec: {  	p0 =	sne.s32 s11, $0x13F80;
	[tilespmem:s12+$0xBE00] =	vst v0;
	s13 =	smov.u32 s11;
	s11 =	sadd.s32 $0x80, s11  }
.Ltmp29:
0x3ed: {  	[tilespmem:s12+$0xBE10] =	vst v0;
	(pc) =	sbr.rel @p0 .LBB2_60-.Ltmp29, $2  }
0x3ee: {  	_ =	sdelay $0x2  }
0x3ef: {  	s12 =	sshra.s32 s13, $0x2  }
0x3f0: {  	[tilespmem:s12+$0xBE00] =	vst v0  }
0x3f1: {  	[tilespmem:s12+$0xBE10] =	vst v0  }
0x3f2: {  	[spmem:s9] =	stream.linear.scatter [tilespmem:s23], [sflag:$0x5], $0x5000, $0x38;
	[tilespmem:$0x1B280] =	vst v63  }
0x3f3: {  	_ =	swait.ge [sflag:s20], $0x5000  }
0x3f4: {  	[sflag:s20] =	ssyncset.done $0x0  }
0x3f5: {  	[sflag:s20] =	ssyncadd.s32 $0xFFFFB000  }
0x3f6: {  	[bflag:$0x0] =	sbarrier.arrive $0xFFFF  }
0x3f7: {  	[tilespmem:s25], [sflag:$0x1] =	stream.indirect.gather [spmem:s3], $0x20, s4, s24, $0xb8;
	[tilespmem:$0x1B280] =	vst v63  }
0x3f8: {  	_ = 	snop  }
0x3f9: {  	[tilespmem:s26], [sflag:$0x2] =	stream.indirect.gather [spmem:s3], $0x20, s24, s24, $0xb8;
	[tilespmem:$0x1B280] =	vst v63  }
0x3fa: {  	_ =	swait.ge [sflag:s28], $0x1000  }
0x3fb: {  	[sflag:s28] =	ssyncset.done $0x0  }
0x3fc: {  	[sflag:s28] =	ssyncadd.s32 $0xFFFFF000  }
0x3fd: {  	[spmem:s2] =	stream.indirect.scatter.add.f32 [tilespmem:s25], [sflag:$0x3], $0x20, s21, s24, $0xb8;
	[tilespmem:$0x1B280] =	vst v63  }
0x3fe: {  	_ =	swait.ge [sflag:s29], $0x1000  }
0x3ff: {  	[sflag:s29] =	ssyncset.done $0x0  }
0x400: {  	[sflag:s29] =	ssyncadd.s32 $0xFFFFF000  }
0x401: {  	[tilespmem:s25], [sflag:$0x1] =	stream.indirect.gather [spmem:s3], $0x20, s30, s24, $0xb8;
	[tilespmem:$0x1B280] =	vst v63  }
0x402: {  	_ =	swait.ge [sflag:s31], $0x1000  }
0x403: {  	[sflag:s31] =	ssyncset.done $0x0  }
0x404: {  	[sflag:s31] =	ssyncadd.s32 $0xFFFFF000  }
0x405: {  	[spmem:s2] =	stream.indirect.scatter.add.f32 [tilespmem:s26], [sflag:$0x4], $0x20, s0, s24, $0xb8;
	[tilespmem:$0x1B280] =	vst v63  }
0x406: {  	_ =	swait.ge [sflag:s1], $0x1000  }
0x407: {  	[sflag:s1] =	ssyncset.done $0x0  }
0x408: {  	s11 =	simm.s32 $0x180;
	[sflag:s1] =	ssyncadd.s32 $0xFFFFF000  }
0x409: {  	[tilespmem:s26], [sflag:$0x2] =	stream.indirect.gather [spmem:s3], $0x20, s11, s24, $0xb8;
	[tilespmem:$0x1B280] =	vst v63  }
0x40a: {  	_ =	swait.ge [sflag:s28], $0x1000  }
0x40b: {  	[sflag:s28] =	ssyncset.done $0x0  }
0x40c: {  	s12 =	simm.s32 $0x5000;
	[sflag:s28] =	ssyncadd.s32 $0xFFFFF000  }
0x40d: {  	[spmem:s2] =	stream.indirect.scatter.add.f32 [tilespmem:s25], [sflag:$0x3], $0x20, s12, s24, $0xb8;
	[tilespmem:$0x1B280] =	vst v63  }
0x40e: {  	_ =	swait.ge [sflag:s29], $0x1000  }
0x40f: {  	[sflag:s29] =	ssyncset.done $0x0  }
0x410: {  	s13 =	simm.s32 $0x200;
	[sflag:s29] =	ssyncadd.s32 $0xFFFFF000  }
0x411: {  	[tilespmem:s25], [sflag:$0x1] =	stream.indirect.gather [spmem:s3], $0x20, s13, s24, $0xb8;
	[tilespmem:$0x1B280] =	vst v63  }
0x412: {  	_ =	swait.ge [sflag:s31], $0x1000  }
0x413: {  	[sflag:s31] =	ssyncset.done $0x0  }
0x414: {  	s11 =	simm.s32 $0xFFFED000;
	s12 =	simm.s32 $0x5080;
	[sflag:s31] =	ssyncadd.s32 $0xFFFFF000  }
.LBB2_62:
0x415: {  	[spmem:s2] =	stream.indirect.scatter.add.f32 [tilespmem:s26], [sflag:$0x4], $0x20, s12, s24, $0xb8;
	[tilespmem:$0x1B280] =	vst v63  }
0x416: {  	s12 =	smov.u32 s11  }
0x417: {  	p0 =	sne.s32 s11, $0xFFFFFC00;
	s11 =	sadd.s32 $0x400, s11;
	_ =	swait.ge [sflag:s1], $0x1000  }
0x418: {  	s12 =	sshra.s32 s12, $0x2;
	[sflag:s1] =	ssyncset.done $0x0  }
0x419: {  	s13 =	sadd.s32 $0x4E80, s12;
	[sflag:s1] =	ssyncadd.s32 $0xFFFFF000  }
0x41a: {  	[tilespmem:s26], [sflag:$0x2] =	stream.indirect.gather [spmem:s3], $0x20, s13, s24, $0xb8;
	[tilespmem:$0x1B280] =	vst v63  }
0x41b: {  	_ =	swait.ge [sflag:s28], $0x1000  }
0x41c: {  	[sflag:s28] =	ssyncset.done $0x0  }
0x41d: {  	s13 =	sadd.s32 $0x9D00, s12;
	[sflag:s28] =	ssyncadd.s32 $0xFFFFF000  }
0x41e: {  	[spmem:s2] =	stream.indirect.scatter.add.f32 [tilespmem:s25], [sflag:$0x3], $0x20, s13, s24, $0xb8;
	[tilespmem:$0x1B280] =	vst v63  }
0x41f: {  	_ =	swait.ge [sflag:s29], $0x1000  }
0x420: {  	[sflag:s29] =	ssyncset.done $0x0  }
.Ltmp30:
0x421: {  	s13 =	sadd.s32 $0x4F00, s12;
	[sflag:s29] =	ssyncadd.s32 $0xFFFFF000;
	(pc) =	sbr.rel @p0 .LBB2_62-.Ltmp30, $4  }
0x422: {  	[tilespmem:s25], [sflag:$0x1] =	stream.indirect.gather [spmem:s3], $0x20, s13, s24, $0xb8;
	[tilespmem:$0x1B280] =	vst v63  }
0x423: {  	_ =	swait.ge [sflag:s31], $0x1000  }
0x424: {  	[sflag:s31] =	ssyncset.done $0x0  }
0x425: {  	s12 =	sadd.s32 $0x9D80, s12;
	[sflag:s31] =	ssyncadd.s32 $0xFFFFF000  }
0x426: {  	[spmem:s2] =	stream.indirect.scatter.add.f32 [tilespmem:s26], [sflag:$0x4], $0x20, s12, s24, $0xb8;
	[tilespmem:$0x1B280] =	vst v63  }
0x427: {  	_ =	swait.ge [sflag:s1], $0x1000  }
0x428: {  	[sflag:s1] =	ssyncset.done $0x0  }
0x429: {  	[sflag:s1] =	ssyncadd.s32 $0xFFFFF000  }
0x42a: {  	[tilespmem:s26], [sflag:$0x2] =	stream.indirect.gather [spmem:s3], $0x20, s5, s24, $0xb8;
	[tilespmem:$0x1B280] =	vst v63  }
0x42b: {  	_ =	swait.ge [sflag:s28], $0x1000  }
0x42c: {  	[sflag:s28] =	ssyncset.done $0x0  }
0x42d: {  	[sflag:s28] =	ssyncadd.s32 $0xFFFFF000  }
0x42e: {  	[spmem:s2] =	stream.indirect.scatter.add.f32 [tilespmem:s25], [sflag:$0x3], $0x20, s6, s24, $0xb8;
	[tilespmem:$0x1B280] =	vst v63  }
0x42f: {  	_ =	swait.ge [sflag:s29], $0x1000  }
0x430: {  	[sflag:s29] =	ssyncset.done $0x0  }
0x431: {  	[sflag:s29] =	ssyncadd.s32 $0xFFFFF000  }
0x432: {  	_ =	swait.ge [sflag:s31], $0x1000  }
0x433: {  	[sflag:s31] =	ssyncset.done $0x0  }
0x434: {  	[sflag:s31] =	ssyncadd.s32 $0xFFFFF000  }
0x435: {  	[spmem:s2] =	stream.indirect.scatter.add.f32 [tilespmem:s26], [sflag:$0x4], $0x20, s7, s24, $0xb8;
	[tilespmem:$0x1B280] =	vst v63  }
0x436: {  	_ =	swait.ge [sflag:s1], $0x1000  }
0x437: {  	[sflag:s1] =	ssyncset.done $0x0  }
0x438: {  	[sflag:s1] =	ssyncadd.s32 $0xFFFFF000  }
0x439: {  	s11 =	simm.s32 $0x0;
	[bflag:$0x0] =	sbarrier.arrive $0xFFFF  }
0x43a: {  	v1 =	vmov s11;
	[tilespmem:s23], [sflag:$0x5] =	stream.linear.gather [spmem:s9], $0x5000, $0x38;
	[tilespmem:$0x1B280] =	vst v63  }
0x43b: {  	_ =	swait.ge [sflag:s20], $0x5000  }
0x43c: {  	[sflag:s20] =	ssyncset.done $0x0  }
0x43d: {  	s11 =	simm.s32 $0xBE10;
	[sflag:s20] =	ssyncadd.s32 $0xFFFFB000  }
0x43e: {  	v2 =	vld [tilespmem:s11+$0xFFFFFFF0]  }
0x43f: {  	v3 =	vld.idx.msk [tilespmem:v1+s22+$0x0], $0xffff  }
0x440: {  	v4 =	vld [tilespmem:s11+$0x0];
	_ =	sdelay $0x2  }
0x441: {  	s13 =	simm.s32 $0x1  }
0x442: {  	s12 =	simm.s32 $0xBE10;
	v1 =	vmov s13;
	s13 =	simm.s32 $0x2  }
.LBB2_64:
0x443: {  	p0 =	sne.s32 s13, $0x27F;
	v2 =	vmul.f32 v2, v3;
	v3 =	vmul.f32 v4, v3;
	_ =	sdelay $0x1  }
0x444: {  	s12 =	sadd.s32 $0x20, s12;
	[tilespmem:s11+$0xFFFFFFF0] =	vst v2  }
0x445: {  	v2 =	vld [tilespmem:s12+$0xFFFFFFF0];
	[tilespmem:s11+$0x0] =	vst v3;
	s11 =	smov.u32 s12  }
0x446: {  	v3 =	vld.idx.msk [tilespmem:v1+s22+$0x0], $0xffff  }
.Ltmp31:
0x447: {  	v4 =	vld [tilespmem:s12+$0x0];
	(pc) =	sbr.rel @p0 .LBB2_64-.Ltmp31, $2  }
0x448: {  	_ =	sdelay $0x2  }
0x449: {  	v1 =	vmov s13;
	s13 =	sadd.s32 $0x1, s13  }
0x44a: {  	v2 =	vmul.f32 v2, v3  }
0x44b: {  	v3 =	vmul.f32 v4, v3  }
0x44c: {  	s12 =	sadd.s32 $0x20, s12;
	[tilespmem:s11+$0xFFFFFFF0] =	vst v2  }
0x44d: {  	v2 =	vld [tilespmem:s12+$0xFFFFFFF0];
	[tilespmem:s11+$0x0] =	vst v3  }
0x44e: {  	v1 =	vld.idx.msk [tilespmem:v1+s22+$0x0], $0xffff  }
0x44f: {  	v3 =	vld [tilespmem:s12+$0x0];
	_ =	sdelay $0x3  }
0x450: {  	v2 =	vmul.f32 v2, v1  }
0x451: {  	v1 =	vmul.f32 v3, v1  }
0x452: {  	[tilespmem:s12+$0xFFFFFFF0] =	vst v2  }
0x453: {  	[tilespmem:s12+$0x0] =	vst v1;
	s12 =	simm.s32 $0x0  }
0x454: {  	[hbm4b:s18+s12] =	stream.linear.scatter [tilespmem:s23], [sflag:$0x5], $0x5000, $0x38;
	[tilespmem:$0x1B280] =	vst v63  }
0x455: {  	v1 =	vmov s12;
	_ =	swait.ge [sflag:s20], $0x5000  }
0x456: {  	[sflag:s20] =	ssyncset.done $0x0  }
0x457: {  	s11 =	simm.s32 $0xBE10;
	[sflag:s20] =	ssyncadd.s32 $0xFFFFB000  }
0x458: {  	v2 =	vld [tilespmem:s11+$0xFFFFFFF0]  }
0x459: {  	v4 =	vld [tilespmem:s11+$0x0]  }
0x45a: {  	v3 =	vld.idx.msk [tilespmem:v1+s22+$0x0], $0xffff;
	_ =	sdelay $0x2  }
0x45b: {  	s13 =	simm.s32 $0x1  }
0x45c: {  	s12 =	simm.s32 $0xBE10;
	v1 =	vmov s13;
	s13 =	simm.s32 $0x2  }
.LBB2_66:
0x45d: {  	p0 =	sne.s32 s13, $0x27F;
	v2 =	vmul.f32 v2, v3;
	v3 =	vmul.f32 v4, v3;
	_ =	sdelay $0x1  }
0x45e: {  	s12 =	sadd.s32 $0x20, s12;
	[tilespmem:s11+$0xFFFFFFF0] =	vst v2  }
0x45f: {  	v2 =	vld [tilespmem:s12+$0xFFFFFFF0];
	[tilespmem:s11+$0x0] =	vst v3;
	s11 =	smov.u32 s12  }
0x460: {  	v3 =	vld.idx.msk [tilespmem:v1+s22+$0x0], $0xffff  }
.Ltmp32:
0x461: {  	v4 =	vld [tilespmem:s12+$0x0];
	(pc) =	sbr.rel @p0 .LBB2_66-.Ltmp32, $2  }
0x462: {  	_ =	sdelay $0x2  }
0x463: {  	v1 =	vmov s13;
	s13 =	sadd.s32 $0x1, s13  }
0x464: {  	v2 =	vmul.f32 v2, v3  }
0x465: {  	v3 =	vmul.f32 v4, v3  }
0x466: {  	s12 =	sadd.s32 $0x20, s12;
	[tilespmem:s11+$0xFFFFFFF0] =	vst v2  }
0x467: {  	v2 =	vld [tilespmem:s12+$0xFFFFFFF0];
	[tilespmem:s11+$0x0] =	vst v3  }
0x468: {  	v1 =	vld.idx.msk [tilespmem:v1+s22+$0x0], $0xffff  }
0x469: {  	v3 =	vld [tilespmem:s12+$0x0];
	_ =	sdelay $0x3  }
0x46a: {  	v2 =	vmul.f32 v2, v1  }
0x46b: {  	v1 =	vmul.f32 v3, v1  }
0x46c: {  	s8 =	sadd.s32 $0x1, s8;
	[tilespmem:s12+$0xFFFFFFF0] =	vst v2  }
0x46d: {  	p0 =	sne.s32 s8, s19;
	[tilespmem:s12+$0x0] =	vst v1  }
0x46e: {  	[spmem:s9] =	stream.linear.scatter [tilespmem:s23], [sflag:$0x5], $0x5000, $0x38;
	[tilespmem:$0x1B280] =	vst v63  }
.Ltmp33:
0x46f: {  	_ =	swait.ge [sflag:s20], $0x5000;
	(pc) =	sbr.rel @p0 .LBB2_1-.Ltmp33, $3  }
0x470: {  	[sflag:s20] =	ssyncset.done $0x0  }
0x471: {  	[sflag:s20] =	ssyncadd.s32 $0xFFFFB000  }
0x472: {  	[bflag:$0x0] =	sbarrier.arrive $0xFFFF;
	_ =	sdelay $0x1  }
0x473: {  	_ =	sfence.sel $0x180000  }
0x474: {  	[bflag:$0x0] =	sbarrier.arrive $0xFFFF  }
0x475: {  	_ =	strace $0x9000004A  }
0x476: {  	s0 =	stileid.u32;
	[bflag:$0x2] =	sbarrier.arrive $0xFFFF  }
0x477: {  	p0 =	sne.s32 s0, $0x0;
	s0 =	rddreg [dreg:$0x4]  }
0x478: {  	s0 =	sadd.s32 @!p0 $0x100000, s0  }
0x479: {  	[sflag:s0] =	ssyncadd.tile.s32 @!p0 $0x1;
	_ =	shalt  }
.Lfunc_end2:
_tile_overlayer_lowered:
.L_overlay_start_2:
0x47a: {  	(tag) =	ssettag $0x2  }
0x47b: {  	s0 =	rddreg [dreg:$0x0];
	s2 =	stileid.u32  }
0x47c: {  	s1 =	rddreg [dreg:$0x1];
	p0 =	sne.s32 s2, $0x0  }
0x47d: {  	s3 =	rddreg [dreg:$0x2];
	[bflag:$0x3] =	sbarrier.arrive $0xFFFF;
	s2 =	simm.s32 @!p0 $0x1C05  }
0x47e: {  	[timem:s3], [sflag:s2] =	dma.local @!p0 [hbm:s0], s1  }
0x47f: {  	s0 =	simm.s32 @!p0 $0x5  }
0x480: {  	_ =	swait.ge @!p0 [sflag:s0], s1  }
0x481: {  	s1 =	ssub.s32 @!p0 $0x0, s1;
	[sflag:s0] =	ssyncset.done @!p0 $0x0  }
0x482: {  	[sflag:s0] =	ssyncadd.s32 @!p0 s1  }
0x483: {  	[bflag:$0x3] =	sbarrier.arrive $0xFFFF  }
0x484: {  	_ =	shalt  }

// kernel: kernel.7.cloned.1.call-start
scs
__scs_entry_jumppad:
0x0: {  	(pc) =	sbr.rel $0x88, $3  }
0x1: {  	(tag) =	ssettag $0x0;
	lr =	simm.s32 $0x1  }
0x2: {  	[smem:$0x3F9B] =	sst lr;
	_ =	strace $0xD0000000  }
0x3: {  	_ = 	snop  }
0x4: {  	_ = 	snop  }
0x5: {  	_ = 	snop  }
0x6: {  	_ = 	snop  }
0x7: {  	_ = 	snop  }
__scs_overlays_trampoline_lowered:
0x8: {  	[smem:$0x3FAA] =	sst s0  }
0x9: {  	[smem:$0x3FAB] =	sst s1  }
0xa: {  	[smem:$0x3FAC] =	sst s2  }
0xb: {  	[smem:$0x3FAD] =	sst s3  }
0xc: {  	[smem:$0x3FAE] =	sst s4  }
0xd: {  	[smem:$0x3FAF] =	sst s5  }
0xe: {  	[smem:$0x3FB0] =	sst s6  }
0xf: {  	[smem:$0x3FB1] =	sst s7  }
0x10: {  	[smem:$0x3FB2] =	sst s8  }
0x11: {  	[smem:$0x3FB3] =	sst s9;
	s0 =	simm.s32 @!p0 $0x0  }
0x12: {  	s1 =	sld [smem:$0x3F99];
	s0 =	simm.s32 @p0 $0x1  }
0x13: {  	[smem:$0x3FB4] =	sst s0;
	s0 =	simm.s32 @!p1 $0x0  }
0x14: {  	s2 =	sld [smem:$0x3F98];
	s0 =	simm.s32 @p1 $0x1  }
0x15: {  	[smem:$0x3FB5] =	sst s0;
	s0 =	simm.s32 @!p2 $0x0  }
0x16: {  	s3 =	sld [smem:$0x3FDB];
	s0 =	simm.s32 @p2 $0x1  }
0x17: {  	s4 =	simm.s32 $0x1BF5;
	[smem:$0x3FB7] =	sst s0  }
0x18: {  	s0 =	sld [smem:$0x3F9A];
	_ =	swait.ge [sflag:s4], $0x0  }
0x19: {  	s7 =	sld [smem:$0x3F9B]  }
0x1a: {  	s8 =	sadd.s32 $0xFFFFE003, lr  }
0x1b: {  	s9 =	sadd.s32 $0xFFFFFEF7, lr;
	s5 =	simm.s32 $0xFFFFFFFF;
	p2 =	slt.u32 s8, $0xFFFFF086  }
0x1c: {  	p1 =	slt.u32 s9, $0xF7A;
	s5 =	simm.s32 @!p2 $0x0  }
0x1d: {  	s5 =	simm.s32 @p1 $0x1;
	p0 =	seq.s32 s7, s2  }
0x1e: {  	s7 =	smul.u32 @!p0 $0xF7A, s2;
	p2 =	seq.s32 @!p0 s5, $0x0  }
0x1f: {  	s9 =	smul.u32 $0xF7A, s1;
	s8 =	simm.s32 @!p0 $0x1BF5;
	p2 =	por !p2, p0  }
0x20: {  	[sflag:s8] =	ssyncset.s32 @!p0 $0xFFFFF086;
	s6 =	sadd.s32 @!p0 s3, s7;
	s7 =	simm.s32 @!p0 $0x108  }
0x21: {  	s3 =	sadd.s32 s3, s9;
	s6 =	sadd.s32 @!p0 $0x88, s6;
	s7 =	simm.s32 @p2 $0x1082  }
0x22: {  	[simem:s7], [sflag:s8] =	dma.local @!p0 [hbm:s6], $0xF7A  }
0x23: {  	s9 =	sor.u32 $0xD0000000, s2;
	s6 =	simm.s32 $0x108;
	_ =	swait.ge @!p0 [sflag:s8], $0x0  }
0x24: {  	s3 =	sadd.s32 $0x88, s3;
	s6 =	simm.s32 @!p1 $0x1082;
	[sflag:s4] =	ssyncset.s32 $0xFFFFF086  }
0x25: {  	[simem:s6], [sflag:s4] =	dma.local [hbm:s3], $0xF7A  }
0x26: {  	[smem:$0x3F9B] =	sst s1;
	(tag) =	ssettag s2;
	_ =	strace s9  }
0x27: {  	s1 =	sld [smem:$0x3FAB]  }
0x28: {  	s2 =	sld [smem:$0x3FAC]  }
0x29: {  	s4 =	sld [smem:$0x3FAE]  }
0x2a: {  	p0 =	seq.s32 s5, $0x0;
	s5 =	sld [smem:$0x3FAF]  }
0x2b: {  	s6 =	sld [smem:$0x3FB0]  }
0x2c: {  	s7 =	sld [smem:$0x3FB1]  }
0x2d: {  	s3 =	simm.s32 $0x108;
	s8 =	sld [smem:$0x3FB2]  }
0x2e: {  	s3 =	simm.s32 @!p0 $0x1082;
	s9 =	sld [smem:$0x3FB3]  }
0x2f: {  	lr =	sadd.s32 s0, s3;
	s0 =	sld [smem:$0x3FAA]  }
0x30: {  	s3 =	sld [smem:$0x3FAD]  }
0x31: {  	[smem:$0x3FB6] =	sst s10  }
0x32: {  	s10 =	sld [smem:$0x3FB4];
	_ =	sdelay $0x3  }
0x33: {  	p0 =	seq.s32 s10, $0x1;
	s10 =	sld [smem:$0x3FB6];
	_ =	sdelay $0x3  }
0x34: {  	[smem:$0x3FB6] =	sst s10  }
0x35: {  	s10 =	sld [smem:$0x3FB5];
	_ =	sdelay $0x3  }
0x36: {  	p1 =	seq.s32 s10, $0x1;
	s10 =	sld [smem:$0x3FB6];
	_ =	sdelay $0x3  }
0x37: {  	[smem:$0x3FB6] =	sst s10  }
0x38: {  	s10 =	sld [smem:$0x3FB7]  }
0x39: {  	_ = 	snop;
	(pc) =	sbr.ind lr, $3  }
0x3a: {  	_ = 	snop  }
0x3b: {  	_ = 	snop  }
0x3c: {  	p2 =	seq.s32 s10, $0x1;
	s10 =	sld [smem:$0x3FB6]  }
0x3d: {  	_ =	shalt  }
0x3e: {  	_ =	shalt  }
0x3f: {  	_ =	shalt  }
0x40: {  	_ =	shalt  }
0x41: {  	_ =	shalt  }
0x42: {  	_ =	shalt  }
0x43: {  	_ =	shalt  }
0x44: {  	_ =	shalt  }
0x45: {  	_ =	shalt  }
0x46: {  	_ =	shalt  }
0x47: {  	_ =	shalt  }
0x48: {  	_ =	shalt  }
0x49: {  	_ =	shalt  }
0x4a: {  	_ =	shalt  }
0x4b: {  	_ =	shalt  }
0x4c: {  	_ =	shalt  }
0x4d: {  	_ =	shalt  }
0x4e: {  	_ =	shalt  }
0x4f: {  	_ =	shalt  }
0x50: {  	_ =	shalt  }
0x51: {  	_ =	shalt  }
0x52: {  	_ =	shalt  }
0x53: {  	_ =	shalt  }
0x54: {  	_ =	shalt  }
0x55: {  	_ =	shalt  }
0x56: {  	_ =	shalt  }
0x57: {  	_ =	shalt  }
0x58: {  	_ =	shalt  }
0x59: {  	_ =	shalt  }
0x5a: {  	_ =	shalt  }
0x5b: {  	_ =	shalt  }
0x5c: {  	_ =	shalt  }
0x5d: {  	_ =	shalt  }
0x5e: {  	_ =	shalt  }
0x5f: {  	_ =	shalt  }
0x60: {  	_ =	shalt  }
0x61: {  	_ =	shalt  }
0x62: {  	_ =	shalt  }
0x63: {  	_ =	shalt  }
0x64: {  	_ =	shalt  }
0x65: {  	_ =	shalt  }
0x66: {  	_ =	shalt  }
0x67: {  	_ =	shalt  }
0x68: {  	_ =	shalt  }
0x69: {  	_ =	shalt  }
0x6a: {  	_ =	shalt  }
0x6b: {  	_ =	shalt  }
0x6c: {  	_ =	shalt  }
0x6d: {  	_ =	shalt  }
0x6e: {  	_ =	shalt  }
0x6f: {  	_ =	shalt  }
0x70: {  	_ =	shalt  }
0x71: {  	_ =	shalt  }
0x72: {  	_ =	shalt  }
0x73: {  	_ =	shalt  }
0x74: {  	_ =	shalt  }
0x75: {  	_ =	shalt  }
0x76: {  	_ =	shalt  }
0x77: {  	_ =	shalt  }
0x78: {  	_ =	shalt  }
0x79: {  	_ =	shalt  }
0x7a: {  	_ =	shalt  }
0x7b: {  	_ =	shalt  }
0x7c: {  	_ =	shalt  }
0x7d: {  	_ =	shalt  }
0x7e: {  	_ =	shalt  }
0x7f: {  	_ =	shalt  }
0x80: {  	_ =	shalt  }
0x81: {  	_ =	shalt  }
0x82: {  	_ =	shalt  }
0x83: {  	_ =	shalt  }
0x84: {  	_ =	shalt  }
0x85: {  	_ =	shalt  }
0x86: {  	_ =	shalt  }
0x87: {  	_ =	shalt  }
.Lfunc_end0:
.L_simem_size_0:
called_computation_lowered:
.L_overlay_start_0:
0x88: {  	s0 =	sld [smem:$0x3FD9]  }
0x89: {  	s1 =	sld [smem:$0x3FFE];
	_ =	sdelay $0x3  }
0x8a: {  	s0 =	sadd.s32 s1, s0  }
0x8b: {  	[smem:$0x3FC2] =	sst s0  }
0x8c: {  	_ = 	snop  }
0x8d: {  	s0 =	sld [smem:$0x3FD0];
	(tm) =	ssettm $0x1  }
0x8e: {  	s16 =	sld [smem:$0x3FFB];
	_ =	sdelay $0x3  }
0x8f: {  	_ =	strace s16  }
0x90: {  	s1 =	sld [smem:$0x3FFC];
	_ =	sdelay $0x3  }
0x91: {  	_ =	strace s1  }
0x92: {  	s1 =	sld [smem:$0x3FFD];
	_ =	sdelay $0x3  }
0x93: {  	_ =	strace s1  }
0x94: {  	_ =	strace $0x8FFFFFFF  }
0x95: {  	s17 =	sld [smem:$0x3FDB];
	_ =	sdelay $0x1  }
0x96: {  	s2 =	simm.s32 $_scs_section_size  }
0x97: {  	s3 =	simm.s32 $_size__tile_overlayer_lowered;
	s4 =	simm.s32 $_tile_overlayer_lowered  }
0x98: {  	s20 =	simm.s32 $0x1BFF;
	s19 =	sshll.u32 s4, $0x1;
	s1 =	sadd.s32 s2, s17  }
0x99: {  	s5 =	simm.s32 $0x0;
	s18 =	sshll.u32 s3, $0x1;
	s3 =	sadd.s32 s19, s1  }
0x9a: {  	[timem:s5], [sflag:s20] =	dma.local [hbm:s3], s18  }
0x9b: {  	_ =	swait.ge [sflag:s20], s18  }
0x9c: {  	s2 =	ssub.s32 $0x0, s18;
	[sflag:s20] =	ssyncset.done $0x0  }
0x9d: {  	[sflag:s20] =	ssyncadd.s32 s2;
	_ =	sdelay $0x1  }
0x9e: {  	s21 =	simm.s32 $0x1B8B  }
0x9f: {  	_ =	swait.ge [sflag:s21], $0x1  }
0xa0: {  	[sflag:s21] =	ssyncset.done $0x0  }
0xa1: {  	s23 =	simm.s32 $0x1B8E;
	s22 =	sld [smem:$0x3FFE];
	[sflag:s21] =	ssyncadd.s32 $0xFFFFFFFF  }
0xa2: {  	s24 =	simm.s32 $execute0_lowered;
	[smem:$0x3FD2] =	sst s23  }
0xa3: {  	s3 =	sshll.u32 s24, $0x1;
	_ =	strace $0x80000046;
	[dreg:$0x1] =	wrdreg $0xFFFFFFFF  }
0xa4: {  	s25 =	simm.s32 $_size_execute0_lowered;
	s1 =	sadd.s32 s1, s3;
	[dreg:$0x0] =	wrdreg $0x0  }
0xa5: {  	s3 =	sshll.u32 s25, $0x1;
	[dreg:$0x2] =	wrdreg s1  }
0xa6: {  	[dreg:$0x3] =	wrdreg s3  }
0xa7: {  	[dreg:$0x4] =	wrdreg $0xC0  }
0xa8: {  	_ =	task [dreg:s5], $0x5FFFF  }
0xa9: {  	[dreg:$0x1] =	wrdreg $0xFFFFFFFF  }
0xaa: {  	[dreg:$0x0] =	wrdreg $0x60  }
0xab: {  	[dreg:$0x2] =	wrdreg s0  }
0xac: {  	[dreg:$0x3] =	wrdreg s22  }
0xad: {  	[dreg:$0x4] =	wrdreg $0x52000  }
0xae: {  	[dreg:$0x5] =	wrdreg $0x9  }
0xaf: {  	_ =	task.clear_ibuf [dreg:s5], $0x6FFFF;
	_ =	strace $0x90000046  }
0xb0: {  	s26 =	simm.s32 $0x9;
	_ =	strace $0x80000048  }
0xb1: {  	_ =	swait.ge [sflag:s26], $0x1  }
0xb2: {  	[sflag:s26] =	ssyncadd.s32 $0xFFFFFFFF  }
0xb3: {  	_ =	strace $0x90000048  }
0xb4: {  	_ =	sfence  }
0xb5: {  	s28 =	sld [smem:$0x0];
	_ =	sdelay $0x1  }
0xb6: {  	s29 =	srdreg.scid  }
0xb7: {  	s30 =	sshll.u32 s29, $0xD;
	s31 =	sshrl.u32 s29, $0x2  }
0xb8: {  	s2 =	sand.u32 $0x4000, s30;
	s1 =	sand.u32 $0x1, s29;
	s0 =	sadd.s32 s31, s28  }
0xb9: {  	s1 =	sor.u32 s2, s1;
	s0 =	sshll.u32 s0, $0x11  }
0xba: {  	s0 =	sor.u32 s0, s1  }
0xbb: {  	s0 =	sadd.s32 $0x8F2B, s0  }
0xbc: {  	[sflag:s0] =	ssyncadd.remote.s32 $0x1  }
0xbd: {  	_ =	sfence.sel $0xFFFF  }
0xbe: {  	[dreg:$0x0] =	wrdreg $0xFFFFFFFF;
	(pc) =	sbr.abs _section_cstart, $3  }
0xbf: {  	[dreg:$0x1] =	wrdreg $0xFFFFFFFF  }
0xc0: {  	_ =	task.clear_ibuf [dreg:s5], $0x2FFFF;
	_ =	strace $0x9FFFFFFF  }
0xc1: {  	(tm) =	ssettm $0x7FFFFFFF  }
tec
execute0_lowered:
.L_overlay_start_1:
0x0: {  	(tag) =	ssettag $0x1  }
0x1: {  	s4 =	rddreg [dreg:$0x0]  }
0x2: {  	s3 =	rddreg [dreg:$0x1]  }
0x3: {  	s1 =	rddreg [dreg:$0x2];
	s2 =	simm.s32 $0x0  }
0x4: {  	v0 =	vimm.f32 $0.0e+00;
	[smem:$0x7FF] =	sst s2  }
0x5: {  	s0 =	rddreg [dreg:$0x3];
	_ =	strace $0x80000047;
	[tilespmem:$0x80] =	vst v0  }
0x6: {  	[tilespmem:$0x90] =	vst v0  }
0x7: {  	[tilespmem:$0xA0] =	vst v0  }
0x8: {  	[tilespmem:$0xB0] =	vst v0  }
0x9: {  	[tilespmem:$0xC0] =	vst v0  }
0xa: {  	[tilespmem:$0xD0] =	vst v0  }
0xb: {  	[tilespmem:$0xE0] =	vst v0  }
0xc: {  	[tilespmem:$0xF0] =	vst v0  }
0xd: {  	[tilespmem:$0x100] =	vst v0  }
0xe: {  	[tilespmem:$0x110] =	vst v0  }
0xf: {  	[tilespmem:$0x120] =	vst v0  }
0x10: {  	[tilespmem:$0x130] =	vst v0  }
0x11: {  	[tilespmem:$0x140] =	vst v0  }
0x12: {  	[tilespmem:$0x150] =	vst v0  }
0x13: {  	[tilespmem:$0x160] =	vst v0  }
0x14: {  	[tilespmem:$0x170] =	vst v0  }
0x15: {  	[tilespmem:$0x180] =	vst v0  }
0x16: {  	[tilespmem:$0x190] =	vst v0  }
0x17: {  	[tilespmem:$0x1A0] =	vst v0  }
0x18: {  	[tilespmem:$0x1B0] =	vst v0  }
0x19: {  	[tilespmem:$0x1C0] =	vst v0  }
0x1a: {  	[tilespmem:$0x1D0] =	vst v0  }
0x1b: {  	[tilespmem:$0x1E0] =	vst v0  }
0x1c: {  	[tilespmem:$0x1F0] =	vst v0  }
0x1d: {  	[tilespmem:$0x200] =	vst v0  }
0x1e: {  	[tilespmem:$0x210] =	vst v0  }
0x1f: {  	[tilespmem:$0x220] =	vst v0  }
0x20: {  	[tilespmem:$0x230] =	vst v0  }
0x21: {  	[tilespmem:$0x240] =	vst v0  }
0x22: {  	[tilespmem:$0x250] =	vst v0  }
0x23: {  	[tilespmem:$0x260] =	vst v0  }
0x24: {  	[tilespmem:$0x270] =	vst v0  }
0x25: {  	[tilespmem:$0x280] =	vst v0  }
0x26: {  	[tilespmem:$0x290] =	vst v0  }
0x27: {  	[tilespmem:$0x2A0] =	vst v0  }
0x28: {  	[tilespmem:$0x2B0] =	vst v0  }
0x29: {  	[tilespmem:$0x2C0] =	vst v0  }
0x2a: {  	[tilespmem:$0x2D0] =	vst v0  }
0x2b: {  	[tilespmem:$0x2E0] =	vst v0  }
0x2c: {  	v63 =	vimm.f32 $1.000000000e+00;
	[tilespmem:$0x2F0] =	vst v0  }
0x2d: {  	[tilespmem:$0x0] =	vst v63  }
0x2e: {  	[tilespmem:$0x10] =	vst v63  }
0x2f: {  	[tilespmem:$0x20] =	vst v63  }
0x30: {  	[tilespmem:$0x30] =	vst v63  }
0x31: {  	s5 =	stileid.u32;
	[tilespmem:$0x40] =	vst v63  }
0x32: {  	s9 =	smul.u32 $0x280, s5;
	[tilespmem:$0x50] =	vst v63  }
0x33: {  	[tilespmem:$0x60] =	vst v63  }
0x34: {  	s8 =	simm.s32 $0x80;
	s7 =	simm.s32 $0x1;
	[tilespmem:$0x70] =	vst v63;
	s6 =	sadd.s32 s9, s1  }
0x35: {  	[spmem:s6] =	stream.linear.scatter [tilespmem:s8], [sflag:$0x1], $0x280, $0x38;
	[tilespmem:$0x5488] =	vst v63  }
0x36: {  	_ =	swait.ge [sflag:s7], $0x280  }
0x37: {  	p0 =	sne.s32 s5, $0x0;
	[sflag:s7] =	ssyncset.done $0x0  }
0x38: {  	s10 =	sadd.s32 @!p0 $0x2800, s1;
	s11 =	simm.s32 @!p0 $0x80;
	[sflag:s7] =	ssyncadd.s32 $0xFFFFFD80  }
0x39: {  	[spmem:s10] =	stream.linear.scatter @!p0 [tilespmem:s11], [sflag:$0x1], $0x80, $0x38;
	[tilespmem:$0x5488] =	vst v63  }
0x3a: {  	s10 =	simm.s32 @!p0 $0x1  }
0x3b: {  	s28 =	smul.u32 $0x9E0, s5;
	_ =	swait.ge @!p0 [sflag:s10], $0x80  }
0x3c: {  	[sflag:s10] =	ssyncset.done @!p0 $0x0  }
0x3d: {  	s29 =	simm.s32 $0x300;
	s4 =	sadd.s32 s4, s28;
	[sflag:s10] =	ssyncadd.s32 @!p0 $0xFFFFFF80  }
0x3e: {  	[tilespmem:s29], [sflag:$0x1] =	stream.linear.gather [hbm4b:s4+s2], $0x4F00, $0x38;
	[tilespmem:$0x5488] =	vst v63  }
0x3f: {  	_ =	swait.ge [sflag:s7], $0x4F00  }
0x40: {  	[sflag:s7] =	ssyncset.done $0x0  }
0x41: {  	s30 =	sshrl.u32 s9, $0x3;
	[sflag:s7] =	ssyncadd.s32 $0xFFFFB100  }
0x42: {  	s31 =	simm.s32 $0x300;
	s3 =	sadd.s32 s30, s3;
	[bflag:$0x0] =	sbarrier.arrive $0xFFFF  }
0x43: {  	[spmem:s1] =	stream.indirect.scatter.add.f32 [tilespmem:s2], [sflag:$0x1], $0x1, s31, s8, $0xb8;
	[tilespmem:$0x5488] =	vst v63  }
0x44: {  	s3 =	sadd.s32 $0x1200, s3;
	s4 =	simm.s32 $0x200;
	_ =	swait.ge [sflag:s7], $0x80  }
.LBB2_1:
0x45: {  	s9 =	sshra.s32 s4, $0x2;
	[sflag:s7] =	ssyncset.done $0x0;
	p1 =	sne.s32 s4, $0x13A00  }
.Ltmp0:
0x46: {  	s9 =	sadd.s32 $0x300, s9;
	[sflag:s7] =	ssyncadd.s32 $0xFFFFFF80;
	(pc) =	sbr.rel @p1 .LBB2_1-.Ltmp0, $3  }
0x47: {  	[spmem:s1] =	stream.indirect.scatter.add.f32 [tilespmem:s2], [sflag:$0x1], $0x1, s9, s8, $0xb8;
	[tilespmem:$0x5488] =	vst v63  }
0x48: {  	s4 =	sadd.s32 $0x200, s4;
	_ =	sdelay $0x1  }
0x49: {  	_ =	swait.ge [sflag:s7], $0x80  }
0x4a: {  	[sflag:s7] =	ssyncset.done $0x0  }
0x4b: {  	s1 =	sshll.u32 s5, $0x6;
	s2 =	sshrl.u32 s6, $0x3;
	[sflag:s7] =	ssyncadd.s32 $0xFFFFFF80  }
0x4c: {  	s31 =	simm.s32 $0x1;
	s1 =	sor.u32 $0x1C01, s1;
	[bflag:$0x0] =	sbarrier.arrive $0xFFFF  }
0x4d: {  	[hbm:s3], [sflag:s1] =	dma.local [spmem:s2], $0x50  }
0x4e: {  	_ =	swait.ge [sflag:s31], $0x50  }
0x4f: {  	[sflag:s31] =	ssyncset.done $0x0  }
0x50: {  	[sflag:s31] =	ssyncadd.s32 $0xFFFFFFB0  }
0x51: {  	_ =	sfence.sel $0x180000  }
0x52: {  	[bflag:$0x0] =	sbarrier.arrive $0xFFFF  }
0x53: {  	_ =	strace $0x90000047  }
0x54: {  	s0 =	sadd.s32 @!p0 $0x100000, s0;
	[bflag:$0x2] =	sbarrier.arrive $0xFFFF  }
0x55: {  	[sflag:s0] =	ssyncadd.tile.s32 @!p0 $0x1;
	_ =	shalt  }
.Lfunc_end2:
_tile_overlayer_lowered:
.L_overlay_start_2:
0x56: {  	(tag) =	ssettag $0x2  }
0x57: {  	s0 =	rddreg [dreg:$0x0];
	s2 =	stileid.u32  }
0x58: {  	s1 =	rddreg [dreg:$0x1];
	p0 =	sne.s32 s2, $0x0  }
0x59: {  	s3 =	rddreg [dreg:$0x2];
	[bflag:$0x3] =	sbarrier.arrive $0xFFFF;
	s2 =	simm.s32 @!p0 $0x1C01  }
0x5a: {  	[timem:s3], [sflag:s2] =	dma.local @!p0 [hbm:s0], s1  }
0x5b: {  	s0 =	simm.s32 @!p0 $0x1  }
0x5c: {  	_ =	swait.ge @!p0 [sflag:s0], s1  }
0x5d: {  	s1 =	ssub.s32 @!p0 $0x0, s1;
	[sflag:s0] =	ssyncset.done @!p0 $0x0  }
0x5e: {  	[sflag:s0] =	ssyncadd.s32 @!p0 s1  }
0x5f: {  	[bflag:$0x3] =	sbarrier.arrive $0xFFFF  }
0x60: {  	_ =	shalt  }

</sc_bundles>
